<compile_context>
chip_gen: v7x
topology: tpu7x:2x2x1
jax: 0.10.2.dev20260603
libtpu: 0.0.44.dev20260713+nightly
codegen_flags: <defaults>
</compile_context>

<pallas_src>
import functools

import jax
import jax.numpy as jnp
from jax import lax
from jax.experimental import pallas as pl
from jax.experimental.pallas import tpu as pltpu
from jax.experimental.pallas import tpu_sc as plsc

_N = 10000
_E = 320000
_D = 128
_DH = 100

_NB = 128
_NC = 2
_NS = 16
_NW = _NC * _NS
_T = 80
_TS = 160
_EPAD = _NS * _TS * _NB
_DH2 = 64
_NPAD = 10112
_RPT = _NPAD // _NS

_RB = 1000
_GRID = _N // _RB

_BUF = 5
_ALD = 2

_sc_mesh = plsc.VectorSubcoreMesh(core_axis_name="c", subcore_axis_name="s")


_ND = 16384
_NDR = 128


@functools.partial(
    pl.kernel,
    out_type=(
        jax.ShapeDtypeStruct((_NC, _NDR, _NB), jnp.float32),
        jax.ShapeDtypeStruct((_NC, _NDR, _NB), jnp.float32),
    ),
    mesh=_sc_mesh,
    scratch_types=[
        pltpu.VMEM((_T, _NB), jnp.int32),
        pltpu.VMEM((_T, _NB), jnp.int32),
        pltpu.VMEM((_NDR, _NB), jnp.float32),
        pltpu.VMEM((_NDR, _NB), jnp.float32),
        pltpu.VMEM_SHARED((_NDR, _NB), jnp.float32),
        pltpu.VMEM_SHARED((_NDR, _NB), jnp.float32),
        pltpu.VMEM((1, _NB), jnp.int32),
        pltpu.SemaphoreType.DMA,
    ],
    compiler_params=pltpu.CompilerParams(needs_layout_passes=False),
)
def _deg_kernel(srcw, dstw, riota_hbm, dpo, dpi,
                src_v, dst_v, hist_o, hist_i, sh_o, sh_i, riota, sem):
    cid = lax.axis_index("c")
    sid = lax.axis_index("s")
    z16 = jnp.zeros((16,), jnp.float32)
    ones16 = jnp.ones((16,), jnp.float32)

    def zrow(i, carry):
        r = i >> 3
        c = (i & 7) * 16
        hist_o[r, pl.ds(c, 16)] = z16
        hist_i[r, pl.ds(c, 16)] = z16
        return carry

    lax.fori_loop(0, _NDR * 8, zrow, 0)
    pltpu.sync_copy(hist_o.at[pl.ds(0, 8)], sh_o.at[pl.ds(sid * 8, 8)])
    pltpu.sync_copy(hist_o.at[pl.ds(0, 8)], sh_i.at[pl.ds(sid * 8, 8)])
    pltpu.sync_copy(srcw.at[sid, pl.ds(cid * _T, _T)], src_v)
    pltpu.sync_copy(dstw.at[sid, pl.ds(cid * _T, _T)], dst_v)
    pltpu.sync_copy(riota_hbm, riota)
    plsc.subcore_barrier()

    def body(j, carry):
        for c in range(_NB // 16):
            vs = src_v[j, pl.ds(c * 16, 16)]
            plsc.addupdate_scatter(
                hist_o, [lax.shift_right_logical(vs, 7), vs & 127], ones16)
            vd = dst_v[j, pl.ds(c * 16, 16)]
            plsc.addupdate_scatter(
                hist_i, [lax.shift_right_logical(vd, 7), vd & 127], ones16)
        return carry

    lax.fori_loop(0, _T, body, 0)

    pltpu.async_copy(hist_o, sh_o.at[riota.at[0]], sem, add=True)
    pltpu.async_copy(hist_i, sh_i.at[riota.at[0]], sem, add=True)
    pltpu.make_async_copy(hist_o, sh_o.at[riota.at[0]], sem).wait()
    pltpu.make_async_copy(hist_i, sh_i.at[riota.at[0]], sem).wait()
    plsc.subcore_barrier()
    pltpu.sync_copy(sh_o.at[pl.ds(sid * 8, 8)],
                    dpo.at[cid, pl.ds(sid * 8, 8)])
    pltpu.sync_copy(sh_i.at[pl.ds(sid * 8, 8)],
                    dpi.at[cid, pl.ds(sid * 8, 8)])


@functools.partial(
    pl.kernel,
    out_type=jax.ShapeDtypeStruct((_NPAD, _D), jnp.float32),
    mesh=_sc_mesh,
    scratch_types=[
        pltpu.VMEM((_BUF, _NB), jnp.int32),
        pltpu.VMEM((_BUF, _NB), jnp.int32),
        pltpu.VMEM((_BUF, _NB, _DH2), jnp.float32),
        pltpu.VMEM_SHARED((_NPAD, _DH2), jnp.float32),
        pltpu.VMEM_SHARED((_N, _DH2), jnp.float32),
    ] + [pltpu.SemaphoreType.DMA] * _BUF,
    compiler_params=pltpu.CompilerParams(use_tc_tiling_on_sc=False),
)
def _msg_kernel(h_hbm, srcw, dstw, z64_hbm, out_hbm,
                idxs_v, idxd_v, rows_v, agg_sh, h_sh, *sems):
    cid = lax.axis_index("c")
    sid = lax.axis_index("s")
    c0 = cid * _DH2
    r0 = sid * _RPT
    pltpu.sync_copy(z64_hbm.at[pl.ds(r0, _RPT)], agg_sh.at[pl.ds(r0, _RPT)])
    nrow = 624
    h0 = sid * nrow
    pltpu.sync_copy(h_hbm.at[pl.ds(h0, nrow), pl.ds(c0, _DH2)],
                    h_sh.at[pl.ds(h0, nrow)])

    @pl.when(sid == 0)
    def _():
        pltpu.sync_copy(h_hbm.at[pl.ds(_NS * nrow, _N - _NS * nrow),
                                 pl.ds(c0, _DH2)],
                        h_sh.at[pl.ds(_NS * nrow, _N - _NS * nrow)])

    hh = h_sh
    sds = srcw.at[sid]
    sdd = dstw.at[sid]
    plsc.subcore_barrier()

    def i_issue(j, b):
        pltpu.async_copy(sds.at[j], idxs_v.at[b], sems[b])
        pltpu.async_copy(sdd.at[j], idxd_v.at[b], sems[b])

    def i_wait(j, b):
        pltpu.make_async_copy(sds.at[j], idxs_v.at[b], sems[b]).wait()
        pltpu.make_async_copy(sdd.at[j], idxd_v.at[b], sems[b]).wait()

    def g_issue(j, b):
        pltpu.async_copy(hh.at[idxs_v.at[b]], rows_v.at[b], sems[b])

    def g_wait(j, b):
        pltpu.make_async_copy(hh.at[idxs_v.at[b]], rows_v.at[b],
                              sems[b]).wait()

    def s_issue(j, b):
        pltpu.async_copy(rows_v.at[b], agg_sh.at[idxd_v.at[b]], sems[b],
                         add=True)

    def s_wait(j, b):
        pltpu.make_async_copy(rows_v.at[b], agg_sh.at[idxd_v.at[b]],
                              sems[b]).wait()

    for j in range(_ALD + 1):
        i_issue(j, j)
    for j in range(_ALD):
        i_wait(j, j)
        g_issue(j, j)

    def body(k, carry):
        for b in range(_BUF):
            j = k * _BUF + b
            g_wait(j, b)
            s_issue(j, b)
            b2 = (b + _ALD + 1) % _BUF

            @pl.when(j + _ALD + 1 - _BUF >= 0)
            def _():
                s_wait(j + _ALD + 1 - _BUF, b2)

            @pl.when(j + _ALD + 1 < _TS)
            def _():
                i_issue(j + _ALD + 1, b2)

            b1 = (b + _ALD) % _BUF

            @pl.when(j + _ALD < _TS)
            def _():
                i_wait(j + _ALD, b1)
                g_issue(j + _ALD, b1)
        return carry

    lax.fori_loop(0, _TS // _BUF, body, 0)
    for j in range(_TS - (_BUF - _ALD - 1), _TS):
        s_wait(j, j % _BUF)
    plsc.subcore_barrier()
    pltpu.sync_copy(agg_sh.at[pl.ds(r0, _RPT)],
                    out_hbm.at[pl.ds(r0, _RPT), pl.ds(c0, _DH2)])


def _norm_from(deg):
    return jnp.where(deg > 0.0, lax.rsqrt(jnp.maximum(deg, 1.0)), 0.0)


def _swish(v):
    return v * jax.nn.sigmoid(v)


def _tc_mm_body(x_ref, w_ref, o_ref):
    o_ref[...] = jnp.dot(x_ref[...], w_ref[...],
                         preferred_element_type=jnp.float32)


def _tc_scale_body(h_ref, d_ref, o_ref):
    o_ref[...] = h_ref[...] * _norm_from(d_ref[:, 0:1])


def _tc_mid_body(p_ref, di_ref, b_ref, w_ref, do_ref, o_ref):
    agg = p_ref[...] * _norm_from(di_ref[:, 0:1])
    h = _swish(agg + b_ref[...])
    o_ref[...] = jnp.dot(h, w_ref[...],
                         preferred_element_type=jnp.float32) * _norm_from(do_ref[:, 0:1])


def _tc_head_body(p_ref, di_ref, b_ref, wd_ref, bd_ref, wo_ref, bo_ref, o_ref):
    agg = p_ref[...] * _norm_from(di_ref[:, 0:1])
    h = _swish(agg + b_ref[...])
    d = _swish(jnp.dot(h, wd_ref[...], preferred_element_type=jnp.float32)
               + bd_ref[...])
    logit = jnp.dot(d, wo_ref[...], preferred_element_type=jnp.float32) \
        + bo_ref[...]
    o_ref[...] = jax.nn.sigmoid(logit)


def _row_spec(cols):
    return pl.BlockSpec((_RB, cols), lambda i: (i, 0))


def _pair_spec(cols):
    return pl.BlockSpec((2, _RB, cols), lambda i: (0, i, 0))


def _full_spec(rows, cols):
    return pl.BlockSpec((rows, cols), lambda i: (0, 0))


def kernel(x, edge_index, W1, b1, W2, b2, Wd, bd, Wo, bo):
    src = edge_index[0]
    dst = edge_index[1]
    pad_e = _EPAD - _E
    srcw = jnp.concatenate(
        [src, jnp.zeros((pad_e,), jnp.int32)]).reshape(_NS, _TS, _NB)
    dstw = jnp.concatenate(
        [dst, jnp.full((pad_e,), _N, jnp.int32)]).reshape(_NS, _TS, _NB)
    riota = jnp.arange(_NDR, dtype=jnp.int32).reshape(1, _NB)
    z64 = jnp.zeros((_NPAD, _DH2), jnp.float32)

    dpo, dpi = _deg_kernel(srcw, dstw, riota)
    do_bc = jnp.broadcast_to(
        (dpo[0] + dpo[1]).reshape(_ND, 1), (_ND, 16))
    di_bc = jnp.broadcast_to(
        (dpi[0] + dpi[1]).reshape(_ND, 1), (_ND, 16))

    b1r = b1.reshape(1, -1)
    b2r = b2.reshape(1, -1)
    wd_p = jnp.zeros((_D, _D), jnp.float32).at[:, :_DH].set(Wd)
    bd_p = jnp.zeros((1, _D), jnp.float32).at[0, :_DH].set(bd)
    wo_p = jnp.zeros((_D, 1), jnp.float32).at[:_DH, :].set(Wo)
    bo_p = bo.reshape(1, 1)

    xw = pl.pallas_call(
        _tc_mm_body,
        grid=(_GRID,),
        in_specs=[_row_spec(_D), _full_spec(_D, _D)],
        out_specs=_row_spec(_D),
        out_shape=jax.ShapeDtypeStruct((_N, _D), jnp.float32),
    )(x, W1)

    h1s = pl.pallas_call(
        _tc_scale_body,
        grid=(_GRID,),
        in_specs=[_row_spec(_D), _row_spec(16)],
        out_specs=_row_spec(_D),
        out_shape=jax.ShapeDtypeStruct((_N, _D), jnp.float32),
    )(xw, do_bc)

    p1 = _msg_kernel(h1s, srcw, dstw, z64)

    h2s = pl.pallas_call(
        _tc_mid_body,
        grid=(_GRID,),
        in_specs=[_row_spec(_D), _row_spec(16), _full_spec(1, _D),
                  _full_spec(_D, _D), _row_spec(16)],
        out_specs=_row_spec(_D),
        out_shape=jax.ShapeDtypeStruct((_N, _D), jnp.float32),
    )(p1, di_bc, b1r, W2, do_bc)

    p2 = _msg_kernel(h2s, srcw, dstw, z64)

    out = pl.pallas_call(
        _tc_head_body,
        grid=(_GRID,),
        in_specs=[_row_spec(_D), _row_spec(16), _full_spec(1, _D),
                  _full_spec(_D, _D), _full_spec(1, _D),
                  _full_spec(_D, 1), _full_spec(1, 1)],
        out_specs=pl.BlockSpec((_RB, 1), lambda i: (i, 0)),
        out_shape=jax.ShapeDtypeStruct((_N, 1), jnp.float32),
    )(p2, di_bc, b2r, wd_p, bd_p, wo_p, bo_p)

    return out

# --- scband reference (transcript-rebuilt; emitter-appended) ---
"""Pipeline reference for scband-gnnmodel-15951508537890 (READ-ONLY COPY).

The authoritative reference and input builder live on the scoring server;
editing this copy changes nothing except your own understanding.
"""

import jax, jax.numpy as jnp
import numpy as np

N = 10000
E = 320000
D = 128
F1 = 128
F2 = 128
DH = 100


def setup_inputs(seed: int = 0) -> dict:
    key = jax.random.key(seed)
    ks = jax.random.split(key, 12)
    x = jax.random.normal(ks[0], (N, D), dtype=jnp.float32)
    edge_index = jax.random.randint(ks[1], (2, E), 0, N, dtype=jnp.int32)
    W1 = jax.random.normal(ks[2], (D, F1), dtype=jnp.float32) * 0.05
    b1 = jnp.zeros((F1,), dtype=jnp.float32)
    W2 = jax.random.normal(ks[3], (F1, F2), dtype=jnp.float32) * 0.05
    b2 = jnp.zeros((F2,), dtype=jnp.float32)
    Wd = jax.random.normal(ks[4], (F2, DH), dtype=jnp.float32) * 0.05
    bd = jnp.zeros((DH,), dtype=jnp.float32)
    Wo = jax.random.normal(ks[5], (DH, 1), dtype=jnp.float32) * 0.05
    bo = jnp.zeros((1,), dtype=jnp.float32)
    return {"x": x, "edge_index": edge_index, "W1": W1, "b1": b1, "W2": W2, "b2": b2, "Wd": Wd, "bd": bd, "Wo": Wo, "bo": bo}


def _graph_conv(feat, src, dst, W, b):
    # DGL-style GraphConv with symmetric ("both") normalization + swish activation
    ones = jnp.ones((E,), dtype=jnp.float32)
    deg_out = jax.ops.segment_sum(ones, src, num_segments=N)
    deg_in = jax.ops.segment_sum(ones, dst, num_segments=N)
    norm_out = jnp.where(deg_out > 0, jax.lax.rsqrt(jnp.maximum(deg_out, 1.0)), 0.0)
    norm_in = jnp.where(deg_in > 0, jax.lax.rsqrt(jnp.maximum(deg_in, 1.0)), 0.0)
    h = feat @ W
    h = h * norm_out[:, None]
    msgs = jnp.take(h, src, axis=0)
    agg = jax.ops.segment_sum(msgs, dst, num_segments=N)
    agg = agg * norm_in[:, None]
    return jax.nn.swish(agg + b)


def reference(x, edge_index, W1, b1, W2, b2, Wd, bd, Wo, bo):
    src = edge_index[0]
    dst = edge_index[1]
    h = _graph_conv(x, src, dst, W1, b1)
    h = _graph_conv(h, src, dst, W2, b2)
    h = jax.nn.swish(h @ Wd + bd)
    return jax.nn.sigmoid(h @ Wo + bo)

if __name__ == "__main__":
    import jax
    _d = setup_inputs()
    print(jax.jit(kernel)(*tuple(_d.values())))

</pallas_src>

<mosaic_0001>
#map = affine_map<(d0, d1) -> (0, 0)>
#map1 = affine_map<(d0, d1) -> (0, 0, 0)>
module attributes {stable_mosaic.version = 14 : i64} {
  func.func @_msg_kernel(%arg0: i32, %arg1: i32, %arg2: memref<10000x128xf32, #tpu.memory_space<hbm>>, %arg3: memref<16x160x128xi32, #tpu.memory_space<hbm>>, %arg4: memref<16x160x128xi32, #tpu.memory_space<hbm>>, %arg5: memref<10112x64xf32, #tpu.memory_space<hbm>>, %arg6: memref<10112x128xf32, #tpu.memory_space<hbm>>, %arg7: memref<5x128xi32, #tpu.memory_space<vmem>>, %arg8: memref<5x128xi32, #tpu.memory_space<vmem>>, %arg9: memref<5x128x64xf32, #tpu.memory_space<vmem>>, %arg10: memref<10112x64xf32, #tpu.memory_space<vmem_shared>>, %arg11: memref<10000x64xf32, #tpu.memory_space<vmem_shared>>, %arg12: memref<!tpu.dma_semaphore, #tpu.memory_space<semaphore_mem>>, %arg13: memref<!tpu.dma_semaphore, #tpu.memory_space<semaphore_mem>>, %arg14: memref<!tpu.dma_semaphore, #tpu.memory_space<semaphore_mem>>, %arg15: memref<!tpu.dma_semaphore, #tpu.memory_space<semaphore_mem>>, %arg16: memref<!tpu.dma_semaphore, #tpu.memory_space<semaphore_mem>>) attributes {dimension_semantics = [#tpu.dimension_semantics<core_parallel>, #tpu.dimension_semantics<subcore_parallel>], iteration_bounds = array<i64: 2, 16>, scalar_prefetch = 0 : i64, scratch_operands = 10 : i64, tpu.core_type = #tpu.core_type<sc_vector_subcore>, window_params = [{transform_indices = #map}, {transform_indices = #map1}, {transform_indices = #map1}, {transform_indices = #map}, {transform_indices = #map}]} {
    %mul3A = arith.constant 64 : i32
    %mul3A_0 = arith.muli %arg0, %mul3A : i32
    %mul3A_1 = arith.constant 632 : i32
    %mul3A_2 = arith.muli %arg1, %mul3A_1 : i32
    "tpu.region"() ({
      %run_scoped3A = tpu.sem_alloc : memref<!tpu.dma_semaphore, #tpu.memory_space<semaphore_mem>>
      %dma_start3A_279 = arith.constant 0 : i32
      %dma_start3A_280 = tpu.memref_slice %arg10[%mul3A_2, %dma_start3A_279] : memref<10112x64xf32, #tpu.memory_space<vmem_shared>> -> memref<632x64xf32, #tpu.memory_space<vmem_shared>>
      %dma_start3A_281 = arith.constant 0 : i32
      %dma_start3A_282 = tpu.memref_slice %arg5[%mul3A_2, %dma_start3A_281] : memref<10112x64xf32, #tpu.memory_space<hbm>> -> memref<632x64xf32, #tpu.memory_space<hbm>>
      tpu.enqueue_dma source(%dma_start3A_282 : memref<632x64xf32, #tpu.memory_space<hbm>>) target(%dma_start3A_280 : memref<632x64xf32, #tpu.memory_space<vmem_shared>>) target_semaphore(%run_scoped3A : memref<!tpu.dma_semaphore, #tpu.memory_space<semaphore_mem>>)
      %dma_wait3A_283 = arith.constant 0 : i32
      %dma_wait3A_284 = tpu.memref_slice %arg10[%mul3A_2, %dma_wait3A_283] : memref<10112x64xf32, #tpu.memory_space<vmem_shared>> -> memref<632x64xf32, #tpu.memory_space<vmem_shared>>
      %dma_wait3A_285 = arith.constant 0 : i32
      %dma_wait3A_286 = tpu.memref_slice %arg5[%mul3A_2, %dma_wait3A_285] : memref<10112x64xf32, #tpu.memory_space<hbm>> -> memref<632x64xf32, #tpu.memory_space<hbm>>
      tpu.wait_dma2 semaphore(%run_scoped3A : memref<!tpu.dma_semaphore, #tpu.memory_space<semaphore_mem>>) src(%dma_wait3A_286 : memref<632x64xf32, #tpu.memory_space<hbm>>) dst(%dma_wait3A_284 : memref<632x64xf32, #tpu.memory_space<vmem_shared>>)
      tpu.yield
    }) : () -> ()
    %mul3A_3 = arith.constant 624 : i32
    %mul3A_4 = arith.muli %arg1, %mul3A_3 : i32
    "tpu.region"() ({
      %run_scoped3A = tpu.sem_alloc : memref<!tpu.dma_semaphore, #tpu.memory_space<semaphore_mem>>
      %dma_start3A_279 = arith.constant 0 : i32
      %dma_start3A_280 = tpu.memref_slice %arg11[%mul3A_4, %dma_start3A_279] : memref<10000x64xf32, #tpu.memory_space<vmem_shared>> -> memref<624x64xf32, #tpu.memory_space<vmem_shared>>
      %dma_start3A_281 = tpu.memref_slice %arg2[%mul3A_4, %mul3A_0] : memref<10000x128xf32, #tpu.memory_space<hbm>> -> memref<624x64xf32, #tpu.memory_space<hbm>>
      tpu.enqueue_dma source(%dma_start3A_281 : memref<624x64xf32, #tpu.memory_space<hbm>>) target(%dma_start3A_280 : memref<624x64xf32, #tpu.memory_space<vmem_shared>>) target_semaphore(%run_scoped3A : memref<!tpu.dma_semaphore, #tpu.memory_space<semaphore_mem>>)
      %dma_wait3A_282 = arith.constant 0 : i32
      %dma_wait3A_283 = tpu.memref_slice %arg11[%mul3A_4, %dma_wait3A_282] : memref<10000x64xf32, #tpu.memory_space<vmem_shared>> -> memref<624x64xf32, #tpu.memory_space<vmem_shared>>
      %dma_wait3A_284 = tpu.memref_slice %arg2[%mul3A_4, %mul3A_0] : memref<10000x128xf32, #tpu.memory_space<hbm>> -> memref<624x64xf32, #tpu.memory_space<hbm>>
      tpu.wait_dma2 semaphore(%run_scoped3A : memref<!tpu.dma_semaphore, #tpu.memory_space<semaphore_mem>>) src(%dma_wait3A_284 : memref<624x64xf32, #tpu.memory_space<hbm>>) dst(%dma_wait3A_283 : memref<624x64xf32, #tpu.memory_space<vmem_shared>>)
      tpu.yield
    }) : () -> ()
    %eq3A = arith.constant 0 : i32
    %eq3A_5 = arith.cmpi eq, %arg1, %eq3A : i32
    %convert_element_type3A = arith.extui %eq3A_5 : i1 to i32
    %cond3A = arith.constant 0 : i32
    %cond3A_6 = arith.cmpi ne, %convert_element_type3A, %cond3A : i32
    scf.if %cond3A_6 {
      "tpu.region"() ({
        %run_scoped3A = tpu.sem_alloc : memref<!tpu.dma_semaphore, #tpu.memory_space<semaphore_mem>>
        %dma_start3A_279 = arith.constant 9984 : i32
        %dma_start3A_280 = arith.constant 0 : i32
        %dma_start3A_281 = tpu.memref_slice %arg11[%dma_start3A_279, %dma_start3A_280] : memref<10000x64xf32, #tpu.memory_space<vmem_shared>> -> memref<16x64xf32, #tpu.memory_space<vmem_shared>>
        %dma_start3A_282 = arith.constant 9984 : i32
        %dma_start3A_283 = tpu.memref_slice %arg2[%dma_start3A_282, %mul3A_0] : memref<10000x128xf32, #tpu.memory_space<hbm>> -> memref<16x64xf32, #tpu.memory_space<hbm>>
        tpu.enqueue_dma source(%dma_start3A_283 : memref<16x64xf32, #tpu.memory_space<hbm>>) target(%dma_start3A_281 : memref<16x64xf32, #tpu.memory_space<vmem_shared>>) target_semaphore(%run_scoped3A : memref<!tpu.dma_semaphore, #tpu.memory_space<semaphore_mem>>)
        %dma_wait3A_284 = arith.constant 9984 : i32
        %dma_wait3A_285 = arith.constant 0 : i32
        %dma_wait3A_286 = tpu.memref_slice %arg11[%dma_wait3A_284, %dma_wait3A_285] : memref<10000x64xf32, #tpu.memory_space<vmem_shared>> -> memref<16x64xf32, #tpu.memory_space<vmem_shared>>
        %dma_wait3A_287 = arith.constant 9984 : i32
        %dma_wait3A_288 = tpu.memref_slice %arg2[%dma_wait3A_287, %mul3A_0] : memref<10000x128xf32, #tpu.memory_space<hbm>> -> memref<16x64xf32, #tpu.memory_space<hbm>>
        tpu.wait_dma2 semaphore(%run_scoped3A : memref<!tpu.dma_semaphore, #tpu.memory_space<semaphore_mem>>) src(%dma_wait3A_288 : memref<16x64xf32, #tpu.memory_space<hbm>>) dst(%dma_wait3A_286 : memref<16x64xf32, #tpu.memory_space<vmem_shared>>)
        tpu.yield
      }) : () -> ()
    } else {
    }
    %barrier3A = arith.constant 0 : index
    tpu.barrier barrier_id(%barrier3A)
    %dma_start3A = arith.constant 0 : i32
    %dma_start3A_7 = arith.constant 0 : i32
    %dma_start3A_8 = arith.constant 0 : i32
    %dma_start3A_9 = tpu.memref_slice %arg7[%dma_start3A_7, %dma_start3A_8] : memref<5x128xi32, #tpu.memory_space<vmem>> -> memref<1x128xi32, #tpu.memory_space<vmem>>
    %dma_start3A_10 = tpu.memref_squeeze %dma_start3A_9 : memref<1x128xi32, #tpu.memory_space<vmem>> -> memref<128xi32, #tpu.memory_space<vmem>>
    %dma_start3A_11 = arith.constant 0 : i32
    %dma_start3A_12 = arith.constant 0 : i32
    %dma_start3A_13 = tpu.memref_slice %arg3[%arg1, %dma_start3A_11, %dma_start3A_12] : memref<16x160x128xi32, #tpu.memory_space<hbm>> -> memref<1x160x128xi32, #tpu.memory_space<hbm>>
    %dma_start3A_14 = tpu.memref_squeeze %dma_start3A_13 : memref<1x160x128xi32, #tpu.memory_space<hbm>> -> memref<160x128xi32, #tpu.memory_space<hbm>>
    %dma_start3A_15 = arith.constant 0 : i32
    %dma_start3A_16 = tpu.memref_slice %dma_start3A_14[%dma_start3A, %dma_start3A_15] : memref<160x128xi32, #tpu.memory_space<hbm>> -> memref<1x128xi32, #tpu.memory_space<hbm>>
    %dma_start3A_17 = tpu.memref_squeeze %dma_start3A_16 : memref<1x128xi32, #tpu.memory_space<hbm>> -> memref<128xi32, #tpu.memory_space<hbm>>
    %dma_start3A_18 = arith.constant 0 : i32
    %dma_start3A_19 = tpu.memref_slice %arg7[%dma_start3A_7, %dma_start3A_18] : memref<5x128xi32, #tpu.memory_space<vmem>> -> memref<1x128xi32, #tpu.memory_space<vmem>>
    %dma_start3A_20 = tpu.memref_squeeze %dma_start3A_19 : memref<1x128xi32, #tpu.memory_space<vmem>> -> memref<128xi32, #tpu.memory_space<vmem>>
    %dma_start3A_21 = arith.constant 0 : i32
    %dma_start3A_22 = arith.constant 0 : i32
    %dma_start3A_23 = tpu.memref_slice %arg3[%arg1, %dma_start3A_21, %dma_start3A_22] : memref<16x160x128xi32, #tpu.memory_space<hbm>> -> memref<1x160x128xi32, #tpu.memory_space<hbm>>
    %dma_start3A_24 = tpu.memref_squeeze %dma_start3A_23 : memref<1x160x128xi32, #tpu.memory_space<hbm>> -> memref<160x128xi32, #tpu.memory_space<hbm>>
    %dma_start3A_25 = arith.constant 0 : i32
    %dma_start3A_26 = tpu.memref_slice %dma_start3A_24[%dma_start3A, %dma_start3A_25] : memref<160x128xi32, #tpu.memory_space<hbm>> -> memref<1x128xi32, #tpu.memory_space<hbm>>
    %dma_start3A_27 = tpu.memref_squeeze %dma_start3A_26 : memref<1x128xi32, #tpu.memory_space<hbm>> -> memref<128xi32, #tpu.memory_space<hbm>>
    tpu.enqueue_dma source(%dma_start3A_27 : memref<128xi32, #tpu.memory_space<hbm>>) target(%dma_start3A_20 : memref<128xi32, #tpu.memory_space<vmem>>) target_semaphore(%arg12 : memref<!tpu.dma_semaphore, #tpu.memory_space<semaphore_mem>>)
    %dma_start3A_28 = arith.constant 0 : i32
    %dma_start3A_29 = arith.constant 0 : i32
    %dma_start3A_30 = arith.constant 0 : i32
    %dma_start3A_31 = tpu.memref_slice %arg8[%dma_start3A_29, %dma_start3A_30] : memref<5x128xi32, #tpu.memory_space<vmem>> -> memref<1x128xi32, #tpu.memory_space<vmem>>
    %dma_start3A_32 = tpu.memref_squeeze %dma_start3A_31 : memref<1x128xi32, #tpu.memory_space<vmem>> -> memref<128xi32, #tpu.memory_space<vmem>>
    %dma_start3A_33 = arith.constant 0 : i32
    %dma_start3A_34 = arith.constant 0 : i32
    %dma_start3A_35 = tpu.memref_slice %arg4[%arg1, %dma_start3A_33, %dma_start3A_34] : memref<16x160x128xi32, #tpu.memory_space<hbm>> -> memref<1x160x128xi32, #tpu.memory_space<hbm>>
    %dma_start3A_36 = tpu.memref_squeeze %dma_start3A_35 : memref<1x160x128xi32, #tpu.memory_space<hbm>> -> memref<160x128xi32, #tpu.memory_space<hbm>>
    %dma_start3A_37 = arith.constant 0 : i32
    %dma_start3A_38 = tpu.memref_slice %dma_start3A_36[%dma_start3A_28, %dma_start3A_37] : memref<160x128xi32, #tpu.memory_space<hbm>> -> memref<1x128xi32, #tpu.memory_space<hbm>>
    %dma_start3A_39 = tpu.memref_squeeze %dma_start3A_38 : memref<1x128xi32, #tpu.memory_space<hbm>> -> memref<128xi32, #tpu.memory_space<hbm>>
    %dma_start3A_40 = arith.constant 0 : i32
    %dma_start3A_41 = tpu.memref_slice %arg8[%dma_start3A_29, %dma_start3A_40] : memref<5x128xi32, #tpu.memory_space<vmem>> -> memref<1x128xi32, #tpu.memory_space<vmem>>
    %dma_start3A_42 = tpu.memref_squeeze %dma_start3A_41 : memref<1x128xi32, #tpu.memory_space<vmem>> -> memref<128xi32, #tpu.memory_space<vmem>>
    %dma_start3A_43 = arith.constant 0 : i32
    %dma_start3A_44 = arith.constant 0 : i32
    %dma_start3A_45 = tpu.memref_slice %arg4[%arg1, %dma_start3A_43, %dma_start3A_44] : memref<16x160x128xi32, #tpu.memory_space<hbm>> -> memref<1x160x128xi32, #tpu.memory_space<hbm>>
    %dma_start3A_46 = tpu.memref_squeeze %dma_start3A_45 : memref<1x160x128xi32, #tpu.memory_space<hbm>> -> memref<160x128xi32, #tpu.memory_space<hbm>>
    %dma_start3A_47 = arith.constant 0 : i32
    %dma_start3A_48 = tpu.memref_slice %dma_start3A_46[%dma_start3A_28, %dma_start3A_47] : memref<160x128xi32, #tpu.memory_space<hbm>> -> memref<1x128xi32, #tpu.memory_space<hbm>>
    %dma_start3A_49 = tpu.memref_squeeze %dma_start3A_48 : memref<1x128xi32, #tpu.memory_space<hbm>> -> memref<128xi32, #tpu.memory_space<hbm>>
    tpu.enqueue_dma source(%dma_start3A_49 : memref<128xi32, #tpu.memory_space<hbm>>) target(%dma_start3A_42 : memref<128xi32, #tpu.memory_space<vmem>>) target_semaphore(%arg12 : memref<!tpu.dma_semaphore, #tpu.memory_space<semaphore_mem>>)
    %dma_start3A_50 = arith.constant 1 : i32
    %dma_start3A_51 = arith.constant 1 : i32
    %dma_start3A_52 = arith.constant 0 : i32
    %dma_start3A_53 = tpu.memref_slice %arg7[%dma_start3A_51, %dma_start3A_52] : memref<5x128xi32, #tpu.memory_space<vmem>> -> memref<1x128xi32, #tpu.memory_space<vmem>>
    %dma_start3A_54 = tpu.memref_squeeze %dma_start3A_53 : memref<1x128xi32, #tpu.memory_space<vmem>> -> memref<128xi32, #tpu.memory_space<vmem>>
    %dma_start3A_55 = arith.constant 0 : i32
    %dma_start3A_56 = arith.constant 0 : i32
    %dma_start3A_57 = tpu.memref_slice %arg3[%arg1, %dma_start3A_55, %dma_start3A_56] : memref<16x160x128xi32, #tpu.memory_space<hbm>> -> memref<1x160x128xi32, #tpu.memory_space<hbm>>
    %dma_start3A_58 = tpu.memref_squeeze %dma_start3A_57 : memref<1x160x128xi32, #tpu.memory_space<hbm>> -> memref<160x128xi32, #tpu.memory_space<hbm>>
    %dma_start3A_59 = arith.constant 0 : i32
    %dma_start3A_60 = tpu.memref_slice %dma_start3A_58[%dma_start3A_50, %dma_start3A_59] : memref<160x128xi32, #tpu.memory_space<hbm>> -> memref<1x128xi32, #tpu.memory_space<hbm>>
    %dma_start3A_61 = tpu.memref_squeeze %dma_start3A_60 : memref<1x128xi32, #tpu.memory_space<hbm>> -> memref<128xi32, #tpu.memory_space<hbm>>
    %dma_start3A_62 = arith.constant 0 : i32
    %dma_start3A_63 = tpu.memref_slice %arg7[%dma_start3A_51, %dma_start3A_62] : memref<5x128xi32, #tpu.memory_space<vmem>> -> memref<1x128xi32, #tpu.memory_space<vmem>>
    %dma_start3A_64 = tpu.memref_squeeze %dma_start3A_63 : memref<1x128xi32, #tpu.memory_space<vmem>> -> memref<128xi32, #tpu.memory_space<vmem>>
    %dma_start3A_65 = arith.constant 0 : i32
    %dma_start3A_66 = arith.constant 0 : i32
    %dma_start3A_67 = tpu.memref_slice %arg3[%arg1, %dma_start3A_65, %dma_start3A_66] : memref<16x160x128xi32, #tpu.memory_space<hbm>> -> memref<1x160x128xi32, #tpu.memory_space<hbm>>
    %dma_start3A_68 = tpu.memref_squeeze %dma_start3A_67 : memref<1x160x128xi32, #tpu.memory_space<hbm>> -> memref<160x128xi32, #tpu.memory_space<hbm>>
    %dma_start3A_69 = arith.constant 0 : i32
    %dma_start3A_70 = tpu.memref_slice %dma_start3A_68[%dma_start3A_50, %dma_start3A_69] : memref<160x128xi32, #tpu.memory_space<hbm>> -> memref<1x128xi32, #tpu.memory_space<hbm>>
    %dma_start3A_71 = tpu.memref_squeeze %dma_start3A_70 : memref<1x128xi32, #tpu.memory_space<hbm>> -> memref<128xi32, #tpu.memory_space<hbm>>
    tpu.enqueue_dma source(%dma_start3A_71 : memref<128xi32, #tpu.memory_space<hbm>>) target(%dma_start3A_64 : memref<128xi32, #tpu.memory_space<vmem>>) target_semaphore(%arg13 : memref<!tpu.dma_semaphore, #tpu.memory_space<semaphore_mem>>)
    %dma_start3A_72 = arith.constant 1 : i32
    %dma_start3A_73 = arith.constant 1 : i32
    %dma_start3A_74 = arith.constant 0 : i32
    %dma_start3A_75 = tpu.memref_slice %arg8[%dma_start3A_73, %dma_start3A_74] : memref<5x128xi32, #tpu.memory_space<vmem>> -> memref<1x128xi32, #tpu.memory_space<vmem>>
    %dma_start3A_76 = tpu.memref_squeeze %dma_start3A_75 : memref<1x128xi32, #tpu.memory_space<vmem>> -> memref<128xi32, #tpu.memory_space<vmem>>
    %dma_start3A_77 = arith.constant 0 : i32
    %dma_start3A_78 = arith.constant 0 : i32
    %dma_start3A_79 = tpu.memref_slice %arg4[%arg1, %dma_start3A_77, %dma_start3A_78] : memref<16x160x128xi32, #tpu.memory_space<hbm>> -> memref<1x160x128xi32, #tpu.memory_space<hbm>>
    %dma_start3A_80 = tpu.memref_squeeze %dma_start3A_79 : memref<1x160x128xi32, #tpu.memory_space<hbm>> -> memref<160x128xi32, #tpu.memory_space<hbm>>
    %dma_start3A_81 = arith.constant 0 : i32
    %dma_start3A_82 = tpu.memref_slice %dma_start3A_80[%dma_start3A_72, %dma_start3A_81] : memref<160x128xi32, #tpu.memory_space<hbm>> -> memref<1x128xi32, #tpu.memory_space<hbm>>
    %dma_start3A_83 = tpu.memref_squeeze %dma_start3A_82 : memref<1x128xi32, #tpu.memory_space<hbm>> -> memref<128xi32, #tpu.memory_space<hbm>>
    %dma_start3A_84 = arith.constant 0 : i32
    %dma_start3A_85 = tpu.memref_slice %arg8[%dma_start3A_73, %dma_start3A_84] : memref<5x128xi32, #tpu.memory_space<vmem>> -> memref<1x128xi32, #tpu.memory_space<vmem>>
    %dma_start3A_86 = tpu.memref_squeeze %dma_start3A_85 : memref<1x128xi32, #tpu.memory_space<vmem>> -> memref<128xi32, #tpu.memory_space<vmem>>
    %dma_start3A_87 = arith.constant 0 : i32
    %dma_start3A_88 = arith.constant 0 : i32
    %dma_start3A_89 = tpu.memref_slice %arg4[%arg1, %dma_start3A_87, %dma_start3A_88] : memref<16x160x128xi32, #tpu.memory_space<hbm>> -> memref<1x160x128xi32, #tpu.memory_space<hbm>>
    %dma_start3A_90 = tpu.memref_squeeze %dma_start3A_89 : memref<1x160x128xi32, #tpu.memory_space<hbm>> -> memref<160x128xi32, #tpu.memory_space<hbm>>
    %dma_start3A_91 = arith.constant 0 : i32
    %dma_start3A_92 = tpu.memref_slice %dma_start3A_90[%dma_start3A_72, %dma_start3A_91] : memref<160x128xi32, #tpu.memory_space<hbm>> -> memref<1x128xi32, #tpu.memory_space<hbm>>
    %dma_start3A_93 = tpu.memref_squeeze %dma_start3A_92 : memref<1x128xi32, #tpu.memory_space<hbm>> -> memref<128xi32, #tpu.memory_space<hbm>>
    tpu.enqueue_dma source(%dma_start3A_93 : memref<128xi32, #tpu.memory_space<hbm>>) target(%dma_start3A_86 : memref<128xi32, #tpu.memory_space<vmem>>) target_semaphore(%arg13 : memref<!tpu.dma_semaphore, #tpu.memory_space<semaphore_mem>>)
    %dma_start3A_94 = arith.constant 2 : i32
    %dma_start3A_95 = arith.constant 2 : i32
    %dma_start3A_96 = arith.constant 0 : i32
    %dma_start3A_97 = tpu.memref_slice %arg7[%dma_start3A_95, %dma_start3A_96] : memref<5x128xi32, #tpu.memory_space<vmem>> -> memref<1x128xi32, #tpu.memory_space<vmem>>
    %dma_start3A_98 = tpu.memref_squeeze %dma_start3A_97 : memref<1x128xi32, #tpu.memory_space<vmem>> -> memref<128xi32, #tpu.memory_space<vmem>>
    %dma_start3A_99 = arith.constant 0 : i32
    %dma_start3A_100 = arith.constant 0 : i32
    %dma_start3A_101 = tpu.memref_slice %arg3[%arg1, %dma_start3A_99, %dma_start3A_100] : memref<16x160x128xi32, #tpu.memory_space<hbm>> -> memref<1x160x128xi32, #tpu.memory_space<hbm>>
    %dma_start3A_102 = tpu.memref_squeeze %dma_start3A_101 : memref<1x160x128xi32, #tpu.memory_space<hbm>> -> memref<160x128xi32, #tpu.memory_space<hbm>>
    %dma_start3A_103 = arith.constant 0 : i32
    %dma_start3A_104 = tpu.memref_slice %dma_start3A_102[%dma_start3A_94, %dma_start3A_103] : memref<160x128xi32, #tpu.memory_space<hbm>> -> memref<1x128xi32, #tpu.memory_space<hbm>>
    %dma_start3A_105 = tpu.memref_squeeze %dma_start3A_104 : memref<1x128xi32, #tpu.memory_space<hbm>> -> memref<128xi32, #tpu.memory_space<hbm>>
    %dma_start3A_106 = arith.constant 0 : i32
    %dma_start3A_107 = tpu.memref_slice %arg7[%dma_start3A_95, %dma_start3A_106] : memref<5x128xi32, #tpu.memory_space<vmem>> -> memref<1x128xi32, #tpu.memory_space<vmem>>
    %dma_start3A_108 = tpu.memref_squeeze %dma_start3A_107 : memref<1x128xi32, #tpu.memory_space<vmem>> -> memref<128xi32, #tpu.memory_space<vmem>>
    %dma_start3A_109 = arith.constant 0 : i32
    %dma_start3A_110 = arith.constant 0 : i32
    %dma_start3A_111 = tpu.memref_slice %arg3[%arg1, %dma_start3A_109, %dma_start3A_110] : memref<16x160x128xi32, #tpu.memory_space<hbm>> -> memref<1x160x128xi32, #tpu.memory_space<hbm>>
    %dma_start3A_112 = tpu.memref_squeeze %dma_start3A_111 : memref<1x160x128xi32, #tpu.memory_space<hbm>> -> memref<160x128xi32, #tpu.memory_space<hbm>>
    %dma_start3A_113 = arith.constant 0 : i32
    %dma_start3A_114 = tpu.memref_slice %dma_start3A_112[%dma_start3A_94, %dma_start3A_113] : memref<160x128xi32, #tpu.memory_space<hbm>> -> memref<1x128xi32, #tpu.memory_space<hbm>>
    %dma_start3A_115 = tpu.memref_squeeze %dma_start3A_114 : memref<1x128xi32, #tpu.memory_space<hbm>> -> memref<128xi32, #tpu.memory_space<hbm>>
    tpu.enqueue_dma source(%dma_start3A_115 : memref<128xi32, #tpu.memory_space<hbm>>) target(%dma_start3A_108 : memref<128xi32, #tpu.memory_space<vmem>>) target_semaphore(%arg14 : memref<!tpu.dma_semaphore, #tpu.memory_space<semaphore_mem>>)
    %dma_start3A_116 = arith.constant 2 : i32
    %dma_start3A_117 = arith.constant 2 : i32
    %dma_start3A_118 = arith.constant 0 : i32
    %dma_start3A_119 = tpu.memref_slice %arg8[%dma_start3A_117, %dma_start3A_118] : memref<5x128xi32, #tpu.memory_space<vmem>> -> memref<1x128xi32, #tpu.memory_space<vmem>>
    %dma_start3A_120 = tpu.memref_squeeze %dma_start3A_119 : memref<1x128xi32, #tpu.memory_space<vmem>> -> memref<128xi32, #tpu.memory_space<vmem>>
    %dma_start3A_121 = arith.constant 0 : i32
    %dma_start3A_122 = arith.constant 0 : i32
    %dma_start3A_123 = tpu.memref_slice %arg4[%arg1, %dma_start3A_121, %dma_start3A_122] : memref<16x160x128xi32, #tpu.memory_space<hbm>> -> memref<1x160x128xi32, #tpu.memory_space<hbm>>
    %dma_start3A_124 = tpu.memref_squeeze %dma_start3A_123 : memref<1x160x128xi32, #tpu.memory_space<hbm>> -> memref<160x128xi32, #tpu.memory_space<hbm>>
    %dma_start3A_125 = arith.constant 0 : i32
    %dma_start3A_126 = tpu.memref_slice %dma_start3A_124[%dma_start3A_116, %dma_start3A_125] : memref<160x128xi32, #tpu.memory_space<hbm>> -> memref<1x128xi32, #tpu.memory_space<hbm>>
    %dma_start3A_127 = tpu.memref_squeeze %dma_start3A_126 : memref<1x128xi32, #tpu.memory_space<hbm>> -> memref<128xi32, #tpu.memory_space<hbm>>
    %dma_start3A_128 = arith.constant 0 : i32
    %dma_start3A_129 = tpu.memref_slice %arg8[%dma_start3A_117, %dma_start3A_128] : memref<5x128xi32, #tpu.memory_space<vmem>> -> memref<1x128xi32, #tpu.memory_space<vmem>>
    %dma_start3A_130 = tpu.memref_squeeze %dma_start3A_129 : memref<1x128xi32, #tpu.memory_space<vmem>> -> memref<128xi32, #tpu.memory_space<vmem>>
    %dma_start3A_131 = arith.constant 0 : i32
    %dma_start3A_132 = arith.constant 0 : i32
    %dma_start3A_133 = tpu.memref_slice %arg4[%arg1, %dma_start3A_131, %dma_start3A_132] : memref<16x160x128xi32, #tpu.memory_space<hbm>> -> memref<1x160x128xi32, #tpu.memory_space<hbm>>
    %dma_start3A_134 = tpu.memref_squeeze %dma_start3A_133 : memref<1x160x128xi32, #tpu.memory_space<hbm>> -> memref<160x128xi32, #tpu.memory_space<hbm>>
    %dma_start3A_135 = arith.constant 0 : i32
    %dma_start3A_136 = tpu.memref_slice %dma_start3A_134[%dma_start3A_116, %dma_start3A_135] : memref<160x128xi32, #tpu.memory_space<hbm>> -> memref<1x128xi32, #tpu.memory_space<hbm>>
    %dma_start3A_137 = tpu.memref_squeeze %dma_start3A_136 : memref<1x128xi32, #tpu.memory_space<hbm>> -> memref<128xi32, #tpu.memory_space<hbm>>
    tpu.enqueue_dma source(%dma_start3A_137 : memref<128xi32, #tpu.memory_space<hbm>>) target(%dma_start3A_130 : memref<128xi32, #tpu.memory_space<vmem>>) target_semaphore(%arg14 : memref<!tpu.dma_semaphore, #tpu.memory_space<semaphore_mem>>)
    %dma_wait3A = arith.constant 0 : i32
    %dma_wait3A_138 = arith.constant 0 : i32
    %dma_wait3A_139 = arith.constant 0 : i32
    %dma_wait3A_140 = tpu.memref_slice %arg7[%dma_wait3A_138, %dma_wait3A_139] : memref<5x128xi32, #tpu.memory_space<vmem>> -> memref<1x128xi32, #tpu.memory_space<vmem>>
    %dma_wait3A_141 = tpu.memref_squeeze %dma_wait3A_140 : memref<1x128xi32, #tpu.memory_space<vmem>> -> memref<128xi32, #tpu.memory_space<vmem>>
    %dma_wait3A_142 = arith.constant 0 : i32
    %dma_wait3A_143 = arith.constant 0 : i32
    %dma_wait3A_144 = tpu.memref_slice %arg3[%arg1, %dma_wait3A_142, %dma_wait3A_143] : memref<16x160x128xi32, #tpu.memory_space<hbm>> -> memref<1x160x128xi32, #tpu.memory_space<hbm>>
    %dma_wait3A_145 = tpu.memref_squeeze %dma_wait3A_144 : memref<1x160x128xi32, #tpu.memory_space<hbm>> -> memref<160x128xi32, #tpu.memory_space<hbm>>
    %dma_wait3A_146 = arith.constant 0 : i32
    %dma_wait3A_147 = tpu.memref_slice %dma_wait3A_145[%dma_wait3A, %dma_wait3A_146] : memref<160x128xi32, #tpu.memory_space<hbm>> -> memref<1x128xi32, #tpu.memory_space<hbm>>
    %dma_wait3A_148 = tpu.memref_squeeze %dma_wait3A_147 : memref<1x128xi32, #tpu.memory_space<hbm>> -> memref<128xi32, #tpu.memory_space<hbm>>
    %dma_wait3A_149 = arith.constant 0 : i32
    %dma_wait3A_150 = tpu.memref_slice %arg7[%dma_wait3A_138, %dma_wait3A_149] : memref<5x128xi32, #tpu.memory_space<vmem>> -> memref<1x128xi32, #tpu.memory_space<vmem>>
    %dma_wait3A_151 = tpu.memref_squeeze %dma_wait3A_150 : memref<1x128xi32, #tpu.memory_space<vmem>> -> memref<128xi32, #tpu.memory_space<vmem>>
    %dma_wait3A_152 = arith.constant 0 : i32
    %dma_wait3A_153 = arith.constant 0 : i32
    %dma_wait3A_154 = tpu.memref_slice %arg3[%arg1, %dma_wait3A_152, %dma_wait3A_153] : memref<16x160x128xi32, #tpu.memory_space<hbm>> -> memref<1x160x128xi32, #tpu.memory_space<hbm>>
    %dma_wait3A_155 = tpu.memref_squeeze %dma_wait3A_154 : memref<1x160x128xi32, #tpu.memory_space<hbm>> -> memref<160x128xi32, #tpu.memory_space<hbm>>
    %dma_wait3A_156 = arith.constant 0 : i32
    %dma_wait3A_157 = tpu.memref_slice %dma_wait3A_155[%dma_wait3A, %dma_wait3A_156] : memref<160x128xi32, #tpu.memory_space<hbm>> -> memref<1x128xi32, #tpu.memory_space<hbm>>
    %dma_wait3A_158 = tpu.memref_squeeze %dma_wait3A_157 : memref<1x128xi32, #tpu.memory_space<hbm>> -> memref<128xi32, #tpu.memory_space<hbm>>
    tpu.wait_dma2 semaphore(%arg12 : memref<!tpu.dma_semaphore, #tpu.memory_space<semaphore_mem>>) src(%dma_wait3A_158 : memref<128xi32, #tpu.memory_space<hbm>>) dst(%dma_wait3A_151 : memref<128xi32, #tpu.memory_space<vmem>>)
    %dma_wait3A_159 = arith.constant 0 : i32
    %dma_wait3A_160 = arith.constant 0 : i32
    %dma_wait3A_161 = arith.constant 0 : i32
    %dma_wait3A_162 = tpu.memref_slice %arg8[%dma_wait3A_160, %dma_wait3A_161] : memref<5x128xi32, #tpu.memory_space<vmem>> -> memref<1x128xi32, #tpu.memory_space<vmem>>
    %dma_wait3A_163 = tpu.memref_squeeze %dma_wait3A_162 : memref<1x128xi32, #tpu.memory_space<vmem>> -> memref<128xi32, #tpu.memory_space<vmem>>
    %dma_wait3A_164 = arith.constant 0 : i32
    %dma_wait3A_165 = arith.constant 0 : i32
    %dma_wait3A_166 = tpu.memref_slice %arg4[%arg1, %dma_wait3A_164, %dma_wait3A_165] : memref<16x160x128xi32, #tpu.memory_space<hbm>> -> memref<1x160x128xi32, #tpu.memory_space<hbm>>
    %dma_wait3A_167 = tpu.memref_squeeze %dma_wait3A_166 : memref<1x160x128xi32, #tpu.memory_space<hbm>> -> memref<160x128xi32, #tpu.memory_space<hbm>>
    %dma_wait3A_168 = arith.constant 0 : i32
    %dma_wait3A_169 = tpu.memref_slice %dma_wait3A_167[%dma_wait3A_159, %dma_wait3A_168] : memref<160x128xi32, #tpu.memory_space<hbm>> -> memref<1x128xi32, #tpu.memory_space<hbm>>
    %dma_wait3A_170 = tpu.memref_squeeze %dma_wait3A_169 : memref<1x128xi32, #tpu.memory_space<hbm>> -> memref<128xi32, #tpu.memory_space<hbm>>
    %dma_wait3A_171 = arith.constant 0 : i32
    %dma_wait3A_172 = tpu.memref_slice %arg8[%dma_wait3A_160, %dma_wait3A_171] : memref<5x128xi32, #tpu.memory_space<vmem>> -> memref<1x128xi32, #tpu.memory_space<vmem>>
    %dma_wait3A_173 = tpu.memref_squeeze %dma_wait3A_172 : memref<1x128xi32, #tpu.memory_space<vmem>> -> memref<128xi32, #tpu.memory_space<vmem>>
    %dma_wait3A_174 = arith.constant 0 : i32
    %dma_wait3A_175 = arith.constant 0 : i32
    %dma_wait3A_176 = tpu.memref_slice %arg4[%arg1, %dma_wait3A_174, %dma_wait3A_175] : memref<16x160x128xi32, #tpu.memory_space<hbm>> -> memref<1x160x128xi32, #tpu.memory_space<hbm>>
    %dma_wait3A_177 = tpu.memref_squeeze %dma_wait3A_176 : memref<1x160x128xi32, #tpu.memory_space<hbm>> -> memref<160x128xi32, #tpu.memory_space<hbm>>
    %dma_wait3A_178 = arith.constant 0 : i32
    %dma_wait3A_179 = tpu.memref_slice %dma_wait3A_177[%dma_wait3A_159, %dma_wait3A_178] : memref<160x128xi32, #tpu.memory_space<hbm>> -> memref<1x128xi32, #tpu.memory_space<hbm>>
    %dma_wait3A_180 = tpu.memref_squeeze %dma_wait3A_179 : memref<1x128xi32, #tpu.memory_space<hbm>> -> memref<128xi32, #tpu.memory_space<hbm>>
    tpu.wait_dma2 semaphore(%arg12 : memref<!tpu.dma_semaphore, #tpu.memory_space<semaphore_mem>>) src(%dma_wait3A_180 : memref<128xi32, #tpu.memory_space<hbm>>) dst(%dma_wait3A_173 : memref<128xi32, #tpu.memory_space<vmem>>)
    %dma_start3A_181 = arith.constant 0 : i32
    %dma_start3A_182 = arith.constant 0 : i32
    %dma_start3A_183 = arith.constant 0 : i32
    %dma_start3A_184 = arith.constant 0 : i32
    %dma_start3A_185 = tpu.memref_slice %arg9[%dma_start3A_182, %dma_start3A_183, %dma_start3A_184] : memref<5x128x64xf32, #tpu.memory_space<vmem>> -> memref<1x128x64xf32, #tpu.memory_space<vmem>>
    %dma_start3A_186 = tpu.memref_squeeze %dma_start3A_185 : memref<1x128x64xf32, #tpu.memory_space<vmem>> -> memref<128x64xf32, #tpu.memory_space<vmem>>
    %dma_start3A_187 = arith.constant 0 : i32
    %dma_start3A_188 = tpu.memref_slice %arg7[%dma_start3A_181, %dma_start3A_187] : memref<5x128xi32, #tpu.memory_space<vmem>> -> memref<1x128xi32, #tpu.memory_space<vmem>>
    %dma_start3A_189 = tpu.memref_squeeze %dma_start3A_188 : memref<1x128xi32, #tpu.memory_space<vmem>> -> memref<128xi32, #tpu.memory_space<vmem>>
    %dma_start3A_190 = arith.constant 0 : i32
    %dma_start3A_191 = arith.constant 0 : i32
    %dma_start3A_192 = tpu.memref_slice %arg11[%dma_start3A_190, %dma_start3A_191] : memref<10000x64xf32, #tpu.memory_space<vmem_shared>> -> memref<10000x64xf32, #tpu.memory_space<vmem_shared>>
    tpu.enqueue_indirect_dma source(%dma_start3A_192 : memref<10000x64xf32, #tpu.memory_space<vmem_shared>>) target(%dma_start3A_186 : memref<128x64xf32, #tpu.memory_space<vmem>>) offsets(%dma_start3A_189 : memref<128xi32, #tpu.memory_space<vmem>>) semaphore(%arg12 : memref<!tpu.dma_semaphore, #tpu.memory_space<semaphore_mem>>)
    %dma_wait3A_193 = arith.constant 1 : i32
    %dma_wait3A_194 = arith.constant 1 : i32
    %dma_wait3A_195 = arith.constant 0 : i32
    %dma_wait3A_196 = tpu.memref_slice %arg7[%dma_wait3A_194, %dma_wait3A_195] : memref<5x128xi32, #tpu.memory_space<vmem>> -> memref<1x128xi32, #tpu.memory_space<vmem>>
    %dma_wait3A_197 = tpu.memref_squeeze %dma_wait3A_196 : memref<1x128xi32, #tpu.memory_space<vmem>> -> memref<128xi32, #tpu.memory_space<vmem>>
    %dma_wait3A_198 = arith.constant 0 : i32
    %dma_wait3A_199 = arith.constant 0 : i32
    %dma_wait3A_200 = tpu.memref_slice %arg3[%arg1, %dma_wait3A_198, %dma_wait3A_199] : memref<16x160x128xi32, #tpu.memory_space<hbm>> -> memref<1x160x128xi32, #tpu.memory_space<hbm>>
    %dma_wait3A_201 = tpu.memref_squeeze %dma_wait3A_200 : memref<1x160x128xi32, #tpu.memory_space<hbm>> -> memref<160x128xi32, #tpu.memory_space<hbm>>
    %dma_wait3A_202 = arith.constant 0 : i32
    %dma_wait3A_203 = tpu.memref_slice %dma_wait3A_201[%dma_wait3A_193, %dma_wait3A_202] : memref<160x128xi32, #tpu.memory_space<hbm>> -> memref<1x128xi32, #tpu.memory_space<hbm>>
    %dma_wait3A_204 = tpu.memref_squeeze %dma_wait3A_203 : memref<1x128xi32, #tpu.memory_space<hbm>> -> memref<128xi32, #tpu.memory_space<hbm>>
    %dma_wait3A_205 = arith.constant 0 : i32
    %dma_wait3A_206 = tpu.memref_slice %arg7[%dma_wait3A_194, %dma_wait3A_205] : memref<5x128xi32, #tpu.memory_space<vmem>> -> memref<1x128xi32, #tpu.memory_space<vmem>>
    %dma_wait3A_207 = tpu.memref_squeeze %dma_wait3A_206 : memref<1x128xi32, #tpu.memory_space<vmem>> -> memref<128xi32, #tpu.memory_space<vmem>>
    %dma_wait3A_208 = arith.constant 0 : i32
    %dma_wait3A_209 = arith.constant 0 : i32
    %dma_wait3A_210 = tpu.memref_slice %arg3[%arg1, %dma_wait3A_208, %dma_wait3A_209] : memref<16x160x128xi32, #tpu.memory_space<hbm>> -> memref<1x160x128xi32, #tpu.memory_space<hbm>>
    %dma_wait3A_211 = tpu.memref_squeeze %dma_wait3A_210 : memref<1x160x128xi32, #tpu.memory_space<hbm>> -> memref<160x128xi32, #tpu.memory_space<hbm>>
    %dma_wait3A_212 = arith.constant 0 : i32
    %dma_wait3A_213 = tpu.memref_slice %dma_wait3A_211[%dma_wait3A_193, %dma_wait3A_212] : memref<160x128xi32, #tpu.memory_space<hbm>> -> memref<1x128xi32, #tpu.memory_space<hbm>>
    %dma_wait3A_214 = tpu.memref_squeeze %dma_wait3A_213 : memref<1x128xi32, #tpu.memory_space<hbm>> -> memref<128xi32, #tpu.memory_space<hbm>>
    tpu.wait_dma2 semaphore(%arg13 : memref<!tpu.dma_semaphore, #tpu.memory_space<semaphore_mem>>) src(%dma_wait3A_214 : memref<128xi32, #tpu.memory_space<hbm>>) dst(%dma_wait3A_207 : memref<128xi32, #tpu.memory_space<vmem>>)
    %dma_wait3A_215 = arith.constant 1 : i32
    %dma_wait3A_216 = arith.constant 1 : i32
    %dma_wait3A_217 = arith.constant 0 : i32
    %dma_wait3A_218 = tpu.memref_slice %arg8[%dma_wait3A_216, %dma_wait3A_217] : memref<5x128xi32, #tpu.memory_space<vmem>> -> memref<1x128xi32, #tpu.memory_space<vmem>>
    %dma_wait3A_219 = tpu.memref_squeeze %dma_wait3A_218 : memref<1x128xi32, #tpu.memory_space<vmem>> -> memref<128xi32, #tpu.memory_space<vmem>>
    %dma_wait3A_220 = arith.constant 0 : i32
    %dma_wait3A_221 = arith.constant 0 : i32
    %dma_wait3A_222 = tpu.memref_slice %arg4[%arg1, %dma_wait3A_220, %dma_wait3A_221] : memref<16x160x128xi32, #tpu.memory_space<hbm>> -> memref<1x160x128xi32, #tpu.memory_space<hbm>>
    %dma_wait3A_223 = tpu.memref_squeeze %dma_wait3A_222 : memref<1x160x128xi32, #tpu.memory_space<hbm>> -> memref<160x128xi32, #tpu.memory_space<hbm>>
    %dma_wait3A_224 = arith.constant 0 : i32
    %dma_wait3A_225 = tpu.memref_slice %dma_wait3A_223[%dma_wait3A_215, %dma_wait3A_224] : memref<160x128xi32, #tpu.memory_space<hbm>> -> memref<1x128xi32, #tpu.memory_space<hbm>>
    %dma_wait3A_226 = tpu.memref_squeeze %dma_wait3A_225 : memref<1x128xi32, #tpu.memory_space<hbm>> -> memref<128xi32, #tpu.memory_space<hbm>>
    %dma_wait3A_227 = arith.constant 0 : i32
    %dma_wait3A_228 = tpu.memref_slice %arg8[%dma_wait3A_216, %dma_wait3A_227] : memref<5x128xi32, #tpu.memory_space<vmem>> -> memref<1x128xi32, #tpu.memory_space<vmem>>
    %dma_wait3A_229 = tpu.memref_squeeze %dma_wait3A_228 : memref<1x128xi32, #tpu.memory_space<vmem>> -> memref<128xi32, #tpu.memory_space<vmem>>
    %dma_wait3A_230 = arith.constant 0 : i32
    %dma_wait3A_231 = arith.constant 0 : i32
    %dma_wait3A_232 = tpu.memref_slice %arg4[%arg1, %dma_wait3A_230, %dma_wait3A_231] : memref<16x160x128xi32, #tpu.memory_space<hbm>> -> memref<1x160x128xi32, #tpu.memory_space<hbm>>
    %dma_wait3A_233 = tpu.memref_squeeze %dma_wait3A_232 : memref<1x160x128xi32, #tpu.memory_space<hbm>> -> memref<160x128xi32, #tpu.memory_space<hbm>>
    %dma_wait3A_234 = arith.constant 0 : i32
    %dma_wait3A_235 = tpu.memref_slice %dma_wait3A_233[%dma_wait3A_215, %dma_wait3A_234] : memref<160x128xi32, #tpu.memory_space<hbm>> -> memref<1x128xi32, #tpu.memory_space<hbm>>
    %dma_wait3A_236 = tpu.memref_squeeze %dma_wait3A_235 : memref<1x128xi32, #tpu.memory_space<hbm>> -> memref<128xi32, #tpu.memory_space<hbm>>
    tpu.wait_dma2 semaphore(%arg13 : memref<!tpu.dma_semaphore, #tpu.memory_space<semaphore_mem>>) src(%dma_wait3A_236 : memref<128xi32, #tpu.memory_space<hbm>>) dst(%dma_wait3A_229 : memref<128xi32, #tpu.memory_space<vmem>>)
    %dma_start3A_237 = arith.constant 1 : i32
    %dma_start3A_238 = arith.constant 1 : i32
    %dma_start3A_239 = arith.constant 0 : i32
    %dma_start3A_240 = arith.constant 0 : i32
    %dma_start3A_241 = tpu.memref_slice %arg9[%dma_start3A_238, %dma_start3A_239, %dma_start3A_240] : memref<5x128x64xf32, #tpu.memory_space<vmem>> -> memref<1x128x64xf32, #tpu.memory_space<vmem>>
    %dma_start3A_242 = tpu.memref_squeeze %dma_start3A_241 : memref<1x128x64xf32, #tpu.memory_space<vmem>> -> memref<128x64xf32, #tpu.memory_space<vmem>>
    %dma_start3A_243 = arith.constant 0 : i32
    %dma_start3A_244 = tpu.memref_slice %arg7[%dma_start3A_237, %dma_start3A_243] : memref<5x128xi32, #tpu.memory_space<vmem>> -> memref<1x128xi32, #tpu.memory_space<vmem>>
    %dma_start3A_245 = tpu.memref_squeeze %dma_start3A_244 : memref<1x128xi32, #tpu.memory_space<vmem>> -> memref<128xi32, #tpu.memory_space<vmem>>
    %dma_start3A_246 = arith.constant 0 : i32
    %dma_start3A_247 = arith.constant 0 : i32
    %dma_start3A_248 = tpu.memref_slice %arg11[%dma_start3A_246, %dma_start3A_247] : memref<10000x64xf32, #tpu.memory_space<vmem_shared>> -> memref<10000x64xf32, #tpu.memory_space<vmem_shared>>
    tpu.enqueue_indirect_dma source(%dma_start3A_248 : memref<10000x64xf32, #tpu.memory_space<vmem_shared>>) target(%dma_start3A_242 : memref<128x64xf32, #tpu.memory_space<vmem>>) offsets(%dma_start3A_245 : memref<128xi32, #tpu.memory_space<vmem>>) semaphore(%arg13 : memref<!tpu.dma_semaphore, #tpu.memory_space<semaphore_mem>>)
    %scan3A = arith.constant 0 : i32
    %scan3A_249 = arith.constant 0 : i32
    %scan3A_250 = arith.constant 32 : i32
    %scan3A_251 = arith.addi %scan3A_249, %scan3A_250 : i32
    %scan3A_252 = arith.constant 1 : i32
    scf.for %scan3A_279 = %scan3A_249 to %scan3A_251 step %scan3A_252  : i32 {
      %mul3A_280 = arith.constant 5 : i32
      %mul3A_281 = arith.muli %scan3A_279, %mul3A_280 : i32
      %add3A = arith.constant 0 : i32
      %add3A_282 = arith.addi %mul3A_281, %add3A : i32
      %dma_wait3A_283 = arith.constant 0 : i32
      %dma_wait3A_284 = arith.constant 0 : i32
      %dma_wait3A_285 = arith.constant 0 : i32
      %dma_wait3A_286 = arith.constant 0 : i32
      %dma_wait3A_287 = tpu.memref_slice %arg9[%dma_wait3A_284, %dma_wait3A_285, %dma_wait3A_286] : memref<5x128x64xf32, #tpu.memory_space<vmem>> -> memref<1x128x64xf32, #tpu.memory_space<vmem>>
      %dma_wait3A_288 = tpu.memref_squeeze %dma_wait3A_287 : memref<1x128x64xf32, #tpu.memory_space<vmem>> -> memref<128x64xf32, #tpu.memory_space<vmem>>
      %dma_wait3A_289 = arith.constant 0 : i32
      %dma_wait3A_290 = tpu.memref_slice %arg7[%dma_wait3A_283, %dma_wait3A_289] : memref<5x128xi32, #tpu.memory_space<vmem>> -> memref<1x128xi32, #tpu.memory_space<vmem>>
      %dma_wait3A_291 = tpu.memref_squeeze %dma_wait3A_290 : memref<1x128xi32, #tpu.memory_space<vmem>> -> memref<128xi32, #tpu.memory_space<vmem>>
      %dma_wait3A_292 = arith.constant 0 : i32
      %dma_wait3A_293 = arith.constant 0 : i32
      %dma_wait3A_294 = tpu.memref_slice %arg11[%dma_wait3A_292, %dma_wait3A_293] : memref<10000x64xf32, #tpu.memory_space<vmem_shared>> -> memref<10000x64xf32, #tpu.memory_space<vmem_shared>>
      tpu.wait_indirect_dma semaphore(%arg12 : memref<!tpu.dma_semaphore, #tpu.memory_space<semaphore_mem>>) src(%dma_wait3A_294 : memref<10000x64xf32, #tpu.memory_space<vmem_shared>>) dst(%dma_wait3A_288 : memref<128x64xf32, #tpu.memory_space<vmem>>)
      %dma_start3A_295 = arith.constant 0 : i32
      %dma_start3A_296 = arith.constant 0 : i32
      %dma_start3A_297 = arith.constant 0 : i32
      %dma_start3A_298 = arith.constant 0 : i32
      %dma_start3A_299 = tpu.memref_slice %arg9[%dma_start3A_295, %dma_start3A_297, %dma_start3A_298] : memref<5x128x64xf32, #tpu.memory_space<vmem>> -> memref<1x128x64xf32, #tpu.memory_space<vmem>>
      %dma_start3A_300 = tpu.memref_squeeze %dma_start3A_299 : memref<1x128x64xf32, #tpu.memory_space<vmem>> -> memref<128x64xf32, #tpu.memory_space<vmem>>
      %dma_start3A_301 = arith.constant 0 : i32
      %dma_start3A_302 = tpu.memref_slice %arg8[%dma_start3A_296, %dma_start3A_301] : memref<5x128xi32, #tpu.memory_space<vmem>> -> memref<1x128xi32, #tpu.memory_space<vmem>>
      %dma_start3A_303 = tpu.memref_squeeze %dma_start3A_302 : memref<1x128xi32, #tpu.memory_space<vmem>> -> memref<128xi32, #tpu.memory_space<vmem>>
      %dma_start3A_304 = arith.constant 0 : i32
      %dma_start3A_305 = arith.constant 0 : i32
      %dma_start3A_306 = tpu.memref_slice %arg10[%dma_start3A_304, %dma_start3A_305] : memref<10112x64xf32, #tpu.memory_space<vmem_shared>> -> memref<10112x64xf32, #tpu.memory_space<vmem_shared>>
      tpu.enqueue_indirect_dma source(%dma_start3A_300 : memref<128x64xf32, #tpu.memory_space<vmem>>) target(%dma_start3A_306 : memref<10112x64xf32, #tpu.memory_space<vmem_shared>>) offsets(%dma_start3A_303 : memref<128xi32, #tpu.memory_space<vmem>>) semaphore(%arg12 : memref<!tpu.dma_semaphore, #tpu.memory_space<semaphore_mem>>) {add = true}
      %add3A_307 = arith.constant 2 : i32
      %add3A_308 = arith.addi %add3A_282, %add3A_307 : i32
      %add3A_309 = arith.constant 1 : i32
      %add3A_310 = arith.addi %add3A_308, %add3A_309 : i32
      %sub3A = arith.constant 5 : i32
      %sub3A_311 = arith.subi %add3A_310, %sub3A : i32
      %ge3A = arith.constant 0 : i32
      %ge3A_312 = arith.cmpi sge, %sub3A_311, %ge3A : i32
      %convert_element_type3A_313 = arith.extui %ge3A_312 : i1 to i32
      %cond3A_314 = arith.constant 0 : i32
      %cond3A_315 = arith.cmpi ne, %convert_element_type3A_313, %cond3A_314 : i32
      scf.if %cond3A_315 {
        %add3A_551 = arith.constant 2 : i32
        %add3A_552 = arith.addi %add3A_282, %add3A_551 : i32
        %add3A_553 = arith.constant 1 : i32
        %add3A_554 = arith.addi %add3A_552, %add3A_553 : i32
        %sub3A_555 = arith.constant 5 : i32
        %sub3A_556 = arith.subi %add3A_554, %sub3A_555 : i32
        %dma_wait3A_557 = arith.constant 3 : i32
        %dma_wait3A_558 = arith.constant 3 : i32
        %dma_wait3A_559 = arith.constant 0 : i32
        %dma_wait3A_560 = arith.constant 0 : i32
        %dma_wait3A_561 = tpu.memref_slice %arg9[%dma_wait3A_557, %dma_wait3A_559, %dma_wait3A_560] : memref<5x128x64xf32, #tpu.memory_space<vmem>> -> memref<1x128x64xf32, #tpu.memory_space<vmem>>
        %dma_wait3A_562 = tpu.memref_squeeze %dma_wait3A_561 : memref<1x128x64xf32, #tpu.memory_space<vmem>> -> memref<128x64xf32, #tpu.memory_space<vmem>>
        %dma_wait3A_563 = arith.constant 0 : i32
        %dma_wait3A_564 = tpu.memref_slice %arg8[%dma_wait3A_558, %dma_wait3A_563] : memref<5x128xi32, #tpu.memory_space<vmem>> -> memref<1x128xi32, #tpu.memory_space<vmem>>
        %dma_wait3A_565 = tpu.memref_squeeze %dma_wait3A_564 : memref<1x128xi32, #tpu.memory_space<vmem>> -> memref<128xi32, #tpu.memory_space<vmem>>
        %dma_wait3A_566 = arith.constant 0 : i32
        %dma_wait3A_567 = arith.constant 0 : i32
        %dma_wait3A_568 = tpu.memref_slice %arg10[%dma_wait3A_566, %dma_wait3A_567] : memref<10112x64xf32, #tpu.memory_space<vmem_shared>> -> memref<10112x64xf32, #tpu.memory_space<vmem_shared>>
        tpu.wait_indirect_dma semaphore(%arg15 : memref<!tpu.dma_semaphore, #tpu.memory_space<semaphore_mem>>) src(%dma_wait3A_562 : memref<128x64xf32, #tpu.memory_space<vmem>>) dst(%dma_wait3A_568 : memref<10112x64xf32, #tpu.memory_space<vmem_shared>>)
      } else {
      }
      %add3A_316 = arith.constant 2 : i32
      %add3A_317 = arith.addi %add3A_282, %add3A_316 : i32
      %add3A_318 = arith.constant 1 : i32
      %add3A_319 = arith.addi %add3A_317, %add3A_318 : i32
      %lt3A = arith.constant 160 : i32
      %lt3A_320 = arith.cmpi slt, %add3A_319, %lt3A : i32
      %convert_element_type3A_321 = arith.extui %lt3A_320 : i1 to i32
      %cond3A_322 = arith.constant 0 : i32
      %cond3A_323 = arith.cmpi ne, %convert_element_type3A_321, %cond3A_322 : i32
      scf.if %cond3A_323 {
        %add3A_551 = arith.constant 2 : i32
        %add3A_552 = arith.addi %add3A_282, %add3A_551 : i32
        %add3A_553 = arith.constant 1 : i32
        %add3A_554 = arith.addi %add3A_552, %add3A_553 : i32
        %dma_start3A_555 = arith.constant 3 : i32
        %dma_start3A_556 = arith.constant 0 : i32
        %dma_start3A_557 = tpu.memref_slice %arg7[%dma_start3A_555, %dma_start3A_556] : memref<5x128xi32, #tpu.memory_space<vmem>> -> memref<1x128xi32, #tpu.memory_space<vmem>>
        %dma_start3A_558 = tpu.memref_squeeze %dma_start3A_557 : memref<1x128xi32, #tpu.memory_space<vmem>> -> memref<128xi32, #tpu.memory_space<vmem>>
        %dma_start3A_559 = arith.constant 0 : i32
        %dma_start3A_560 = arith.constant 0 : i32
        %dma_start3A_561 = tpu.memref_slice %arg3[%arg1, %dma_start3A_559, %dma_start3A_560] : memref<16x160x128xi32, #tpu.memory_space<hbm>> -> memref<1x160x128xi32, #tpu.memory_space<hbm>>
        %dma_start3A_562 = tpu.memref_squeeze %dma_start3A_561 : memref<1x160x128xi32, #tpu.memory_space<hbm>> -> memref<160x128xi32, #tpu.memory_space<hbm>>
        %dma_start3A_563 = arith.constant 0 : i32
        %dma_start3A_564 = tpu.memref_slice %dma_start3A_562[%add3A_554, %dma_start3A_563] : memref<160x128xi32, #tpu.memory_space<hbm>> -> memref<1x128xi32, #tpu.memory_space<hbm>>
        %dma_start3A_565 = tpu.memref_squeeze %dma_start3A_564 : memref<1x128xi32, #tpu.memory_space<hbm>> -> memref<128xi32, #tpu.memory_space<hbm>>
        %dma_start3A_566 = arith.constant 0 : i32
        %dma_start3A_567 = tpu.memref_slice %arg7[%dma_start3A_555, %dma_start3A_566] : memref<5x128xi32, #tpu.memory_space<vmem>> -> memref<1x128xi32, #tpu.memory_space<vmem>>
        %dma_start3A_568 = tpu.memref_squeeze %dma_start3A_567 : memref<1x128xi32, #tpu.memory_space<vmem>> -> memref<128xi32, #tpu.memory_space<vmem>>
        %dma_start3A_569 = arith.constant 0 : i32
        %dma_start3A_570 = arith.constant 0 : i32
        %dma_start3A_571 = tpu.memref_slice %arg3[%arg1, %dma_start3A_569, %dma_start3A_570] : memref<16x160x128xi32, #tpu.memory_space<hbm>> -> memref<1x160x128xi32, #tpu.memory_space<hbm>>
        %dma_start3A_572 = tpu.memref_squeeze %dma_start3A_571 : memref<1x160x128xi32, #tpu.memory_space<hbm>> -> memref<160x128xi32, #tpu.memory_space<hbm>>
        %dma_start3A_573 = arith.constant 0 : i32
        %dma_start3A_574 = tpu.memref_slice %dma_start3A_572[%add3A_554, %dma_start3A_573] : memref<160x128xi32, #tpu.memory_space<hbm>> -> memref<1x128xi32, #tpu.memory_space<hbm>>
        %dma_start3A_575 = tpu.memref_squeeze %dma_start3A_574 : memref<1x128xi32, #tpu.memory_space<hbm>> -> memref<128xi32, #tpu.memory_space<hbm>>
        tpu.enqueue_dma source(%dma_start3A_575 : memref<128xi32, #tpu.memory_space<hbm>>) target(%dma_start3A_568 : memref<128xi32, #tpu.memory_space<vmem>>) target_semaphore(%arg15 : memref<!tpu.dma_semaphore, #tpu.memory_space<semaphore_mem>>)
        %dma_start3A_576 = arith.constant 3 : i32
        %dma_start3A_577 = arith.constant 0 : i32
        %dma_start3A_578 = tpu.memref_slice %arg8[%dma_start3A_576, %dma_start3A_577] : memref<5x128xi32, #tpu.memory_space<vmem>> -> memref<1x128xi32, #tpu.memory_space<vmem>>
        %dma_start3A_579 = tpu.memref_squeeze %dma_start3A_578 : memref<1x128xi32, #tpu.memory_space<vmem>> -> memref<128xi32, #tpu.memory_space<vmem>>
        %dma_start3A_580 = arith.constant 0 : i32
        %dma_start3A_581 = arith.constant 0 : i32
        %dma_start3A_582 = tpu.memref_slice %arg4[%arg1, %dma_start3A_580, %dma_start3A_581] : memref<16x160x128xi32, #tpu.memory_space<hbm>> -> memref<1x160x128xi32, #tpu.memory_space<hbm>>
        %dma_start3A_583 = tpu.memref_squeeze %dma_start3A_582 : memref<1x160x128xi32, #tpu.memory_space<hbm>> -> memref<160x128xi32, #tpu.memory_space<hbm>>
        %dma_start3A_584 = arith.constant 0 : i32
        %dma_start3A_585 = tpu.memref_slice %dma_start3A_583[%add3A_554, %dma_start3A_584] : memref<160x128xi32, #tpu.memory_space<hbm>> -> memref<1x128xi32, #tpu.memory_space<hbm>>
        %dma_start3A_586 = tpu.memref_squeeze %dma_start3A_585 : memref<1x128xi32, #tpu.memory_space<hbm>> -> memref<128xi32, #tpu.memory_space<hbm>>
        %dma_start3A_587 = arith.constant 0 : i32
        %dma_start3A_588 = tpu.memref_slice %arg8[%dma_start3A_576, %dma_start3A_587] : memref<5x128xi32, #tpu.memory_space<vmem>> -> memref<1x128xi32, #tpu.memory_space<vmem>>
        %dma_start3A_589 = tpu.memref_squeeze %dma_start3A_588 : memref<1x128xi32, #tpu.memory_space<vmem>> -> memref<128xi32, #tpu.memory_space<vmem>>
        %dma_start3A_590 = arith.constant 0 : i32
        %dma_start3A_591 = arith.constant 0 : i32
        %dma_start3A_592 = tpu.memref_slice %arg4[%arg1, %dma_start3A_590, %dma_start3A_591] : memref<16x160x128xi32, #tpu.memory_space<hbm>> -> memref<1x160x128xi32, #tpu.memory_space<hbm>>
        %dma_start3A_593 = tpu.memref_squeeze %dma_start3A_592 : memref<1x160x128xi32, #tpu.memory_space<hbm>> -> memref<160x128xi32, #tpu.memory_space<hbm>>
        %dma_start3A_594 = arith.constant 0 : i32
        %dma_start3A_595 = tpu.memref_slice %dma_start3A_593[%add3A_554, %dma_start3A_594] : memref<160x128xi32, #tpu.memory_space<hbm>> -> memref<1x128xi32, #tpu.memory_space<hbm>>
        %dma_start3A_596 = tpu.memref_squeeze %dma_start3A_595 : memref<1x128xi32, #tpu.memory_space<hbm>> -> memref<128xi32, #tpu.memory_space<hbm>>
        tpu.enqueue_dma source(%dma_start3A_596 : memref<128xi32, #tpu.memory_space<hbm>>) target(%dma_start3A_589 : memref<128xi32, #tpu.memory_space<vmem>>) target_semaphore(%arg15 : memref<!tpu.dma_semaphore, #tpu.memory_space<semaphore_mem>>)
      } else {
      }
      %add3A_324 = arith.constant 2 : i32
      %add3A_325 = arith.addi %add3A_282, %add3A_324 : i32
      %lt3A_326 = arith.constant 160 : i32
      %lt3A_327 = arith.cmpi slt, %add3A_325, %lt3A_326 : i32
      %convert_element_type3A_328 = arith.extui %lt3A_327 : i1 to i32
      %cond3A_329 = arith.constant 0 : i32
      %cond3A_330 = arith.cmpi ne, %convert_element_type3A_328, %cond3A_329 : i32
      scf.if %cond3A_330 {
        %add3A_551 = arith.constant 2 : i32
        %add3A_552 = arith.addi %add3A_282, %add3A_551 : i32
        %dma_wait3A_553 = arith.constant 2 : i32
        %dma_wait3A_554 = arith.constant 0 : i32
        %dma_wait3A_555 = tpu.memref_slice %arg7[%dma_wait3A_553, %dma_wait3A_554] : memref<5x128xi32, #tpu.memory_space<vmem>> -> memref<1x128xi32, #tpu.memory_space<vmem>>
        %dma_wait3A_556 = tpu.memref_squeeze %dma_wait3A_555 : memref<1x128xi32, #tpu.memory_space<vmem>> -> memref<128xi32, #tpu.memory_space<vmem>>
        %dma_wait3A_557 = arith.constant 0 : i32
        %dma_wait3A_558 = arith.constant 0 : i32
        %dma_wait3A_559 = tpu.memref_slice %arg3[%arg1, %dma_wait3A_557, %dma_wait3A_558] : memref<16x160x128xi32, #tpu.memory_space<hbm>> -> memref<1x160x128xi32, #tpu.memory_space<hbm>>
        %dma_wait3A_560 = tpu.memref_squeeze %dma_wait3A_559 : memref<1x160x128xi32, #tpu.memory_space<hbm>> -> memref<160x128xi32, #tpu.memory_space<hbm>>
        %dma_wait3A_561 = arith.constant 0 : i32
        %dma_wait3A_562 = tpu.memref_slice %dma_wait3A_560[%add3A_552, %dma_wait3A_561] : memref<160x128xi32, #tpu.memory_space<hbm>> -> memref<1x128xi32, #tpu.memory_space<hbm>>
        %dma_wait3A_563 = tpu.memref_squeeze %dma_wait3A_562 : memref<1x128xi32, #tpu.memory_space<hbm>> -> memref<128xi32, #tpu.memory_space<hbm>>
        %dma_wait3A_564 = arith.constant 0 : i32
        %dma_wait3A_565 = tpu.memref_slice %arg7[%dma_wait3A_553, %dma_wait3A_564] : memref<5x128xi32, #tpu.memory_space<vmem>> -> memref<1x128xi32, #tpu.memory_space<vmem>>
        %dma_wait3A_566 = tpu.memref_squeeze %dma_wait3A_565 : memref<1x128xi32, #tpu.memory_space<vmem>> -> memref<128xi32, #tpu.memory_space<vmem>>
        %dma_wait3A_567 = arith.constant 0 : i32
        %dma_wait3A_568 = arith.constant 0 : i32
        %dma_wait3A_569 = tpu.memref_slice %arg3[%arg1, %dma_wait3A_567, %dma_wait3A_568] : memref<16x160x128xi32, #tpu.memory_space<hbm>> -> memref<1x160x128xi32, #tpu.memory_space<hbm>>
        %dma_wait3A_570 = tpu.memref_squeeze %dma_wait3A_569 : memref<1x160x128xi32, #tpu.memory_space<hbm>> -> memref<160x128xi32, #tpu.memory_space<hbm>>
        %dma_wait3A_571 = arith.constant 0 : i32
        %dma_wait3A_572 = tpu.memref_slice %dma_wait3A_570[%add3A_552, %dma_wait3A_571] : memref<160x128xi32, #tpu.memory_space<hbm>> -> memref<1x128xi32, #tpu.memory_space<hbm>>
        %dma_wait3A_573 = tpu.memref_squeeze %dma_wait3A_572 : memref<1x128xi32, #tpu.memory_space<hbm>> -> memref<128xi32, #tpu.memory_space<hbm>>
        tpu.wait_dma2 semaphore(%arg14 : memref<!tpu.dma_semaphore, #tpu.memory_space<semaphore_mem>>) src(%dma_wait3A_573 : memref<128xi32, #tpu.memory_space<hbm>>) dst(%dma_wait3A_566 : memref<128xi32, #tpu.memory_space<vmem>>)
        %dma_wait3A_574 = arith.constant 2 : i32
        %dma_wait3A_575 = arith.constant 0 : i32
        %dma_wait3A_576 = tpu.memref_slice %arg8[%dma_wait3A_574, %dma_wait3A_575] : memref<5x128xi32, #tpu.memory_space<vmem>> -> memref<1x128xi32, #tpu.memory_space<vmem>>
        %dma_wait3A_577 = tpu.memref_squeeze %dma_wait3A_576 : memref<1x128xi32, #tpu.memory_space<vmem>> -> memref<128xi32, #tpu.memory_space<vmem>>
        %dma_wait3A_578 = arith.constant 0 : i32
        %dma_wait3A_579 = arith.constant 0 : i32
        %dma_wait3A_580 = tpu.memref_slice %arg4[%arg1, %dma_wait3A_578, %dma_wait3A_579] : memref<16x160x128xi32, #tpu.memory_space<hbm>> -> memref<1x160x128xi32, #tpu.memory_space<hbm>>
        %dma_wait3A_581 = tpu.memref_squeeze %dma_wait3A_580 : memref<1x160x128xi32, #tpu.memory_space<hbm>> -> memref<160x128xi32, #tpu.memory_space<hbm>>
        %dma_wait3A_582 = arith.constant 0 : i32
        %dma_wait3A_583 = tpu.memref_slice %dma_wait3A_581[%add3A_552, %dma_wait3A_582] : memref<160x128xi32, #tpu.memory_space<hbm>> -> memref<1x128xi32, #tpu.memory_space<hbm>>
        %dma_wait3A_584 = tpu.memref_squeeze %dma_wait3A_583 : memref<1x128xi32, #tpu.memory_space<hbm>> -> memref<128xi32, #tpu.memory_space<hbm>>
        %dma_wait3A_585 = arith.constant 0 : i32
        %dma_wait3A_586 = tpu.memref_slice %arg8[%dma_wait3A_574, %dma_wait3A_585] : memref<5x128xi32, #tpu.memory_space<vmem>> -> memref<1x128xi32, #tpu.memory_space<vmem>>
        %dma_wait3A_587 = tpu.memref_squeeze %dma_wait3A_586 : memref<1x128xi32, #tpu.memory_space<vmem>> -> memref<128xi32, #tpu.memory_space<vmem>>
        %dma_wait3A_588 = arith.constant 0 : i32
        %dma_wait3A_589 = arith.constant 0 : i32
        %dma_wait3A_590 = tpu.memref_slice %arg4[%arg1, %dma_wait3A_588, %dma_wait3A_589] : memref<16x160x128xi32, #tpu.memory_space<hbm>> -> memref<1x160x128xi32, #tpu.memory_space<hbm>>
        %dma_wait3A_591 = tpu.memref_squeeze %dma_wait3A_590 : memref<1x160x128xi32, #tpu.memory_space<hbm>> -> memref<160x128xi32, #tpu.memory_space<hbm>>
        %dma_wait3A_592 = arith.constant 0 : i32
        %dma_wait3A_593 = tpu.memref_slice %dma_wait3A_591[%add3A_552, %dma_wait3A_592] : memref<160x128xi32, #tpu.memory_space<hbm>> -> memref<1x128xi32, #tpu.memory_space<hbm>>
        %dma_wait3A_594 = tpu.memref_squeeze %dma_wait3A_593 : memref<1x128xi32, #tpu.memory_space<hbm>> -> memref<128xi32, #tpu.memory_space<hbm>>
        tpu.wait_dma2 semaphore(%arg14 : memref<!tpu.dma_semaphore, #tpu.memory_space<semaphore_mem>>) src(%dma_wait3A_594 : memref<128xi32, #tpu.memory_space<hbm>>) dst(%dma_wait3A_587 : memref<128xi32, #tpu.memory_space<vmem>>)
        %add3A_595 = arith.constant 2 : i32
        %add3A_596 = arith.addi %add3A_282, %add3A_595 : i32
        %dma_start3A_597 = arith.constant 2 : i32
        %dma_start3A_598 = arith.constant 2 : i32
        %dma_start3A_599 = arith.constant 0 : i32
        %dma_start3A_600 = arith.constant 0 : i32
        %dma_start3A_601 = tpu.memref_slice %arg9[%dma_start3A_598, %dma_start3A_599, %dma_start3A_600] : memref<5x128x64xf32, #tpu.memory_space<vmem>> -> memref<1x128x64xf32, #tpu.memory_space<vmem>>
        %dma_start3A_602 = tpu.memref_squeeze %dma_start3A_601 : memref<1x128x64xf32, #tpu.memory_space<vmem>> -> memref<128x64xf32, #tpu.memory_space<vmem>>
        %dma_start3A_603 = arith.constant 0 : i32
        %dma_start3A_604 = tpu.memref_slice %arg7[%dma_start3A_597, %dma_start3A_603] : memref<5x128xi32, #tpu.memory_space<vmem>> -> memref<1x128xi32, #tpu.memory_space<vmem>>
        %dma_start3A_605 = tpu.memref_squeeze %dma_start3A_604 : memref<1x128xi32, #tpu.memory_space<vmem>> -> memref<128xi32, #tpu.memory_space<vmem>>
        %dma_start3A_606 = arith.constant 0 : i32
        %dma_start3A_607 = arith.constant 0 : i32
        %dma_start3A_608 = tpu.memref_slice %arg11[%dma_start3A_606, %dma_start3A_607] : memref<10000x64xf32, #tpu.memory_space<vmem_shared>> -> memref<10000x64xf32, #tpu.memory_space<vmem_shared>>
        tpu.enqueue_indirect_dma source(%dma_start3A_608 : memref<10000x64xf32, #tpu.memory_space<vmem_shared>>) target(%dma_start3A_602 : memref<128x64xf32, #tpu.memory_space<vmem>>) offsets(%dma_start3A_605 : memref<128xi32, #tpu.memory_space<vmem>>) semaphore(%arg14 : memref<!tpu.dma_semaphore, #tpu.memory_space<semaphore_mem>>)
      } else {
      }
      %mul3A_331 = arith.constant 5 : i32
      %mul3A_332 = arith.muli %scan3A_279, %mul3A_331 : i32
      %add3A_333 = arith.constant 1 : i32
      %add3A_334 = arith.addi %mul3A_332, %add3A_333 : i32
      %dma_wait3A_335 = arith.constant 1 : i32
      %dma_wait3A_336 = arith.constant 1 : i32
      %dma_wait3A_337 = arith.constant 0 : i32
      %dma_wait3A_338 = arith.constant 0 : i32
      %dma_wait3A_339 = tpu.memref_slice %arg9[%dma_wait3A_336, %dma_wait3A_337, %dma_wait3A_338] : memref<5x128x64xf32, #tpu.memory_space<vmem>> -> memref<1x128x64xf32, #tpu.memory_space<vmem>>
      %dma_wait3A_340 = tpu.memref_squeeze %dma_wait3A_339 : memref<1x128x64xf32, #tpu.memory_space<vmem>> -> memref<128x64xf32, #tpu.memory_space<vmem>>
      %dma_wait3A_341 = arith.constant 0 : i32
      %dma_wait3A_342 = tpu.memref_slice %arg7[%dma_wait3A_335, %dma_wait3A_341] : memref<5x128xi32, #tpu.memory_space<vmem>> -> memref<1x128xi32, #tpu.memory_space<vmem>>
      %dma_wait3A_343 = tpu.memref_squeeze %dma_wait3A_342 : memref<1x128xi32, #tpu.memory_space<vmem>> -> memref<128xi32, #tpu.memory_space<vmem>>
      %dma_wait3A_344 = arith.constant 0 : i32
      %dma_wait3A_345 = arith.constant 0 : i32
      %dma_wait3A_346 = tpu.memref_slice %arg11[%dma_wait3A_344, %dma_wait3A_345] : memref<10000x64xf32, #tpu.memory_space<vmem_shared>> -> memref<10000x64xf32, #tpu.memory_space<vmem_shared>>
      tpu.wait_indirect_dma semaphore(%arg13 : memref<!tpu.dma_semaphore, #tpu.memory_space<semaphore_mem>>) src(%dma_wait3A_346 : memref<10000x64xf32, #tpu.memory_space<vmem_shared>>) dst(%dma_wait3A_340 : memref<128x64xf32, #tpu.memory_space<vmem>>)
      %dma_start3A_347 = arith.constant 1 : i32
      %dma_start3A_348 = arith.constant 1 : i32
      %dma_start3A_349 = arith.constant 0 : i32
      %dma_start3A_350 = arith.constant 0 : i32
      %dma_start3A_351 = tpu.memref_slice %arg9[%dma_start3A_347, %dma_start3A_349, %dma_start3A_350] : memref<5x128x64xf32, #tpu.memory_space<vmem>> -> memref<1x128x64xf32, #tpu.memory_space<vmem>>
      %dma_start3A_352 = tpu.memref_squeeze %dma_start3A_351 : memref<1x128x64xf32, #tpu.memory_space<vmem>> -> memref<128x64xf32, #tpu.memory_space<vmem>>
      %dma_start3A_353 = arith.constant 0 : i32
      %dma_start3A_354 = tpu.memref_slice %arg8[%dma_start3A_348, %dma_start3A_353] : memref<5x128xi32, #tpu.memory_space<vmem>> -> memref<1x128xi32, #tpu.memory_space<vmem>>
      %dma_start3A_355 = tpu.memref_squeeze %dma_start3A_354 : memref<1x128xi32, #tpu.memory_space<vmem>> -> memref<128xi32, #tpu.memory_space<vmem>>
      %dma_start3A_356 = arith.constant 0 : i32
      %dma_start3A_357 = arith.constant 0 : i32
      %dma_start3A_358 = tpu.memref_slice %arg10[%dma_start3A_356, %dma_start3A_357] : memref<10112x64xf32, #tpu.memory_space<vmem_shared>> -> memref<10112x64xf32, #tpu.memory_space<vmem_shared>>
      tpu.enqueue_indirect_dma source(%dma_start3A_352 : memref<128x64xf32, #tpu.memory_space<vmem>>) target(%dma_start3A_358 : memref<10112x64xf32, #tpu.memory_space<vmem_shared>>) offsets(%dma_start3A_355 : memref<128xi32, #tpu.memory_space<vmem>>) semaphore(%arg13 : memref<!tpu.dma_semaphore, #tpu.memory_space<semaphore_mem>>) {add = true}
      %add3A_359 = arith.constant 2 : i32
      %add3A_360 = arith.addi %add3A_334, %add3A_359 : i32
      %add3A_361 = arith.constant 1 : i32
      %add3A_362 = arith.addi %add3A_360, %add3A_361 : i32
      %sub3A_363 = arith.constant 5 : i32
      %sub3A_364 = arith.subi %add3A_362, %sub3A_363 : i32
      %ge3A_365 = arith.constant 0 : i32
      %ge3A_366 = arith.cmpi sge, %sub3A_364, %ge3A_365 : i32
      %convert_element_type3A_367 = arith.extui %ge3A_366 : i1 to i32
      %cond3A_368 = arith.constant 0 : i32
      %cond3A_369 = arith.cmpi ne, %convert_element_type3A_367, %cond3A_368 : i32
      scf.if %cond3A_369 {
        %add3A_551 = arith.constant 2 : i32
        %add3A_552 = arith.addi %add3A_334, %add3A_551 : i32
        %add3A_553 = arith.constant 1 : i32
        %add3A_554 = arith.addi %add3A_552, %add3A_553 : i32
        %sub3A_555 = arith.constant 5 : i32
        %sub3A_556 = arith.subi %add3A_554, %sub3A_555 : i32
        %dma_wait3A_557 = arith.constant 4 : i32
        %dma_wait3A_558 = arith.constant 4 : i32
        %dma_wait3A_559 = arith.constant 0 : i32
        %dma_wait3A_560 = arith.constant 0 : i32
        %dma_wait3A_561 = tpu.memref_slice %arg9[%dma_wait3A_557, %dma_wait3A_559, %dma_wait3A_560] : memref<5x128x64xf32, #tpu.memory_space<vmem>> -> memref<1x128x64xf32, #tpu.memory_space<vmem>>
        %dma_wait3A_562 = tpu.memref_squeeze %dma_wait3A_561 : memref<1x128x64xf32, #tpu.memory_space<vmem>> -> memref<128x64xf32, #tpu.memory_space<vmem>>
        %dma_wait3A_563 = arith.constant 0 : i32
        %dma_wait3A_564 = tpu.memref_slice %arg8[%dma_wait3A_558, %dma_wait3A_563] : memref<5x128xi32, #tpu.memory_space<vmem>> -> memref<1x128xi32, #tpu.memory_space<vmem>>
        %dma_wait3A_565 = tpu.memref_squeeze %dma_wait3A_564 : memref<1x128xi32, #tpu.memory_space<vmem>> -> memref<128xi32, #tpu.memory_space<vmem>>
        %dma_wait3A_566 = arith.constant 0 : i32
        %dma_wait3A_567 = arith.constant 0 : i32
        %dma_wait3A_568 = tpu.memref_slice %arg10[%dma_wait3A_566, %dma_wait3A_567] : memref<10112x64xf32, #tpu.memory_space<vmem_shared>> -> memref<10112x64xf32, #tpu.memory_space<vmem_shared>>
        tpu.wait_indirect_dma semaphore(%arg16 : memref<!tpu.dma_semaphore, #tpu.memory_space<semaphore_mem>>) src(%dma_wait3A_562 : memref<128x64xf32, #tpu.memory_space<vmem>>) dst(%dma_wait3A_568 : memref<10112x64xf32, #tpu.memory_space<vmem_shared>>)
      } else {
      }
      %add3A_370 = arith.constant 2 : i32
      %add3A_371 = arith.addi %add3A_334, %add3A_370 : i32
      %add3A_372 = arith.constant 1 : i32
      %add3A_373 = arith.addi %add3A_371, %add3A_372 : i32
      %lt3A_374 = arith.constant 160 : i32
      %lt3A_375 = arith.cmpi slt, %add3A_373, %lt3A_374 : i32
      %convert_element_type3A_376 = arith.extui %lt3A_375 : i1 to i32
      %cond3A_377 = arith.constant 0 : i32
      %cond3A_378 = arith.cmpi ne, %convert_element_type3A_376, %cond3A_377 : i32
      scf.if %cond3A_378 {
        %add3A_551 = arith.constant 2 : i32
        %add3A_552 = arith.addi %add3A_334, %add3A_551 : i32
        %add3A_553 = arith.constant 1 : i32
        %add3A_554 = arith.addi %add3A_552, %add3A_553 : i32
        %dma_start3A_555 = arith.constant 4 : i32
        %dma_start3A_556 = arith.constant 0 : i32
        %dma_start3A_557 = tpu.memref_slice %arg7[%dma_start3A_555, %dma_start3A_556] : memref<5x128xi32, #tpu.memory_space<vmem>> -> memref<1x128xi32, #tpu.memory_space<vmem>>
        %dma_start3A_558 = tpu.memref_squeeze %dma_start3A_557 : memref<1x128xi32, #tpu.memory_space<vmem>> -> memref<128xi32, #tpu.memory_space<vmem>>
        %dma_start3A_559 = arith.constant 0 : i32
        %dma_start3A_560 = arith.constant 0 : i32
        %dma_start3A_561 = tpu.memref_slice %arg3[%arg1, %dma_start3A_559, %dma_start3A_560] : memref<16x160x128xi32, #tpu.memory_space<hbm>> -> memref<1x160x128xi32, #tpu.memory_space<hbm>>
        %dma_start3A_562 = tpu.memref_squeeze %dma_start3A_561 : memref<1x160x128xi32, #tpu.memory_space<hbm>> -> memref<160x128xi32, #tpu.memory_space<hbm>>
        %dma_start3A_563 = arith.constant 0 : i32
        %dma_start3A_564 = tpu.memref_slice %dma_start3A_562[%add3A_554, %dma_start3A_563] : memref<160x128xi32, #tpu.memory_space<hbm>> -> memref<1x128xi32, #tpu.memory_space<hbm>>
        %dma_start3A_565 = tpu.memref_squeeze %dma_start3A_564 : memref<1x128xi32, #tpu.memory_space<hbm>> -> memref<128xi32, #tpu.memory_space<hbm>>
        %dma_start3A_566 = arith.constant 0 : i32
        %dma_start3A_567 = tpu.memref_slice %arg7[%dma_start3A_555, %dma_start3A_566] : memref<5x128xi32, #tpu.memory_space<vmem>> -> memref<1x128xi32, #tpu.memory_space<vmem>>
        %dma_start3A_568 = tpu.memref_squeeze %dma_start3A_567 : memref<1x128xi32, #tpu.memory_space<vmem>> -> memref<128xi32, #tpu.memory_space<vmem>>
        %dma_start3A_569 = arith.constant 0 : i32
        %dma_start3A_570 = arith.constant 0 : i32
        %dma_start3A_571 = tpu.memref_slice %arg3[%arg1, %dma_start3A_569, %dma_start3A_570] : memref<16x160x128xi32, #tpu.memory_space<hbm>> -> memref<1x160x128xi32, #tpu.memory_space<hbm>>
        %dma_start3A_572 = tpu.memref_squeeze %dma_start3A_571 : memref<1x160x128xi32, #tpu.memory_space<hbm>> -> memref<160x128xi32, #tpu.memory_space<hbm>>
        %dma_start3A_573 = arith.constant 0 : i32
        %dma_start3A_574 = tpu.memref_slice %dma_start3A_572[%add3A_554, %dma_start3A_573] : memref<160x128xi32, #tpu.memory_space<hbm>> -> memref<1x128xi32, #tpu.memory_space<hbm>>
        %dma_start3A_575 = tpu.memref_squeeze %dma_start3A_574 : memref<1x128xi32, #tpu.memory_space<hbm>> -> memref<128xi32, #tpu.memory_space<hbm>>
        tpu.enqueue_dma source(%dma_start3A_575 : memref<128xi32, #tpu.memory_space<hbm>>) target(%dma_start3A_568 : memref<128xi32, #tpu.memory_space<vmem>>) target_semaphore(%arg16 : memref<!tpu.dma_semaphore, #tpu.memory_space<semaphore_mem>>)
        %dma_start3A_576 = arith.constant 4 : i32
        %dma_start3A_577 = arith.constant 0 : i32
        %dma_start3A_578 = tpu.memref_slice %arg8[%dma_start3A_576, %dma_start3A_577] : memref<5x128xi32, #tpu.memory_space<vmem>> -> memref<1x128xi32, #tpu.memory_space<vmem>>
        %dma_start3A_579 = tpu.memref_squeeze %dma_start3A_578 : memref<1x128xi32, #tpu.memory_space<vmem>> -> memref<128xi32, #tpu.memory_space<vmem>>
        %dma_start3A_580 = arith.constant 0 : i32
        %dma_start3A_581 = arith.constant 0 : i32
        %dma_start3A_582 = tpu.memref_slice %arg4[%arg1, %dma_start3A_580, %dma_start3A_581] : memref<16x160x128xi32, #tpu.memory_space<hbm>> -> memref<1x160x128xi32, #tpu.memory_space<hbm>>
        %dma_start3A_583 = tpu.memref_squeeze %dma_start3A_582 : memref<1x160x128xi32, #tpu.memory_space<hbm>> -> memref<160x128xi32, #tpu.memory_space<hbm>>
        %dma_start3A_584 = arith.constant 0 : i32
        %dma_start3A_585 = tpu.memref_slice %dma_start3A_583[%add3A_554, %dma_start3A_584] : memref<160x128xi32, #tpu.memory_space<hbm>> -> memref<1x128xi32, #tpu.memory_space<hbm>>
        %dma_start3A_586 = tpu.memref_squeeze %dma_start3A_585 : memref<1x128xi32, #tpu.memory_space<hbm>> -> memref<128xi32, #tpu.memory_space<hbm>>
        %dma_start3A_587 = arith.constant 0 : i32
        %dma_start3A_588 = tpu.memref_slice %arg8[%dma_start3A_576, %dma_start3A_587] : memref<5x128xi32, #tpu.memory_space<vmem>> -> memref<1x128xi32, #tpu.memory_space<vmem>>
        %dma_start3A_589 = tpu.memref_squeeze %dma_start3A_588 : memref<1x128xi32, #tpu.memory_space<vmem>> -> memref<128xi32, #tpu.memory_space<vmem>>
        %dma_start3A_590 = arith.constant 0 : i32
        %dma_start3A_591 = arith.constant 0 : i32
        %dma_start3A_592 = tpu.memref_slice %arg4[%arg1, %dma_start3A_590, %dma_start3A_591] : memref<16x160x128xi32, #tpu.memory_space<hbm>> -> memref<1x160x128xi32, #tpu.memory_space<hbm>>
        %dma_start3A_593 = tpu.memref_squeeze %dma_start3A_592 : memref<1x160x128xi32, #tpu.memory_space<hbm>> -> memref<160x128xi32, #tpu.memory_space<hbm>>
        %dma_start3A_594 = arith.constant 0 : i32
        %dma_start3A_595 = tpu.memref_slice %dma_start3A_593[%add3A_554, %dma_start3A_594] : memref<160x128xi32, #tpu.memory_space<hbm>> -> memref<1x128xi32, #tpu.memory_space<hbm>>
        %dma_start3A_596 = tpu.memref_squeeze %dma_start3A_595 : memref<1x128xi32, #tpu.memory_space<hbm>> -> memref<128xi32, #tpu.memory_space<hbm>>
        tpu.enqueue_dma source(%dma_start3A_596 : memref<128xi32, #tpu.memory_space<hbm>>) target(%dma_start3A_589 : memref<128xi32, #tpu.memory_space<vmem>>) target_semaphore(%arg16 : memref<!tpu.dma_semaphore, #tpu.memory_space<semaphore_mem>>)
      } else {
      }
      %add3A_379 = arith.constant 2 : i32
      %add3A_380 = arith.addi %add3A_334, %add3A_379 : i32
      %lt3A_381 = arith.constant 160 : i32
      %lt3A_382 = arith.cmpi slt, %add3A_380, %lt3A_381 : i32
      %convert_element_type3A_383 = arith.extui %lt3A_382 : i1 to i32
      %cond3A_384 = arith.constant 0 : i32
      %cond3A_385 = arith.cmpi ne, %convert_element_type3A_383, %cond3A_384 : i32
      scf.if %cond3A_385 {
        %add3A_551 = arith.constant 2 : i32
        %add3A_552 = arith.addi %add3A_334, %add3A_551 : i32
        %dma_wait3A_553 = arith.constant 3 : i32
        %dma_wait3A_554 = arith.constant 0 : i32
        %dma_wait3A_555 = tpu.memref_slice %arg7[%dma_wait3A_553, %dma_wait3A_554] : memref<5x128xi32, #tpu.memory_space<vmem>> -> memref<1x128xi32, #tpu.memory_space<vmem>>
        %dma_wait3A_556 = tpu.memref_squeeze %dma_wait3A_555 : memref<1x128xi32, #tpu.memory_space<vmem>> -> memref<128xi32, #tpu.memory_space<vmem>>
        %dma_wait3A_557 = arith.constant 0 : i32
        %dma_wait3A_558 = arith.constant 0 : i32
        %dma_wait3A_559 = tpu.memref_slice %arg3[%arg1, %dma_wait3A_557, %dma_wait3A_558] : memref<16x160x128xi32, #tpu.memory_space<hbm>> -> memref<1x160x128xi32, #tpu.memory_space<hbm>>
        %dma_wait3A_560 = tpu.memref_squeeze %dma_wait3A_559 : memref<1x160x128xi32, #tpu.memory_space<hbm>> -> memref<160x128xi32, #tpu.memory_space<hbm>>
        %dma_wait3A_561 = arith.constant 0 : i32
        %dma_wait3A_562 = tpu.memref_slice %dma_wait3A_560[%add3A_552, %dma_wait3A_561] : memref<160x128xi32, #tpu.memory_space<hbm>> -> memref<1x128xi32, #tpu.memory_space<hbm>>
        %dma_wait3A_563 = tpu.memref_squeeze %dma_wait3A_562 : memref<1x128xi32, #tpu.memory_space<hbm>> -> memref<128xi32, #tpu.memory_space<hbm>>
        %dma_wait3A_564 = arith.constant 0 : i32
        %dma_wait3A_565 = tpu.memref_slice %arg7[%dma_wait3A_553, %dma_wait3A_564] : memref<5x128xi32, #tpu.memory_space<vmem>> -> memref<1x128xi32, #tpu.memory_space<vmem>>
        %dma_wait3A_566 = tpu.memref_squeeze %dma_wait3A_565 : memref<1x128xi32, #tpu.memory_space<vmem>> -> memref<128xi32, #tpu.memory_space<vmem>>
        %dma_wait3A_567 = arith.constant 0 : i32
        %dma_wait3A_568 = arith.constant 0 : i32
        %dma_wait3A_569 = tpu.memref_slice %arg3[%arg1, %dma_wait3A_567, %dma_wait3A_568] : memref<16x160x128xi32, #tpu.memory_space<hbm>> -> memref<1x160x128xi32, #tpu.memory_space<hbm>>
        %dma_wait3A_570 = tpu.memref_squeeze %dma_wait3A_569 : memref<1x160x128xi32, #tpu.memory_space<hbm>> -> memref<160x128xi32, #tpu.memory_space<hbm>>
        %dma_wait3A_571 = arith.constant 0 : i32
        %dma_wait3A_572 = tpu.memref_slice %dma_wait3A_570[%add3A_552, %dma_wait3A_571] : memref<160x128xi32, #tpu.memory_space<hbm>> -> memref<1x128xi32, #tpu.memory_space<hbm>>
        %dma_wait3A_573 = tpu.memref_squeeze %dma_wait3A_572 : memref<1x128xi32, #tpu.memory_space<hbm>> -> memref<128xi32, #tpu.memory_space<hbm>>
        tpu.wait_dma2 semaphore(%arg15 : memref<!tpu.dma_semaphore, #tpu.memory_space<semaphore_mem>>) src(%dma_wait3A_573 : memref<128xi32, #tpu.memory_space<hbm>>) dst(%dma_wait3A_566 : memref<128xi32, #tpu.memory_space<vmem>>)
        %dma_wait3A_574 = arith.constant 3 : i32
        %dma_wait3A_575 = arith.constant 0 : i32
        %dma_wait3A_576 = tpu.memref_slice %arg8[%dma_wait3A_574, %dma_wait3A_575] : memref<5x128xi32, #tpu.memory_space<vmem>> -> memref<1x128xi32, #tpu.memory_space<vmem>>
        %dma_wait3A_577 = tpu.memref_squeeze %dma_wait3A_576 : memref<1x128xi32, #tpu.memory_space<vmem>> -> memref<128xi32, #tpu.memory_space<vmem>>
        %dma_wait3A_578 = arith.constant 0 : i32
        %dma_wait3A_579 = arith.constant 0 : i32
        %dma_wait3A_580 = tpu.memref_slice %arg4[%arg1, %dma_wait3A_578, %dma_wait3A_579] : memref<16x160x128xi32, #tpu.memory_space<hbm>> -> memref<1x160x128xi32, #tpu.memory_space<hbm>>
        %dma_wait3A_581 = tpu.memref_squeeze %dma_wait3A_580 : memref<1x160x128xi32, #tpu.memory_space<hbm>> -> memref<160x128xi32, #tpu.memory_space<hbm>>
        %dma_wait3A_582 = arith.constant 0 : i32
        %dma_wait3A_583 = tpu.memref_slice %dma_wait3A_581[%add3A_552, %dma_wait3A_582] : memref<160x128xi32, #tpu.memory_space<hbm>> -> memref<1x128xi32, #tpu.memory_space<hbm>>
        %dma_wait3A_584 = tpu.memref_squeeze %dma_wait3A_583 : memref<1x128xi32, #tpu.memory_space<hbm>> -> memref<128xi32, #tpu.memory_space<hbm>>
        %dma_wait3A_585 = arith.constant 0 : i32
        %dma_wait3A_586 = tpu.memref_slice %arg8[%dma_wait3A_574, %dma_wait3A_585] : memref<5x128xi32, #tpu.memory_space<vmem>> -> memref<1x128xi32, #tpu.memory_space<vmem>>
        %dma_wait3A_587 = tpu.memref_squeeze %dma_wait3A_586 : memref<1x128xi32, #tpu.memory_space<vmem>> -> memref<128xi32, #tpu.memory_space<vmem>>
        %dma_wait3A_588 = arith.constant 0 : i32
        %dma_wait3A_589 = arith.constant 0 : i32
        %dma_wait3A_590 = tpu.memref_slice %arg4[%arg1, %dma_wait3A_588, %dma_wait3A_589] : memref<16x160x128xi32, #tpu.memory_space<hbm>> -> memref<1x160x128xi32, #tpu.memory_space<hbm>>
        %dma_wait3A_591 = tpu.memref_squeeze %dma_wait3A_590 : memref<1x160x128xi32, #tpu.memory_space<hbm>> -> memref<160x128xi32, #tpu.memory_space<hbm>>
        %dma_wait3A_592 = arith.constant 0 : i32
        %dma_wait3A_593 = tpu.memref_slice %dma_wait3A_591[%add3A_552, %dma_wait3A_592] : memref<160x128xi32, #tpu.memory_space<hbm>> -> memref<1x128xi32, #tpu.memory_space<hbm>>
        %dma_wait3A_594 = tpu.memref_squeeze %dma_wait3A_593 : memref<1x128xi32, #tpu.memory_space<hbm>> -> memref<128xi32, #tpu.memory_space<hbm>>
        tpu.wait_dma2 semaphore(%arg15 : memref<!tpu.dma_semaphore, #tpu.memory_space<semaphore_mem>>) src(%dma_wait3A_594 : memref<128xi32, #tpu.memory_space<hbm>>) dst(%dma_wait3A_587 : memref<128xi32, #tpu.memory_space<vmem>>)
        %add3A_595 = arith.constant 2 : i32
        %add3A_596 = arith.addi %add3A_334, %add3A_595 : i32
        %dma_start3A_597 = arith.constant 3 : i32
        %dma_start3A_598 = arith.constant 3 : i32
        %dma_start3A_599 = arith.constant 0 : i32
        %dma_start3A_600 = arith.constant 0 : i32
        %dma_start3A_601 = tpu.memref_slice %arg9[%dma_start3A_598, %dma_start3A_599, %dma_start3A_600] : memref<5x128x64xf32, #tpu.memory_space<vmem>> -> memref<1x128x64xf32, #tpu.memory_space<vmem>>
        %dma_start3A_602 = tpu.memref_squeeze %dma_start3A_601 : memref<1x128x64xf32, #tpu.memory_space<vmem>> -> memref<128x64xf32, #tpu.memory_space<vmem>>
        %dma_start3A_603 = arith.constant 0 : i32
        %dma_start3A_604 = tpu.memref_slice %arg7[%dma_start3A_597, %dma_start3A_603] : memref<5x128xi32, #tpu.memory_space<vmem>> -> memref<1x128xi32, #tpu.memory_space<vmem>>
        %dma_start3A_605 = tpu.memref_squeeze %dma_start3A_604 : memref<1x128xi32, #tpu.memory_space<vmem>> -> memref<128xi32, #tpu.memory_space<vmem>>
        %dma_start3A_606 = arith.constant 0 : i32
        %dma_start3A_607 = arith.constant 0 : i32
        %dma_start3A_608 = tpu.memref_slice %arg11[%dma_start3A_606, %dma_start3A_607] : memref<10000x64xf32, #tpu.memory_space<vmem_shared>> -> memref<10000x64xf32, #tpu.memory_space<vmem_shared>>
        tpu.enqueue_indirect_dma source(%dma_start3A_608 : memref<10000x64xf32, #tpu.memory_space<vmem_shared>>) target(%dma_start3A_602 : memref<128x64xf32, #tpu.memory_space<vmem>>) offsets(%dma_start3A_605 : memref<128xi32, #tpu.memory_space<vmem>>) semaphore(%arg15 : memref<!tpu.dma_semaphore, #tpu.memory_space<semaphore_mem>>)
      } else {
      }
      %mul3A_386 = arith.constant 5 : i32
      %mul3A_387 = arith.muli %scan3A_279, %mul3A_386 : i32
      %add3A_388 = arith.constant 2 : i32
      %add3A_389 = arith.addi %mul3A_387, %add3A_388 : i32
      %dma_wait3A_390 = arith.constant 2 : i32
      %dma_wait3A_391 = arith.constant 2 : i32
      %dma_wait3A_392 = arith.constant 0 : i32
      %dma_wait3A_393 = arith.constant 0 : i32
      %dma_wait3A_394 = tpu.memref_slice %arg9[%dma_wait3A_391, %dma_wait3A_392, %dma_wait3A_393] : memref<5x128x64xf32, #tpu.memory_space<vmem>> -> memref<1x128x64xf32, #tpu.memory_space<vmem>>
      %dma_wait3A_395 = tpu.memref_squeeze %dma_wait3A_394 : memref<1x128x64xf32, #tpu.memory_space<vmem>> -> memref<128x64xf32, #tpu.memory_space<vmem>>
      %dma_wait3A_396 = arith.constant 0 : i32
      %dma_wait3A_397 = tpu.memref_slice %arg7[%dma_wait3A_390, %dma_wait3A_396] : memref<5x128xi32, #tpu.memory_space<vmem>> -> memref<1x128xi32, #tpu.memory_space<vmem>>
      %dma_wait3A_398 = tpu.memref_squeeze %dma_wait3A_397 : memref<1x128xi32, #tpu.memory_space<vmem>> -> memref<128xi32, #tpu.memory_space<vmem>>
      %dma_wait3A_399 = arith.constant 0 : i32
      %dma_wait3A_400 = arith.constant 0 : i32
      %dma_wait3A_401 = tpu.memref_slice %arg11[%dma_wait3A_399, %dma_wait3A_400] : memref<10000x64xf32, #tpu.memory_space<vmem_shared>> -> memref<10000x64xf32, #tpu.memory_space<vmem_shared>>
      tpu.wait_indirect_dma semaphore(%arg14 : memref<!tpu.dma_semaphore, #tpu.memory_space<semaphore_mem>>) src(%dma_wait3A_401 : memref<10000x64xf32, #tpu.memory_space<vmem_shared>>) dst(%dma_wait3A_395 : memref<128x64xf32, #tpu.memory_space<vmem>>)
      %dma_start3A_402 = arith.constant 2 : i32
      %dma_start3A_403 = arith.constant 2 : i32
      %dma_start3A_404 = arith.constant 0 : i32
      %dma_start3A_405 = arith.constant 0 : i32
      %dma_start3A_406 = tpu.memref_slice %arg9[%dma_start3A_402, %dma_start3A_404, %dma_start3A_405] : memref<5x128x64xf32, #tpu.memory_space<vmem>> -> memref<1x128x64xf32, #tpu.memory_space<vmem>>
      %dma_start3A_407 = tpu.memref_squeeze %dma_start3A_406 : memref<1x128x64xf32, #tpu.memory_space<vmem>> -> memref<128x64xf32, #tpu.memory_space<vmem>>
      %dma_start3A_408 = arith.constant 0 : i32
      %dma_start3A_409 = tpu.memref_slice %arg8[%dma_start3A_403, %dma_start3A_408] : memref<5x128xi32, #tpu.memory_space<vmem>> -> memref<1x128xi32, #tpu.memory_space<vmem>>
      %dma_start3A_410 = tpu.memref_squeeze %dma_start3A_409 : memref<1x128xi32, #tpu.memory_space<vmem>> -> memref<128xi32, #tpu.memory_space<vmem>>
      %dma_start3A_411 = arith.constant 0 : i32
      %dma_start3A_412 = arith.constant 0 : i32
      %dma_start3A_413 = tpu.memref_slice %arg10[%dma_start3A_411, %dma_start3A_412] : memref<10112x64xf32, #tpu.memory_space<vmem_shared>> -> memref<10112x64xf32, #tpu.memory_space<vmem_shared>>
      tpu.enqueue_indirect_dma source(%dma_start3A_407 : memref<128x64xf32, #tpu.memory_space<vmem>>) target(%dma_start3A_413 : memref<10112x64xf32, #tpu.memory_space<vmem_shared>>) offsets(%dma_start3A_410 : memref<128xi32, #tpu.memory_space<vmem>>) semaphore(%arg14 : memref<!tpu.dma_semaphore, #tpu.memory_space<semaphore_mem>>) {add = true}
      %add3A_414 = arith.constant 2 : i32
      %add3A_415 = arith.addi %add3A_389, %add3A_414 : i32
      %add3A_416 = arith.constant 1 : i32
      %add3A_417 = arith.addi %add3A_415, %add3A_416 : i32
      %sub3A_418 = arith.constant 5 : i32
      %sub3A_419 = arith.subi %add3A_417, %sub3A_418 : i32
      %ge3A_420 = arith.constant 0 : i32
      %ge3A_421 = arith.cmpi sge, %sub3A_419, %ge3A_420 : i32
      %convert_element_type3A_422 = arith.extui %ge3A_421 : i1 to i32
      %cond3A_423 = arith.constant 0 : i32
      %cond3A_424 = arith.cmpi ne, %convert_element_type3A_422, %cond3A_423 : i32
      scf.if %cond3A_424 {
        %add3A_551 = arith.constant 2 : i32
        %add3A_552 = arith.addi %add3A_389, %add3A_551 : i32
        %add3A_553 = arith.constant 1 : i32
        %add3A_554 = arith.addi %add3A_552, %add3A_553 : i32
        %sub3A_555 = arith.constant 5 : i32
        %sub3A_556 = arith.subi %add3A_554, %sub3A_555 : i32
        %dma_wait3A_557 = arith.constant 0 : i32
        %dma_wait3A_558 = arith.constant 0 : i32
        %dma_wait3A_559 = arith.constant 0 : i32
        %dma_wait3A_560 = arith.constant 0 : i32
        %dma_wait3A_561 = tpu.memref_slice %arg9[%dma_wait3A_557, %dma_wait3A_559, %dma_wait3A_560] : memref<5x128x64xf32, #tpu.memory_space<vmem>> -> memref<1x128x64xf32, #tpu.memory_space<vmem>>
        %dma_wait3A_562 = tpu.memref_squeeze %dma_wait3A_561 : memref<1x128x64xf32, #tpu.memory_space<vmem>> -> memref<128x64xf32, #tpu.memory_space<vmem>>
        %dma_wait3A_563 = arith.constant 0 : i32
        %dma_wait3A_564 = tpu.memref_slice %arg8[%dma_wait3A_558, %dma_wait3A_563] : memref<5x128xi32, #tpu.memory_space<vmem>> -> memref<1x128xi32, #tpu.memory_space<vmem>>
        %dma_wait3A_565 = tpu.memref_squeeze %dma_wait3A_564 : memref<1x128xi32, #tpu.memory_space<vmem>> -> memref<128xi32, #tpu.memory_space<vmem>>
        %dma_wait3A_566 = arith.constant 0 : i32
        %dma_wait3A_567 = arith.constant 0 : i32
        %dma_wait3A_568 = tpu.memref_slice %arg10[%dma_wait3A_566, %dma_wait3A_567] : memref<10112x64xf32, #tpu.memory_space<vmem_shared>> -> memref<10112x64xf32, #tpu.memory_space<vmem_shared>>
        tpu.wait_indirect_dma semaphore(%arg12 : memref<!tpu.dma_semaphore, #tpu.memory_space<semaphore_mem>>) src(%dma_wait3A_562 : memref<128x64xf32, #tpu.memory_space<vmem>>) dst(%dma_wait3A_568 : memref<10112x64xf32, #tpu.memory_space<vmem_shared>>)
      } else {
      }
      %add3A_425 = arith.constant 2 : i32
      %add3A_426 = arith.addi %add3A_389, %add3A_425 : i32
      %add3A_427 = arith.constant 1 : i32
      %add3A_428 = arith.addi %add3A_426, %add3A_427 : i32
      %lt3A_429 = arith.constant 160 : i32
      %lt3A_430 = arith.cmpi slt, %add3A_428, %lt3A_429 : i32
      %convert_element_type3A_431 = arith.extui %lt3A_430 : i1 to i32
      %cond3A_432 = arith.constant 0 : i32
      %cond3A_433 = arith.cmpi ne, %convert_element_type3A_431, %cond3A_432 : i32
      scf.if %cond3A_433 {
        %add3A_551 = arith.constant 2 : i32
        %add3A_552 = arith.addi %add3A_389, %add3A_551 : i32
        %add3A_553 = arith.constant 1 : i32
        %add3A_554 = arith.addi %add3A_552, %add3A_553 : i32
        %dma_start3A_555 = arith.constant 0 : i32
        %dma_start3A_556 = arith.constant 0 : i32
        %dma_start3A_557 = tpu.memref_slice %arg7[%dma_start3A_555, %dma_start3A_556] : memref<5x128xi32, #tpu.memory_space<vmem>> -> memref<1x128xi32, #tpu.memory_space<vmem>>
        %dma_start3A_558 = tpu.memref_squeeze %dma_start3A_557 : memref<1x128xi32, #tpu.memory_space<vmem>> -> memref<128xi32, #tpu.memory_space<vmem>>
        %dma_start3A_559 = arith.constant 0 : i32
        %dma_start3A_560 = arith.constant 0 : i32
        %dma_start3A_561 = tpu.memref_slice %arg3[%arg1, %dma_start3A_559, %dma_start3A_560] : memref<16x160x128xi32, #tpu.memory_space<hbm>> -> memref<1x160x128xi32, #tpu.memory_space<hbm>>
        %dma_start3A_562 = tpu.memref_squeeze %dma_start3A_561 : memref<1x160x128xi32, #tpu.memory_space<hbm>> -> memref<160x128xi32, #tpu.memory_space<hbm>>
        %dma_start3A_563 = arith.constant 0 : i32
        %dma_start3A_564 = tpu.memref_slice %dma_start3A_562[%add3A_554, %dma_start3A_563] : memref<160x128xi32, #tpu.memory_space<hbm>> -> memref<1x128xi32, #tpu.memory_space<hbm>>
        %dma_start3A_565 = tpu.memref_squeeze %dma_start3A_564 : memref<1x128xi32, #tpu.memory_space<hbm>> -> memref<128xi32, #tpu.memory_space<hbm>>
        %dma_start3A_566 = arith.constant 0 : i32
        %dma_start3A_567 = tpu.memref_slice %arg7[%dma_start3A_555, %dma_start3A_566] : memref<5x128xi32, #tpu.memory_space<vmem>> -> memref<1x128xi32, #tpu.memory_space<vmem>>
        %dma_start3A_568 = tpu.memref_squeeze %dma_start3A_567 : memref<1x128xi32, #tpu.memory_space<vmem>> -> memref<128xi32, #tpu.memory_space<vmem>>
        %dma_start3A_569 = arith.constant 0 : i32
        %dma_start3A_570 = arith.constant 0 : i32
        %dma_start3A_571 = tpu.memref_slice %arg3[%arg1, %dma_start3A_569, %dma_start3A_570] : memref<16x160x128xi32, #tpu.memory_space<hbm>> -> memref<1x160x128xi32, #tpu.memory_space<hbm>>
        %dma_start3A_572 = tpu.memref_squeeze %dma_start3A_571 : memref<1x160x128xi32, #tpu.memory_space<hbm>> -> memref<160x128xi32, #tpu.memory_space<hbm>>
        %dma_start3A_573 = arith.constant 0 : i32
        %dma_start3A_574 = tpu.memref_slice %dma_start3A_572[%add3A_554, %dma_start3A_573] : memref<160x128xi32, #tpu.memory_space<hbm>> -> memref<1x128xi32, #tpu.memory_space<hbm>>
        %dma_start3A_575 = tpu.memref_squeeze %dma_start3A_574 : memref<1x128xi32, #tpu.memory_space<hbm>> -> memref<128xi32, #tpu.memory_space<hbm>>
        tpu.enqueue_dma source(%dma_start3A_575 : memref<128xi32, #tpu.memory_space<hbm>>) target(%dma_start3A_568 : memref<128xi32, #tpu.memory_space<vmem>>) target_semaphore(%arg12 : memref<!tpu.dma_semaphore, #tpu.memory_space<semaphore_mem>>)
        %dma_start3A_576 = arith.constant 0 : i32
        %dma_start3A_577 = arith.constant 0 : i32
        %dma_start3A_578 = tpu.memref_slice %arg8[%dma_start3A_576, %dma_start3A_577] : memref<5x128xi32, #tpu.memory_space<vmem>> -> memref<1x128xi32, #tpu.memory_space<vmem>>
        %dma_start3A_579 = tpu.memref_squeeze %dma_start3A_578 : memref<1x128xi32, #tpu.memory_space<vmem>> -> memref<128xi32, #tpu.memory_space<vmem>>
        %dma_start3A_580 = arith.constant 0 : i32
        %dma_start3A_581 = arith.constant 0 : i32
        %dma_start3A_582 = tpu.memref_slice %arg4[%arg1, %dma_start3A_580, %dma_start3A_581] : memref<16x160x128xi32, #tpu.memory_space<hbm>> -> memref<1x160x128xi32, #tpu.memory_space<hbm>>
        %dma_start3A_583 = tpu.memref_squeeze %dma_start3A_582 : memref<1x160x128xi32, #tpu.memory_space<hbm>> -> memref<160x128xi32, #tpu.memory_space<hbm>>
        %dma_start3A_584 = arith.constant 0 : i32
        %dma_start3A_585 = tpu.memref_slice %dma_start3A_583[%add3A_554, %dma_start3A_584] : memref<160x128xi32, #tpu.memory_space<hbm>> -> memref<1x128xi32, #tpu.memory_space<hbm>>
        %dma_start3A_586 = tpu.memref_squeeze %dma_start3A_585 : memref<1x128xi32, #tpu.memory_space<hbm>> -> memref<128xi32, #tpu.memory_space<hbm>>
        %dma_start3A_587 = arith.constant 0 : i32
        %dma_start3A_588 = tpu.memref_slice %arg8[%dma_start3A_576, %dma_start3A_587] : memref<5x128xi32, #tpu.memory_space<vmem>> -> memref<1x128xi32, #tpu.memory_space<vmem>>
        %dma_start3A_589 = tpu.memref_squeeze %dma_start3A_588 : memref<1x128xi32, #tpu.memory_space<vmem>> -> memref<128xi32, #tpu.memory_space<vmem>>
        %dma_start3A_590 = arith.constant 0 : i32
        %dma_start3A_591 = arith.constant 0 : i32
        %dma_start3A_592 = tpu.memref_slice %arg4[%arg1, %dma_start3A_590, %dma_start3A_591] : memref<16x160x128xi32, #tpu.memory_space<hbm>> -> memref<1x160x128xi32, #tpu.memory_space<hbm>>
        %dma_start3A_593 = tpu.memref_squeeze %dma_start3A_592 : memref<1x160x128xi32, #tpu.memory_space<hbm>> -> memref<160x128xi32, #tpu.memory_space<hbm>>
        %dma_start3A_594 = arith.constant 0 : i32
        %dma_start3A_595 = tpu.memref_slice %dma_start3A_593[%add3A_554, %dma_start3A_594] : memref<160x128xi32, #tpu.memory_space<hbm>> -> memref<1x128xi32, #tpu.memory_space<hbm>>
        %dma_start3A_596 = tpu.memref_squeeze %dma_start3A_595 : memref<1x128xi32, #tpu.memory_space<hbm>> -> memref<128xi32, #tpu.memory_space<hbm>>
        tpu.enqueue_dma source(%dma_start3A_596 : memref<128xi32, #tpu.memory_space<hbm>>) target(%dma_start3A_589 : memref<128xi32, #tpu.memory_space<vmem>>) target_semaphore(%arg12 : memref<!tpu.dma_semaphore, #tpu.memory_space<semaphore_mem>>)
      } else {
      }
      %add3A_434 = arith.constant 2 : i32
      %add3A_435 = arith.addi %add3A_389, %add3A_434 : i32
      %lt3A_436 = arith.constant 160 : i32
      %lt3A_437 = arith.cmpi slt, %add3A_435, %lt3A_436 : i32
      %convert_element_type3A_438 = arith.extui %lt3A_437 : i1 to i32
      %cond3A_439 = arith.constant 0 : i32
      %cond3A_440 = arith.cmpi ne, %convert_element_type3A_438, %cond3A_439 : i32
      scf.if %cond3A_440 {
        %add3A_551 = arith.constant 2 : i32
        %add3A_552 = arith.addi %add3A_389, %add3A_551 : i32
        %dma_wait3A_553 = arith.constant 4 : i32
        %dma_wait3A_554 = arith.constant 0 : i32
        %dma_wait3A_555 = tpu.memref_slice %arg7[%dma_wait3A_553, %dma_wait3A_554] : memref<5x128xi32, #tpu.memory_space<vmem>> -> memref<1x128xi32, #tpu.memory_space<vmem>>
        %dma_wait3A_556 = tpu.memref_squeeze %dma_wait3A_555 : memref<1x128xi32, #tpu.memory_space<vmem>> -> memref<128xi32, #tpu.memory_space<vmem>>
        %dma_wait3A_557 = arith.constant 0 : i32
        %dma_wait3A_558 = arith.constant 0 : i32
        %dma_wait3A_559 = tpu.memref_slice %arg3[%arg1, %dma_wait3A_557, %dma_wait3A_558] : memref<16x160x128xi32, #tpu.memory_space<hbm>> -> memref<1x160x128xi32, #tpu.memory_space<hbm>>
        %dma_wait3A_560 = tpu.memref_squeeze %dma_wait3A_559 : memref<1x160x128xi32, #tpu.memory_space<hbm>> -> memref<160x128xi32, #tpu.memory_space<hbm>>
        %dma_wait3A_561 = arith.constant 0 : i32
        %dma_wait3A_562 = tpu.memref_slice %dma_wait3A_560[%add3A_552, %dma_wait3A_561] : memref<160x128xi32, #tpu.memory_space<hbm>> -> memref<1x128xi32, #tpu.memory_space<hbm>>
        %dma_wait3A_563 = tpu.memref_squeeze %dma_wait3A_562 : memref<1x128xi32, #tpu.memory_space<hbm>> -> memref<128xi32, #tpu.memory_space<hbm>>
        %dma_wait3A_564 = arith.constant 0 : i32
        %dma_wait3A_565 = tpu.memref_slice %arg7[%dma_wait3A_553, %dma_wait3A_564] : memref<5x128xi32, #tpu.memory_space<vmem>> -> memref<1x128xi32, #tpu.memory_space<vmem>>
        %dma_wait3A_566 = tpu.memref_squeeze %dma_wait3A_565 : memref<1x128xi32, #tpu.memory_space<vmem>> -> memref<128xi32, #tpu.memory_space<vmem>>
        %dma_wait3A_567 = arith.constant 0 : i32
        %dma_wait3A_568 = arith.constant 0 : i32
        %dma_wait3A_569 = tpu.memref_slice %arg3[%arg1, %dma_wait3A_567, %dma_wait3A_568] : memref<16x160x128xi32, #tpu.memory_space<hbm>> -> memref<1x160x128xi32, #tpu.memory_space<hbm>>
        %dma_wait3A_570 = tpu.memref_squeeze %dma_wait3A_569 : memref<1x160x128xi32, #tpu.memory_space<hbm>> -> memref<160x128xi32, #tpu.memory_space<hbm>>
        %dma_wait3A_571 = arith.constant 0 : i32
        %dma_wait3A_572 = tpu.memref_slice %dma_wait3A_570[%add3A_552, %dma_wait3A_571] : memref<160x128xi32, #tpu.memory_space<hbm>> -> memref<1x128xi32, #tpu.memory_space<hbm>>
        %dma_wait3A_573 = tpu.memref_squeeze %dma_wait3A_572 : memref<1x128xi32, #tpu.memory_space<hbm>> -> memref<128xi32, #tpu.memory_space<hbm>>
        tpu.wait_dma2 semaphore(%arg16 : memref<!tpu.dma_semaphore, #tpu.memory_space<semaphore_mem>>) src(%dma_wait3A_573 : memref<128xi32, #tpu.memory_space<hbm>>) dst(%dma_wait3A_566 : memref<128xi32, #tpu.memory_space<vmem>>)
        %dma_wait3A_574 = arith.constant 4 : i32
        %dma_wait3A_575 = arith.constant 0 : i32
        %dma_wait3A_576 = tpu.memref_slice %arg8[%dma_wait3A_574, %dma_wait3A_575] : memref<5x128xi32, #tpu.memory_space<vmem>> -> memref<1x128xi32, #tpu.memory_space<vmem>>
        %dma_wait3A_577 = tpu.memref_squeeze %dma_wait3A_576 : memref<1x128xi32, #tpu.memory_space<vmem>> -> memref<128xi32, #tpu.memory_space<vmem>>
        %dma_wait3A_578 = arith.constant 0 : i32
        %dma_wait3A_579 = arith.constant 0 : i32
        %dma_wait3A_580 = tpu.memref_slice %arg4[%arg1, %dma_wait3A_578, %dma_wait3A_579] : memref<16x160x128xi32, #tpu.memory_space<hbm>> -> memref<1x160x128xi32, #tpu.memory_space<hbm>>
        %dma_wait3A_581 = tpu.memref_squeeze %dma_wait3A_580 : memref<1x160x128xi32, #tpu.memory_space<hbm>> -> memref<160x128xi32, #tpu.memory_space<hbm>>
        %dma_wait3A_582 = arith.constant 0 : i32
        %dma_wait3A_583 = tpu.memref_slice %dma_wait3A_581[%add3A_552, %dma_wait3A_582] : memref<160x128xi32, #tpu.memory_space<hbm>> -> memref<1x128xi32, #tpu.memory_space<hbm>>
        %dma_wait3A_584 = tpu.memref_squeeze %dma_wait3A_583 : memref<1x128xi32, #tpu.memory_space<hbm>> -> memref<128xi32, #tpu.memory_space<hbm>>
        %dma_wait3A_585 = arith.constant 0 : i32
        %dma_wait3A_586 = tpu.memref_slice %arg8[%dma_wait3A_574, %dma_wait3A_585] : memref<5x128xi32, #tpu.memory_space<vmem>> -> memref<1x128xi32, #tpu.memory_space<vmem>>
        %dma_wait3A_587 = tpu.memref_squeeze %dma_wait3A_586 : memref<1x128xi32, #tpu.memory_space<vmem>> -> memref<128xi32, #tpu.memory_space<vmem>>
        %dma_wait3A_588 = arith.constant 0 : i32
        %dma_wait3A_589 = arith.constant 0 : i32
        %dma_wait3A_590 = tpu.memref_slice %arg4[%arg1, %dma_wait3A_588, %dma_wait3A_589] : memref<16x160x128xi32, #tpu.memory_space<hbm>> -> memref<1x160x128xi32, #tpu.memory_space<hbm>>
        %dma_wait3A_591 = tpu.memref_squeeze %dma_wait3A_590 : memref<1x160x128xi32, #tpu.memory_space<hbm>> -> memref<160x128xi32, #tpu.memory_space<hbm>>
        %dma_wait3A_592 = arith.constant 0 : i32
        %dma_wait3A_593 = tpu.memref_slice %dma_wait3A_591[%add3A_552, %dma_wait3A_592] : memref<160x128xi32, #tpu.memory_space<hbm>> -> memref<1x128xi32, #tpu.memory_space<hbm>>
        %dma_wait3A_594 = tpu.memref_squeeze %dma_wait3A_593 : memref<1x128xi32, #tpu.memory_space<hbm>> -> memref<128xi32, #tpu.memory_space<hbm>>
        tpu.wait_dma2 semaphore(%arg16 : memref<!tpu.dma_semaphore, #tpu.memory_space<semaphore_mem>>) src(%dma_wait3A_594 : memref<128xi32, #tpu.memory_space<hbm>>) dst(%dma_wait3A_587 : memref<128xi32, #tpu.memory_space<vmem>>)
        %add3A_595 = arith.constant 2 : i32
        %add3A_596 = arith.addi %add3A_389, %add3A_595 : i32
        %dma_start3A_597 = arith.constant 4 : i32
        %dma_start3A_598 = arith.constant 4 : i32
        %dma_start3A_599 = arith.constant 0 : i32
        %dma_start3A_600 = arith.constant 0 : i32
        %dma_start3A_601 = tpu.memref_slice %arg9[%dma_start3A_598, %dma_start3A_599, %dma_start3A_600] : memref<5x128x64xf32, #tpu.memory_space<vmem>> -> memref<1x128x64xf32, #tpu.memory_space<vmem>>
        %dma_start3A_602 = tpu.memref_squeeze %dma_start3A_601 : memref<1x128x64xf32, #tpu.memory_space<vmem>> -> memref<128x64xf32, #tpu.memory_space<vmem>>
        %dma_start3A_603 = arith.constant 0 : i32
        %dma_start3A_604 = tpu.memref_slice %arg7[%dma_start3A_597, %dma_start3A_603] : memref<5x128xi32, #tpu.memory_space<vmem>> -> memref<1x128xi32, #tpu.memory_space<vmem>>
        %dma_start3A_605 = tpu.memref_squeeze %dma_start3A_604 : memref<1x128xi32, #tpu.memory_space<vmem>> -> memref<128xi32, #tpu.memory_space<vmem>>
        %dma_start3A_606 = arith.constant 0 : i32
        %dma_start3A_607 = arith.constant 0 : i32
        %dma_start3A_608 = tpu.memref_slice %arg11[%dma_start3A_606, %dma_start3A_607] : memref<10000x64xf32, #tpu.memory_space<vmem_shared>> -> memref<10000x64xf32, #tpu.memory_space<vmem_shared>>
        tpu.enqueue_indirect_dma source(%dma_start3A_608 : memref<10000x64xf32, #tpu.memory_space<vmem_shared>>) target(%dma_start3A_602 : memref<128x64xf32, #tpu.memory_space<vmem>>) offsets(%dma_start3A_605 : memref<128xi32, #tpu.memory_space<vmem>>) semaphore(%arg16 : memref<!tpu.dma_semaphore, #tpu.memory_space<semaphore_mem>>)
      } else {
      }
      %mul3A_441 = arith.constant 5 : i32
      %mul3A_442 = arith.muli %scan3A_279, %mul3A_441 : i32
      %add3A_443 = arith.constant 3 : i32
      %add3A_444 = arith.addi %mul3A_442, %add3A_443 : i32
      %dma_wait3A_445 = arith.constant 3 : i32
      %dma_wait3A_446 = arith.constant 3 : i32
      %dma_wait3A_447 = arith.constant 0 : i32
      %dma_wait3A_448 = arith.constant 0 : i32
      %dma_wait3A_449 = tpu.memref_slice %arg9[%dma_wait3A_446, %dma_wait3A_447, %dma_wait3A_448] : memref<5x128x64xf32, #tpu.memory_space<vmem>> -> memref<1x128x64xf32, #tpu.memory_space<vmem>>
      %dma_wait3A_450 = tpu.memref_squeeze %dma_wait3A_449 : memref<1x128x64xf32, #tpu.memory_space<vmem>> -> memref<128x64xf32, #tpu.memory_space<vmem>>
      %dma_wait3A_451 = arith.constant 0 : i32
      %dma_wait3A_452 = tpu.memref_slice %arg7[%dma_wait3A_445, %dma_wait3A_451] : memref<5x128xi32, #tpu.memory_space<vmem>> -> memref<1x128xi32, #tpu.memory_space<vmem>>
      %dma_wait3A_453 = tpu.memref_squeeze %dma_wait3A_452 : memref<1x128xi32, #tpu.memory_space<vmem>> -> memref<128xi32, #tpu.memory_space<vmem>>
      %dma_wait3A_454 = arith.constant 0 : i32
      %dma_wait3A_455 = arith.constant 0 : i32
      %dma_wait3A_456 = tpu.memref_slice %arg11[%dma_wait3A_454, %dma_wait3A_455] : memref<10000x64xf32, #tpu.memory_space<vmem_shared>> -> memref<10000x64xf32, #tpu.memory_space<vmem_shared>>
      tpu.wait_indirect_dma semaphore(%arg15 : memref<!tpu.dma_semaphore, #tpu.memory_space<semaphore_mem>>) src(%dma_wait3A_456 : memref<10000x64xf32, #tpu.memory_space<vmem_shared>>) dst(%dma_wait3A_450 : memref<128x64xf32, #tpu.memory_space<vmem>>)
      %dma_start3A_457 = arith.constant 3 : i32
      %dma_start3A_458 = arith.constant 3 : i32
      %dma_start3A_459 = arith.constant 0 : i32
      %dma_start3A_460 = arith.constant 0 : i32
      %dma_start3A_461 = tpu.memref_slice %arg9[%dma_start3A_457, %dma_start3A_459, %dma_start3A_460] : memref<5x128x64xf32, #tpu.memory_space<vmem>> -> memref<1x128x64xf32, #tpu.memory_space<vmem>>
      %dma_start3A_462 = tpu.memref_squeeze %dma_start3A_461 : memref<1x128x64xf32, #tpu.memory_space<vmem>> -> memref<128x64xf32, #tpu.memory_space<vmem>>
      %dma_start3A_463 = arith.constant 0 : i32
      %dma_start3A_464 = tpu.memref_slice %arg8[%dma_start3A_458, %dma_start3A_463] : memref<5x128xi32, #tpu.memory_space<vmem>> -> memref<1x128xi32, #tpu.memory_space<vmem>>
      %dma_start3A_465 = tpu.memref_squeeze %dma_start3A_464 : memref<1x128xi32, #tpu.memory_space<vmem>> -> memref<128xi32, #tpu.memory_space<vmem>>
      %dma_start3A_466 = arith.constant 0 : i32
      %dma_start3A_467 = arith.constant 0 : i32
      %dma_start3A_468 = tpu.memref_slice %arg10[%dma_start3A_466, %dma_start3A_467] : memref<10112x64xf32, #tpu.memory_space<vmem_shared>> -> memref<10112x64xf32, #tpu.memory_space<vmem_shared>>
      tpu.enqueue_indirect_dma source(%dma_start3A_462 : memref<128x64xf32, #tpu.memory_space<vmem>>) target(%dma_start3A_468 : memref<10112x64xf32, #tpu.memory_space<vmem_shared>>) offsets(%dma_start3A_465 : memref<128xi32, #tpu.memory_space<vmem>>) semaphore(%arg15 : memref<!tpu.dma_semaphore, #tpu.memory_space<semaphore_mem>>) {add = true}
      %add3A_469 = arith.constant 2 : i32
      %add3A_470 = arith.addi %add3A_444, %add3A_469 : i32
      %add3A_471 = arith.constant 1 : i32
      %add3A_472 = arith.addi %add3A_470, %add3A_471 : i32
      %sub3A_473 = arith.constant 5 : i32
      %sub3A_474 = arith.subi %add3A_472, %sub3A_473 : i32
      %ge3A_475 = arith.constant 0 : i32
      %ge3A_476 = arith.cmpi sge, %sub3A_474, %ge3A_475 : i32
      %convert_element_type3A_477 = arith.extui %ge3A_476 : i1 to i32
      %cond3A_478 = arith.constant 0 : i32
      %cond3A_479 = arith.cmpi ne, %convert_element_type3A_477, %cond3A_478 : i32
      scf.if %cond3A_479 {
        %add3A_551 = arith.constant 2 : i32
        %add3A_552 = arith.addi %add3A_444, %add3A_551 : i32
        %add3A_553 = arith.constant 1 : i32
        %add3A_554 = arith.addi %add3A_552, %add3A_553 : i32
        %sub3A_555 = arith.constant 5 : i32
        %sub3A_556 = arith.subi %add3A_554, %sub3A_555 : i32
        %dma_wait3A_557 = arith.constant 1 : i32
        %dma_wait3A_558 = arith.constant 1 : i32
        %dma_wait3A_559 = arith.constant 0 : i32
        %dma_wait3A_560 = arith.constant 0 : i32
        %dma_wait3A_561 = tpu.memref_slice %arg9[%dma_wait3A_557, %dma_wait3A_559, %dma_wait3A_560] : memref<5x128x64xf32, #tpu.memory_space<vmem>> -> memref<1x128x64xf32, #tpu.memory_space<vmem>>
        %dma_wait3A_562 = tpu.memref_squeeze %dma_wait3A_561 : memref<1x128x64xf32, #tpu.memory_space<vmem>> -> memref<128x64xf32, #tpu.memory_space<vmem>>
        %dma_wait3A_563 = arith.constant 0 : i32
        %dma_wait3A_564 = tpu.memref_slice %arg8[%dma_wait3A_558, %dma_wait3A_563] : memref<5x128xi32, #tpu.memory_space<vmem>> -> memref<1x128xi32, #tpu.memory_space<vmem>>
        %dma_wait3A_565 = tpu.memref_squeeze %dma_wait3A_564 : memref<1x128xi32, #tpu.memory_space<vmem>> -> memref<128xi32, #tpu.memory_space<vmem>>
        %dma_wait3A_566 = arith.constant 0 : i32
        %dma_wait3A_567 = arith.constant 0 : i32
        %dma_wait3A_568 = tpu.memref_slice %arg10[%dma_wait3A_566, %dma_wait3A_567] : memref<10112x64xf32, #tpu.memory_space<vmem_shared>> -> memref<10112x64xf32, #tpu.memory_space<vmem_shared>>
        tpu.wait_indirect_dma semaphore(%arg13 : memref<!tpu.dma_semaphore, #tpu.memory_space<semaphore_mem>>) src(%dma_wait3A_562 : memref<128x64xf32, #tpu.memory_space<vmem>>) dst(%dma_wait3A_568 : memref<10112x64xf32, #tpu.memory_space<vmem_shared>>)
      } else {
      }
      %add3A_480 = arith.constant 2 : i32
      %add3A_481 = arith.addi %add3A_444, %add3A_480 : i32
      %add3A_482 = arith.constant 1 : i32
      %add3A_483 = arith.addi %add3A_481, %add3A_482 : i32
      %lt3A_484 = arith.constant 160 : i32
      %lt3A_485 = arith.cmpi slt, %add3A_483, %lt3A_484 : i32
      %convert_element_type3A_486 = arith.extui %lt3A_485 : i1 to i32
      %cond3A_487 = arith.constant 0 : i32
      %cond3A_488 = arith.cmpi ne, %convert_element_type3A_486, %cond3A_487 : i32
      scf.if %cond3A_488 {
        %add3A_551 = arith.constant 2 : i32
        %add3A_552 = arith.addi %add3A_444, %add3A_551 : i32
        %add3A_553 = arith.constant 1 : i32
        %add3A_554 = arith.addi %add3A_552, %add3A_553 : i32
        %dma_start3A_555 = arith.constant 1 : i32
        %dma_start3A_556 = arith.constant 0 : i32
        %dma_start3A_557 = tpu.memref_slice %arg7[%dma_start3A_555, %dma_start3A_556] : memref<5x128xi32, #tpu.memory_space<vmem>> -> memref<1x128xi32, #tpu.memory_space<vmem>>
        %dma_start3A_558 = tpu.memref_squeeze %dma_start3A_557 : memref<1x128xi32, #tpu.memory_space<vmem>> -> memref<128xi32, #tpu.memory_space<vmem>>
        %dma_start3A_559 = arith.constant 0 : i32
        %dma_start3A_560 = arith.constant 0 : i32
        %dma_start3A_561 = tpu.memref_slice %arg3[%arg1, %dma_start3A_559, %dma_start3A_560] : memref<16x160x128xi32, #tpu.memory_space<hbm>> -> memref<1x160x128xi32, #tpu.memory_space<hbm>>
        %dma_start3A_562 = tpu.memref_squeeze %dma_start3A_561 : memref<1x160x128xi32, #tpu.memory_space<hbm>> -> memref<160x128xi32, #tpu.memory_space<hbm>>
        %dma_start3A_563 = arith.constant 0 : i32
        %dma_start3A_564 = tpu.memref_slice %dma_start3A_562[%add3A_554, %dma_start3A_563] : memref<160x128xi32, #tpu.memory_space<hbm>> -> memref<1x128xi32, #tpu.memory_space<hbm>>
        %dma_start3A_565 = tpu.memref_squeeze %dma_start3A_564 : memref<1x128xi32, #tpu.memory_space<hbm>> -> memref<128xi32, #tpu.memory_space<hbm>>
        %dma_start3A_566 = arith.constant 0 : i32
        %dma_start3A_567 = tpu.memref_slice %arg7[%dma_start3A_555, %dma_start3A_566] : memref<5x128xi32, #tpu.memory_space<vmem>> -> memref<1x128xi32, #tpu.memory_space<vmem>>
        %dma_start3A_568 = tpu.memref_squeeze %dma_start3A_567 : memref<1x128xi32, #tpu.memory_space<vmem>> -> memref<128xi32, #tpu.memory_space<vmem>>
        %dma_start3A_569 = arith.constant 0 : i32
        %dma_start3A_570 = arith.constant 0 : i32
        %dma_start3A_571 = tpu.memref_slice %arg3[%arg1, %dma_start3A_569, %dma_start3A_570] : memref<16x160x128xi32, #tpu.memory_space<hbm>> -> memref<1x160x128xi32, #tpu.memory_space<hbm>>
        %dma_start3A_572 = tpu.memref_squeeze %dma_start3A_571 : memref<1x160x128xi32, #tpu.memory_space<hbm>> -> memref<160x128xi32, #tpu.memory_space<hbm>>
        %dma_start3A_573 = arith.constant 0 : i32
        %dma_start3A_574 = tpu.memref_slice %dma_start3A_572[%add3A_554, %dma_start3A_573] : memref<160x128xi32, #tpu.memory_space<hbm>> -> memref<1x128xi32, #tpu.memory_space<hbm>>
        %dma_start3A_575 = tpu.memref_squeeze %dma_start3A_574 : memref<1x128xi32, #tpu.memory_space<hbm>> -> memref<128xi32, #tpu.memory_space<hbm>>
        tpu.enqueue_dma source(%dma_start3A_575 : memref<128xi32, #tpu.memory_space<hbm>>) target(%dma_start3A_568 : memref<128xi32, #tpu.memory_space<vmem>>) target_semaphore(%arg13 : memref<!tpu.dma_semaphore, #tpu.memory_space<semaphore_mem>>)
        %dma_start3A_576 = arith.constant 1 : i32
        %dma_start3A_577 = arith.constant 0 : i32
        %dma_start3A_578 = tpu.memref_slice %arg8[%dma_start3A_576, %dma_start3A_577] : memref<5x128xi32, #tpu.memory_space<vmem>> -> memref<1x128xi32, #tpu.memory_space<vmem>>
        %dma_start3A_579 = tpu.memref_squeeze %dma_start3A_578 : memref<1x128xi32, #tpu.memory_space<vmem>> -> memref<128xi32, #tpu.memory_space<vmem>>
        %dma_start3A_580 = arith.constant 0 : i32
        %dma_start3A_581 = arith.constant 0 : i32
        %dma_start3A_582 = tpu.memref_slice %arg4[%arg1, %dma_start3A_580, %dma_start3A_581] : memref<16x160x128xi32, #tpu.memory_space<hbm>> -> memref<1x160x128xi32, #tpu.memory_space<hbm>>
        %dma_start3A_583 = tpu.memref_squeeze %dma_start3A_582 : memref<1x160x128xi32, #tpu.memory_space<hbm>> -> memref<160x128xi32, #tpu.memory_space<hbm>>
        %dma_start3A_584 = arith.constant 0 : i32
        %dma_start3A_585 = tpu.memref_slice %dma_start3A_583[%add3A_554, %dma_start3A_584] : memref<160x128xi32, #tpu.memory_space<hbm>> -> memref<1x128xi32, #tpu.memory_space<hbm>>
        %dma_start3A_586 = tpu.memref_squeeze %dma_start3A_585 : memref<1x128xi32, #tpu.memory_space<hbm>> -> memref<128xi32, #tpu.memory_space<hbm>>
        %dma_start3A_587 = arith.constant 0 : i32
        %dma_start3A_588 = tpu.memref_slice %arg8[%dma_start3A_576, %dma_start3A_587] : memref<5x128xi32, #tpu.memory_space<vmem>> -> memref<1x128xi32, #tpu.memory_space<vmem>>
        %dma_start3A_589 = tpu.memref_squeeze %dma_start3A_588 : memref<1x128xi32, #tpu.memory_space<vmem>> -> memref<128xi32, #tpu.memory_space<vmem>>
        %dma_start3A_590 = arith.constant 0 : i32
        %dma_start3A_591 = arith.constant 0 : i32
        %dma_start3A_592 = tpu.memref_slice %arg4[%arg1, %dma_start3A_590, %dma_start3A_591] : memref<16x160x128xi32, #tpu.memory_space<hbm>> -> memref<1x160x128xi32, #tpu.memory_space<hbm>>
        %dma_start3A_593 = tpu.memref_squeeze %dma_start3A_592 : memref<1x160x128xi32, #tpu.memory_space<hbm>> -> memref<160x128xi32, #tpu.memory_space<hbm>>
        %dma_start3A_594 = arith.constant 0 : i32
        %dma_start3A_595 = tpu.memref_slice %dma_start3A_593[%add3A_554, %dma_start3A_594] : memref<160x128xi32, #tpu.memory_space<hbm>> -> memref<1x128xi32, #tpu.memory_space<hbm>>
        %dma_start3A_596 = tpu.memref_squeeze %dma_start3A_595 : memref<1x128xi32, #tpu.memory_space<hbm>> -> memref<128xi32, #tpu.memory_space<hbm>>
        tpu.enqueue_dma source(%dma_start3A_596 : memref<128xi32, #tpu.memory_space<hbm>>) target(%dma_start3A_589 : memref<128xi32, #tpu.memory_space<vmem>>) target_semaphore(%arg13 : memref<!tpu.dma_semaphore, #tpu.memory_space<semaphore_mem>>)
      } else {
      }
      %add3A_489 = arith.constant 2 : i32
      %add3A_490 = arith.addi %add3A_444, %add3A_489 : i32
      %lt3A_491 = arith.constant 160 : i32
      %lt3A_492 = arith.cmpi slt, %add3A_490, %lt3A_491 : i32
      %convert_element_type3A_493 = arith.extui %lt3A_492 : i1 to i32
      %cond3A_494 = arith.constant 0 : i32
      %cond3A_495 = arith.cmpi ne, %convert_element_type3A_493, %cond3A_494 : i32
      scf.if %cond3A_495 {
        %add3A_551 = arith.constant 2 : i32
        %add3A_552 = arith.addi %add3A_444, %add3A_551 : i32
        %dma_wait3A_553 = arith.constant 0 : i32
        %dma_wait3A_554 = arith.constant 0 : i32
        %dma_wait3A_555 = tpu.memref_slice %arg7[%dma_wait3A_553, %dma_wait3A_554] : memref<5x128xi32, #tpu.memory_space<vmem>> -> memref<1x128xi32, #tpu.memory_space<vmem>>
        %dma_wait3A_556 = tpu.memref_squeeze %dma_wait3A_555 : memref<1x128xi32, #tpu.memory_space<vmem>> -> memref<128xi32, #tpu.memory_space<vmem>>
        %dma_wait3A_557 = arith.constant 0 : i32
        %dma_wait3A_558 = arith.constant 0 : i32
        %dma_wait3A_559 = tpu.memref_slice %arg3[%arg1, %dma_wait3A_557, %dma_wait3A_558] : memref<16x160x128xi32, #tpu.memory_space<hbm>> -> memref<1x160x128xi32, #tpu.memory_space<hbm>>
        %dma_wait3A_560 = tpu.memref_squeeze %dma_wait3A_559 : memref<1x160x128xi32, #tpu.memory_space<hbm>> -> memref<160x128xi32, #tpu.memory_space<hbm>>
        %dma_wait3A_561 = arith.constant 0 : i32
        %dma_wait3A_562 = tpu.memref_slice %dma_wait3A_560[%add3A_552, %dma_wait3A_561] : memref<160x128xi32, #tpu.memory_space<hbm>> -> memref<1x128xi32, #tpu.memory_space<hbm>>
        %dma_wait3A_563 = tpu.memref_squeeze %dma_wait3A_562 : memref<1x128xi32, #tpu.memory_space<hbm>> -> memref<128xi32, #tpu.memory_space<hbm>>
        %dma_wait3A_564 = arith.constant 0 : i32
        %dma_wait3A_565 = tpu.memref_slice %arg7[%dma_wait3A_553, %dma_wait3A_564] : memref<5x128xi32, #tpu.memory_space<vmem>> -> memref<1x128xi32, #tpu.memory_space<vmem>>
        %dma_wait3A_566 = tpu.memref_squeeze %dma_wait3A_565 : memref<1x128xi32, #tpu.memory_space<vmem>> -> memref<128xi32, #tpu.memory_space<vmem>>
        %dma_wait3A_567 = arith.constant 0 : i32
        %dma_wait3A_568 = arith.constant 0 : i32
        %dma_wait3A_569 = tpu.memref_slice %arg3[%arg1, %dma_wait3A_567, %dma_wait3A_568] : memref<16x160x128xi32, #tpu.memory_space<hbm>> -> memref<1x160x128xi32, #tpu.memory_space<hbm>>
        %dma_wait3A_570 = tpu.memref_squeeze %dma_wait3A_569 : memref<1x160x128xi32, #tpu.memory_space<hbm>> -> memref<160x128xi32, #tpu.memory_space<hbm>>
        %dma_wait3A_571 = arith.constant 0 : i32
        %dma_wait3A_572 = tpu.memref_slice %dma_wait3A_570[%add3A_552, %dma_wait3A_571] : memref<160x128xi32, #tpu.memory_space<hbm>> -> memref<1x128xi32, #tpu.memory_space<hbm>>
        %dma_wait3A_573 = tpu.memref_squeeze %dma_wait3A_572 : memref<1x128xi32, #tpu.memory_space<hbm>> -> memref<128xi32, #tpu.memory_space<hbm>>
        tpu.wait_dma2 semaphore(%arg12 : memref<!tpu.dma_semaphore, #tpu.memory_space<semaphore_mem>>) src(%dma_wait3A_573 : memref<128xi32, #tpu.memory_space<hbm>>) dst(%dma_wait3A_566 : memref<128xi32, #tpu.memory_space<vmem>>)
        %dma_wait3A_574 = arith.constant 0 : i32
        %dma_wait3A_575 = arith.constant 0 : i32
        %dma_wait3A_576 = tpu.memref_slice %arg8[%dma_wait3A_574, %dma_wait3A_575] : memref<5x128xi32, #tpu.memory_space<vmem>> -> memref<1x128xi32, #tpu.memory_space<vmem>>
        %dma_wait3A_577 = tpu.memref_squeeze %dma_wait3A_576 : memref<1x128xi32, #tpu.memory_space<vmem>> -> memref<128xi32, #tpu.memory_space<vmem>>
        %dma_wait3A_578 = arith.constant 0 : i32
        %dma_wait3A_579 = arith.constant 0 : i32
        %dma_wait3A_580 = tpu.memref_slice %arg4[%arg1, %dma_wait3A_578, %dma_wait3A_579] : memref<16x160x128xi32, #tpu.memory_space<hbm>> -> memref<1x160x128xi32, #tpu.memory_space<hbm>>
        %dma_wait3A_581 = tpu.memref_squeeze %dma_wait3A_580 : memref<1x160x128xi32, #tpu.memory_space<hbm>> -> memref<160x128xi32, #tpu.memory_space<hbm>>
        %dma_wait3A_582 = arith.constant 0 : i32
        %dma_wait3A_583 = tpu.memref_slice %dma_wait3A_581[%add3A_552, %dma_wait3A_582] : memref<160x128xi32, #tpu.memory_space<hbm>> -> memref<1x128xi32, #tpu.memory_space<hbm>>
        %dma_wait3A_584 = tpu.memref_squeeze %dma_wait3A_583 : memref<1x128xi32, #tpu.memory_space<hbm>> -> memref<128xi32, #tpu.memory_space<hbm>>
        %dma_wait3A_585 = arith.constant 0 : i32
        %dma_wait3A_586 = tpu.memref_slice %arg8[%dma_wait3A_574, %dma_wait3A_585] : memref<5x128xi32, #tpu.memory_space<vmem>> -> memref<1x128xi32, #tpu.memory_space<vmem>>
        %dma_wait3A_587 = tpu.memref_squeeze %dma_wait3A_586 : memref<1x128xi32, #tpu.memory_space<vmem>> -> memref<128xi32, #tpu.memory_space<vmem>>
        %dma_wait3A_588 = arith.constant 0 : i32
        %dma_wait3A_589 = arith.constant 0 : i32
        %dma_wait3A_590 = tpu.memref_slice %arg4[%arg1, %dma_wait3A_588, %dma_wait3A_589] : memref<16x160x128xi32, #tpu.memory_space<hbm>> -> memref<1x160x128xi32, #tpu.memory_space<hbm>>
        %dma_wait3A_591 = tpu.memref_squeeze %dma_wait3A_590 : memref<1x160x128xi32, #tpu.memory_space<hbm>> -> memref<160x128xi32, #tpu.memory_space<hbm>>
        %dma_wait3A_592 = arith.constant 0 : i32
        %dma_wait3A_593 = tpu.memref_slice %dma_wait3A_591[%add3A_552, %dma_wait3A_592] : memref<160x128xi32, #tpu.memory_space<hbm>> -> memref<1x128xi32, #tpu.memory_space<hbm>>
        %dma_wait3A_594 = tpu.memref_squeeze %dma_wait3A_593 : memref<1x128xi32, #tpu.memory_space<hbm>> -> memref<128xi32, #tpu.memory_space<hbm>>
        tpu.wait_dma2 semaphore(%arg12 : memref<!tpu.dma_semaphore, #tpu.memory_space<semaphore_mem>>) src(%dma_wait3A_594 : memref<128xi32, #tpu.memory_space<hbm>>) dst(%dma_wait3A_587 : memref<128xi32, #tpu.memory_space<vmem>>)
        %add3A_595 = arith.constant 2 : i32
        %add3A_596 = arith.addi %add3A_444, %add3A_595 : i32
        %dma_start3A_597 = arith.constant 0 : i32
        %dma_start3A_598 = arith.constant 0 : i32
        %dma_start3A_599 = arith.constant 0 : i32
        %dma_start3A_600 = arith.constant 0 : i32
        %dma_start3A_601 = tpu.memref_slice %arg9[%dma_start3A_598, %dma_start3A_599, %dma_start3A_600] : memref<5x128x64xf32, #tpu.memory_space<vmem>> -> memref<1x128x64xf32, #tpu.memory_space<vmem>>
        %dma_start3A_602 = tpu.memref_squeeze %dma_start3A_601 : memref<1x128x64xf32, #tpu.memory_space<vmem>> -> memref<128x64xf32, #tpu.memory_space<vmem>>
        %dma_start3A_603 = arith.constant 0 : i32
        %dma_start3A_604 = tpu.memref_slice %arg7[%dma_start3A_597, %dma_start3A_603] : memref<5x128xi32, #tpu.memory_space<vmem>> -> memref<1x128xi32, #tpu.memory_space<vmem>>
        %dma_start3A_605 = tpu.memref_squeeze %dma_start3A_604 : memref<1x128xi32, #tpu.memory_space<vmem>> -> memref<128xi32, #tpu.memory_space<vmem>>
        %dma_start3A_606 = arith.constant 0 : i32
        %dma_start3A_607 = arith.constant 0 : i32
        %dma_start3A_608 = tpu.memref_slice %arg11[%dma_start3A_606, %dma_start3A_607] : memref<10000x64xf32, #tpu.memory_space<vmem_shared>> -> memref<10000x64xf32, #tpu.memory_space<vmem_shared>>
        tpu.enqueue_indirect_dma source(%dma_start3A_608 : memref<10000x64xf32, #tpu.memory_space<vmem_shared>>) target(%dma_start3A_602 : memref<128x64xf32, #tpu.memory_space<vmem>>) offsets(%dma_start3A_605 : memref<128xi32, #tpu.memory_space<vmem>>) semaphore(%arg12 : memref<!tpu.dma_semaphore, #tpu.memory_space<semaphore_mem>>)
      } else {
      }
      %mul3A_496 = arith.constant 5 : i32
      %mul3A_497 = arith.muli %scan3A_279, %mul3A_496 : i32
      %add3A_498 = arith.constant 4 : i32
      %add3A_499 = arith.addi %mul3A_497, %add3A_498 : i32
      %dma_wait3A_500 = arith.constant 4 : i32
      %dma_wait3A_501 = arith.constant 4 : i32
      %dma_wait3A_502 = arith.constant 0 : i32
      %dma_wait3A_503 = arith.constant 0 : i32
      %dma_wait3A_504 = tpu.memref_slice %arg9[%dma_wait3A_501, %dma_wait3A_502, %dma_wait3A_503] : memref<5x128x64xf32, #tpu.memory_space<vmem>> -> memref<1x128x64xf32, #tpu.memory_space<vmem>>
      %dma_wait3A_505 = tpu.memref_squeeze %dma_wait3A_504 : memref<1x128x64xf32, #tpu.memory_space<vmem>> -> memref<128x64xf32, #tpu.memory_space<vmem>>
      %dma_wait3A_506 = arith.constant 0 : i32
      %dma_wait3A_507 = tpu.memref_slice %arg7[%dma_wait3A_500, %dma_wait3A_506] : memref<5x128xi32, #tpu.memory_space<vmem>> -> memref<1x128xi32, #tpu.memory_space<vmem>>
      %dma_wait3A_508 = tpu.memref_squeeze %dma_wait3A_507 : memref<1x128xi32, #tpu.memory_space<vmem>> -> memref<128xi32, #tpu.memory_space<vmem>>
      %dma_wait3A_509 = arith.constant 0 : i32
      %dma_wait3A_510 = arith.constant 0 : i32
      %dma_wait3A_511 = tpu.memref_slice %arg11[%dma_wait3A_509, %dma_wait3A_510] : memref<10000x64xf32, #tpu.memory_space<vmem_shared>> -> memref<10000x64xf32, #tpu.memory_space<vmem_shared>>
      tpu.wait_indirect_dma semaphore(%arg16 : memref<!tpu.dma_semaphore, #tpu.memory_space<semaphore_mem>>) src(%dma_wait3A_511 : memref<10000x64xf32, #tpu.memory_space<vmem_shared>>) dst(%dma_wait3A_505 : memref<128x64xf32, #tpu.memory_space<vmem>>)
      %dma_start3A_512 = arith.constant 4 : i32
      %dma_start3A_513 = arith.constant 4 : i32
      %dma_start3A_514 = arith.constant 0 : i32
      %dma_start3A_515 = arith.constant 0 : i32
      %dma_start3A_516 = tpu.memref_slice %arg9[%dma_start3A_512, %dma_start3A_514, %dma_start3A_515] : memref<5x128x64xf32, #tpu.memory_space<vmem>> -> memref<1x128x64xf32, #tpu.memory_space<vmem>>
      %dma_start3A_517 = tpu.memref_squeeze %dma_start3A_516 : memref<1x128x64xf32, #tpu.memory_space<vmem>> -> memref<128x64xf32, #tpu.memory_space<vmem>>
      %dma_start3A_518 = arith.constant 0 : i32
      %dma_start3A_519 = tpu.memref_slice %arg8[%dma_start3A_513, %dma_start3A_518] : memref<5x128xi32, #tpu.memory_space<vmem>> -> memref<1x128xi32, #tpu.memory_space<vmem>>
      %dma_start3A_520 = tpu.memref_squeeze %dma_start3A_519 : memref<1x128xi32, #tpu.memory_space<vmem>> -> memref<128xi32, #tpu.memory_space<vmem>>
      %dma_start3A_521 = arith.constant 0 : i32
      %dma_start3A_522 = arith.constant 0 : i32
      %dma_start3A_523 = tpu.memref_slice %arg10[%dma_start3A_521, %dma_start3A_522] : memref<10112x64xf32, #tpu.memory_space<vmem_shared>> -> memref<10112x64xf32, #tpu.memory_space<vmem_shared>>
      tpu.enqueue_indirect_dma source(%dma_start3A_517 : memref<128x64xf32, #tpu.memory_space<vmem>>) target(%dma_start3A_523 : memref<10112x64xf32, #tpu.memory_space<vmem_shared>>) offsets(%dma_start3A_520 : memref<128xi32, #tpu.memory_space<vmem>>) semaphore(%arg16 : memref<!tpu.dma_semaphore, #tpu.memory_space<semaphore_mem>>) {add = true}
      %add3A_524 = arith.constant 2 : i32
      %add3A_525 = arith.addi %add3A_499, %add3A_524 : i32
      %add3A_526 = arith.constant 1 : i32
      %add3A_527 = arith.addi %add3A_525, %add3A_526 : i32
      %sub3A_528 = arith.constant 5 : i32
      %sub3A_529 = arith.subi %add3A_527, %sub3A_528 : i32
      %ge3A_530 = arith.constant 0 : i32
      %ge3A_531 = arith.cmpi sge, %sub3A_529, %ge3A_530 : i32
      %convert_element_type3A_532 = arith.extui %ge3A_531 : i1 to i32
      %cond3A_533 = arith.constant 0 : i32
      %cond3A_534 = arith.cmpi ne, %convert_element_type3A_532, %cond3A_533 : i32
      scf.if %cond3A_534 {
        %add3A_551 = arith.constant 2 : i32
        %add3A_552 = arith.addi %add3A_499, %add3A_551 : i32
        %add3A_553 = arith.constant 1 : i32
        %add3A_554 = arith.addi %add3A_552, %add3A_553 : i32
        %sub3A_555 = arith.constant 5 : i32
        %sub3A_556 = arith.subi %add3A_554, %sub3A_555 : i32
        %dma_wait3A_557 = arith.constant 2 : i32
        %dma_wait3A_558 = arith.constant 2 : i32
        %dma_wait3A_559 = arith.constant 0 : i32
        %dma_wait3A_560 = arith.constant 0 : i32
        %dma_wait3A_561 = tpu.memref_slice %arg9[%dma_wait3A_557, %dma_wait3A_559, %dma_wait3A_560] : memref<5x128x64xf32, #tpu.memory_space<vmem>> -> memref<1x128x64xf32, #tpu.memory_space<vmem>>
        %dma_wait3A_562 = tpu.memref_squeeze %dma_wait3A_561 : memref<1x128x64xf32, #tpu.memory_space<vmem>> -> memref<128x64xf32, #tpu.memory_space<vmem>>
        %dma_wait3A_563 = arith.constant 0 : i32
        %dma_wait3A_564 = tpu.memref_slice %arg8[%dma_wait3A_558, %dma_wait3A_563] : memref<5x128xi32, #tpu.memory_space<vmem>> -> memref<1x128xi32, #tpu.memory_space<vmem>>
        %dma_wait3A_565 = tpu.memref_squeeze %dma_wait3A_564 : memref<1x128xi32, #tpu.memory_space<vmem>> -> memref<128xi32, #tpu.memory_space<vmem>>
        %dma_wait3A_566 = arith.constant 0 : i32
        %dma_wait3A_567 = arith.constant 0 : i32
        %dma_wait3A_568 = tpu.memref_slice %arg10[%dma_wait3A_566, %dma_wait3A_567] : memref<10112x64xf32, #tpu.memory_space<vmem_shared>> -> memref<10112x64xf32, #tpu.memory_space<vmem_shared>>
        tpu.wait_indirect_dma semaphore(%arg14 : memref<!tpu.dma_semaphore, #tpu.memory_space<semaphore_mem>>) src(%dma_wait3A_562 : memref<128x64xf32, #tpu.memory_space<vmem>>) dst(%dma_wait3A_568 : memref<10112x64xf32, #tpu.memory_space<vmem_shared>>)
      } else {
      }
      %add3A_535 = arith.constant 2 : i32
      %add3A_536 = arith.addi %add3A_499, %add3A_535 : i32
      %add3A_537 = arith.constant 1 : i32
      %add3A_538 = arith.addi %add3A_536, %add3A_537 : i32
      %lt3A_539 = arith.constant 160 : i32
      %lt3A_540 = arith.cmpi slt, %add3A_538, %lt3A_539 : i32
      %convert_element_type3A_541 = arith.extui %lt3A_540 : i1 to i32
      %cond3A_542 = arith.constant 0 : i32
      %cond3A_543 = arith.cmpi ne, %convert_element_type3A_541, %cond3A_542 : i32
      scf.if %cond3A_543 {
        %add3A_551 = arith.constant 2 : i32
        %add3A_552 = arith.addi %add3A_499, %add3A_551 : i32
        %add3A_553 = arith.constant 1 : i32
        %add3A_554 = arith.addi %add3A_552, %add3A_553 : i32
        %dma_start3A_555 = arith.constant 2 : i32
        %dma_start3A_556 = arith.constant 0 : i32
        %dma_start3A_557 = tpu.memref_slice %arg7[%dma_start3A_555, %dma_start3A_556] : memref<5x128xi32, #tpu.memory_space<vmem>> -> memref<1x128xi32, #tpu.memory_space<vmem>>
        %dma_start3A_558 = tpu.memref_squeeze %dma_start3A_557 : memref<1x128xi32, #tpu.memory_space<vmem>> -> memref<128xi32, #tpu.memory_space<vmem>>
        %dma_start3A_559 = arith.constant 0 : i32
        %dma_start3A_560 = arith.constant 0 : i32
        %dma_start3A_561 = tpu.memref_slice %arg3[%arg1, %dma_start3A_559, %dma_start3A_560] : memref<16x160x128xi32, #tpu.memory_space<hbm>> -> memref<1x160x128xi32, #tpu.memory_space<hbm>>
        %dma_start3A_562 = tpu.memref_squeeze %dma_start3A_561 : memref<1x160x128xi32, #tpu.memory_space<hbm>> -> memref<160x128xi32, #tpu.memory_space<hbm>>
        %dma_start3A_563 = arith.constant 0 : i32
        %dma_start3A_564 = tpu.memref_slice %dma_start3A_562[%add3A_554, %dma_start3A_563] : memref<160x128xi32, #tpu.memory_space<hbm>> -> memref<1x128xi32, #tpu.memory_space<hbm>>
        %dma_start3A_565 = tpu.memref_squeeze %dma_start3A_564 : memref<1x128xi32, #tpu.memory_space<hbm>> -> memref<128xi32, #tpu.memory_space<hbm>>
        %dma_start3A_566 = arith.constant 0 : i32
        %dma_start3A_567 = tpu.memref_slice %arg7[%dma_start3A_555, %dma_start3A_566] : memref<5x128xi32, #tpu.memory_space<vmem>> -> memref<1x128xi32, #tpu.memory_space<vmem>>
        %dma_start3A_568 = tpu.memref_squeeze %dma_start3A_567 : memref<1x128xi32, #tpu.memory_space<vmem>> -> memref<128xi32, #tpu.memory_space<vmem>>
        %dma_start3A_569 = arith.constant 0 : i32
        %dma_start3A_570 = arith.constant 0 : i32
        %dma_start3A_571 = tpu.memref_slice %arg3[%arg1, %dma_start3A_569, %dma_start3A_570] : memref<16x160x128xi32, #tpu.memory_space<hbm>> -> memref<1x160x128xi32, #tpu.memory_space<hbm>>
        %dma_start3A_572 = tpu.memref_squeeze %dma_start3A_571 : memref<1x160x128xi32, #tpu.memory_space<hbm>> -> memref<160x128xi32, #tpu.memory_space<hbm>>
        %dma_start3A_573 = arith.constant 0 : i32
        %dma_start3A_574 = tpu.memref_slice %dma_start3A_572[%add3A_554, %dma_start3A_573] : memref<160x128xi32, #tpu.memory_space<hbm>> -> memref<1x128xi32, #tpu.memory_space<hbm>>
        %dma_start3A_575 = tpu.memref_squeeze %dma_start3A_574 : memref<1x128xi32, #tpu.memory_space<hbm>> -> memref<128xi32, #tpu.memory_space<hbm>>
        tpu.enqueue_dma source(%dma_start3A_575 : memref<128xi32, #tpu.memory_space<hbm>>) target(%dma_start3A_568 : memref<128xi32, #tpu.memory_space<vmem>>) target_semaphore(%arg14 : memref<!tpu.dma_semaphore, #tpu.memory_space<semaphore_mem>>)
        %dma_start3A_576 = arith.constant 2 : i32
        %dma_start3A_577 = arith.constant 0 : i32
        %dma_start3A_578 = tpu.memref_slice %arg8[%dma_start3A_576, %dma_start3A_577] : memref<5x128xi32, #tpu.memory_space<vmem>> -> memref<1x128xi32, #tpu.memory_space<vmem>>
        %dma_start3A_579 = tpu.memref_squeeze %dma_start3A_578 : memref<1x128xi32, #tpu.memory_space<vmem>> -> memref<128xi32, #tpu.memory_space<vmem>>
        %dma_start3A_580 = arith.constant 0 : i32
        %dma_start3A_581 = arith.constant 0 : i32
        %dma_start3A_582 = tpu.memref_slice %arg4[%arg1, %dma_start3A_580, %dma_start3A_581] : memref<16x160x128xi32, #tpu.memory_space<hbm>> -> memref<1x160x128xi32, #tpu.memory_space<hbm>>
        %dma_start3A_583 = tpu.memref_squeeze %dma_start3A_582 : memref<1x160x128xi32, #tpu.memory_space<hbm>> -> memref<160x128xi32, #tpu.memory_space<hbm>>
        %dma_start3A_584 = arith.constant 0 : i32
        %dma_start3A_585 = tpu.memref_slice %dma_start3A_583[%add3A_554, %dma_start3A_584] : memref<160x128xi32, #tpu.memory_space<hbm>> -> memref<1x128xi32, #tpu.memory_space<hbm>>
        %dma_start3A_586 = tpu.memref_squeeze %dma_start3A_585 : memref<1x128xi32, #tpu.memory_space<hbm>> -> memref<128xi32, #tpu.memory_space<hbm>>
        %dma_start3A_587 = arith.constant 0 : i32
        %dma_start3A_588 = tpu.memref_slice %arg8[%dma_start3A_576, %dma_start3A_587] : memref<5x128xi32, #tpu.memory_space<vmem>> -> memref<1x128xi32, #tpu.memory_space<vmem>>
        %dma_start3A_589 = tpu.memref_squeeze %dma_start3A_588 : memref<1x128xi32, #tpu.memory_space<vmem>> -> memref<128xi32, #tpu.memory_space<vmem>>
        %dma_start3A_590 = arith.constant 0 : i32
        %dma_start3A_591 = arith.constant 0 : i32
        %dma_start3A_592 = tpu.memref_slice %arg4[%arg1, %dma_start3A_590, %dma_start3A_591] : memref<16x160x128xi32, #tpu.memory_space<hbm>> -> memref<1x160x128xi32, #tpu.memory_space<hbm>>
        %dma_start3A_593 = tpu.memref_squeeze %dma_start3A_592 : memref<1x160x128xi32, #tpu.memory_space<hbm>> -> memref<160x128xi32, #tpu.memory_space<hbm>>
        %dma_start3A_594 = arith.constant 0 : i32
        %dma_start3A_595 = tpu.memref_slice %dma_start3A_593[%add3A_554, %dma_start3A_594] : memref<160x128xi32, #tpu.memory_space<hbm>> -> memref<1x128xi32, #tpu.memory_space<hbm>>
        %dma_start3A_596 = tpu.memref_squeeze %dma_start3A_595 : memref<1x128xi32, #tpu.memory_space<hbm>> -> memref<128xi32, #tpu.memory_space<hbm>>
        tpu.enqueue_dma source(%dma_start3A_596 : memref<128xi32, #tpu.memory_space<hbm>>) target(%dma_start3A_589 : memref<128xi32, #tpu.memory_space<vmem>>) target_semaphore(%arg14 : memref<!tpu.dma_semaphore, #tpu.memory_space<semaphore_mem>>)
      } else {
      }
      %add3A_544 = arith.constant 2 : i32
      %add3A_545 = arith.addi %add3A_499, %add3A_544 : i32
      %lt3A_546 = arith.constant 160 : i32
      %lt3A_547 = arith.cmpi slt, %add3A_545, %lt3A_546 : i32
      %convert_element_type3A_548 = arith.extui %lt3A_547 : i1 to i32
      %cond3A_549 = arith.constant 0 : i32
      %cond3A_550 = arith.cmpi ne, %convert_element_type3A_548, %cond3A_549 : i32
      scf.if %cond3A_550 {
        %add3A_551 = arith.constant 2 : i32
        %add3A_552 = arith.addi %add3A_499, %add3A_551 : i32
        %dma_wait3A_553 = arith.constant 1 : i32
        %dma_wait3A_554 = arith.constant 0 : i32
        %dma_wait3A_555 = tpu.memref_slice %arg7[%dma_wait3A_553, %dma_wait3A_554] : memref<5x128xi32, #tpu.memory_space<vmem>> -> memref<1x128xi32, #tpu.memory_space<vmem>>
        %dma_wait3A_556 = tpu.memref_squeeze %dma_wait3A_555 : memref<1x128xi32, #tpu.memory_space<vmem>> -> memref<128xi32, #tpu.memory_space<vmem>>
        %dma_wait3A_557 = arith.constant 0 : i32
        %dma_wait3A_558 = arith.constant 0 : i32
        %dma_wait3A_559 = tpu.memref_slice %arg3[%arg1, %dma_wait3A_557, %dma_wait3A_558] : memref<16x160x128xi32, #tpu.memory_space<hbm>> -> memref<1x160x128xi32, #tpu.memory_space<hbm>>
        %dma_wait3A_560 = tpu.memref_squeeze %dma_wait3A_559 : memref<1x160x128xi32, #tpu.memory_space<hbm>> -> memref<160x128xi32, #tpu.memory_space<hbm>>
        %dma_wait3A_561 = arith.constant 0 : i32
        %dma_wait3A_562 = tpu.memref_slice %dma_wait3A_560[%add3A_552, %dma_wait3A_561] : memref<160x128xi32, #tpu.memory_space<hbm>> -> memref<1x128xi32, #tpu.memory_space<hbm>>
        %dma_wait3A_563 = tpu.memref_squeeze %dma_wait3A_562 : memref<1x128xi32, #tpu.memory_space<hbm>> -> memref<128xi32, #tpu.memory_space<hbm>>
        %dma_wait3A_564 = arith.constant 0 : i32
        %dma_wait3A_565 = tpu.memref_slice %arg7[%dma_wait3A_553, %dma_wait3A_564] : memref<5x128xi32, #tpu.memory_space<vmem>> -> memref<1x128xi32, #tpu.memory_space<vmem>>
        %dma_wait3A_566 = tpu.memref_squeeze %dma_wait3A_565 : memref<1x128xi32, #tpu.memory_space<vmem>> -> memref<128xi32, #tpu.memory_space<vmem>>
        %dma_wait3A_567 = arith.constant 0 : i32
        %dma_wait3A_568 = arith.constant 0 : i32
        %dma_wait3A_569 = tpu.memref_slice %arg3[%arg1, %dma_wait3A_567, %dma_wait3A_568] : memref<16x160x128xi32, #tpu.memory_space<hbm>> -> memref<1x160x128xi32, #tpu.memory_space<hbm>>
        %dma_wait3A_570 = tpu.memref_squeeze %dma_wait3A_569 : memref<1x160x128xi32, #tpu.memory_space<hbm>> -> memref<160x128xi32, #tpu.memory_space<hbm>>
        %dma_wait3A_571 = arith.constant 0 : i32
        %dma_wait3A_572 = tpu.memref_slice %dma_wait3A_570[%add3A_552, %dma_wait3A_571] : memref<160x128xi32, #tpu.memory_space<hbm>> -> memref<1x128xi32, #tpu.memory_space<hbm>>
        %dma_wait3A_573 = tpu.memref_squeeze %dma_wait3A_572 : memref<1x128xi32, #tpu.memory_space<hbm>> -> memref<128xi32, #tpu.memory_space<hbm>>
        tpu.wait_dma2 semaphore(%arg13 : memref<!tpu.dma_semaphore, #tpu.memory_space<semaphore_mem>>) src(%dma_wait3A_573 : memref<128xi32, #tpu.memory_space<hbm>>) dst(%dma_wait3A_566 : memref<128xi32, #tpu.memory_space<vmem>>)
        %dma_wait3A_574 = arith.constant 1 : i32
        %dma_wait3A_575 = arith.constant 0 : i32
        %dma_wait3A_576 = tpu.memref_slice %arg8[%dma_wait3A_574, %dma_wait3A_575] : memref<5x128xi32, #tpu.memory_space<vmem>> -> memref<1x128xi32, #tpu.memory_space<vmem>>
        %dma_wait3A_577 = tpu.memref_squeeze %dma_wait3A_576 : memref<1x128xi32, #tpu.memory_space<vmem>> -> memref<128xi32, #tpu.memory_space<vmem>>
        %dma_wait3A_578 = arith.constant 0 : i32
        %dma_wait3A_579 = arith.constant 0 : i32
        %dma_wait3A_580 = tpu.memref_slice %arg4[%arg1, %dma_wait3A_578, %dma_wait3A_579] : memref<16x160x128xi32, #tpu.memory_space<hbm>> -> memref<1x160x128xi32, #tpu.memory_space<hbm>>
        %dma_wait3A_581 = tpu.memref_squeeze %dma_wait3A_580 : memref<1x160x128xi32, #tpu.memory_space<hbm>> -> memref<160x128xi32, #tpu.memory_space<hbm>>
        %dma_wait3A_582 = arith.constant 0 : i32
        %dma_wait3A_583 = tpu.memref_slice %dma_wait3A_581[%add3A_552, %dma_wait3A_582] : memref<160x128xi32, #tpu.memory_space<hbm>> -> memref<1x128xi32, #tpu.memory_space<hbm>>
        %dma_wait3A_584 = tpu.memref_squeeze %dma_wait3A_583 : memref<1x128xi32, #tpu.memory_space<hbm>> -> memref<128xi32, #tpu.memory_space<hbm>>
        %dma_wait3A_585 = arith.constant 0 : i32
        %dma_wait3A_586 = tpu.memref_slice %arg8[%dma_wait3A_574, %dma_wait3A_585] : memref<5x128xi32, #tpu.memory_space<vmem>> -> memref<1x128xi32, #tpu.memory_space<vmem>>
        %dma_wait3A_587 = tpu.memref_squeeze %dma_wait3A_586 : memref<1x128xi32, #tpu.memory_space<vmem>> -> memref<128xi32, #tpu.memory_space<vmem>>
        %dma_wait3A_588 = arith.constant 0 : i32
        %dma_wait3A_589 = arith.constant 0 : i32
        %dma_wait3A_590 = tpu.memref_slice %arg4[%arg1, %dma_wait3A_588, %dma_wait3A_589] : memref<16x160x128xi32, #tpu.memory_space<hbm>> -> memref<1x160x128xi32, #tpu.memory_space<hbm>>
        %dma_wait3A_591 = tpu.memref_squeeze %dma_wait3A_590 : memref<1x160x128xi32, #tpu.memory_space<hbm>> -> memref<160x128xi32, #tpu.memory_space<hbm>>
        %dma_wait3A_592 = arith.constant 0 : i32
        %dma_wait3A_593 = tpu.memref_slice %dma_wait3A_591[%add3A_552, %dma_wait3A_592] : memref<160x128xi32, #tpu.memory_space<hbm>> -> memref<1x128xi32, #tpu.memory_space<hbm>>
        %dma_wait3A_594 = tpu.memref_squeeze %dma_wait3A_593 : memref<1x128xi32, #tpu.memory_space<hbm>> -> memref<128xi32, #tpu.memory_space<hbm>>
        tpu.wait_dma2 semaphore(%arg13 : memref<!tpu.dma_semaphore, #tpu.memory_space<semaphore_mem>>) src(%dma_wait3A_594 : memref<128xi32, #tpu.memory_space<hbm>>) dst(%dma_wait3A_587 : memref<128xi32, #tpu.memory_space<vmem>>)
        %add3A_595 = arith.constant 2 : i32
        %add3A_596 = arith.addi %add3A_499, %add3A_595 : i32
        %dma_start3A_597 = arith.constant 1 : i32
        %dma_start3A_598 = arith.constant 1 : i32
        %dma_start3A_599 = arith.constant 0 : i32
        %dma_start3A_600 = arith.constant 0 : i32
        %dma_start3A_601 = tpu.memref_slice %arg9[%dma_start3A_598, %dma_start3A_599, %dma_start3A_600] : memref<5x128x64xf32, #tpu.memory_space<vmem>> -> memref<1x128x64xf32, #tpu.memory_space<vmem>>
        %dma_start3A_602 = tpu.memref_squeeze %dma_start3A_601 : memref<1x128x64xf32, #tpu.memory_space<vmem>> -> memref<128x64xf32, #tpu.memory_space<vmem>>
        %dma_start3A_603 = arith.constant 0 : i32
        %dma_start3A_604 = tpu.memref_slice %arg7[%dma_start3A_597, %dma_start3A_603] : memref<5x128xi32, #tpu.memory_space<vmem>> -> memref<1x128xi32, #tpu.memory_space<vmem>>
        %dma_start3A_605 = tpu.memref_squeeze %dma_start3A_604 : memref<1x128xi32, #tpu.memory_space<vmem>> -> memref<128xi32, #tpu.memory_space<vmem>>
        %dma_start3A_606 = arith.constant 0 : i32
        %dma_start3A_607 = arith.constant 0 : i32
        %dma_start3A_608 = tpu.memref_slice %arg11[%dma_start3A_606, %dma_start3A_607] : memref<10000x64xf32, #tpu.memory_space<vmem_shared>> -> memref<10000x64xf32, #tpu.memory_space<vmem_shared>>
        tpu.enqueue_indirect_dma source(%dma_start3A_608 : memref<10000x64xf32, #tpu.memory_space<vmem_shared>>) target(%dma_start3A_602 : memref<128x64xf32, #tpu.memory_space<vmem>>) offsets(%dma_start3A_605 : memref<128xi32, #tpu.memory_space<vmem>>) semaphore(%arg13 : memref<!tpu.dma_semaphore, #tpu.memory_space<semaphore_mem>>)
      } else {
      }
    }
    %scan3A_253 = arith.constant 32 : i32
    %dma_wait3A_254 = arith.constant 3 : i32
    %dma_wait3A_255 = arith.constant 3 : i32
    %dma_wait3A_256 = arith.constant 0 : i32
    %dma_wait3A_257 = arith.constant 0 : i32
    %dma_wait3A_258 = tpu.memref_slice %arg9[%dma_wait3A_254, %dma_wait3A_256, %dma_wait3A_257] : memref<5x128x64xf32, #tpu.memory_space<vmem>> -> memref<1x128x64xf32, #tpu.memory_space<vmem>>
    %dma_wait3A_259 = tpu.memref_squeeze %dma_wait3A_258 : memref<1x128x64xf32, #tpu.memory_space<vmem>> -> memref<128x64xf32, #tpu.memory_space<vmem>>
    %dma_wait3A_260 = arith.constant 0 : i32
    %dma_wait3A_261 = tpu.memref_slice %arg8[%dma_wait3A_255, %dma_wait3A_260] : memref<5x128xi32, #tpu.memory_space<vmem>> -> memref<1x128xi32, #tpu.memory_space<vmem>>
    %dma_wait3A_262 = tpu.memref_squeeze %dma_wait3A_261 : memref<1x128xi32, #tpu.memory_space<vmem>> -> memref<128xi32, #tpu.memory_space<vmem>>
    %dma_wait3A_263 = arith.constant 0 : i32
    %dma_wait3A_264 = arith.constant 0 : i32
    %dma_wait3A_265 = tpu.memref_slice %arg10[%dma_wait3A_263, %dma_wait3A_264] : memref<10112x64xf32, #tpu.memory_space<vmem_shared>> -> memref<10112x64xf32, #tpu.memory_space<vmem_shared>>
    tpu.wait_indirect_dma semaphore(%arg15 : memref<!tpu.dma_semaphore, #tpu.memory_space<semaphore_mem>>) src(%dma_wait3A_259 : memref<128x64xf32, #tpu.memory_space<vmem>>) dst(%dma_wait3A_265 : memref<10112x64xf32, #tpu.memory_space<vmem_shared>>)
    %dma_wait3A_266 = arith.constant 4 : i32
    %dma_wait3A_267 = arith.constant 4 : i32
    %dma_wait3A_268 = arith.constant 0 : i32
    %dma_wait3A_269 = arith.constant 0 : i32
    %dma_wait3A_270 = tpu.memref_slice %arg9[%dma_wait3A_266, %dma_wait3A_268, %dma_wait3A_269] : memref<5x128x64xf32, #tpu.memory_space<vmem>> -> memref<1x128x64xf32, #tpu.memory_space<vmem>>
    %dma_wait3A_271 = tpu.memref_squeeze %dma_wait3A_270 : memref<1x128x64xf32, #tpu.memory_space<vmem>> -> memref<128x64xf32, #tpu.memory_space<vmem>>
    %dma_wait3A_272 = arith.constant 0 : i32
    %dma_wait3A_273 = tpu.memref_slice %arg8[%dma_wait3A_267, %dma_wait3A_272] : memref<5x128xi32, #tpu.memory_space<vmem>> -> memref<1x128xi32, #tpu.memory_space<vmem>>
    %dma_wait3A_274 = tpu.memref_squeeze %dma_wait3A_273 : memref<1x128xi32, #tpu.memory_space<vmem>> -> memref<128xi32, #tpu.memory_space<vmem>>
    %dma_wait3A_275 = arith.constant 0 : i32
    %dma_wait3A_276 = arith.constant 0 : i32
    %dma_wait3A_277 = tpu.memref_slice %arg10[%dma_wait3A_275, %dma_wait3A_276] : memref<10112x64xf32, #tpu.memory_space<vmem_shared>> -> memref<10112x64xf32, #tpu.memory_space<vmem_shared>>
    tpu.wait_indirect_dma semaphore(%arg16 : memref<!tpu.dma_semaphore, #tpu.memory_space<semaphore_mem>>) src(%dma_wait3A_271 : memref<128x64xf32, #tpu.memory_space<vmem>>) dst(%dma_wait3A_277 : memref<10112x64xf32, #tpu.memory_space<vmem_shared>>)
    %barrier3A_278 = arith.constant 0 : index
    tpu.barrier barrier_id(%barrier3A_278)
    "tpu.region"() ({
      %run_scoped3A = tpu.sem_alloc : memref<!tpu.dma_semaphore, #tpu.memory_space<semaphore_mem>>
      %dma_start3A_279 = tpu.memref_slice %arg6[%mul3A_2, %mul3A_0] : memref<10112x128xf32, #tpu.memory_space<hbm>> -> memref<632x64xf32, #tpu.memory_space<hbm>>
      %dma_start3A_280 = arith.constant 0 : i32
      %dma_start3A_281 = tpu.memref_slice %arg10[%mul3A_2, %dma_start3A_280] : memref<10112x64xf32, #tpu.memory_space<vmem_shared>> -> memref<632x64xf32, #tpu.memory_space<vmem_shared>>
      tpu.enqueue_dma source(%dma_start3A_281 : memref<632x64xf32, #tpu.memory_space<vmem_shared>>) target(%dma_start3A_279 : memref<632x64xf32, #tpu.memory_space<hbm>>) target_semaphore(%run_scoped3A : memref<!tpu.dma_semaphore, #tpu.memory_space<semaphore_mem>>)
      %dma_wait3A_282 = tpu.memref_slice %arg6[%mul3A_2, %mul3A_0] : memref<10112x128xf32, #tpu.memory_space<hbm>> -> memref<632x64xf32, #tpu.memory_space<hbm>>
      %dma_wait3A_283 = arith.constant 0 : i32
      %dma_wait3A_284 = tpu.memref_slice %arg10[%mul3A_2, %dma_wait3A_283] : memref<10112x64xf32, #tpu.memory_space<vmem_shared>> -> memref<632x64xf32, #tpu.memory_space<vmem_shared>>
      tpu.wait_dma2 semaphore(%run_scoped3A : memref<!tpu.dma_semaphore, #tpu.memory_space<semaphore_mem>>) src(%dma_wait3A_284 : memref<632x64xf32, #tpu.memory_space<vmem_shared>>) dst(%dma_wait3A_282 : memref<632x64xf32, #tpu.memory_space<hbm>>)
      tpu.yield
    }) : () -> ()
    return
  }
}

#map = affine_map<(d0, d1) -> (0, 0, 0)>
#map1 = affine_map<(d0, d1) -> (0, 0)>
module attributes {stable_mosaic.version = 14 : i64} {
  func.func @_deg_kernel(%arg0: i32, %arg1: i32, %arg2: memref<16x160x128xi32, #tpu.memory_space<hbm>>, %arg3: memref<16x160x128xi32, #tpu.memory_space<hbm>>, %arg4: memref<1x128xi32, #tpu.memory_space<hbm>>, %arg5: memref<2x128x128xf32, #tpu.memory_space<hbm>>, %arg6: memref<2x128x128xf32, #tpu.memory_space<hbm>>, %arg7: memref<80x128xi32, #tpu.memory_space<vmem>>, %arg8: memref<80x128xi32, #tpu.memory_space<vmem>>, %arg9: memref<128x128xf32, #tpu.memory_space<vmem>>, %arg10: memref<128x128xf32, #tpu.memory_space<vmem>>, %arg11: memref<128x128xf32, #tpu.memory_space<vmem_shared>>, %arg12: memref<128x128xf32, #tpu.memory_space<vmem_shared>>, %arg13: memref<1x128xi32, #tpu.memory_space<vmem>>, %arg14: memref<!tpu.dma_semaphore, #tpu.memory_space<semaphore_mem>>) attributes {dimension_semantics = [#tpu.dimension_semantics<core_parallel>, #tpu.dimension_semantics<subcore_parallel>], iteration_bounds = array<i64: 2, 16>, scalar_prefetch = 0 : i64, scratch_operands = 8 : i64, tpu.core_type = #tpu.core_type<sc_vector_subcore>, window_params = [{transform_indices = #map}, {transform_indices = #map}, {transform_indices = #map1}, {transform_indices = #map}, {transform_indices = #map}]} {
    %broadcast_in_dim3A = arith.constant 0.000000e+00 : f32
    %broadcast_in_dim3A_0 = vector.broadcast %broadcast_in_dim3A : f32 to vector<16xf32>
    %broadcast_in_dim3A_1 = arith.constant 1.000000e+00 : f32
    %broadcast_in_dim3A_2 = vector.broadcast %broadcast_in_dim3A_1 : f32 to vector<16xf32>
    %scan3A = arith.constant 0 : i32
    %scan3A_3 = arith.constant 0 : i32
    %scan3A_4 = arith.constant 1024 : i32
    %scan3A_5 = arith.addi %scan3A_3, %scan3A_4 : i32
    %scan3A_6 = arith.constant 1 : i32
    scf.for %scan3A_56 = %scan3A_3 to %scan3A_5 step %scan3A_6  : i32 {
      %shift_right_arithmetic3A = arith.constant 3 : i32
      %shift_right_arithmetic3A_57 = arith.shrsi %scan3A_56, %shift_right_arithmetic3A : i32
      %and3A = arith.constant 7 : i32
      %and3A_58 = arith.andi %scan3A_56, %and3A : i32
      %mul3A_59 = arith.constant 16 : i32
      %mul3A_60 = arith.muli %and3A_58, %mul3A_59 : i32
      %swap3A = arith.index_cast %shift_right_arithmetic3A_57 : i32 to index
      %swap3A_61 = arith.index_cast %mul3A_60 : i32 to index
      %swap3A_62 = tpu.vector_load %arg9[%swap3A, %swap3A_61] {strides = array<i32>} : memref<128x128xf32, #tpu.memory_space<vmem>>, vector<16xf32>,
      tpu.vector_store %arg9[%swap3A, %swap3A_61], %broadcast_in_dim3A_0 {strides = array<i32>} : memref<128x128xf32, #tpu.memory_space<vmem>>, vector<16xf32>,
      %swap3A_63 = arith.index_cast %shift_right_arithmetic3A_57 : i32 to index
      %swap3A_64 = arith.index_cast %mul3A_60 : i32 to index
      %swap3A_65 = tpu.vector_load %arg10[%swap3A_63, %swap3A_64] {strides = array<i32>} : memref<128x128xf32, #tpu.memory_space<vmem>>, vector<16xf32>,
      tpu.vector_store %arg10[%swap3A_63, %swap3A_64], %broadcast_in_dim3A_0 {strides = array<i32>} : memref<128x128xf32, #tpu.memory_space<vmem>>, vector<16xf32>,
    }
    %scan3A_7 = arith.constant 1024 : i32
    %mul3A = arith.constant 8 : i32
    %mul3A_8 = arith.muli %arg1, %mul3A : i32
    "tpu.region"() ({
      %run_scoped3A = tpu.sem_alloc : memref<!tpu.dma_semaphore, #tpu.memory_space<semaphore_mem>>
      %dma_start3A_56 = arith.constant 0 : i32
      %dma_start3A_57 = arith.constant 0 : i32
      %dma_start3A_58 = tpu.memref_slice %arg9[%dma_start3A_56, %dma_start3A_57] : memref<128x128xf32, #tpu.memory_space<vmem>> -> memref<8x128xf32, #tpu.memory_space<vmem>>
      %dma_start3A_59 = arith.constant 0 : i32
      %dma_start3A_60 = tpu.memref_slice %arg11[%mul3A_8, %dma_start3A_59] : memref<128x128xf32, #tpu.memory_space<vmem_shared>> -> memref<8x128xf32, #tpu.memory_space<vmem_shared>>
      %dma_start3A_61 = arith.constant 0 : i32
      %dma_start3A_62 = tpu.memref_slice %arg11[%mul3A_8, %dma_start3A_61] : memref<128x128xf32, #tpu.memory_space<vmem_shared>> -> memref<8x128xf32, #tpu.memory_space<vmem_shared>>
      %dma_start3A_63 = arith.constant 0 : i32
      %dma_start3A_64 = arith.constant 0 : i32
      %dma_start3A_65 = tpu.memref_slice %arg9[%dma_start3A_63, %dma_start3A_64] : memref<128x128xf32, #tpu.memory_space<vmem>> -> memref<8x128xf32, #tpu.memory_space<vmem>>
      tpu.enqueue_dma source(%dma_start3A_65 : memref<8x128xf32, #tpu.memory_space<vmem>>) target(%dma_start3A_62 : memref<8x128xf32, #tpu.memory_space<vmem_shared>>) target_semaphore(%run_scoped3A : memref<!tpu.dma_semaphore, #tpu.memory_space<semaphore_mem>>)
      %dma_wait3A_66 = arith.constant 0 : i32
      %dma_wait3A_67 = arith.constant 0 : i32
      %dma_wait3A_68 = tpu.memref_slice %arg9[%dma_wait3A_66, %dma_wait3A_67] : memref<128x128xf32, #tpu.memory_space<vmem>> -> memref<8x128xf32, #tpu.memory_space<vmem>>
      %dma_wait3A_69 = arith.constant 0 : i32
      %dma_wait3A_70 = tpu.memref_slice %arg11[%mul3A_8, %dma_wait3A_69] : memref<128x128xf32, #tpu.memory_space<vmem_shared>> -> memref<8x128xf32, #tpu.memory_space<vmem_shared>>
      %dma_wait3A_71 = arith.constant 0 : i32
      %dma_wait3A_72 = tpu.memref_slice %arg11[%mul3A_8, %dma_wait3A_71] : memref<128x128xf32, #tpu.memory_space<vmem_shared>> -> memref<8x128xf32, #tpu.memory_space<vmem_shared>>
      %dma_wait3A_73 = arith.constant 0 : i32
      %dma_wait3A_74 = arith.constant 0 : i32
      %dma_wait3A_75 = tpu.memref_slice %arg9[%dma_wait3A_73, %dma_wait3A_74] : memref<128x128xf32, #tpu.memory_space<vmem>> -> memref<8x128xf32, #tpu.memory_space<vmem>>
      tpu.wait_dma2 semaphore(%run_scoped3A : memref<!tpu.dma_semaphore, #tpu.memory_space<semaphore_mem>>) src(%dma_wait3A_75 : memref<8x128xf32, #tpu.memory_space<vmem>>) dst(%dma_wait3A_72 : memref<8x128xf32, #tpu.memory_space<vmem_shared>>)
      tpu.yield
    }) : () -> ()
    %mul3A_9 = arith.constant 8 : i32
    %mul3A_10 = arith.muli %arg1, %mul3A_9 : i32
    "tpu.region"() ({
      %run_scoped3A = tpu.sem_alloc : memref<!tpu.dma_semaphore, #tpu.memory_space<semaphore_mem>>
      %dma_start3A_56 = arith.constant 0 : i32
      %dma_start3A_57 = arith.constant 0 : i32
      %dma_start3A_58 = tpu.memref_slice %arg9[%dma_start3A_56, %dma_start3A_57] : memref<128x128xf32, #tpu.memory_space<vmem>> -> memref<8x128xf32, #tpu.memory_space<vmem>>
      %dma_start3A_59 = arith.constant 0 : i32
      %dma_start3A_60 = tpu.memref_slice %arg12[%mul3A_10, %dma_start3A_59] : memref<128x128xf32, #tpu.memory_space<vmem_shared>> -> memref<8x128xf32, #tpu.memory_space<vmem_shared>>
      %dma_start3A_61 = arith.constant 0 : i32
      %dma_start3A_62 = tpu.memref_slice %arg12[%mul3A_10, %dma_start3A_61] : memref<128x128xf32, #tpu.memory_space<vmem_shared>> -> memref<8x128xf32, #tpu.memory_space<vmem_shared>>
      %dma_start3A_63 = arith.constant 0 : i32
      %dma_start3A_64 = arith.constant 0 : i32
      %dma_start3A_65 = tpu.memref_slice %arg9[%dma_start3A_63, %dma_start3A_64] : memref<128x128xf32, #tpu.memory_space<vmem>> -> memref<8x128xf32, #tpu.memory_space<vmem>>
      tpu.enqueue_dma source(%dma_start3A_65 : memref<8x128xf32, #tpu.memory_space<vmem>>) target(%dma_start3A_62 : memref<8x128xf32, #tpu.memory_space<vmem_shared>>) target_semaphore(%run_scoped3A : memref<!tpu.dma_semaphore, #tpu.memory_space<semaphore_mem>>)
      %dma_wait3A_66 = arith.constant 0 : i32
      %dma_wait3A_67 = arith.constant 0 : i32
      %dma_wait3A_68 = tpu.memref_slice %arg9[%dma_wait3A_66, %dma_wait3A_67] : memref<128x128xf32, #tpu.memory_space<vmem>> -> memref<8x128xf32, #tpu.memory_space<vmem>>
      %dma_wait3A_69 = arith.constant 0 : i32
      %dma_wait3A_70 = tpu.memref_slice %arg12[%mul3A_10, %dma_wait3A_69] : memref<128x128xf32, #tpu.memory_space<vmem_shared>> -> memref<8x128xf32, #tpu.memory_space<vmem_shared>>
      %dma_wait3A_71 = arith.constant 0 : i32
      %dma_wait3A_72 = tpu.memref_slice %arg12[%mul3A_10, %dma_wait3A_71] : memref<128x128xf32, #tpu.memory_space<vmem_shared>> -> memref<8x128xf32, #tpu.memory_space<vmem_shared>>
      %dma_wait3A_73 = arith.constant 0 : i32
      %dma_wait3A_74 = arith.constant 0 : i32
      %dma_wait3A_75 = tpu.memref_slice %arg9[%dma_wait3A_73, %dma_wait3A_74] : memref<128x128xf32, #tpu.memory_space<vmem>> -> memref<8x128xf32, #tpu.memory_space<vmem>>
      tpu.wait_dma2 semaphore(%run_scoped3A : memref<!tpu.dma_semaphore, #tpu.memory_space<semaphore_mem>>) src(%dma_wait3A_75 : memref<8x128xf32, #tpu.memory_space<vmem>>) dst(%dma_wait3A_72 : memref<8x128xf32, #tpu.memory_space<vmem_shared>>)
      tpu.yield
    }) : () -> ()
    %mul3A_11 = arith.constant 80 : i32
    %mul3A_12 = arith.muli %arg0, %mul3A_11 : i32
    "tpu.region"() ({
      %run_scoped3A = tpu.sem_alloc : memref<!tpu.dma_semaphore, #tpu.memory_space<semaphore_mem>>
      %dma_start3A_56 = arith.constant 0 : i32
      %dma_start3A_57 = tpu.memref_slice %arg2[%arg1, %mul3A_12, %dma_start3A_56] : memref<16x160x128xi32, #tpu.memory_space<hbm>> -> memref<1x80x128xi32, #tpu.memory_space<hbm>>
      %dma_start3A_58 = tpu.memref_squeeze %dma_start3A_57 : memref<1x80x128xi32, #tpu.memory_space<hbm>> -> memref<80x128xi32, #tpu.memory_space<hbm>>
      %dma_start3A_59 = arith.constant 0 : i32
      %dma_start3A_60 = tpu.memref_slice %arg2[%arg1, %mul3A_12, %dma_start3A_59] : memref<16x160x128xi32, #tpu.memory_space<hbm>> -> memref<1x80x128xi32, #tpu.memory_space<hbm>>
      %dma_start3A_61 = tpu.memref_squeeze %dma_start3A_60 : memref<1x80x128xi32, #tpu.memory_space<hbm>> -> memref<80x128xi32, #tpu.memory_space<hbm>>
      tpu.enqueue_dma source(%dma_start3A_61 : memref<80x128xi32, #tpu.memory_space<hbm>>) target(%arg7 : memref<80x128xi32, #tpu.memory_space<vmem>>) target_semaphore(%run_scoped3A : memref<!tpu.dma_semaphore, #tpu.memory_space<semaphore_mem>>)
      %dma_wait3A_62 = arith.constant 0 : i32
      %dma_wait3A_63 = tpu.memref_slice %arg2[%arg1, %mul3A_12, %dma_wait3A_62] : memref<16x160x128xi32, #tpu.memory_space<hbm>> -> memref<1x80x128xi32, #tpu.memory_space<hbm>>
      %dma_wait3A_64 = tpu.memref_squeeze %dma_wait3A_63 : memref<1x80x128xi32, #tpu.memory_space<hbm>> -> memref<80x128xi32, #tpu.memory_space<hbm>>
      %dma_wait3A_65 = arith.constant 0 : i32
      %dma_wait3A_66 = tpu.memref_slice %arg2[%arg1, %mul3A_12, %dma_wait3A_65] : memref<16x160x128xi32, #tpu.memory_space<hbm>> -> memref<1x80x128xi32, #tpu.memory_space<hbm>>
      %dma_wait3A_67 = tpu.memref_squeeze %dma_wait3A_66 : memref<1x80x128xi32, #tpu.memory_space<hbm>> -> memref<80x128xi32, #tpu.memory_space<hbm>>
      tpu.wait_dma2 semaphore(%run_scoped3A : memref<!tpu.dma_semaphore, #tpu.memory_space<semaphore_mem>>) src(%dma_wait3A_67 : memref<80x128xi32, #tpu.memory_space<hbm>>) dst(%arg7 : memref<80x128xi32, #tpu.memory_space<vmem>>)
      tpu.yield
    }) : () -> ()
    %mul3A_13 = arith.constant 80 : i32
    %mul3A_14 = arith.muli %arg0, %mul3A_13 : i32
    "tpu.region"() ({
      %run_scoped3A = tpu.sem_alloc : memref<!tpu.dma_semaphore, #tpu.memory_space<semaphore_mem>>
      %dma_start3A_56 = arith.constant 0 : i32
      %dma_start3A_57 = tpu.memref_slice %arg3[%arg1, %mul3A_14, %dma_start3A_56] : memref<16x160x128xi32, #tpu.memory_space<hbm>> -> memref<1x80x128xi32, #tpu.memory_space<hbm>>
      %dma_start3A_58 = tpu.memref_squeeze %dma_start3A_57 : memref<1x80x128xi32, #tpu.memory_space<hbm>> -> memref<80x128xi32, #tpu.memory_space<hbm>>
      %dma_start3A_59 = arith.constant 0 : i32
      %dma_start3A_60 = tpu.memref_slice %arg3[%arg1, %mul3A_14, %dma_start3A_59] : memref<16x160x128xi32, #tpu.memory_space<hbm>> -> memref<1x80x128xi32, #tpu.memory_space<hbm>>
      %dma_start3A_61 = tpu.memref_squeeze %dma_start3A_60 : memref<1x80x128xi32, #tpu.memory_space<hbm>> -> memref<80x128xi32, #tpu.memory_space<hbm>>
      tpu.enqueue_dma source(%dma_start3A_61 : memref<80x128xi32, #tpu.memory_space<hbm>>) target(%arg8 : memref<80x128xi32, #tpu.memory_space<vmem>>) target_semaphore(%run_scoped3A : memref<!tpu.dma_semaphore, #tpu.memory_space<semaphore_mem>>)
      %dma_wait3A_62 = arith.constant 0 : i32
      %dma_wait3A_63 = tpu.memref_slice %arg3[%arg1, %mul3A_14, %dma_wait3A_62] : memref<16x160x128xi32, #tpu.memory_space<hbm>> -> memref<1x80x128xi32, #tpu.memory_space<hbm>>
      %dma_wait3A_64 = tpu.memref_squeeze %dma_wait3A_63 : memref<1x80x128xi32, #tpu.memory_space<hbm>> -> memref<80x128xi32, #tpu.memory_space<hbm>>
      %dma_wait3A_65 = arith.constant 0 : i32
      %dma_wait3A_66 = tpu.memref_slice %arg3[%arg1, %mul3A_14, %dma_wait3A_65] : memref<16x160x128xi32, #tpu.memory_space<hbm>> -> memref<1x80x128xi32, #tpu.memory_space<hbm>>
      %dma_wait3A_67 = tpu.memref_squeeze %dma_wait3A_66 : memref<1x80x128xi32, #tpu.memory_space<hbm>> -> memref<80x128xi32, #tpu.memory_space<hbm>>
      tpu.wait_dma2 semaphore(%run_scoped3A : memref<!tpu.dma_semaphore, #tpu.memory_space<semaphore_mem>>) src(%dma_wait3A_67 : memref<80x128xi32, #tpu.memory_space<hbm>>) dst(%arg8 : memref<80x128xi32, #tpu.memory_space<vmem>>)
      tpu.yield
    }) : () -> ()
    "tpu.region"() ({
      %run_scoped3A = tpu.sem_alloc : memref<!tpu.dma_semaphore, #tpu.memory_space<semaphore_mem>>
      tpu.enqueue_dma source(%arg4 : memref<1x128xi32, #tpu.memory_space<hbm>>) target(%arg13 : memref<1x128xi32, #tpu.memory_space<vmem>>) target_semaphore(%run_scoped3A : memref<!tpu.dma_semaphore, #tpu.memory_space<semaphore_mem>>)
      tpu.wait_dma2 semaphore(%run_scoped3A : memref<!tpu.dma_semaphore, #tpu.memory_space<semaphore_mem>>) src(%arg4 : memref<1x128xi32, #tpu.memory_space<hbm>>) dst(%arg13 : memref<1x128xi32, #tpu.memory_space<vmem>>)
      tpu.yield
    }) : () -> ()
    %barrier3A = arith.constant 0 : index
    tpu.barrier barrier_id(%barrier3A)
    %scan3A_15 = arith.constant 0 : i32
    %scan3A_16 = arith.constant 0 : i32
    %scan3A_17 = arith.constant 80 : i32
    %scan3A_18 = arith.addi %scan3A_16, %scan3A_17 : i32
    %scan3A_19 = arith.constant 1 : i32
    scf.for %scan3A_56 = %scan3A_16 to %scan3A_18 step %scan3A_19  : i32 {
      %get3A = arith.index_cast %scan3A_56 : i32 to index
      %get3A_57 = arith.constant 0 : index
      %get3A_58 = tpu.vector_load %arg7[%get3A, %get3A_57] {strides = array<i32>} : memref<80x128xi32, #tpu.memory_space<vmem>>, vector<16xi32>,
      %shift_right_logical3A = arith.constant 7 : i32
      %shift_right_logical3A_59 = vector.broadcast %shift_right_logical3A : i32 to vector<16xi32>
      %shift_right_logical3A_60 = arith.shrui %get3A_58, %shift_right_logical3A_59 : vector<16xi32>
      %and3A = arith.constant 127 : i32
      %and3A_61 = vector.broadcast %and3A : i32 to vector<16xi32>
      %and3A_62 = arith.andi %get3A_58, %and3A_61 : vector<16xi32>
      tpu.vector_store_idx %arg9[%shift_right_logical3A_60, %and3A_62], %broadcast_in_dim3A_2 {add = true} : memref<128x128xf32, #tpu.memory_space<vmem>>[vector<16xi32>, vector<16xi32>], vector<16xf32>,
      %get3A_63 = arith.index_cast %scan3A_56 : i32 to index
      %get3A_64 = arith.constant 0 : index
      %get3A_65 = tpu.vector_load %arg8[%get3A_63, %get3A_64] {strides = array<i32>} : memref<80x128xi32, #tpu.memory_space<vmem>>, vector<16xi32>,
      %shift_right_logical3A_66 = arith.constant 7 : i32
      %shift_right_logical3A_67 = vector.broadcast %shift_right_logical3A_66 : i32 to vector<16xi32>
      %shift_right_logical3A_68 = arith.shrui %get3A_65, %shift_right_logical3A_67 : vector<16xi32>
      %and3A_69 = arith.constant 127 : i32
      %and3A_70 = vector.broadcast %and3A_69 : i32 to vector<16xi32>
      %and3A_71 = arith.andi %get3A_65, %and3A_70 : vector<16xi32>
      tpu.vector_store_idx %arg10[%shift_right_logical3A_68, %and3A_71], %broadcast_in_dim3A_2 {add = true} : memref<128x128xf32, #tpu.memory_space<vmem>>[vector<16xi32>, vector<16xi32>], vector<16xf32>,
      %get3A_72 = arith.index_cast %scan3A_56 : i32 to index
      %get3A_73 = arith.constant 16 : index
      %get3A_74 = tpu.vector_load %arg7[%get3A_72, %get3A_73] {strides = array<i32>} : memref<80x128xi32, #tpu.memory_space<vmem>>, vector<16xi32>,
      %shift_right_logical3A_75 = arith.constant 7 : i32
      %shift_right_logical3A_76 = vector.broadcast %shift_right_logical3A_75 : i32 to vector<16xi32>
      %shift_right_logical3A_77 = arith.shrui %get3A_74, %shift_right_logical3A_76 : vector<16xi32>
      %and3A_78 = arith.constant 127 : i32
      %and3A_79 = vector.broadcast %and3A_78 : i32 to vector<16xi32>
      %and3A_80 = arith.andi %get3A_74, %and3A_79 : vector<16xi32>
      tpu.vector_store_idx %arg9[%shift_right_logical3A_77, %and3A_80], %broadcast_in_dim3A_2 {add = true} : memref<128x128xf32, #tpu.memory_space<vmem>>[vector<16xi32>, vector<16xi32>], vector<16xf32>,
      %get3A_81 = arith.index_cast %scan3A_56 : i32 to index
      %get3A_82 = arith.constant 16 : index
      %get3A_83 = tpu.vector_load %arg8[%get3A_81, %get3A_82] {strides = array<i32>} : memref<80x128xi32, #tpu.memory_space<vmem>>, vector<16xi32>,
      %shift_right_logical3A_84 = arith.constant 7 : i32
      %shift_right_logical3A_85 = vector.broadcast %shift_right_logical3A_84 : i32 to vector<16xi32>
      %shift_right_logical3A_86 = arith.shrui %get3A_83, %shift_right_logical3A_85 : vector<16xi32>
      %and3A_87 = arith.constant 127 : i32
      %and3A_88 = vector.broadcast %and3A_87 : i32 to vector<16xi32>
      %and3A_89 = arith.andi %get3A_83, %and3A_88 : vector<16xi32>
      tpu.vector_store_idx %arg10[%shift_right_logical3A_86, %and3A_89], %broadcast_in_dim3A_2 {add = true} : memref<128x128xf32, #tpu.memory_space<vmem>>[vector<16xi32>, vector<16xi32>], vector<16xf32>,
      %get3A_90 = arith.index_cast %scan3A_56 : i32 to index
      %get3A_91 = arith.constant 32 : index
      %get3A_92 = tpu.vector_load %arg7[%get3A_90, %get3A_91] {strides = array<i32>} : memref<80x128xi32, #tpu.memory_space<vmem>>, vector<16xi32>,
      %shift_right_logical3A_93 = arith.constant 7 : i32
      %shift_right_logical3A_94 = vector.broadcast %shift_right_logical3A_93 : i32 to vector<16xi32>
      %shift_right_logical3A_95 = arith.shrui %get3A_92, %shift_right_logical3A_94 : vector<16xi32>
      %and3A_96 = arith.constant 127 : i32
      %and3A_97 = vector.broadcast %and3A_96 : i32 to vector<16xi32>
      %and3A_98 = arith.andi %get3A_92, %and3A_97 : vector<16xi32>
      tpu.vector_store_idx %arg9[%shift_right_logical3A_95, %and3A_98], %broadcast_in_dim3A_2 {add = true} : memref<128x128xf32, #tpu.memory_space<vmem>>[vector<16xi32>, vector<16xi32>], vector<16xf32>,
      %get3A_99 = arith.index_cast %scan3A_56 : i32 to index
      %get3A_100 = arith.constant 32 : index
      %get3A_101 = tpu.vector_load %arg8[%get3A_99, %get3A_100] {strides = array<i32>} : memref<80x128xi32, #tpu.memory_space<vmem>>, vector<16xi32>,
      %shift_right_logical3A_102 = arith.constant 7 : i32
      %shift_right_logical3A_103 = vector.broadcast %shift_right_logical3A_102 : i32 to vector<16xi32>
      %shift_right_logical3A_104 = arith.shrui %get3A_101, %shift_right_logical3A_103 : vector<16xi32>
      %and3A_105 = arith.constant 127 : i32
      %and3A_106 = vector.broadcast %and3A_105 : i32 to vector<16xi32>
      %and3A_107 = arith.andi %get3A_101, %and3A_106 : vector<16xi32>
      tpu.vector_store_idx %arg10[%shift_right_logical3A_104, %and3A_107], %broadcast_in_dim3A_2 {add = true} : memref<128x128xf32, #tpu.memory_space<vmem>>[vector<16xi32>, vector<16xi32>], vector<16xf32>,
      %get3A_108 = arith.index_cast %scan3A_56 : i32 to index
      %get3A_109 = arith.constant 48 : index
      %get3A_110 = tpu.vector_load %arg7[%get3A_108, %get3A_109] {strides = array<i32>} : memref<80x128xi32, #tpu.memory_space<vmem>>, vector<16xi32>,
      %shift_right_logical3A_111 = arith.constant 7 : i32
      %shift_right_logical3A_112 = vector.broadcast %shift_right_logical3A_111 : i32 to vector<16xi32>
      %shift_right_logical3A_113 = arith.shrui %get3A_110, %shift_right_logical3A_112 : vector<16xi32>
      %and3A_114 = arith.constant 127 : i32
      %and3A_115 = vector.broadcast %and3A_114 : i32 to vector<16xi32>
      %and3A_116 = arith.andi %get3A_110, %and3A_115 : vector<16xi32>
      tpu.vector_store_idx %arg9[%shift_right_logical3A_113, %and3A_116], %broadcast_in_dim3A_2 {add = true} : memref<128x128xf32, #tpu.memory_space<vmem>>[vector<16xi32>, vector<16xi32>], vector<16xf32>,
      %get3A_117 = arith.index_cast %scan3A_56 : i32 to index
      %get3A_118 = arith.constant 48 : index
      %get3A_119 = tpu.vector_load %arg8[%get3A_117, %get3A_118] {strides = array<i32>} : memref<80x128xi32, #tpu.memory_space<vmem>>, vector<16xi32>,
      %shift_right_logical3A_120 = arith.constant 7 : i32
      %shift_right_logical3A_121 = vector.broadcast %shift_right_logical3A_120 : i32 to vector<16xi32>
      %shift_right_logical3A_122 = arith.shrui %get3A_119, %shift_right_logical3A_121 : vector<16xi32>
      %and3A_123 = arith.constant 127 : i32
      %and3A_124 = vector.broadcast %and3A_123 : i32 to vector<16xi32>
      %and3A_125 = arith.andi %get3A_119, %and3A_124 : vector<16xi32>
      tpu.vector_store_idx %arg10[%shift_right_logical3A_122, %and3A_125], %broadcast_in_dim3A_2 {add = true} : memref<128x128xf32, #tpu.memory_space<vmem>>[vector<16xi32>, vector<16xi32>], vector<16xf32>,
      %get3A_126 = arith.index_cast %scan3A_56 : i32 to index
      %get3A_127 = arith.constant 64 : index
      %get3A_128 = tpu.vector_load %arg7[%get3A_126, %get3A_127] {strides = array<i32>} : memref<80x128xi32, #tpu.memory_space<vmem>>, vector<16xi32>,
      %shift_right_logical3A_129 = arith.constant 7 : i32
      %shift_right_logical3A_130 = vector.broadcast %shift_right_logical3A_129 : i32 to vector<16xi32>
      %shift_right_logical3A_131 = arith.shrui %get3A_128, %shift_right_logical3A_130 : vector<16xi32>
      %and3A_132 = arith.constant 127 : i32
      %and3A_133 = vector.broadcast %and3A_132 : i32 to vector<16xi32>
      %and3A_134 = arith.andi %get3A_128, %and3A_133 : vector<16xi32>
      tpu.vector_store_idx %arg9[%shift_right_logical3A_131, %and3A_134], %broadcast_in_dim3A_2 {add = true} : memref<128x128xf32, #tpu.memory_space<vmem>>[vector<16xi32>, vector<16xi32>], vector<16xf32>,
      %get3A_135 = arith.index_cast %scan3A_56 : i32 to index
      %get3A_136 = arith.constant 64 : index
      %get3A_137 = tpu.vector_load %arg8[%get3A_135, %get3A_136] {strides = array<i32>} : memref<80x128xi32, #tpu.memory_space<vmem>>, vector<16xi32>,
      %shift_right_logical3A_138 = arith.constant 7 : i32
      %shift_right_logical3A_139 = vector.broadcast %shift_right_logical3A_138 : i32 to vector<16xi32>
      %shift_right_logical3A_140 = arith.shrui %get3A_137, %shift_right_logical3A_139 : vector<16xi32>
      %and3A_141 = arith.constant 127 : i32
      %and3A_142 = vector.broadcast %and3A_141 : i32 to vector<16xi32>
      %and3A_143 = arith.andi %get3A_137, %and3A_142 : vector<16xi32>
      tpu.vector_store_idx %arg10[%shift_right_logical3A_140, %and3A_143], %broadcast_in_dim3A_2 {add = true} : memref<128x128xf32, #tpu.memory_space<vmem>>[vector<16xi32>, vector<16xi32>], vector<16xf32>,
      %get3A_144 = arith.index_cast %scan3A_56 : i32 to index
      %get3A_145 = arith.constant 80 : index
      %get3A_146 = tpu.vector_load %arg7[%get3A_144, %get3A_145] {strides = array<i32>} : memref<80x128xi32, #tpu.memory_space<vmem>>, vector<16xi32>,
      %shift_right_logical3A_147 = arith.constant 7 : i32
      %shift_right_logical3A_148 = vector.broadcast %shift_right_logical3A_147 : i32 to vector<16xi32>
      %shift_right_logical3A_149 = arith.shrui %get3A_146, %shift_right_logical3A_148 : vector<16xi32>
      %and3A_150 = arith.constant 127 : i32
      %and3A_151 = vector.broadcast %and3A_150 : i32 to vector<16xi32>
      %and3A_152 = arith.andi %get3A_146, %and3A_151 : vector<16xi32>
      tpu.vector_store_idx %arg9[%shift_right_logical3A_149, %and3A_152], %broadcast_in_dim3A_2 {add = true} : memref<128x128xf32, #tpu.memory_space<vmem>>[vector<16xi32>, vector<16xi32>], vector<16xf32>,
      %get3A_153 = arith.index_cast %scan3A_56 : i32 to index
      %get3A_154 = arith.constant 80 : index
      %get3A_155 = tpu.vector_load %arg8[%get3A_153, %get3A_154] {strides = array<i32>} : memref<80x128xi32, #tpu.memory_space<vmem>>, vector<16xi32>,
      %shift_right_logical3A_156 = arith.constant 7 : i32
      %shift_right_logical3A_157 = vector.broadcast %shift_right_logical3A_156 : i32 to vector<16xi32>
      %shift_right_logical3A_158 = arith.shrui %get3A_155, %shift_right_logical3A_157 : vector<16xi32>
      %and3A_159 = arith.constant 127 : i32
      %and3A_160 = vector.broadcast %and3A_159 : i32 to vector<16xi32>
      %and3A_161 = arith.andi %get3A_155, %and3A_160 : vector<16xi32>
      tpu.vector_store_idx %arg10[%shift_right_logical3A_158, %and3A_161], %broadcast_in_dim3A_2 {add = true} : memref<128x128xf32, #tpu.memory_space<vmem>>[vector<16xi32>, vector<16xi32>], vector<16xf32>,
      %get3A_162 = arith.index_cast %scan3A_56 : i32 to index
      %get3A_163 = arith.constant 96 : index
      %get3A_164 = tpu.vector_load %arg7[%get3A_162, %get3A_163] {strides = array<i32>} : memref<80x128xi32, #tpu.memory_space<vmem>>, vector<16xi32>,
      %shift_right_logical3A_165 = arith.constant 7 : i32
      %shift_right_logical3A_166 = vector.broadcast %shift_right_logical3A_165 : i32 to vector<16xi32>
      %shift_right_logical3A_167 = arith.shrui %get3A_164, %shift_right_logical3A_166 : vector<16xi32>
      %and3A_168 = arith.constant 127 : i32
      %and3A_169 = vector.broadcast %and3A_168 : i32 to vector<16xi32>
      %and3A_170 = arith.andi %get3A_164, %and3A_169 : vector<16xi32>
      tpu.vector_store_idx %arg9[%shift_right_logical3A_167, %and3A_170], %broadcast_in_dim3A_2 {add = true} : memref<128x128xf32, #tpu.memory_space<vmem>>[vector<16xi32>, vector<16xi32>], vector<16xf32>,
      %get3A_171 = arith.index_cast %scan3A_56 : i32 to index
      %get3A_172 = arith.constant 96 : index
      %get3A_173 = tpu.vector_load %arg8[%get3A_171, %get3A_172] {strides = array<i32>} : memref<80x128xi32, #tpu.memory_space<vmem>>, vector<16xi32>,
      %shift_right_logical3A_174 = arith.constant 7 : i32
      %shift_right_logical3A_175 = vector.broadcast %shift_right_logical3A_174 : i32 to vector<16xi32>
      %shift_right_logical3A_176 = arith.shrui %get3A_173, %shift_right_logical3A_175 : vector<16xi32>
      %and3A_177 = arith.constant 127 : i32
      %and3A_178 = vector.broadcast %and3A_177 : i32 to vector<16xi32>
      %and3A_179 = arith.andi %get3A_173, %and3A_178 : vector<16xi32>
      tpu.vector_store_idx %arg10[%shift_right_logical3A_176, %and3A_179], %broadcast_in_dim3A_2 {add = true} : memref<128x128xf32, #tpu.memory_space<vmem>>[vector<16xi32>, vector<16xi32>], vector<16xf32>,
      %get3A_180 = arith.index_cast %scan3A_56 : i32 to index
      %get3A_181 = arith.constant 112 : index
      %get3A_182 = tpu.vector_load %arg7[%get3A_180, %get3A_181] {strides = array<i32>} : memref<80x128xi32, #tpu.memory_space<vmem>>, vector<16xi32>,
      %shift_right_logical3A_183 = arith.constant 7 : i32
      %shift_right_logical3A_184 = vector.broadcast %shift_right_logical3A_183 : i32 to vector<16xi32>
      %shift_right_logical3A_185 = arith.shrui %get3A_182, %shift_right_logical3A_184 : vector<16xi32>
      %and3A_186 = arith.constant 127 : i32
      %and3A_187 = vector.broadcast %and3A_186 : i32 to vector<16xi32>
      %and3A_188 = arith.andi %get3A_182, %and3A_187 : vector<16xi32>
      tpu.vector_store_idx %arg9[%shift_right_logical3A_185, %and3A_188], %broadcast_in_dim3A_2 {add = true} : memref<128x128xf32, #tpu.memory_space<vmem>>[vector<16xi32>, vector<16xi32>], vector<16xf32>,
      %get3A_189 = arith.index_cast %scan3A_56 : i32 to index
      %get3A_190 = arith.constant 112 : index
      %get3A_191 = tpu.vector_load %arg8[%get3A_189, %get3A_190] {strides = array<i32>} : memref<80x128xi32, #tpu.memory_space<vmem>>, vector<16xi32>,
      %shift_right_logical3A_192 = arith.constant 7 : i32
      %shift_right_logical3A_193 = vector.broadcast %shift_right_logical3A_192 : i32 to vector<16xi32>
      %shift_right_logical3A_194 = arith.shrui %get3A_191, %shift_right_logical3A_193 : vector<16xi32>
      %and3A_195 = arith.constant 127 : i32
      %and3A_196 = vector.broadcast %and3A_195 : i32 to vector<16xi32>
      %and3A_197 = arith.andi %get3A_191, %and3A_196 : vector<16xi32>
      tpu.vector_store_idx %arg10[%shift_right_logical3A_194, %and3A_197], %broadcast_in_dim3A_2 {add = true} : memref<128x128xf32, #tpu.memory_space<vmem>>[vector<16xi32>, vector<16xi32>], vector<16xf32>,
    }
    %scan3A_20 = arith.constant 80 : i32
    %dma_start3A = arith.constant 0 : i32
    %dma_start3A_21 = arith.constant 0 : i32
    %dma_start3A_22 = tpu.memref_slice %arg13[%dma_start3A, %dma_start3A_21] : memref<1x128xi32, #tpu.memory_space<vmem>> -> memref<1x128xi32, #tpu.memory_space<vmem>>
    %dma_start3A_23 = tpu.memref_squeeze %dma_start3A_22 : memref<1x128xi32, #tpu.memory_space<vmem>> -> memref<128xi32, #tpu.memory_space<vmem>>
    %dma_start3A_24 = arith.constant 0 : i32
    %dma_start3A_25 = arith.constant 0 : i32
    %dma_start3A_26 = tpu.memref_slice %arg11[%dma_start3A_24, %dma_start3A_25] : memref<128x128xf32, #tpu.memory_space<vmem_shared>> -> memref<128x128xf32, #tpu.memory_space<vmem_shared>>
    tpu.enqueue_indirect_dma source(%arg9 : memref<128x128xf32, #tpu.memory_space<vmem>>) target(%dma_start3A_26 : memref<128x128xf32, #tpu.memory_space<vmem_shared>>) offsets(%dma_start3A_23 : memref<128xi32, #tpu.memory_space<vmem>>) semaphore(%arg14 : memref<!tpu.dma_semaphore, #tpu.memory_space<semaphore_mem>>) {add = true}
    %dma_start3A_27 = arith.constant 0 : i32
    %dma_start3A_28 = arith.constant 0 : i32
    %dma_start3A_29 = tpu.memref_slice %arg13[%dma_start3A_27, %dma_start3A_28] : memref<1x128xi32, #tpu.memory_space<vmem>> -> memref<1x128xi32, #tpu.memory_space<vmem>>
    %dma_start3A_30 = tpu.memref_squeeze %dma_start3A_29 : memref<1x128xi32, #tpu.memory_space<vmem>> -> memref<128xi32, #tpu.memory_space<vmem>>
    %dma_start3A_31 = arith.constant 0 : i32
    %dma_start3A_32 = arith.constant 0 : i32
    %dma_start3A_33 = tpu.memref_slice %arg12[%dma_start3A_31, %dma_start3A_32] : memref<128x128xf32, #tpu.memory_space<vmem_shared>> -> memref<128x128xf32, #tpu.memory_space<vmem_shared>>
    tpu.enqueue_indirect_dma source(%arg10 : memref<128x128xf32, #tpu.memory_space<vmem>>) target(%dma_start3A_33 : memref<128x128xf32, #tpu.memory_space<vmem_shared>>) offsets(%dma_start3A_30 : memref<128xi32, #tpu.memory_space<vmem>>) semaphore(%arg14 : memref<!tpu.dma_semaphore, #tpu.memory_space<semaphore_mem>>) {add = true}
    %dma_wait3A = arith.constant 0 : i32
    %dma_wait3A_34 = arith.constant 0 : i32
    %dma_wait3A_35 = tpu.memref_slice %arg13[%dma_wait3A, %dma_wait3A_34] : memref<1x128xi32, #tpu.memory_space<vmem>> -> memref<1x128xi32, #tpu.memory_space<vmem>>
    %dma_wait3A_36 = tpu.memref_squeeze %dma_wait3A_35 : memref<1x128xi32, #tpu.memory_space<vmem>> -> memref<128xi32, #tpu.memory_space<vmem>>
    %dma_wait3A_37 = arith.constant 0 : i32
    %dma_wait3A_38 = arith.constant 0 : i32
    %dma_wait3A_39 = tpu.memref_slice %arg11[%dma_wait3A_37, %dma_wait3A_38] : memref<128x128xf32, #tpu.memory_space<vmem_shared>> -> memref<128x128xf32, #tpu.memory_space<vmem_shared>>
    tpu.wait_indirect_dma semaphore(%arg14 : memref<!tpu.dma_semaphore, #tpu.memory_space<semaphore_mem>>) src(%arg9 : memref<128x128xf32, #tpu.memory_space<vmem>>) dst(%dma_wait3A_39 : memref<128x128xf32, #tpu.memory_space<vmem_shared>>)
    %dma_wait3A_40 = arith.constant 0 : i32
    %dma_wait3A_41 = arith.constant 0 : i32
    %dma_wait3A_42 = tpu.memref_slice %arg13[%dma_wait3A_40, %dma_wait3A_41] : memref<1x128xi32, #tpu.memory_space<vmem>> -> memref<1x128xi32, #tpu.memory_space<vmem>>
    %dma_wait3A_43 = tpu.memref_squeeze %dma_wait3A_42 : memref<1x128xi32, #tpu.memory_space<vmem>> -> memref<128xi32, #tpu.memory_space<vmem>>
    %dma_wait3A_44 = arith.constant 0 : i32
    %dma_wait3A_45 = arith.constant 0 : i32
    %dma_wait3A_46 = tpu.memref_slice %arg12[%dma_wait3A_44, %dma_wait3A_45] : memref<128x128xf32, #tpu.memory_space<vmem_shared>> -> memref<128x128xf32, #tpu.memory_space<vmem_shared>>
    tpu.wait_indirect_dma semaphore(%arg14 : memref<!tpu.dma_semaphore, #tpu.memory_space<semaphore_mem>>) src(%arg10 : memref<128x128xf32, #tpu.memory_space<vmem>>) dst(%dma_wait3A_46 : memref<128x128xf32, #tpu.memory_space<vmem_shared>>)
    %barrier3A_47 = arith.constant 0 : index
    tpu.barrier barrier_id(%barrier3A_47)
    %mul3A_48 = arith.constant 8 : i32
    %mul3A_49 = arith.muli %arg1, %mul3A_48 : i32
    %mul3A_50 = arith.constant 8 : i32
    %mul3A_51 = arith.muli %arg1, %mul3A_50 : i32
    "tpu.region"() ({
      %run_scoped3A = tpu.sem_alloc : memref<!tpu.dma_semaphore, #tpu.memory_space<semaphore_mem>>
      %dma_start3A_56 = arith.constant 0 : i32
      %dma_start3A_57 = tpu.memref_slice %arg5[%arg0, %mul3A_51, %dma_start3A_56] : memref<2x128x128xf32, #tpu.memory_space<hbm>> -> memref<1x8x128xf32, #tpu.memory_space<hbm>>
      %dma_start3A_58 = tpu.memref_squeeze %dma_start3A_57 : memref<1x8x128xf32, #tpu.memory_space<hbm>> -> memref<8x128xf32, #tpu.memory_space<hbm>>
      %dma_start3A_59 = arith.constant 0 : i32
      %dma_start3A_60 = tpu.memref_slice %arg11[%mul3A_49, %dma_start3A_59] : memref<128x128xf32, #tpu.memory_space<vmem_shared>> -> memref<8x128xf32, #tpu.memory_space<vmem_shared>>
      tpu.enqueue_dma source(%dma_start3A_60 : memref<8x128xf32, #tpu.memory_space<vmem_shared>>) target(%dma_start3A_58 : memref<8x128xf32, #tpu.memory_space<hbm>>) target_semaphore(%run_scoped3A : memref<!tpu.dma_semaphore, #tpu.memory_space<semaphore_mem>>)
      %dma_wait3A_61 = arith.constant 0 : i32
      %dma_wait3A_62 = tpu.memref_slice %arg5[%arg0, %mul3A_51, %dma_wait3A_61] : memref<2x128x128xf32, #tpu.memory_space<hbm>> -> memref<1x8x128xf32, #tpu.memory_space<hbm>>
      %dma_wait3A_63 = tpu.memref_squeeze %dma_wait3A_62 : memref<1x8x128xf32, #tpu.memory_space<hbm>> -> memref<8x128xf32, #tpu.memory_space<hbm>>
      %dma_wait3A_64 = arith.constant 0 : i32
      %dma_wait3A_65 = tpu.memref_slice %arg11[%mul3A_49, %dma_wait3A_64] : memref<128x128xf32, #tpu.memory_space<vmem_shared>> -> memref<8x128xf32, #tpu.memory_space<vmem_shared>>
      tpu.wait_dma2 semaphore(%run_scoped3A : memref<!tpu.dma_semaphore, #tpu.memory_space<semaphore_mem>>) src(%dma_wait3A_65 : memref<8x128xf32, #tpu.memory_space<vmem_shared>>) dst(%dma_wait3A_63 : memref<8x128xf32, #tpu.memory_space<hbm>>)
      tpu.yield
    }) : () -> ()
    %mul3A_52 = arith.constant 8 : i32
    %mul3A_53 = arith.muli %arg1, %mul3A_52 : i32
    %mul3A_54 = arith.constant 8 : i32
    %mul3A_55 = arith.muli %arg1, %mul3A_54 : i32
    "tpu.region"() ({
      %run_scoped3A = tpu.sem_alloc : memref<!tpu.dma_semaphore, #tpu.memory_space<semaphore_mem>>
      %dma_start3A_56 = arith.constant 0 : i32
      %dma_start3A_57 = tpu.memref_slice %arg6[%arg0, %mul3A_55, %dma_start3A_56] : memref<2x128x128xf32, #tpu.memory_space<hbm>> -> memref<1x8x128xf32, #tpu.memory_space<hbm>>
      %dma_start3A_58 = tpu.memref_squeeze %dma_start3A_57 : memref<1x8x128xf32, #tpu.memory_space<hbm>> -> memref<8x128xf32, #tpu.memory_space<hbm>>
      %dma_start3A_59 = arith.constant 0 : i32
      %dma_start3A_60 = tpu.memref_slice %arg12[%mul3A_53, %dma_start3A_59] : memref<128x128xf32, #tpu.memory_space<vmem_shared>> -> memref<8x128xf32, #tpu.memory_space<vmem_shared>>
      tpu.enqueue_dma source(%dma_start3A_60 : memref<8x128xf32, #tpu.memory_space<vmem_shared>>) target(%dma_start3A_58 : memref<8x128xf32, #tpu.memory_space<hbm>>) target_semaphore(%run_scoped3A : memref<!tpu.dma_semaphore, #tpu.memory_space<semaphore_mem>>)
      %dma_wait3A_61 = arith.constant 0 : i32
      %dma_wait3A_62 = tpu.memref_slice %arg6[%arg0, %mul3A_55, %dma_wait3A_61] : memref<2x128x128xf32, #tpu.memory_space<hbm>> -> memref<1x8x128xf32, #tpu.memory_space<hbm>>
      %dma_wait3A_63 = tpu.memref_squeeze %dma_wait3A_62 : memref<1x8x128xf32, #tpu.memory_space<hbm>> -> memref<8x128xf32, #tpu.memory_space<hbm>>
      %dma_wait3A_64 = arith.constant 0 : i32
      %dma_wait3A_65 = tpu.memref_slice %arg12[%mul3A_53, %dma_wait3A_64] : memref<128x128xf32, #tpu.memory_space<vmem_shared>> -> memref<8x128xf32, #tpu.memory_space<vmem_shared>>
      tpu.wait_dma2 semaphore(%run_scoped3A : memref<!tpu.dma_semaphore, #tpu.memory_space<semaphore_mem>>) src(%dma_wait3A_65 : memref<8x128xf32, #tpu.memory_space<vmem_shared>>) dst(%dma_wait3A_63 : memref<8x128xf32, #tpu.memory_space<hbm>>)
      tpu.yield
    }) : () -> ()
    return
  }
}

#map = affine_map<(d0, d1) -> (0, 0)>
#map1 = affine_map<(d0, d1) -> (0, 0, 0)>
module attributes {stable_mosaic.version = 14 : i64} {
  func.func @_msg_kernel(%arg0: i32, %arg1: i32, %arg2: memref<10000x128xf32, #tpu.memory_space<hbm>>, %arg3: memref<16x160x128xi32, #tpu.memory_space<hbm>>, %arg4: memref<16x160x128xi32, #tpu.memory_space<hbm>>, %arg5: memref<10112x64xf32, #tpu.memory_space<hbm>>, %arg6: memref<10112x128xf32, #tpu.memory_space<hbm>>, %arg7: memref<5x128xi32, #tpu.memory_space<vmem>>, %arg8: memref<5x128xi32, #tpu.memory_space<vmem>>, %arg9: memref<5x128x64xf32, #tpu.memory_space<vmem>>, %arg10: memref<10112x64xf32, #tpu.memory_space<vmem_shared>>, %arg11: memref<10000x64xf32, #tpu.memory_space<vmem_shared>>, %arg12: memref<!tpu.dma_semaphore, #tpu.memory_space<semaphore_mem>>, %arg13: memref<!tpu.dma_semaphore, #tpu.memory_space<semaphore_mem>>, %arg14: memref<!tpu.dma_semaphore, #tpu.memory_space<semaphore_mem>>, %arg15: memref<!tpu.dma_semaphore, #tpu.memory_space<semaphore_mem>>, %arg16: memref<!tpu.dma_semaphore, #tpu.memory_space<semaphore_mem>>) attributes {dimension_semantics = [#tpu.dimension_semantics<core_parallel>, #tpu.dimension_semantics<subcore_parallel>], iteration_bounds = array<i64: 2, 16>, scalar_prefetch = 0 : i64, scratch_operands = 10 : i64, tpu.core_type = #tpu.core_type<sc_vector_subcore>, window_params = [{transform_indices = #map}, {transform_indices = #map1}, {transform_indices = #map1}, {transform_indices = #map}, {transform_indices = #map}]} {
    %mul3A = arith.constant 64 : i32
    %mul3A_0 = arith.muli %arg0, %mul3A : i32
    %mul3A_1 = arith.constant 632 : i32
    %mul3A_2 = arith.muli %arg1, %mul3A_1 : i32
    "tpu.region"() ({
      %run_scoped3A = tpu.sem_alloc : memref<!tpu.dma_semaphore, #tpu.memory_space<semaphore_mem>>
      %dma_start3A_279 = arith.constant 0 : i32
      %dma_start3A_280 = tpu.memref_slice %arg10[%mul3A_2, %dma_start3A_279] : memref<10112x64xf32, #tpu.memory_space<vmem_shared>> -> memref<632x64xf32, #tpu.memory_space<vmem_shared>>
      %dma_start3A_281 = arith.constant 0 : i32
      %dma_start3A_282 = tpu.memref_slice %arg5[%mul3A_2, %dma_start3A_281] : memref<10112x64xf32, #tpu.memory_space<hbm>> -> memref<632x64xf32, #tpu.memory_space<hbm>>
      tpu.enqueue_dma source(%dma_start3A_282 : memref<632x64xf32, #tpu.memory_space<hbm>>) target(%dma_start3A_280 : memref<632x64xf32, #tpu.memory_space<vmem_shared>>) target_semaphore(%run_scoped3A : memref<!tpu.dma_semaphore, #tpu.memory_space<semaphore_mem>>)
      %dma_wait3A_283 = arith.constant 0 : i32
      %dma_wait3A_284 = tpu.memref_slice %arg10[%mul3A_2, %dma_wait3A_283] : memref<10112x64xf32, #tpu.memory_space<vmem_shared>> -> memref<632x64xf32, #tpu.memory_space<vmem_shared>>
      %dma_wait3A_285 = arith.constant 0 : i32
      %dma_wait3A_286 = tpu.memref_slice %arg5[%mul3A_2, %dma_wait3A_285] : memref<10112x64xf32, #tpu.memory_space<hbm>> -> memref<632x64xf32, #tpu.memory_space<hbm>>
      tpu.wait_dma2 semaphore(%run_scoped3A : memref<!tpu.dma_semaphore, #tpu.memory_space<semaphore_mem>>) src(%dma_wait3A_286 : memref<632x64xf32, #tpu.memory_space<hbm>>) dst(%dma_wait3A_284 : memref<632x64xf32, #tpu.memory_space<vmem_shared>>)
      tpu.yield
    }) : () -> ()
    %mul3A_3 = arith.constant 624 : i32
    %mul3A_4 = arith.muli %arg1, %mul3A_3 : i32
    "tpu.region"() ({
      %run_scoped3A = tpu.sem_alloc : memref<!tpu.dma_semaphore, #tpu.memory_space<semaphore_mem>>
      %dma_start3A_279 = arith.constant 0 : i32
      %dma_start3A_280 = tpu.memref_slice %arg11[%mul3A_4, %dma_start3A_279] : memref<10000x64xf32, #tpu.memory_space<vmem_shared>> -> memref<624x64xf32, #tpu.memory_space<vmem_shared>>
      %dma_start3A_281 = tpu.memref_slice %arg2[%mul3A_4, %mul3A_0] : memref<10000x128xf32, #tpu.memory_space<hbm>> -> memref<624x64xf32, #tpu.memory_space<hbm>>
      tpu.enqueue_dma source(%dma_start3A_281 : memref<624x64xf32, #tpu.memory_space<hbm>>) target(%dma_start3A_280 : memref<624x64xf32, #tpu.memory_space<vmem_shared>>) target_semaphore(%run_scoped3A : memref<!tpu.dma_semaphore, #tpu.memory_space<semaphore_mem>>)
      %dma_wait3A_282 = arith.constant 0 : i32
      %dma_wait3A_283 = tpu.memref_slice %arg11[%mul3A_4, %dma_wait3A_282] : memref<10000x64xf32, #tpu.memory_space<vmem_shared>> -> memref<624x64xf32, #tpu.memory_space<vmem_shared>>
      %dma_wait3A_284 = tpu.memref_slice %arg2[%mul3A_4, %mul3A_0] : memref<10000x128xf32, #tpu.memory_space<hbm>> -> memref<624x64xf32, #tpu.memory_space<hbm>>
      tpu.wait_dma2 semaphore(%run_scoped3A : memref<!tpu.dma_semaphore, #tpu.memory_space<semaphore_mem>>) src(%dma_wait3A_284 : memref<624x64xf32, #tpu.memory_space<hbm>>) dst(%dma_wait3A_283 : memref<624x64xf32, #tpu.memory_space<vmem_shared>>)
      tpu.yield
    }) : () -> ()
    %eq3A = arith.constant 0 : i32
    %eq3A_5 = arith.cmpi eq, %arg1, %eq3A : i32
    %convert_element_type3A = arith.extui %eq3A_5 : i1 to i32
    %cond3A = arith.constant 0 : i32
    %cond3A_6 = arith.cmpi ne, %convert_element_type3A, %cond3A : i32
    scf.if %cond3A_6 {
      "tpu.region"() ({
        %run_scoped3A = tpu.sem_alloc : memref<!tpu.dma_semaphore, #tpu.memory_space<semaphore_mem>>
        %dma_start3A_279 = arith.constant 9984 : i32
        %dma_start3A_280 = arith.constant 0 : i32
        %dma_start3A_281 = tpu.memref_slice %arg11[%dma_start3A_279, %dma_start3A_280] : memref<10000x64xf32, #tpu.memory_space<vmem_shared>> -> memref<16x64xf32, #tpu.memory_space<vmem_shared>>
        %dma_start3A_282 = arith.constant 9984 : i32
        %dma_start3A_283 = tpu.memref_slice %arg2[%dma_start3A_282, %mul3A_0] : memref<10000x128xf32, #tpu.memory_space<hbm>> -> memref<16x64xf32, #tpu.memory_space<hbm>>
        tpu.enqueue_dma source(%dma_start3A_283 : memref<16x64xf32, #tpu.memory_space<hbm>>) target(%dma_start3A_281 : memref<16x64xf32, #tpu.memory_space<vmem_shared>>) target_semaphore(%run_scoped3A : memref<!tpu.dma_semaphore, #tpu.memory_space<semaphore_mem>>)
        %dma_wait3A_284 = arith.constant 9984 : i32
        %dma_wait3A_285 = arith.constant 0 : i32
        %dma_wait3A_286 = tpu.memref_slice %arg11[%dma_wait3A_284, %dma_wait3A_285] : memref<10000x64xf32, #tpu.memory_space<vmem_shared>> -> memref<16x64xf32, #tpu.memory_space<vmem_shared>>
        %dma_wait3A_287 = arith.constant 9984 : i32
        %dma_wait3A_288 = tpu.memref_slice %arg2[%dma_wait3A_287, %mul3A_0] : memref<10000x128xf32, #tpu.memory_space<hbm>> -> memref<16x64xf32, #tpu.memory_space<hbm>>
        tpu.wait_dma2 semaphore(%run_scoped3A : memref<!tpu.dma_semaphore, #tpu.memory_space<semaphore_mem>>) src(%dma_wait3A_288 : memref<16x64xf32, #tpu.memory_space<hbm>>) dst(%dma_wait3A_286 : memref<16x64xf32, #tpu.memory_space<vmem_shared>>)
        tpu.yield
      }) : () -> ()
    } else {
    }
    %barrier3A = arith.constant 0 : index
    tpu.barrier barrier_id(%barrier3A)
    %dma_start3A = arith.constant 0 : i32
    %dma_start3A_7 = arith.constant 0 : i32
    %dma_start3A_8 = arith.constant 0 : i32
    %dma_start3A_9 = tpu.memref_slice %arg7[%dma_start3A_7, %dma_start3A_8] : memref<5x128xi32, #tpu.memory_space<vmem>> -> memref<1x128xi32, #tpu.memory_space<vmem>>
    %dma_start3A_10 = tpu.memref_squeeze %dma_start3A_9 : memref<1x128xi32, #tpu.memory_space<vmem>> -> memref<128xi32, #tpu.memory_space<vmem>>
    %dma_start3A_11 = arith.constant 0 : i32
    %dma_start3A_12 = arith.constant 0 : i32
    %dma_start3A_13 = tpu.memref_slice %arg3[%arg1, %dma_start3A_11, %dma_start3A_12] : memref<16x160x128xi32, #tpu.memory_space<hbm>> -> memref<1x160x128xi32, #tpu.memory_space<hbm>>
    %dma_start3A_14 = tpu.memref_squeeze %dma_start3A_13 : memref<1x160x128xi32, #tpu.memory_space<hbm>> -> memref<160x128xi32, #tpu.memory_space<hbm>>
    %dma_start3A_15 = arith.constant 0 : i32
    %dma_start3A_16 = tpu.memref_slice %dma_start3A_14[%dma_start3A, %dma_start3A_15] : memref<160x128xi32, #tpu.memory_space<hbm>> -> memref<1x128xi32, #tpu.memory_space<hbm>>
    %dma_start3A_17 = tpu.memref_squeeze %dma_start3A_16 : memref<1x128xi32, #tpu.memory_space<hbm>> -> memref<128xi32, #tpu.memory_space<hbm>>
    %dma_start3A_18 = arith.constant 0 : i32
    %dma_start3A_19 = tpu.memref_slice %arg7[%dma_start3A_7, %dma_start3A_18] : memref<5x128xi32, #tpu.memory_space<vmem>> -> memref<1x128xi32, #tpu.memory_space<vmem>>
    %dma_start3A_20 = tpu.memref_squeeze %dma_start3A_19 : memref<1x128xi32, #tpu.memory_space<vmem>> -> memref<128xi32, #tpu.memory_space<vmem>>
    %dma_start3A_21 = arith.constant 0 : i32
    %dma_start3A_22 = arith.constant 0 : i32
    %dma_start3A_23 = tpu.memref_slice %arg3[%arg1, %dma_start3A_21, %dma_start3A_22] : memref<16x160x128xi32, #tpu.memory_space<hbm>> -> memref<1x160x128xi32, #tpu.memory_space<hbm>>
    %dma_start3A_24 = tpu.memref_squeeze %dma_start3A_23 : memref<1x160x128xi32, #tpu.memory_space<hbm>> -> memref<160x128xi32, #tpu.memory_space<hbm>>
    %dma_start3A_25 = arith.constant 0 : i32
    %dma_start3A_26 = tpu.memref_slice %dma_start3A_24[%dma_start3A, %dma_start3A_25] : memref<160x128xi32, #tpu.memory_space<hbm>> -> memref<1x128xi32, #tpu.memory_space<hbm>>
    %dma_start3A_27 = tpu.memref_squeeze %dma_start3A_26 : memref<1x128xi32, #tpu.memory_space<hbm>> -> memref<128xi32, #tpu.memory_space<hbm>>
    tpu.enqueue_dma source(%dma_start3A_27 : memref<128xi32, #tpu.memory_space<hbm>>) target(%dma_start3A_20 : memref<128xi32, #tpu.memory_space<vmem>>) target_semaphore(%arg12 : memref<!tpu.dma_semaphore, #tpu.memory_space<semaphore_mem>>)
    %dma_start3A_28 = arith.constant 0 : i32
    %dma_start3A_29 = arith.constant 0 : i32
    %dma_start3A_30 = arith.constant 0 : i32
    %dma_start3A_31 = tpu.memref_slice %arg8[%dma_start3A_29, %dma_start3A_30] : memref<5x128xi32, #tpu.memory_space<vmem>> -> memref<1x128xi32, #tpu.memory_space<vmem>>
    %dma_start3A_32 = tpu.memref_squeeze %dma_start3A_31 : memref<1x128xi32, #tpu.memory_space<vmem>> -> memref<128xi32, #tpu.memory_space<vmem>>
    %dma_start3A_33 = arith.constant 0 : i32
    %dma_start3A_34 = arith.constant 0 : i32
    %dma_start3A_35 = tpu.memref_slice %arg4[%arg1, %dma_start3A_33, %dma_start3A_34] : memref<16x160x128xi32, #tpu.memory_space<hbm>> -> memref<1x160x128xi32, #tpu.memory_space<hbm>>
    %dma_start3A_36 = tpu.memref_squeeze %dma_start3A_35 : memref<1x160x128xi32, #tpu.memory_space<hbm>> -> memref<160x128xi32, #tpu.memory_space<hbm>>
    %dma_start3A_37 = arith.constant 0 : i32
    %dma_start3A_38 = tpu.memref_slice %dma_start3A_36[%dma_start3A_28, %dma_start3A_37] : memref<160x128xi32, #tpu.memory_space<hbm>> -> memref<1x128xi32, #tpu.memory_space<hbm>>
    %dma_start3A_39 = tpu.memref_squeeze %dma_start3A_38 : memref<1x128xi32, #tpu.memory_space<hbm>> -> memref<128xi32, #tpu.memory_space<hbm>>
    %dma_start3A_40 = arith.constant 0 : i32
    %dma_start3A_41 = tpu.memref_slice %arg8[%dma_start3A_29, %dma_start3A_40] : memref<5x128xi32, #tpu.memory_space<vmem>> -> memref<1x128xi32, #tpu.memory_space<vmem>>
    %dma_start3A_42 = tpu.memref_squeeze %dma_start3A_41 : memref<1x128xi32, #tpu.memory_space<vmem>> -> memref<128xi32, #tpu.memory_space<vmem>>
    %dma_start3A_43 = arith.constant 0 : i32
    %dma_start3A_44 = arith.constant 0 : i32
    %dma_start3A_45 = tpu.memref_slice %arg4[%arg1, %dma_start3A_43, %dma_start3A_44] : memref<16x160x128xi32, #tpu.memory_space<hbm>> -> memref<1x160x128xi32, #tpu.memory_space<hbm>>
    %dma_start3A_46 = tpu.memref_squeeze %dma_start3A_45 : memref<1x160x128xi32, #tpu.memory_space<hbm>> -> memref<160x128xi32, #tpu.memory_space<hbm>>
    %dma_start3A_47 = arith.constant 0 : i32
    %dma_start3A_48 = tpu.memref_slice %dma_start3A_46[%dma_start3A_28, %dma_start3A_47] : memref<160x128xi32, #tpu.memory_space<hbm>> -> memref<1x128xi32, #tpu.memory_space<hbm>>
    %dma_start3A_49 = tpu.memref_squeeze %dma_start3A_48 : memref<1x128xi32, #tpu.memory_space<hbm>> -> memref<128xi32, #tpu.memory_space<hbm>>
    tpu.enqueue_dma source(%dma_start3A_49 : memref<128xi32, #tpu.memory_space<hbm>>) target(%dma_start3A_42 : memref<128xi32, #tpu.memory_space<vmem>>) target_semaphore(%arg12 : memref<!tpu.dma_semaphore, #tpu.memory_space<semaphore_mem>>)
    %dma_start3A_50 = arith.constant 1 : i32
    %dma_start3A_51 = arith.constant 1 : i32
    %dma_start3A_52 = arith.constant 0 : i32
    %dma_start3A_53 = tpu.memref_slice %arg7[%dma_start3A_51, %dma_start3A_52] : memref<5x128xi32, #tpu.memory_space<vmem>> -> memref<1x128xi32, #tpu.memory_space<vmem>>
    %dma_start3A_54 = tpu.memref_squeeze %dma_start3A_53 : memref<1x128xi32, #tpu.memory_space<vmem>> -> memref<128xi32, #tpu.memory_space<vmem>>
    %dma_start3A_55 = arith.constant 0 : i32
    %dma_start3A_56 = arith.constant 0 : i32
    %dma_start3A_57 = tpu.memref_slice %arg3[%arg1, %dma_start3A_55, %dma_start3A_56] : memref<16x160x128xi32, #tpu.memory_space<hbm>> -> memref<1x160x128xi32, #tpu.memory_space<hbm>>
    %dma_start3A_58 = tpu.memref_squeeze %dma_start3A_57 : memref<1x160x128xi32, #tpu.memory_space<hbm>> -> memref<160x128xi32, #tpu.memory_space<hbm>>
    %dma_start3A_59 = arith.constant 0 : i32
    %dma_start3A_60 = tpu.memref_slice %dma_start3A_58[%dma_start3A_50, %dma_start3A_59] : memref<160x128xi32, #tpu.memory_space<hbm>> -> memref<1x128xi32, #tpu.memory_space<hbm>>
    %dma_start3A_61 = tpu.memref_squeeze %dma_start3A_60 : memref<1x128xi32, #tpu.memory_space<hbm>> -> memref<128xi32, #tpu.memory_space<hbm>>
    %dma_start3A_62 = arith.constant 0 : i32
    %dma_start3A_63 = tpu.memref_slice %arg7[%dma_start3A_51, %dma_start3A_62] : memref<5x128xi32, #tpu.memory_space<vmem>> -> memref<1x128xi32, #tpu.memory_space<vmem>>
    %dma_start3A_64 = tpu.memref_squeeze %dma_start3A_63 : memref<1x128xi32, #tpu.memory_space<vmem>> -> memref<128xi32, #tpu.memory_space<vmem>>
    %dma_start3A_65 = arith.constant 0 : i32
    %dma_start3A_66 = arith.constant 0 : i32
    %dma_start3A_67 = tpu.memref_slice %arg3[%arg1, %dma_start3A_65, %dma_start3A_66] : memref<16x160x128xi32, #tpu.memory_space<hbm>> -> memref<1x160x128xi32, #tpu.memory_space<hbm>>
    %dma_start3A_68 = tpu.memref_squeeze %dma_start3A_67 : memref<1x160x128xi32, #tpu.memory_space<hbm>> -> memref<160x128xi32, #tpu.memory_space<hbm>>
    %dma_start3A_69 = arith.constant 0 : i32
    %dma_start3A_70 = tpu.memref_slice %dma_start3A_68[%dma_start3A_50, %dma_start3A_69] : memref<160x128xi32, #tpu.memory_space<hbm>> -> memref<1x128xi32, #tpu.memory_space<hbm>>
    %dma_start3A_71 = tpu.memref_squeeze %dma_start3A_70 : memref<1x128xi32, #tpu.memory_space<hbm>> -> memref<128xi32, #tpu.memory_space<hbm>>
    tpu.enqueue_dma source(%dma_start3A_71 : memref<128xi32, #tpu.memory_space<hbm>>) target(%dma_start3A_64 : memref<128xi32, #tpu.memory_space<vmem>>) target_semaphore(%arg13 : memref<!tpu.dma_semaphore, #tpu.memory_space<semaphore_mem>>)
    %dma_start3A_72 = arith.constant 1 : i32
    %dma_start3A_73 = arith.constant 1 : i32
    %dma_start3A_74 = arith.constant 0 : i32
    %dma_start3A_75 = tpu.memref_slice %arg8[%dma_start3A_73, %dma_start3A_74] : memref<5x128xi32, #tpu.memory_space<vmem>> -> memref<1x128xi32, #tpu.memory_space<vmem>>
    %dma_start3A_76 = tpu.memref_squeeze %dma_start3A_75 : memref<1x128xi32, #tpu.memory_space<vmem>> -> memref<128xi32, #tpu.memory_space<vmem>>
    %dma_start3A_77 = arith.constant 0 : i32
    %dma_start3A_78 = arith.constant 0 : i32
    %dma_start3A_79 = tpu.memref_slice %arg4[%arg1, %dma_start3A_77, %dma_start3A_78] : memref<16x160x128xi32, #tpu.memory_space<hbm>> -> memref<1x160x128xi32, #tpu.memory_space<hbm>>
    %dma_start3A_80 = tpu.memref_squeeze %dma_start3A_79 : memref<1x160x128xi32, #tpu.memory_space<hbm>> -> memref<160x128xi32, #tpu.memory_space<hbm>>
    %dma_start3A_81 = arith.constant 0 : i32
    %dma_start3A_82 = tpu.memref_slice %dma_start3A_80[%dma_start3A_72, %dma_start3A_81] : memref<160x128xi32, #tpu.memory_space<hbm>> -> memref<1x128xi32, #tpu.memory_space<hbm>>
    %dma_start3A_83 = tpu.memref_squeeze %dma_start3A_82 : memref<1x128xi32, #tpu.memory_space<hbm>> -> memref<128xi32, #tpu.memory_space<hbm>>
    %dma_start3A_84 = arith.constant 0 : i32
    %dma_start3A_85 = tpu.memref_slice %arg8[%dma_start3A_73, %dma_start3A_84] : memref<5x128xi32, #tpu.memory_space<vmem>> -> memref<1x128xi32, #tpu.memory_space<vmem>>
    %dma_start3A_86 = tpu.memref_squeeze %dma_start3A_85 : memref<1x128xi32, #tpu.memory_space<vmem>> -> memref<128xi32, #tpu.memory_space<vmem>>
    %dma_start3A_87 = arith.constant 0 : i32
    %dma_start3A_88 = arith.constant 0 : i32
    %dma_start3A_89 = tpu.memref_slice %arg4[%arg1, %dma_start3A_87, %dma_start3A_88] : memref<16x160x128xi32, #tpu.memory_space<hbm>> -> memref<1x160x128xi32, #tpu.memory_space<hbm>>
    %dma_start3A_90 = tpu.memref_squeeze %dma_start3A_89 : memref<1x160x128xi32, #tpu.memory_space<hbm>> -> memref<160x128xi32, #tpu.memory_space<hbm>>
    %dma_start3A_91 = arith.constant 0 : i32
    %dma_start3A_92 = tpu.memref_slice %dma_start3A_90[%dma_start3A_72, %dma_start3A_91] : memref<160x128xi32, #tpu.memory_space<hbm>> -> memref<1x128xi32, #tpu.memory_space<hbm>>
    %dma_start3A_93 = tpu.memref_squeeze %dma_start3A_92 : memref<1x128xi32, #tpu.memory_space<hbm>> -> memref<128xi32, #tpu.memory_space<hbm>>
    tpu.enqueue_dma source(%dma_start3A_93 : memref<128xi32, #tpu.memory_space<hbm>>) target(%dma_start3A_86 : memref<128xi32, #tpu.memory_space<vmem>>) target_semaphore(%arg13 : memref<!tpu.dma_semaphore, #tpu.memory_space<semaphore_mem>>)
    %dma_start3A_94 = arith.constant 2 : i32
    %dma_start3A_95 = arith.constant 2 : i32
    %dma_start3A_96 = arith.constant 0 : i32
    %dma_start3A_97 = tpu.memref_slice %arg7[%dma_start3A_95, %dma_start3A_96] : memref<5x128xi32, #tpu.memory_space<vmem>> -> memref<1x128xi32, #tpu.memory_space<vmem>>
    %dma_start3A_98 = tpu.memref_squeeze %dma_start3A_97 : memref<1x128xi32, #tpu.memory_space<vmem>> -> memref<128xi32, #tpu.memory_space<vmem>>
    %dma_start3A_99 = arith.constant 0 : i32
    %dma_start3A_100 = arith.constant 0 : i32
    %dma_start3A_101 = tpu.memref_slice %arg3[%arg1, %dma_start3A_99, %dma_start3A_100] : memref<16x160x128xi32, #tpu.memory_space<hbm>> -> memref<1x160x128xi32, #tpu.memory_space<hbm>>
    %dma_start3A_102 = tpu.memref_squeeze %dma_start3A_101 : memref<1x160x128xi32, #tpu.memory_space<hbm>> -> memref<160x128xi32, #tpu.memory_space<hbm>>
    %dma_start3A_103 = arith.constant 0 : i32
    %dma_start3A_104 = tpu.memref_slice %dma_start3A_102[%dma_start3A_94, %dma_start3A_103] : memref<160x128xi32, #tpu.memory_space<hbm>> -> memref<1x128xi32, #tpu.memory_space<hbm>>
    %dma_start3A_105 = tpu.memref_squeeze %dma_start3A_104 : memref<1x128xi32, #tpu.memory_space<hbm>> -> memref<128xi32, #tpu.memory_space<hbm>>
    %dma_start3A_106 = arith.constant 0 : i32
    %dma_start3A_107 = tpu.memref_slice %arg7[%dma_start3A_95, %dma_start3A_106] : memref<5x128xi32, #tpu.memory_space<vmem>> -> memref<1x128xi32, #tpu.memory_space<vmem>>
    %dma_start3A_108 = tpu.memref_squeeze %dma_start3A_107 : memref<1x128xi32, #tpu.memory_space<vmem>> -> memref<128xi32, #tpu.memory_space<vmem>>
    %dma_start3A_109 = arith.constant 0 : i32
    %dma_start3A_110 = arith.constant 0 : i32
    %dma_start3A_111 = tpu.memref_slice %arg3[%arg1, %dma_start3A_109, %dma_start3A_110] : memref<16x160x128xi32, #tpu.memory_space<hbm>> -> memref<1x160x128xi32, #tpu.memory_space<hbm>>
    %dma_start3A_112 = tpu.memref_squeeze %dma_start3A_111 : memref<1x160x128xi32, #tpu.memory_space<hbm>> -> memref<160x128xi32, #tpu.memory_space<hbm>>
    %dma_start3A_113 = arith.constant 0 : i32
    %dma_start3A_114 = tpu.memref_slice %dma_start3A_112[%dma_start3A_94, %dma_start3A_113] : memref<160x128xi32, #tpu.memory_space<hbm>> -> memref<1x128xi32, #tpu.memory_space<hbm>>
    %dma_start3A_115 = tpu.memref_squeeze %dma_start3A_114 : memref<1x128xi32, #tpu.memory_space<hbm>> -> memref<128xi32, #tpu.memory_space<hbm>>
    tpu.enqueue_dma source(%dma_start3A_115 : memref<128xi32, #tpu.memory_space<hbm>>) target(%dma_start3A_108 : memref<128xi32, #tpu.memory_space<vmem>>) target_semaphore(%arg14 : memref<!tpu.dma_semaphore, #tpu.memory_space<semaphore_mem>>)
    %dma_start3A_116 = arith.constant 2 : i32
    %dma_start3A_117 = arith.constant 2 : i32
    %dma_start3A_118 = arith.constant 0 : i32
    %dma_start3A_119 = tpu.memref_slice %arg8[%dma_start3A_117, %dma_start3A_118] : memref<5x128xi32, #tpu.memory_space<vmem>> -> memref<1x128xi32, #tpu.memory_space<vmem>>
    %dma_start3A_120 = tpu.memref_squeeze %dma_start3A_119 : memref<1x128xi32, #tpu.memory_space<vmem>> -> memref<128xi32, #tpu.memory_space<vmem>>
    %dma_start3A_121 = arith.constant 0 : i32
    %dma_start3A_122 = arith.constant 0 : i32
    %dma_start3A_123 = tpu.memref_slice %arg4[%arg1, %dma_start3A_121, %dma_start3A_122] : memref<16x160x128xi32, #tpu.memory_space<hbm>> -> memref<1x160x128xi32, #tpu.memory_space<hbm>>
    %dma_start3A_124 = tpu.memref_squeeze %dma_start3A_123 : memref<1x160x128xi32, #tpu.memory_space<hbm>> -> memref<160x128xi32, #tpu.memory_space<hbm>>
    %dma_start3A_125 = arith.constant 0 : i32
    %dma_start3A_126 = tpu.memref_slice %dma_start3A_124[%dma_start3A_116, %dma_start3A_125] : memref<160x128xi32, #tpu.memory_space<hbm>> -> memref<1x128xi32, #tpu.memory_space<hbm>>
    %dma_start3A_127 = tpu.memref_squeeze %dma_start3A_126 : memref<1x128xi32, #tpu.memory_space<hbm>> -> memref<128xi32, #tpu.memory_space<hbm>>
    %dma_start3A_128 = arith.constant 0 : i32
    %dma_start3A_129 = tpu.memref_slice %arg8[%dma_start3A_117, %dma_start3A_128] : memref<5x128xi32, #tpu.memory_space<vmem>> -> memref<1x128xi32, #tpu.memory_space<vmem>>
    %dma_start3A_130 = tpu.memref_squeeze %dma_start3A_129 : memref<1x128xi32, #tpu.memory_space<vmem>> -> memref<128xi32, #tpu.memory_space<vmem>>
    %dma_start3A_131 = arith.constant 0 : i32
    %dma_start3A_132 = arith.constant 0 : i32
    %dma_start3A_133 = tpu.memref_slice %arg4[%arg1, %dma_start3A_131, %dma_start3A_132] : memref<16x160x128xi32, #tpu.memory_space<hbm>> -> memref<1x160x128xi32, #tpu.memory_space<hbm>>
    %dma_start3A_134 = tpu.memref_squeeze %dma_start3A_133 : memref<1x160x128xi32, #tpu.memory_space<hbm>> -> memref<160x128xi32, #tpu.memory_space<hbm>>
    %dma_start3A_135 = arith.constant 0 : i32
    %dma_start3A_136 = tpu.memref_slice %dma_start3A_134[%dma_start3A_116, %dma_start3A_135] : memref<160x128xi32, #tpu.memory_space<hbm>> -> memref<1x128xi32, #tpu.memory_space<hbm>>
    %dma_start3A_137 = tpu.memref_squeeze %dma_start3A_136 : memref<1x128xi32, #tpu.memory_space<hbm>> -> memref<128xi32, #tpu.memory_space<hbm>>
    tpu.enqueue_dma source(%dma_start3A_137 : memref<128xi32, #tpu.memory_space<hbm>>) target(%dma_start3A_130 : memref<128xi32, #tpu.memory_space<vmem>>) target_semaphore(%arg14 : memref<!tpu.dma_semaphore, #tpu.memory_space<semaphore_mem>>)
    %dma_wait3A = arith.constant 0 : i32
    %dma_wait3A_138 = arith.constant 0 : i32
    %dma_wait3A_139 = arith.constant 0 : i32
    %dma_wait3A_140 = tpu.memref_slice %arg7[%dma_wait3A_138, %dma_wait3A_139] : memref<5x128xi32, #tpu.memory_space<vmem>> -> memref<1x128xi32, #tpu.memory_space<vmem>>
    %dma_wait3A_141 = tpu.memref_squeeze %dma_wait3A_140 : memref<1x128xi32, #tpu.memory_space<vmem>> -> memref<128xi32, #tpu.memory_space<vmem>>
    %dma_wait3A_142 = arith.constant 0 : i32
    %dma_wait3A_143 = arith.constant 0 : i32
    %dma_wait3A_144 = tpu.memref_slice %arg3[%arg1, %dma_wait3A_142, %dma_wait3A_143] : memref<16x160x128xi32, #tpu.memory_space<hbm>> -> memref<1x160x128xi32, #tpu.memory_space<hbm>>
    %dma_wait3A_145 = tpu.memref_squeeze %dma_wait3A_144 : memref<1x160x128xi32, #tpu.memory_space<hbm>> -> memref<160x128xi32, #tpu.memory_space<hbm>>
    %dma_wait3A_146 = arith.constant 0 : i32
    %dma_wait3A_147 = tpu.memref_slice %dma_wait3A_145[%dma_wait3A, %dma_wait3A_146] : memref<160x128xi32, #tpu.memory_space<hbm>> -> memref<1x128xi32, #tpu.memory_space<hbm>>
    %dma_wait3A_148 = tpu.memref_squeeze %dma_wait3A_147 : memref<1x128xi32, #tpu.memory_space<hbm>> -> memref<128xi32, #tpu.memory_space<hbm>>
    %dma_wait3A_149 = arith.constant 0 : i32
    %dma_wait3A_150 = tpu.memref_slice %arg7[%dma_wait3A_138, %dma_wait3A_149] : memref<5x128xi32, #tpu.memory_space<vmem>> -> memref<1x128xi32, #tpu.memory_space<vmem>>
    %dma_wait3A_151 = tpu.memref_squeeze %dma_wait3A_150 : memref<1x128xi32, #tpu.memory_space<vmem>> -> memref<128xi32, #tpu.memory_space<vmem>>
    %dma_wait3A_152 = arith.constant 0 : i32
    %dma_wait3A_153 = arith.constant 0 : i32
    %dma_wait3A_154 = tpu.memref_slice %arg3[%arg1, %dma_wait3A_152, %dma_wait3A_153] : memref<16x160x128xi32, #tpu.memory_space<hbm>> -> memref<1x160x128xi32, #tpu.memory_space<hbm>>
    %dma_wait3A_155 = tpu.memref_squeeze %dma_wait3A_154 : memref<1x160x128xi32, #tpu.memory_space<hbm>> -> memref<160x128xi32, #tpu.memory_space<hbm>>
    %dma_wait3A_156 = arith.constant 0 : i32
    %dma_wait3A_157 = tpu.memref_slice %dma_wait3A_155[%dma_wait3A, %dma_wait3A_156] : memref<160x128xi32, #tpu.memory_space<hbm>> -> memref<1x128xi32, #tpu.memory_space<hbm>>
    %dma_wait3A_158 = tpu.memref_squeeze %dma_wait3A_157 : memref<1x128xi32, #tpu.memory_space<hbm>> -> memref<128xi32, #tpu.memory_space<hbm>>
    tpu.wait_dma2 semaphore(%arg12 : memref<!tpu.dma_semaphore, #tpu.memory_space<semaphore_mem>>) src(%dma_wait3A_158 : memref<128xi32, #tpu.memory_space<hbm>>) dst(%dma_wait3A_151 : memref<128xi32, #tpu.memory_space<vmem>>)
    %dma_wait3A_159 = arith.constant 0 : i32
    %dma_wait3A_160 = arith.constant 0 : i32
    %dma_wait3A_161 = arith.constant 0 : i32
    %dma_wait3A_162 = tpu.memref_slice %arg8[%dma_wait3A_160, %dma_wait3A_161] : memref<5x128xi32, #tpu.memory_space<vmem>> -> memref<1x128xi32, #tpu.memory_space<vmem>>
    %dma_wait3A_163 = tpu.memref_squeeze %dma_wait3A_162 : memref<1x128xi32, #tpu.memory_space<vmem>> -> memref<128xi32, #tpu.memory_space<vmem>>
    %dma_wait3A_164 = arith.constant 0 : i32
    %dma_wait3A_165 = arith.constant 0 : i32
    %dma_wait3A_166 = tpu.memref_slice %arg4[%arg1, %dma_wait3A_164, %dma_wait3A_165] : memref<16x160x128xi32, #tpu.memory_space<hbm>> -> memref<1x160x128xi32, #tpu.memory_space<hbm>>
    %dma_wait3A_167 = tpu.memref_squeeze %dma_wait3A_166 : memref<1x160x128xi32, #tpu.memory_space<hbm>> -> memref<160x128xi32, #tpu.memory_space<hbm>>
    %dma_wait3A_168 = arith.constant 0 : i32
    %dma_wait3A_169 = tpu.memref_slice %dma_wait3A_167[%dma_wait3A_159, %dma_wait3A_168] : memref<160x128xi32, #tpu.memory_space<hbm>> -> memref<1x128xi32, #tpu.memory_space<hbm>>
    %dma_wait3A_170 = tpu.memref_squeeze %dma_wait3A_169 : memref<1x128xi32, #tpu.memory_space<hbm>> -> memref<128xi32, #tpu.memory_space<hbm>>
    %dma_wait3A_171 = arith.constant 0 : i32
    %dma_wait3A_172 = tpu.memref_slice %arg8[%dma_wait3A_160, %dma_wait3A_171] : memref<5x128xi32, #tpu.memory_space<vmem>> -> memref<1x128xi32, #tpu.memory_space<vmem>>
    %dma_wait3A_173 = tpu.memref_squeeze %dma_wait3A_172 : memref<1x128xi32, #tpu.memory_space<vmem>> -> memref<128xi32, #tpu.memory_space<vmem>>
    %dma_wait3A_174 = arith.constant 0 : i32
    %dma_wait3A_175 = arith.constant 0 : i32
    %dma_wait3A_176 = tpu.memref_slice %arg4[%arg1, %dma_wait3A_174, %dma_wait3A_175] : memref<16x160x128xi32, #tpu.memory_space<hbm>> -> memref<1x160x128xi32, #tpu.memory_space<hbm>>
    %dma_wait3A_177 = tpu.memref_squeeze %dma_wait3A_176 : memref<1x160x128xi32, #tpu.memory_space<hbm>> -> memref<160x128xi32, #tpu.memory_space<hbm>>
    %dma_wait3A_178 = arith.constant 0 : i32
    %dma_wait3A_179 = tpu.memref_slice %dma_wait3A_177[%dma_wait3A_159, %dma_wait3A_178] : memref<160x128xi32, #tpu.memory_space<hbm>> -> memref<1x128xi32, #tpu.memory_space<hbm>>
    %dma_wait3A_180 = tpu.memref_squeeze %dma_wait3A_179 : memref<1x128xi32, #tpu.memory_space<hbm>> -> memref<128xi32, #tpu.memory_space<hbm>>
    tpu.wait_dma2 semaphore(%arg12 : memref<!tpu.dma_semaphore, #tpu.memory_space<semaphore_mem>>) src(%dma_wait3A_180 : memref<128xi32, #tpu.memory_space<hbm>>) dst(%dma_wait3A_173 : memref<128xi32, #tpu.memory_space<vmem>>)
    %dma_start3A_181 = arith.constant 0 : i32
    %dma_start3A_182 = arith.constant 0 : i32
    %dma_start3A_183 = arith.constant 0 : i32
    %dma_start3A_184 = arith.constant 0 : i32
    %dma_start3A_185 = tpu.memref_slice %arg9[%dma_start3A_182, %dma_start3A_183, %dma_start3A_184] : memref<5x128x64xf32, #tpu.memory_space<vmem>> -> memref<1x128x64xf32, #tpu.memory_space<vmem>>
    %dma_start3A_186 = tpu.memref_squeeze %dma_start3A_185 : memref<1x128x64xf32, #tpu.memory_space<vmem>> -> memref<128x64xf32, #tpu.memory_space<vmem>>
    %dma_start3A_187 = arith.constant 0 : i32
    %dma_start3A_188 = tpu.memref_slice %arg7[%dma_start3A_181, %dma_start3A_187] : memref<5x128xi32, #tpu.memory_space<vmem>> -> memref<1x128xi32, #tpu.memory_space<vmem>>
    %dma_start3A_189 = tpu.memref_squeeze %dma_start3A_188 : memref<1x128xi32, #tpu.memory_space<vmem>> -> memref<128xi32, #tpu.memory_space<vmem>>
    %dma_start3A_190 = arith.constant 0 : i32
    %dma_start3A_191 = arith.constant 0 : i32
    %dma_start3A_192 = tpu.memref_slice %arg11[%dma_start3A_190, %dma_start3A_191] : memref<10000x64xf32, #tpu.memory_space<vmem_shared>> -> memref<10000x64xf32, #tpu.memory_space<vmem_shared>>
    tpu.enqueue_indirect_dma source(%dma_start3A_192 : memref<10000x64xf32, #tpu.memory_space<vmem_shared>>) target(%dma_start3A_186 : memref<128x64xf32, #tpu.memory_space<vmem>>) offsets(%dma_start3A_189 : memref<128xi32, #tpu.memory_space<vmem>>) semaphore(%arg12 : memref<!tpu.dma_semaphore, #tpu.memory_space<semaphore_mem>>)
    %dma_wait3A_193 = arith.constant 1 : i32
    %dma_wait3A_194 = arith.constant 1 : i32
    %dma_wait3A_195 = arith.constant 0 : i32
    %dma_wait3A_196 = tpu.memref_slice %arg7[%dma_wait3A_194, %dma_wait3A_195] : memref<5x128xi32, #tpu.memory_space<vmem>> -> memref<1x128xi32, #tpu.memory_space<vmem>>
    %dma_wait3A_197 = tpu.memref_squeeze %dma_wait3A_196 : memref<1x128xi32, #tpu.memory_space<vmem>> -> memref<128xi32, #tpu.memory_space<vmem>>
    %dma_wait3A_198 = arith.constant 0 : i32
    %dma_wait3A_199 = arith.constant 0 : i32
    %dma_wait3A_200 = tpu.memref_slice %arg3[%arg1, %dma_wait3A_198, %dma_wait3A_199] : memref<16x160x128xi32, #tpu.memory_space<hbm>> -> memref<1x160x128xi32, #tpu.memory_space<hbm>>
    %dma_wait3A_201 = tpu.memref_squeeze %dma_wait3A_200 : memref<1x160x128xi32, #tpu.memory_space<hbm>> -> memref<160x128xi32, #tpu.memory_space<hbm>>
    %dma_wait3A_202 = arith.constant 0 : i32
    %dma_wait3A_203 = tpu.memref_slice %dma_wait3A_201[%dma_wait3A_193, %dma_wait3A_202] : memref<160x128xi32, #tpu.memory_space<hbm>> -> memref<1x128xi32, #tpu.memory_space<hbm>>
    %dma_wait3A_204 = tpu.memref_squeeze %dma_wait3A_203 : memref<1x128xi32, #tpu.memory_space<hbm>> -> memref<128xi32, #tpu.memory_space<hbm>>
    %dma_wait3A_205 = arith.constant 0 : i32
    %dma_wait3A_206 = tpu.memref_slice %arg7[%dma_wait3A_194, %dma_wait3A_205] : memref<5x128xi32, #tpu.memory_space<vmem>> -> memref<1x128xi32, #tpu.memory_space<vmem>>
    %dma_wait3A_207 = tpu.memref_squeeze %dma_wait3A_206 : memref<1x128xi32, #tpu.memory_space<vmem>> -> memref<128xi32, #tpu.memory_space<vmem>>
    %dma_wait3A_208 = arith.constant 0 : i32
    %dma_wait3A_209 = arith.constant 0 : i32
    %dma_wait3A_210 = tpu.memref_slice %arg3[%arg1, %dma_wait3A_208, %dma_wait3A_209] : memref<16x160x128xi32, #tpu.memory_space<hbm>> -> memref<1x160x128xi32, #tpu.memory_space<hbm>>
    %dma_wait3A_211 = tpu.memref_squeeze %dma_wait3A_210 : memref<1x160x128xi32, #tpu.memory_space<hbm>> -> memref<160x128xi32, #tpu.memory_space<hbm>>
    %dma_wait3A_212 = arith.constant 0 : i32
    %dma_wait3A_213 = tpu.memref_slice %dma_wait3A_211[%dma_wait3A_193, %dma_wait3A_212] : memref<160x128xi32, #tpu.memory_space<hbm>> -> memref<1x128xi32, #tpu.memory_space<hbm>>
    %dma_wait3A_214 = tpu.memref_squeeze %dma_wait3A_213 : memref<1x128xi32, #tpu.memory_space<hbm>> -> memref<128xi32, #tpu.memory_space<hbm>>
    tpu.wait_dma2 semaphore(%arg13 : memref<!tpu.dma_semaphore, #tpu.memory_space<semaphore_mem>>) src(%dma_wait3A_214 : memref<128xi32, #tpu.memory_space<hbm>>) dst(%dma_wait3A_207 : memref<128xi32, #tpu.memory_space<vmem>>)
    %dma_wait3A_215 = arith.constant 1 : i32
    %dma_wait3A_216 = arith.constant 1 : i32
    %dma_wait3A_217 = arith.constant 0 : i32
    %dma_wait3A_218 = tpu.memref_slice %arg8[%dma_wait3A_216, %dma_wait3A_217] : memref<5x128xi32, #tpu.memory_space<vmem>> -> memref<1x128xi32, #tpu.memory_space<vmem>>
    %dma_wait3A_219 = tpu.memref_squeeze %dma_wait3A_218 : memref<1x128xi32, #tpu.memory_space<vmem>> -> memref<128xi32, #tpu.memory_space<vmem>>
    %dma_wait3A_220 = arith.constant 0 : i32
    %dma_wait3A_221 = arith.constant 0 : i32
    %dma_wait3A_222 = tpu.memref_slice %arg4[%arg1, %dma_wait3A_220, %dma_wait3A_221] : memref<16x160x128xi32, #tpu.memory_space<hbm>> -> memref<1x160x128xi32, #tpu.memory_space<hbm>>
    %dma_wait3A_223 = tpu.memref_squeeze %dma_wait3A_222 : memref<1x160x128xi32, #tpu.memory_space<hbm>> -> memref<160x128xi32, #tpu.memory_space<hbm>>
    %dma_wait3A_224 = arith.constant 0 : i32
    %dma_wait3A_225 = tpu.memref_slice %dma_wait3A_223[%dma_wait3A_215, %dma_wait3A_224] : memref<160x128xi32, #tpu.memory_space<hbm>> -> memref<1x128xi32, #tpu.memory_space<hbm>>
    %dma_wait3A_226 = tpu.memref_squeeze %dma_wait3A_225 : memref<1x128xi32, #tpu.memory_space<hbm>> -> memref<128xi32, #tpu.memory_space<hbm>>
    %dma_wait3A_227 = arith.constant 0 : i32
    %dma_wait3A_228 = tpu.memref_slice %arg8[%dma_wait3A_216, %dma_wait3A_227] : memref<5x128xi32, #tpu.memory_space<vmem>> -> memref<1x128xi32, #tpu.memory_space<vmem>>
    %dma_wait3A_229 = tpu.memref_squeeze %dma_wait3A_228 : memref<1x128xi32, #tpu.memory_space<vmem>> -> memref<128xi32, #tpu.memory_space<vmem>>
    %dma_wait3A_230 = arith.constant 0 : i32
    %dma_wait3A_231 = arith.constant 0 : i32
    %dma_wait3A_232 = tpu.memref_slice %arg4[%arg1, %dma_wait3A_230, %dma_wait3A_231] : memref<16x160x128xi32, #tpu.memory_space<hbm>> -> memref<1x160x128xi32, #tpu.memory_space<hbm>>
    %dma_wait3A_233 = tpu.memref_squeeze %dma_wait3A_232 : memref<1x160x128xi32, #tpu.memory_space<hbm>> -> memref<160x128xi32, #tpu.memory_space<hbm>>
    %dma_wait3A_234 = arith.constant 0 : i32
    %dma_wait3A_235 = tpu.memref_slice %dma_wait3A_233[%dma_wait3A_215, %dma_wait3A_234] : memref<160x128xi32, #tpu.memory_space<hbm>> -> memref<1x128xi32, #tpu.memory_space<hbm>>
    %dma_wait3A_236 = tpu.memref_squeeze %dma_wait3A_235 : memref<1x128xi32, #tpu.memory_space<hbm>> -> memref<128xi32, #tpu.memory_space<hbm>>
    tpu.wait_dma2 semaphore(%arg13 : memref<!tpu.dma_semaphore, #tpu.memory_space<semaphore_mem>>) src(%dma_wait3A_236 : memref<128xi32, #tpu.memory_space<hbm>>) dst(%dma_wait3A_229 : memref<128xi32, #tpu.memory_space<vmem>>)
    %dma_start3A_237 = arith.constant 1 : i32
    %dma_start3A_238 = arith.constant 1 : i32
    %dma_start3A_239 = arith.constant 0 : i32
    %dma_start3A_240 = arith.constant 0 : i32
    %dma_start3A_241 = tpu.memref_slice %arg9[%dma_start3A_238, %dma_start3A_239, %dma_start3A_240] : memref<5x128x64xf32, #tpu.memory_space<vmem>> -> memref<1x128x64xf32, #tpu.memory_space<vmem>>
    %dma_start3A_242 = tpu.memref_squeeze %dma_start3A_241 : memref<1x128x64xf32, #tpu.memory_space<vmem>> -> memref<128x64xf32, #tpu.memory_space<vmem>>
    %dma_start3A_243 = arith.constant 0 : i32
    %dma_start3A_244 = tpu.memref_slice %arg7[%dma_start3A_237, %dma_start3A_243] : memref<5x128xi32, #tpu.memory_space<vmem>> -> memref<1x128xi32, #tpu.memory_space<vmem>>
    %dma_start3A_245 = tpu.memref_squeeze %dma_start3A_244 : memref<1x128xi32, #tpu.memory_space<vmem>> -> memref<128xi32, #tpu.memory_space<vmem>>
    %dma_start3A_246 = arith.constant 0 : i32
    %dma_start3A_247 = arith.constant 0 : i32
    %dma_start3A_248 = tpu.memref_slice %arg11[%dma_start3A_246, %dma_start3A_247] : memref<10000x64xf32, #tpu.memory_space<vmem_shared>> -> memref<10000x64xf32, #tpu.memory_space<vmem_shared>>
    tpu.enqueue_indirect_dma source(%dma_start3A_248 : memref<10000x64xf32, #tpu.memory_space<vmem_shared>>) target(%dma_start3A_242 : memref<128x64xf32, #tpu.memory_space<vmem>>) offsets(%dma_start3A_245 : memref<128xi32, #tpu.memory_space<vmem>>) semaphore(%arg13 : memref<!tpu.dma_semaphore, #tpu.memory_space<semaphore_mem>>)
    %scan3A = arith.constant 0 : i32
    %scan3A_249 = arith.constant 0 : i32
    %scan3A_250 = arith.constant 32 : i32
    %scan3A_251 = arith.addi %scan3A_249, %scan3A_250 : i32
    %scan3A_252 = arith.constant 1 : i32
    scf.for %scan3A_279 = %scan3A_249 to %scan3A_251 step %scan3A_252  : i32 {
      %mul3A_280 = arith.constant 5 : i32
      %mul3A_281 = arith.muli %scan3A_279, %mul3A_280 : i32
      %add3A = arith.constant 0 : i32
      %add3A_282 = arith.addi %mul3A_281, %add3A : i32
      %dma_wait3A_283 = arith.constant 0 : i32
      %dma_wait3A_284 = arith.constant 0 : i32
      %dma_wait3A_285 = arith.constant 0 : i32
      %dma_wait3A_286 = arith.constant 0 : i32
      %dma_wait3A_287 = tpu.memref_slice %arg9[%dma_wait3A_284, %dma_wait3A_285, %dma_wait3A_286] : memref<5x128x64xf32, #tpu.memory_space<vmem>> -> memref<1x128x64xf32, #tpu.memory_space<vmem>>
      %dma_wait3A_288 = tpu.memref_squeeze %dma_wait3A_287 : memref<1x128x64xf32, #tpu.memory_space<vmem>> -> memref<128x64xf32, #tpu.memory_space<vmem>>
      %dma_wait3A_289 = arith.constant 0 : i32
      %dma_wait3A_290 = tpu.memref_slice %arg7[%dma_wait3A_283, %dma_wait3A_289] : memref<5x128xi32, #tpu.memory_space<vmem>> -> memref<1x128xi32, #tpu.memory_space<vmem>>
      %dma_wait3A_291 = tpu.memref_squeeze %dma_wait3A_290 : memref<1x128xi32, #tpu.memory_space<vmem>> -> memref<128xi32, #tpu.memory_space<vmem>>
      %dma_wait3A_292 = arith.constant 0 : i32
      %dma_wait3A_293 = arith.constant 0 : i32
      %dma_wait3A_294 = tpu.memref_slice %arg11[%dma_wait3A_292, %dma_wait3A_293] : memref<10000x64xf32, #tpu.memory_space<vmem_shared>> -> memref<10000x64xf32, #tpu.memory_space<vmem_shared>>
      tpu.wait_indirect_dma semaphore(%arg12 : memref<!tpu.dma_semaphore, #tpu.memory_space<semaphore_mem>>) src(%dma_wait3A_294 : memref<10000x64xf32, #tpu.memory_space<vmem_shared>>) dst(%dma_wait3A_288 : memref<128x64xf32, #tpu.memory_space<vmem>>)
      %dma_start3A_295 = arith.constant 0 : i32
      %dma_start3A_296 = arith.constant 0 : i32
      %dma_start3A_297 = arith.constant 0 : i32
      %dma_start3A_298 = arith.constant 0 : i32
      %dma_start3A_299 = tpu.memref_slice %arg9[%dma_start3A_295, %dma_start3A_297, %dma_start3A_298] : memref<5x128x64xf32, #tpu.memory_space<vmem>> -> memref<1x128x64xf32, #tpu.memory_space<vmem>>
      %dma_start3A_300 = tpu.memref_squeeze %dma_start3A_299 : memref<1x128x64xf32, #tpu.memory_space<vmem>> -> memref<128x64xf32, #tpu.memory_space<vmem>>
      %dma_start3A_301 = arith.constant 0 : i32
      %dma_start3A_302 = tpu.memref_slice %arg8[%dma_start3A_296, %dma_start3A_301] : memref<5x128xi32, #tpu.memory_space<vmem>> -> memref<1x128xi32, #tpu.memory_space<vmem>>
      %dma_start3A_303 = tpu.memref_squeeze %dma_start3A_302 : memref<1x128xi32, #tpu.memory_space<vmem>> -> memref<128xi32, #tpu.memory_space<vmem>>
      %dma_start3A_304 = arith.constant 0 : i32
      %dma_start3A_305 = arith.constant 0 : i32
      %dma_start3A_306 = tpu.memref_slice %arg10[%dma_start3A_304, %dma_start3A_305] : memref<10112x64xf32, #tpu.memory_space<vmem_shared>> -> memref<10112x64xf32, #tpu.memory_space<vmem_shared>>
      tpu.enqueue_indirect_dma source(%dma_start3A_300 : memref<128x64xf32, #tpu.memory_space<vmem>>) target(%dma_start3A_306 : memref<10112x64xf32, #tpu.memory_space<vmem_shared>>) offsets(%dma_start3A_303 : memref<128xi32, #tpu.memory_space<vmem>>) semaphore(%arg12 : memref<!tpu.dma_semaphore, #tpu.memory_space<semaphore_mem>>) {add = true}
      %add3A_307 = arith.constant 2 : i32
      %add3A_308 = arith.addi %add3A_282, %add3A_307 : i32
      %add3A_309 = arith.constant 1 : i32
      %add3A_310 = arith.addi %add3A_308, %add3A_309 : i32
      %sub3A = arith.constant 5 : i32
      %sub3A_311 = arith.subi %add3A_310, %sub3A : i32
      %ge3A = arith.constant 0 : i32
      %ge3A_312 = arith.cmpi sge, %sub3A_311, %ge3A : i32
      %convert_element_type3A_313 = arith.extui %ge3A_312 : i1 to i32
      %cond3A_314 = arith.constant 0 : i32
      %cond3A_315 = arith.cmpi ne, %convert_element_type3A_313, %cond3A_314 : i32
      scf.if %cond3A_315 {
        %add3A_551 = arith.constant 2 : i32
        %add3A_552 = arith.addi %add3A_282, %add3A_551 : i32
        %add3A_553 = arith.constant 1 : i32
        %add3A_554 = arith.addi %add3A_552, %add3A_553 : i32
        %sub3A_555 = arith.constant 5 : i32
        %sub3A_556 = arith.subi %add3A_554, %sub3A_555 : i32
        %dma_wait3A_557 = arith.constant 3 : i32
        %dma_wait3A_558 = arith.constant 3 : i32
        %dma_wait3A_559 = arith.constant 0 : i32
        %dma_wait3A_560 = arith.constant 0 : i32
        %dma_wait3A_561 = tpu.memref_slice %arg9[%dma_wait3A_557, %dma_wait3A_559, %dma_wait3A_560] : memref<5x128x64xf32, #tpu.memory_space<vmem>> -> memref<1x128x64xf32, #tpu.memory_space<vmem>>
        %dma_wait3A_562 = tpu.memref_squeeze %dma_wait3A_561 : memref<1x128x64xf32, #tpu.memory_space<vmem>> -> memref<128x64xf32, #tpu.memory_space<vmem>>
        %dma_wait3A_563 = arith.constant 0 : i32
        %dma_wait3A_564 = tpu.memref_slice %arg8[%dma_wait3A_558, %dma_wait3A_563] : memref<5x128xi32, #tpu.memory_space<vmem>> -> memref<1x128xi32, #tpu.memory_space<vmem>>
        %dma_wait3A_565 = tpu.memref_squeeze %dma_wait3A_564 : memref<1x128xi32, #tpu.memory_space<vmem>> -> memref<128xi32, #tpu.memory_space<vmem>>
        %dma_wait3A_566 = arith.constant 0 : i32
        %dma_wait3A_567 = arith.constant 0 : i32
        %dma_wait3A_568 = tpu.memref_slice %arg10[%dma_wait3A_566, %dma_wait3A_567] : memref<10112x64xf32, #tpu.memory_space<vmem_shared>> -> memref<10112x64xf32, #tpu.memory_space<vmem_shared>>
        tpu.wait_indirect_dma semaphore(%arg15 : memref<!tpu.dma_semaphore, #tpu.memory_space<semaphore_mem>>) src(%dma_wait3A_562 : memref<128x64xf32, #tpu.memory_space<vmem>>) dst(%dma_wait3A_568 : memref<10112x64xf32, #tpu.memory_space<vmem_shared>>)
      } else {
      }
      %add3A_316 = arith.constant 2 : i32
      %add3A_317 = arith.addi %add3A_282, %add3A_316 : i32
      %add3A_318 = arith.constant 1 : i32
      %add3A_319 = arith.addi %add3A_317, %add3A_318 : i32
      %lt3A = arith.constant 160 : i32
      %lt3A_320 = arith.cmpi slt, %add3A_319, %lt3A : i32
      %convert_element_type3A_321 = arith.extui %lt3A_320 : i1 to i32
      %cond3A_322 = arith.constant 0 : i32
      %cond3A_323 = arith.cmpi ne, %convert_element_type3A_321, %cond3A_322 : i32
      scf.if %cond3A_323 {
        %add3A_551 = arith.constant 2 : i32
        %add3A_552 = arith.addi %add3A_282, %add3A_551 : i32
        %add3A_553 = arith.constant 1 : i32
        %add3A_554 = arith.addi %add3A_552, %add3A_553 : i32
        %dma_start3A_555 = arith.constant 3 : i32
        %dma_start3A_556 = arith.constant 0 : i32
        %dma_start3A_557 = tpu.memref_slice %arg7[%dma_start3A_555, %dma_start3A_556] : memref<5x128xi32, #tpu.memory_space<vmem>> -> memref<1x128xi32, #tpu.memory_space<vmem>>
        %dma_start3A_558 = tpu.memref_squeeze %dma_start3A_557 : memref<1x128xi32, #tpu.memory_space<vmem>> -> memref<128xi32, #tpu.memory_space<vmem>>
        %dma_start3A_559 = arith.constant 0 : i32
        %dma_start3A_560 = arith.constant 0 : i32
        %dma_start3A_561 = tpu.memref_slice %arg3[%arg1, %dma_start3A_559, %dma_start3A_560] : memref<16x160x128xi32, #tpu.memory_space<hbm>> -> memref<1x160x128xi32, #tpu.memory_space<hbm>>
        %dma_start3A_562 = tpu.memref_squeeze %dma_start3A_561 : memref<1x160x128xi32, #tpu.memory_space<hbm>> -> memref<160x128xi32, #tpu.memory_space<hbm>>
        %dma_start3A_563 = arith.constant 0 : i32
        %dma_start3A_564 = tpu.memref_slice %dma_start3A_562[%add3A_554, %dma_start3A_563] : memref<160x128xi32, #tpu.memory_space<hbm>> -> memref<1x128xi32, #tpu.memory_space<hbm>>
        %dma_start3A_565 = tpu.memref_squeeze %dma_start3A_564 : memref<1x128xi32, #tpu.memory_space<hbm>> -> memref<128xi32, #tpu.memory_space<hbm>>
        %dma_start3A_566 = arith.constant 0 : i32
        %dma_start3A_567 = tpu.memref_slice %arg7[%dma_start3A_555, %dma_start3A_566] : memref<5x128xi32, #tpu.memory_space<vmem>> -> memref<1x128xi32, #tpu.memory_space<vmem>>
        %dma_start3A_568 = tpu.memref_squeeze %dma_start3A_567 : memref<1x128xi32, #tpu.memory_space<vmem>> -> memref<128xi32, #tpu.memory_space<vmem>>
        %dma_start3A_569 = arith.constant 0 : i32
        %dma_start3A_570 = arith.constant 0 : i32
        %dma_start3A_571 = tpu.memref_slice %arg3[%arg1, %dma_start3A_569, %dma_start3A_570] : memref<16x160x128xi32, #tpu.memory_space<hbm>> -> memref<1x160x128xi32, #tpu.memory_space<hbm>>
        %dma_start3A_572 = tpu.memref_squeeze %dma_start3A_571 : memref<1x160x128xi32, #tpu.memory_space<hbm>> -> memref<160x128xi32, #tpu.memory_space<hbm>>
        %dma_start3A_573 = arith.constant 0 : i32
        %dma_start3A_574 = tpu.memref_slice %dma_start3A_572[%add3A_554, %dma_start3A_573] : memref<160x128xi32, #tpu.memory_space<hbm>> -> memref<1x128xi32, #tpu.memory_space<hbm>>
        %dma_start3A_575 = tpu.memref_squeeze %dma_start3A_574 : memref<1x128xi32, #tpu.memory_space<hbm>> -> memref<128xi32, #tpu.memory_space<hbm>>
        tpu.enqueue_dma source(%dma_start3A_575 : memref<128xi32, #tpu.memory_space<hbm>>) target(%dma_start3A_568 : memref<128xi32, #tpu.memory_space<vmem>>) target_semaphore(%arg15 : memref<!tpu.dma_semaphore, #tpu.memory_space<semaphore_mem>>)
        %dma_start3A_576 = arith.constant 3 : i32
        %dma_start3A_577 = arith.constant 0 : i32
        %dma_start3A_578 = tpu.memref_slice %arg8[%dma_start3A_576, %dma_start3A_577] : memref<5x128xi32, #tpu.memory_space<vmem>> -> memref<1x128xi32, #tpu.memory_space<vmem>>
        %dma_start3A_579 = tpu.memref_squeeze %dma_start3A_578 : memref<1x128xi32, #tpu.memory_space<vmem>> -> memref<128xi32, #tpu.memory_space<vmem>>
        %dma_start3A_580 = arith.constant 0 : i32
        %dma_start3A_581 = arith.constant 0 : i32
        %dma_start3A_582 = tpu.memref_slice %arg4[%arg1, %dma_start3A_580, %dma_start3A_581] : memref<16x160x128xi32, #tpu.memory_space<hbm>> -> memref<1x160x128xi32, #tpu.memory_space<hbm>>
        %dma_start3A_583 = tpu.memref_squeeze %dma_start3A_582 : memref<1x160x128xi32, #tpu.memory_space<hbm>> -> memref<160x128xi32, #tpu.memory_space<hbm>>
        %dma_start3A_584 = arith.constant 0 : i32
        %dma_start3A_585 = tpu.memref_slice %dma_start3A_583[%add3A_554, %dma_start3A_584] : memref<160x128xi32, #tpu.memory_space<hbm>> -> memref<1x128xi32, #tpu.memory_space<hbm>>
        %dma_start3A_586 = tpu.memref_squeeze %dma_start3A_585 : memref<1x128xi32, #tpu.memory_space<hbm>> -> memref<128xi32, #tpu.memory_space<hbm>>
        %dma_start3A_587 = arith.constant 0 : i32
        %dma_start3A_588 = tpu.memref_slice %arg8[%dma_start3A_576, %dma_start3A_587] : memref<5x128xi32, #tpu.memory_space<vmem>> -> memref<1x128xi32, #tpu.memory_space<vmem>>
        %dma_start3A_589 = tpu.memref_squeeze %dma_start3A_588 : memref<1x128xi32, #tpu.memory_space<vmem>> -> memref<128xi32, #tpu.memory_space<vmem>>
        %dma_start3A_590 = arith.constant 0 : i32
        %dma_start3A_591 = arith.constant 0 : i32
        %dma_start3A_592 = tpu.memref_slice %arg4[%arg1, %dma_start3A_590, %dma_start3A_591] : memref<16x160x128xi32, #tpu.memory_space<hbm>> -> memref<1x160x128xi32, #tpu.memory_space<hbm>>
        %dma_start3A_593 = tpu.memref_squeeze %dma_start3A_592 : memref<1x160x128xi32, #tpu.memory_space<hbm>> -> memref<160x128xi32, #tpu.memory_space<hbm>>
        %dma_start3A_594 = arith.constant 0 : i32
        %dma_start3A_595 = tpu.memref_slice %dma_start3A_593[%add3A_554, %dma_start3A_594] : memref<160x128xi32, #tpu.memory_space<hbm>> -> memref<1x128xi32, #tpu.memory_space<hbm>>
        %dma_start3A_596 = tpu.memref_squeeze %dma_start3A_595 : memref<1x128xi32, #tpu.memory_space<hbm>> -> memref<128xi32, #tpu.memory_space<hbm>>
        tpu.enqueue_dma source(%dma_start3A_596 : memref<128xi32, #tpu.memory_space<hbm>>) target(%dma_start3A_589 : memref<128xi32, #tpu.memory_space<vmem>>) target_semaphore(%arg15 : memref<!tpu.dma_semaphore, #tpu.memory_space<semaphore_mem>>)
      } else {
      }
      %add3A_324 = arith.constant 2 : i32
      %add3A_325 = arith.addi %add3A_282, %add3A_324 : i32
      %lt3A_326 = arith.constant 160 : i32
      %lt3A_327 = arith.cmpi slt, %add3A_325, %lt3A_326 : i32
      %convert_element_type3A_328 = arith.extui %lt3A_327 : i1 to i32
      %cond3A_329 = arith.constant 0 : i32
      %cond3A_330 = arith.cmpi ne, %convert_element_type3A_328, %cond3A_329 : i32
      scf.if %cond3A_330 {
        %add3A_551 = arith.constant 2 : i32
        %add3A_552 = arith.addi %add3A_282, %add3A_551 : i32
        %dma_wait3A_553 = arith.constant 2 : i32
        %dma_wait3A_554 = arith.constant 0 : i32
        %dma_wait3A_555 = tpu.memref_slice %arg7[%dma_wait3A_553, %dma_wait3A_554] : memref<5x128xi32, #tpu.memory_space<vmem>> -> memref<1x128xi32, #tpu.memory_space<vmem>>
        %dma_wait3A_556 = tpu.memref_squeeze %dma_wait3A_555 : memref<1x128xi32, #tpu.memory_space<vmem>> -> memref<128xi32, #tpu.memory_space<vmem>>
        %dma_wait3A_557 = arith.constant 0 : i32
        %dma_wait3A_558 = arith.constant 0 : i32
        %dma_wait3A_559 = tpu.memref_slice %arg3[%arg1, %dma_wait3A_557, %dma_wait3A_558] : memref<16x160x128xi32, #tpu.memory_space<hbm>> -> memref<1x160x128xi32, #tpu.memory_space<hbm>>
        %dma_wait3A_560 = tpu.memref_squeeze %dma_wait3A_559 : memref<1x160x128xi32, #tpu.memory_space<hbm>> -> memref<160x128xi32, #tpu.memory_space<hbm>>
        %dma_wait3A_561 = arith.constant 0 : i32
        %dma_wait3A_562 = tpu.memref_slice %dma_wait3A_560[%add3A_552, %dma_wait3A_561] : memref<160x128xi32, #tpu.memory_space<hbm>> -> memref<1x128xi32, #tpu.memory_space<hbm>>
        %dma_wait3A_563 = tpu.memref_squeeze %dma_wait3A_562 : memref<1x128xi32, #tpu.memory_space<hbm>> -> memref<128xi32, #tpu.memory_space<hbm>>
        %dma_wait3A_564 = arith.constant 0 : i32
        %dma_wait3A_565 = tpu.memref_slice %arg7[%dma_wait3A_553, %dma_wait3A_564] : memref<5x128xi32, #tpu.memory_space<vmem>> -> memref<1x128xi32, #tpu.memory_space<vmem>>
        %dma_wait3A_566 = tpu.memref_squeeze %dma_wait3A_565 : memref<1x128xi32, #tpu.memory_space<vmem>> -> memref<128xi32, #tpu.memory_space<vmem>>
        %dma_wait3A_567 = arith.constant 0 : i32
        %dma_wait3A_568 = arith.constant 0 : i32
        %dma_wait3A_569 = tpu.memref_slice %arg3[%arg1, %dma_wait3A_567, %dma_wait3A_568] : memref<16x160x128xi32, #tpu.memory_space<hbm>> -> memref<1x160x128xi32, #tpu.memory_space<hbm>>
        %dma_wait3A_570 = tpu.memref_squeeze %dma_wait3A_569 : memref<1x160x128xi32, #tpu.memory_space<hbm>> -> memref<160x128xi32, #tpu.memory_space<hbm>>
        %dma_wait3A_571 = arith.constant 0 : i32
        %dma_wait3A_572 = tpu.memref_slice %dma_wait3A_570[%add3A_552, %dma_wait3A_571] : memref<160x128xi32, #tpu.memory_space<hbm>> -> memref<1x128xi32, #tpu.memory_space<hbm>>
        %dma_wait3A_573 = tpu.memref_squeeze %dma_wait3A_572 : memref<1x128xi32, #tpu.memory_space<hbm>> -> memref<128xi32, #tpu.memory_space<hbm>>
        tpu.wait_dma2 semaphore(%arg14 : memref<!tpu.dma_semaphore, #tpu.memory_space<semaphore_mem>>) src(%dma_wait3A_573 : memref<128xi32, #tpu.memory_space<hbm>>) dst(%dma_wait3A_566 : memref<128xi32, #tpu.memory_space<vmem>>)
        %dma_wait3A_574 = arith.constant 2 : i32
        %dma_wait3A_575 = arith.constant 0 : i32
        %dma_wait3A_576 = tpu.memref_slice %arg8[%dma_wait3A_574, %dma_wait3A_575] : memref<5x128xi32, #tpu.memory_space<vmem>> -> memref<1x128xi32, #tpu.memory_space<vmem>>
        %dma_wait3A_577 = tpu.memref_squeeze %dma_wait3A_576 : memref<1x128xi32, #tpu.memory_space<vmem>> -> memref<128xi32, #tpu.memory_space<vmem>>
        %dma_wait3A_578 = arith.constant 0 : i32
        %dma_wait3A_579 = arith.constant 0 : i32
        %dma_wait3A_580 = tpu.memref_slice %arg4[%arg1, %dma_wait3A_578, %dma_wait3A_579] : memref<16x160x128xi32, #tpu.memory_space<hbm>> -> memref<1x160x128xi32, #tpu.memory_space<hbm>>
        %dma_wait3A_581 = tpu.memref_squeeze %dma_wait3A_580 : memref<1x160x128xi32, #tpu.memory_space<hbm>> -> memref<160x128xi32, #tpu.memory_space<hbm>>
        %dma_wait3A_582 = arith.constant 0 : i32
        %dma_wait3A_583 = tpu.memref_slice %dma_wait3A_581[%add3A_552, %dma_wait3A_582] : memref<160x128xi32, #tpu.memory_space<hbm>> -> memref<1x128xi32, #tpu.memory_space<hbm>>
        %dma_wait3A_584 = tpu.memref_squeeze %dma_wait3A_583 : memref<1x128xi32, #tpu.memory_space<hbm>> -> memref<128xi32, #tpu.memory_space<hbm>>
        %dma_wait3A_585 = arith.constant 0 : i32
        %dma_wait3A_586 = tpu.memref_slice %arg8[%dma_wait3A_574, %dma_wait3A_585] : memref<5x128xi32, #tpu.memory_space<vmem>> -> memref<1x128xi32, #tpu.memory_space<vmem>>
        %dma_wait3A_587 = tpu.memref_squeeze %dma_wait3A_586 : memref<1x128xi32, #tpu.memory_space<vmem>> -> memref<128xi32, #tpu.memory_space<vmem>>
        %dma_wait3A_588 = arith.constant 0 : i32
        %dma_wait3A_589 = arith.constant 0 : i32
        %dma_wait3A_590 = tpu.memref_slice %arg4[%arg1, %dma_wait3A_588, %dma_wait3A_589] : memref<16x160x128xi32, #tpu.memory_space<hbm>> -> memref<1x160x128xi32, #tpu.memory_space<hbm>>
        %dma_wait3A_591 = tpu.memref_squeeze %dma_wait3A_590 : memref<1x160x128xi32, #tpu.memory_space<hbm>> -> memref<160x128xi32, #tpu.memory_space<hbm>>
        %dma_wait3A_592 = arith.constant 0 : i32
        %dma_wait3A_593 = tpu.memref_slice %dma_wait3A_591[%add3A_552, %dma_wait3A_592] : memref<160x128xi32, #tpu.memory_space<hbm>> -> memref<1x128xi32, #tpu.memory_space<hbm>>
        %dma_wait3A_594 = tpu.memref_squeeze %dma_wait3A_593 : memref<1x128xi32, #tpu.memory_space<hbm>> -> memref<128xi32, #tpu.memory_space<hbm>>
        tpu.wait_dma2 semaphore(%arg14 : memref<!tpu.dma_semaphore, #tpu.memory_space<semaphore_mem>>) src(%dma_wait3A_594 : memref<128xi32, #tpu.memory_space<hbm>>) dst(%dma_wait3A_587 : memref<128xi32, #tpu.memory_space<vmem>>)
        %add3A_595 = arith.constant 2 : i32
        %add3A_596 = arith.addi %add3A_282, %add3A_595 : i32
        %dma_start3A_597 = arith.constant 2 : i32
        %dma_start3A_598 = arith.constant 2 : i32
        %dma_start3A_599 = arith.constant 0 : i32
        %dma_start3A_600 = arith.constant 0 : i32
        %dma_start3A_601 = tpu.memref_slice %arg9[%dma_start3A_598, %dma_start3A_599, %dma_start3A_600] : memref<5x128x64xf32, #tpu.memory_space<vmem>> -> memref<1x128x64xf32, #tpu.memory_space<vmem>>
        %dma_start3A_602 = tpu.memref_squeeze %dma_start3A_601 : memref<1x128x64xf32, #tpu.memory_space<vmem>> -> memref<128x64xf32, #tpu.memory_space<vmem>>
        %dma_start3A_603 = arith.constant 0 : i32
        %dma_start3A_604 = tpu.memref_slice %arg7[%dma_start3A_597, %dma_start3A_603] : memref<5x128xi32, #tpu.memory_space<vmem>> -> memref<1x128xi32, #tpu.memory_space<vmem>>
        %dma_start3A_605 = tpu.memref_squeeze %dma_start3A_604 : memref<1x128xi32, #tpu.memory_space<vmem>> -> memref<128xi32, #tpu.memory_space<vmem>>
        %dma_start3A_606 = arith.constant 0 : i32
        %dma_start3A_607 = arith.constant 0 : i32
        %dma_start3A_608 = tpu.memref_slice %arg11[%dma_start3A_606, %dma_start3A_607] : memref<10000x64xf32, #tpu.memory_space<vmem_shared>> -> memref<10000x64xf32, #tpu.memory_space<vmem_shared>>
        tpu.enqueue_indirect_dma source(%dma_start3A_608 : memref<10000x64xf32, #tpu.memory_space<vmem_shared>>) target(%dma_start3A_602 : memref<128x64xf32, #tpu.memory_space<vmem>>) offsets(%dma_start3A_605 : memref<128xi32, #tpu.memory_space<vmem>>) semaphore(%arg14 : memref<!tpu.dma_semaphore, #tpu.memory_space<semaphore_mem>>)
      } else {
      }
      %mul3A_331 = arith.constant 5 : i32
      %mul3A_332 = arith.muli %scan3A_279, %mul3A_331 : i32
      %add3A_333 = arith.constant 1 : i32
      %add3A_334 = arith.addi %mul3A_332, %add3A_333 : i32
      %dma_wait3A_335 = arith.constant 1 : i32
      %dma_wait3A_336 = arith.constant 1 : i32
      %dma_wait3A_337 = arith.constant 0 : i32
      %dma_wait3A_338 = arith.constant 0 : i32
      %dma_wait3A_339 = tpu.memref_slice %arg9[%dma_wait3A_336, %dma_wait3A_337, %dma_wait3A_338] : memref<5x128x64xf32, #tpu.memory_space<vmem>> -> memref<1x128x64xf32, #tpu.memory_space<vmem>>
      %dma_wait3A_340 = tpu.memref_squeeze %dma_wait3A_339 : memref<1x128x64xf32, #tpu.memory_space<vmem>> -> memref<128x64xf32, #tpu.memory_space<vmem>>
      %dma_wait3A_341 = arith.constant 0 : i32
      %dma_wait3A_342 = tpu.memref_slice %arg7[%dma_wait3A_335, %dma_wait3A_341] : memref<5x128xi32, #tpu.memory_space<vmem>> -> memref<1x128xi32, #tpu.memory_space<vmem>>
      %dma_wait3A_343 = tpu.memref_squeeze %dma_wait3A_342 : memref<1x128xi32, #tpu.memory_space<vmem>> -> memref<128xi32, #tpu.memory_space<vmem>>
      %dma_wait3A_344 = arith.constant 0 : i32
      %dma_wait3A_345 = arith.constant 0 : i32
      %dma_wait3A_346 = tpu.memref_slice %arg11[%dma_wait3A_344, %dma_wait3A_345] : memref<10000x64xf32, #tpu.memory_space<vmem_shared>> -> memref<10000x64xf32, #tpu.memory_space<vmem_shared>>
      tpu.wait_indirect_dma semaphore(%arg13 : memref<!tpu.dma_semaphore, #tpu.memory_space<semaphore_mem>>) src(%dma_wait3A_346 : memref<10000x64xf32, #tpu.memory_space<vmem_shared>>) dst(%dma_wait3A_340 : memref<128x64xf32, #tpu.memory_space<vmem>>)
      %dma_start3A_347 = arith.constant 1 : i32
      %dma_start3A_348 = arith.constant 1 : i32
      %dma_start3A_349 = arith.constant 0 : i32
      %dma_start3A_350 = arith.constant 0 : i32
      %dma_start3A_351 = tpu.memref_slice %arg9[%dma_start3A_347, %dma_start3A_349, %dma_start3A_350] : memref<5x128x64xf32, #tpu.memory_space<vmem>> -> memref<1x128x64xf32, #tpu.memory_space<vmem>>
      %dma_start3A_352 = tpu.memref_squeeze %dma_start3A_351 : memref<1x128x64xf32, #tpu.memory_space<vmem>> -> memref<128x64xf32, #tpu.memory_space<vmem>>
      %dma_start3A_353 = arith.constant 0 : i32
      %dma_start3A_354 = tpu.memref_slice %arg8[%dma_start3A_348, %dma_start3A_353] : memref<5x128xi32, #tpu.memory_space<vmem>> -> memref<1x128xi32, #tpu.memory_space<vmem>>
      %dma_start3A_355 = tpu.memref_squeeze %dma_start3A_354 : memref<1x128xi32, #tpu.memory_space<vmem>> -> memref<128xi32, #tpu.memory_space<vmem>>
      %dma_start3A_356 = arith.constant 0 : i32
      %dma_start3A_357 = arith.constant 0 : i32
      %dma_start3A_358 = tpu.memref_slice %arg10[%dma_start3A_356, %dma_start3A_357] : memref<10112x64xf32, #tpu.memory_space<vmem_shared>> -> memref<10112x64xf32, #tpu.memory_space<vmem_shared>>
      tpu.enqueue_indirect_dma source(%dma_start3A_352 : memref<128x64xf32, #tpu.memory_space<vmem>>) target(%dma_start3A_358 : memref<10112x64xf32, #tpu.memory_space<vmem_shared>>) offsets(%dma_start3A_355 : memref<128xi32, #tpu.memory_space<vmem>>) semaphore(%arg13 : memref<!tpu.dma_semaphore, #tpu.memory_space<semaphore_mem>>) {add = true}
      %add3A_359 = arith.constant 2 : i32
      %add3A_360 = arith.addi %add3A_334, %add3A_359 : i32
      %add3A_361 = arith.constant 1 : i32
      %add3A_362 = arith.addi %add3A_360, %add3A_361 : i32
      %sub3A_363 = arith.constant 5 : i32
      %sub3A_364 = arith.subi %add3A_362, %sub3A_363 : i32
      %ge3A_365 = arith.constant 0 : i32
      %ge3A_366 = arith.cmpi sge, %sub3A_364, %ge3A_365 : i32
      %convert_element_type3A_367 = arith.extui %ge3A_366 : i1 to i32
      %cond3A_368 = arith.constant 0 : i32
      %cond3A_369 = arith.cmpi ne, %convert_element_type3A_367, %cond3A_368 : i32
      scf.if %cond3A_369 {
        %add3A_551 = arith.constant 2 : i32
        %add3A_552 = arith.addi %add3A_334, %add3A_551 : i32
        %add3A_553 = arith.constant 1 : i32
        %add3A_554 = arith.addi %add3A_552, %add3A_553 : i32
        %sub3A_555 = arith.constant 5 : i32
        %sub3A_556 = arith.subi %add3A_554, %sub3A_555 : i32
        %dma_wait3A_557 = arith.constant 4 : i32
        %dma_wait3A_558 = arith.constant 4 : i32
        %dma_wait3A_559 = arith.constant 0 : i32
        %dma_wait3A_560 = arith.constant 0 : i32
        %dma_wait3A_561 = tpu.memref_slice %arg9[%dma_wait3A_557, %dma_wait3A_559, %dma_wait3A_560] : memref<5x128x64xf32, #tpu.memory_space<vmem>> -> memref<1x128x64xf32, #tpu.memory_space<vmem>>
        %dma_wait3A_562 = tpu.memref_squeeze %dma_wait3A_561 : memref<1x128x64xf32, #tpu.memory_space<vmem>> -> memref<128x64xf32, #tpu.memory_space<vmem>>
        %dma_wait3A_563 = arith.constant 0 : i32
        %dma_wait3A_564 = tpu.memref_slice %arg8[%dma_wait3A_558, %dma_wait3A_563] : memref<5x128xi32, #tpu.memory_space<vmem>> -> memref<1x128xi32, #tpu.memory_space<vmem>>
        %dma_wait3A_565 = tpu.memref_squeeze %dma_wait3A_564 : memref<1x128xi32, #tpu.memory_space<vmem>> -> memref<128xi32, #tpu.memory_space<vmem>>
        %dma_wait3A_566 = arith.constant 0 : i32
        %dma_wait3A_567 = arith.constant 0 : i32
        %dma_wait3A_568 = tpu.memref_slice %arg10[%dma_wait3A_566, %dma_wait3A_567] : memref<10112x64xf32, #tpu.memory_space<vmem_shared>> -> memref<10112x64xf32, #tpu.memory_space<vmem_shared>>
        tpu.wait_indirect_dma semaphore(%arg16 : memref<!tpu.dma_semaphore, #tpu.memory_space<semaphore_mem>>) src(%dma_wait3A_562 : memref<128x64xf32, #tpu.memory_space<vmem>>) dst(%dma_wait3A_568 : memref<10112x64xf32, #tpu.memory_space<vmem_shared>>)
      } else {
      }
      %add3A_370 = arith.constant 2 : i32
      %add3A_371 = arith.addi %add3A_334, %add3A_370 : i32
      %add3A_372 = arith.constant 1 : i32
      %add3A_373 = arith.addi %add3A_371, %add3A_372 : i32
      %lt3A_374 = arith.constant 160 : i32
      %lt3A_375 = arith.cmpi slt, %add3A_373, %lt3A_374 : i32
      %convert_element_type3A_376 = arith.extui %lt3A_375 : i1 to i32
      %cond3A_377 = arith.constant 0 : i32
      %cond3A_378 = arith.cmpi ne, %convert_element_type3A_376, %cond3A_377 : i32
      scf.if %cond3A_378 {
        %add3A_551 = arith.constant 2 : i32
        %add3A_552 = arith.addi %add3A_334, %add3A_551 : i32
        %add3A_553 = arith.constant 1 : i32
        %add3A_554 = arith.addi %add3A_552, %add3A_553 : i32
        %dma_start3A_555 = arith.constant 4 : i32
        %dma_start3A_556 = arith.constant 0 : i32
        %dma_start3A_557 = tpu.memref_slice %arg7[%dma_start3A_555, %dma_start3A_556] : memref<5x128xi32, #tpu.memory_space<vmem>> -> memref<1x128xi32, #tpu.memory_space<vmem>>
        %dma_start3A_558 = tpu.memref_squeeze %dma_start3A_557 : memref<1x128xi32, #tpu.memory_space<vmem>> -> memref<128xi32, #tpu.memory_space<vmem>>
        %dma_start3A_559 = arith.constant 0 : i32
        %dma_start3A_560 = arith.constant 0 : i32
        %dma_start3A_561 = tpu.memref_slice %arg3[%arg1, %dma_start3A_559, %dma_start3A_560] : memref<16x160x128xi32, #tpu.memory_space<hbm>> -> memref<1x160x128xi32, #tpu.memory_space<hbm>>
        %dma_start3A_562 = tpu.memref_squeeze %dma_start3A_561 : memref<1x160x128xi32, #tpu.memory_space<hbm>> -> memref<160x128xi32, #tpu.memory_space<hbm>>
        %dma_start3A_563 = arith.constant 0 : i32
        %dma_start3A_564 = tpu.memref_slice %dma_start3A_562[%add3A_554, %dma_start3A_563] : memref<160x128xi32, #tpu.memory_space<hbm>> -> memref<1x128xi32, #tpu.memory_space<hbm>>
        %dma_start3A_565 = tpu.memref_squeeze %dma_start3A_564 : memref<1x128xi32, #tpu.memory_space<hbm>> -> memref<128xi32, #tpu.memory_space<hbm>>
        %dma_start3A_566 = arith.constant 0 : i32
        %dma_start3A_567 = tpu.memref_slice %arg7[%dma_start3A_555, %dma_start3A_566] : memref<5x128xi32, #tpu.memory_space<vmem>> -> memref<1x128xi32, #tpu.memory_space<vmem>>
        %dma_start3A_568 = tpu.memref_squeeze %dma_start3A_567 : memref<1x128xi32, #tpu.memory_space<vmem>> -> memref<128xi32, #tpu.memory_space<vmem>>
        %dma_start3A_569 = arith.constant 0 : i32
        %dma_start3A_570 = arith.constant 0 : i32
        %dma_start3A_571 = tpu.memref_slice %arg3[%arg1, %dma_start3A_569, %dma_start3A_570] : memref<16x160x128xi32, #tpu.memory_space<hbm>> -> memref<1x160x128xi32, #tpu.memory_space<hbm>>
        %dma_start3A_572 = tpu.memref_squeeze %dma_start3A_571 : memref<1x160x128xi32, #tpu.memory_space<hbm>> -> memref<160x128xi32, #tpu.memory_space<hbm>>
        %dma_start3A_573 = arith.constant 0 : i32
        %dma_start3A_574 = tpu.memref_slice %dma_start3A_572[%add3A_554, %dma_start3A_573] : memref<160x128xi32, #tpu.memory_space<hbm>> -> memref<1x128xi32, #tpu.memory_space<hbm>>
        %dma_start3A_575 = tpu.memref_squeeze %dma_start3A_574 : memref<1x128xi32, #tpu.memory_space<hbm>> -> memref<128xi32, #tpu.memory_space<hbm>>
        tpu.enqueue_dma source(%dma_start3A_575 : memref<128xi32, #tpu.memory_space<hbm>>) target(%dma_start3A_568 : memref<128xi32, #tpu.memory_space<vmem>>) target_semaphore(%arg16 : memref<!tpu.dma_semaphore, #tpu.memory_space<semaphore_mem>>)
        %dma_start3A_576 = arith.constant 4 : i32
        %dma_start3A_577 = arith.constant 0 : i32
        %dma_start3A_578 = tpu.memref_slice %arg8[%dma_start3A_576, %dma_start3A_577] : memref<5x128xi32, #tpu.memory_space<vmem>> -> memref<1x128xi32, #tpu.memory_space<vmem>>
        %dma_start3A_579 = tpu.memref_squeeze %dma_start3A_578 : memref<1x128xi32, #tpu.memory_space<vmem>> -> memref<128xi32, #tpu.memory_space<vmem>>
        %dma_start3A_580 = arith.constant 0 : i32
        %dma_start3A_581 = arith.constant 0 : i32
        %dma_start3A_582 = tpu.memref_slice %arg4[%arg1, %dma_start3A_580, %dma_start3A_581] : memref<16x160x128xi32, #tpu.memory_space<hbm>> -> memref<1x160x128xi32, #tpu.memory_space<hbm>>
        %dma_start3A_583 = tpu.memref_squeeze %dma_start3A_582 : memref<1x160x128xi32, #tpu.memory_space<hbm>> -> memref<160x128xi32, #tpu.memory_space<hbm>>
        %dma_start3A_584 = arith.constant 0 : i32
        %dma_start3A_585 = tpu.memref_slice %dma_start3A_583[%add3A_554, %dma_start3A_584] : memref<160x128xi32, #tpu.memory_space<hbm>> -> memref<1x128xi32, #tpu.memory_space<hbm>>
        %dma_start3A_586 = tpu.memref_squeeze %dma_start3A_585 : memref<1x128xi32, #tpu.memory_space<hbm>> -> memref<128xi32, #tpu.memory_space<hbm>>
        %dma_start3A_587 = arith.constant 0 : i32
        %dma_start3A_588 = tpu.memref_slice %arg8[%dma_start3A_576, %dma_start3A_587] : memref<5x128xi32, #tpu.memory_space<vmem>> -> memref<1x128xi32, #tpu.memory_space<vmem>>
        %dma_start3A_589 = tpu.memref_squeeze %dma_start3A_588 : memref<1x128xi32, #tpu.memory_space<vmem>> -> memref<128xi32, #tpu.memory_space<vmem>>
        %dma_start3A_590 = arith.constant 0 : i32
        %dma_start3A_591 = arith.constant 0 : i32
        %dma_start3A_592 = tpu.memref_slice %arg4[%arg1, %dma_start3A_590, %dma_start3A_591] : memref<16x160x128xi32, #tpu.memory_space<hbm>> -> memref<1x160x128xi32, #tpu.memory_space<hbm>>
        %dma_start3A_593 = tpu.memref_squeeze %dma_start3A_592 : memref<1x160x128xi32, #tpu.memory_space<hbm>> -> memref<160x128xi32, #tpu.memory_space<hbm>>
        %dma_start3A_594 = arith.constant 0 : i32
        %dma_start3A_595 = tpu.memref_slice %dma_start3A_593[%add3A_554, %dma_start3A_594] : memref<160x128xi32, #tpu.memory_space<hbm>> -> memref<1x128xi32, #tpu.memory_space<hbm>>
        %dma_start3A_596 = tpu.memref_squeeze %dma_start3A_595 : memref<1x128xi32, #tpu.memory_space<hbm>> -> memref<128xi32, #tpu.memory_space<hbm>>
        tpu.enqueue_dma source(%dma_start3A_596 : memref<128xi32, #tpu.memory_space<hbm>>) target(%dma_start3A_589 : memref<128xi32, #tpu.memory_space<vmem>>) target_semaphore(%arg16 : memref<!tpu.dma_semaphore, #tpu.memory_space<semaphore_mem>>)
      } else {
      }
      %add3A_379 = arith.constant 2 : i32
      %add3A_380 = arith.addi %add3A_334, %add3A_379 : i32
      %lt3A_381 = arith.constant 160 : i32
      %lt3A_382 = arith.cmpi slt, %add3A_380, %lt3A_381 : i32
      %convert_element_type3A_383 = arith.extui %lt3A_382 : i1 to i32
      %cond3A_384 = arith.constant 0 : i32
      %cond3A_385 = arith.cmpi ne, %convert_element_type3A_383, %cond3A_384 : i32
      scf.if %cond3A_385 {
        %add3A_551 = arith.constant 2 : i32
        %add3A_552 = arith.addi %add3A_334, %add3A_551 : i32
        %dma_wait3A_553 = arith.constant 3 : i32
        %dma_wait3A_554 = arith.constant 0 : i32
        %dma_wait3A_555 = tpu.memref_slice %arg7[%dma_wait3A_553, %dma_wait3A_554] : memref<5x128xi32, #tpu.memory_space<vmem>> -> memref<1x128xi32, #tpu.memory_space<vmem>>
        %dma_wait3A_556 = tpu.memref_squeeze %dma_wait3A_555 : memref<1x128xi32, #tpu.memory_space<vmem>> -> memref<128xi32, #tpu.memory_space<vmem>>
        %dma_wait3A_557 = arith.constant 0 : i32
        %dma_wait3A_558 = arith.constant 0 : i32
        %dma_wait3A_559 = tpu.memref_slice %arg3[%arg1, %dma_wait3A_557, %dma_wait3A_558] : memref<16x160x128xi32, #tpu.memory_space<hbm>> -> memref<1x160x128xi32, #tpu.memory_space<hbm>>
        %dma_wait3A_560 = tpu.memref_squeeze %dma_wait3A_559 : memref<1x160x128xi32, #tpu.memory_space<hbm>> -> memref<160x128xi32, #tpu.memory_space<hbm>>
        %dma_wait3A_561 = arith.constant 0 : i32
        %dma_wait3A_562 = tpu.memref_slice %dma_wait3A_560[%add3A_552, %dma_wait3A_561] : memref<160x128xi32, #tpu.memory_space<hbm>> -> memref<1x128xi32, #tpu.memory_space<hbm>>
        %dma_wait3A_563 = tpu.memref_squeeze %dma_wait3A_562 : memref<1x128xi32, #tpu.memory_space<hbm>> -> memref<128xi32, #tpu.memory_space<hbm>>
        %dma_wait3A_564 = arith.constant 0 : i32
        %dma_wait3A_565 = tpu.memref_slice %arg7[%dma_wait3A_553, %dma_wait3A_564] : memref<5x128xi32, #tpu.memory_space<vmem>> -> memref<1x128xi32, #tpu.memory_space<vmem>>
        %dma_wait3A_566 = tpu.memref_squeeze %dma_wait3A_565 : memref<1x128xi32, #tpu.memory_space<vmem>> -> memref<128xi32, #tpu.memory_space<vmem>>
        %dma_wait3A_567 = arith.constant 0 : i32
        %dma_wait3A_568 = arith.constant 0 : i32
        %dma_wait3A_569 = tpu.memref_slice %arg3[%arg1, %dma_wait3A_567, %dma_wait3A_568] : memref<16x160x128xi32, #tpu.memory_space<hbm>> -> memref<1x160x128xi32, #tpu.memory_space<hbm>>
        %dma_wait3A_570 = tpu.memref_squeeze %dma_wait3A_569 : memref<1x160x128xi32, #tpu.memory_space<hbm>> -> memref<160x128xi32, #tpu.memory_space<hbm>>
        %dma_wait3A_571 = arith.constant 0 : i32
        %dma_wait3A_572 = tpu.memref_slice %dma_wait3A_570[%add3A_552, %dma_wait3A_571] : memref<160x128xi32, #tpu.memory_space<hbm>> -> memref<1x128xi32, #tpu.memory_space<hbm>>
        %dma_wait3A_573 = tpu.memref_squeeze %dma_wait3A_572 : memref<1x128xi32, #tpu.memory_space<hbm>> -> memref<128xi32, #tpu.memory_space<hbm>>
        tpu.wait_dma2 semaphore(%arg15 : memref<!tpu.dma_semaphore, #tpu.memory_space<semaphore_mem>>) src(%dma_wait3A_573 : memref<128xi32, #tpu.memory_space<hbm>>) dst(%dma_wait3A_566 : memref<128xi32, #tpu.memory_space<vmem>>)
        %dma_wait3A_574 = arith.constant 3 : i32
        %dma_wait3A_575 = arith.constant 0 : i32
        %dma_wait3A_576 = tpu.memref_slice %arg8[%dma_wait3A_574, %dma_wait3A_575] : memref<5x128xi32, #tpu.memory_space<vmem>> -> memref<1x128xi32, #tpu.memory_space<vmem>>
        %dma_wait3A_577 = tpu.memref_squeeze %dma_wait3A_576 : memref<1x128xi32, #tpu.memory_space<vmem>> -> memref<128xi32, #tpu.memory_space<vmem>>
        %dma_wait3A_578 = arith.constant 0 : i32
        %dma_wait3A_579 = arith.constant 0 : i32
        %dma_wait3A_580 = tpu.memref_slice %arg4[%arg1, %dma_wait3A_578, %dma_wait3A_579] : memref<16x160x128xi32, #tpu.memory_space<hbm>> -> memref<1x160x128xi32, #tpu.memory_space<hbm>>
        %dma_wait3A_581 = tpu.memref_squeeze %dma_wait3A_580 : memref<1x160x128xi32, #tpu.memory_space<hbm>> -> memref<160x128xi32, #tpu.memory_space<hbm>>
        %dma_wait3A_582 = arith.constant 0 : i32
        %dma_wait3A_583 = tpu.memref_slice %dma_wait3A_581[%add3A_552, %dma_wait3A_582] : memref<160x128xi32, #tpu.memory_space<hbm>> -> memref<1x128xi32, #tpu.memory_space<hbm>>
        %dma_wait3A_584 = tpu.memref_squeeze %dma_wait3A_583 : memref<1x128xi32, #tpu.memory_space<hbm>> -> memref<128xi32, #tpu.memory_space<hbm>>
        %dma_wait3A_585 = arith.constant 0 : i32
        %dma_wait3A_586 = tpu.memref_slice %arg8[%dma_wait3A_574, %dma_wait3A_585] : memref<5x128xi32, #tpu.memory_space<vmem>> -> memref<1x128xi32, #tpu.memory_space<vmem>>
        %dma_wait3A_587 = tpu.memref_squeeze %dma_wait3A_586 : memref<1x128xi32, #tpu.memory_space<vmem>> -> memref<128xi32, #tpu.memory_space<vmem>>
        %dma_wait3A_588 = arith.constant 0 : i32
        %dma_wait3A_589 = arith.constant 0 : i32
        %dma_wait3A_590 = tpu.memref_slice %arg4[%arg1, %dma_wait3A_588, %dma_wait3A_589] : memref<16x160x128xi32, #tpu.memory_space<hbm>> -> memref<1x160x128xi32, #tpu.memory_space<hbm>>
        %dma_wait3A_591 = tpu.memref_squeeze %dma_wait3A_590 : memref<1x160x128xi32, #tpu.memory_space<hbm>> -> memref<160x128xi32, #tpu.memory_space<hbm>>
        %dma_wait3A_592 = arith.constant 0 : i32
        %dma_wait3A_593 = tpu.memref_slice %dma_wait3A_591[%add3A_552, %dma_wait3A_592] : memref<160x128xi32, #tpu.memory_space<hbm>> -> memref<1x128xi32, #tpu.memory_space<hbm>>
        %dma_wait3A_594 = tpu.memref_squeeze %dma_wait3A_593 : memref<1x128xi32, #tpu.memory_space<hbm>> -> memref<128xi32, #tpu.memory_space<hbm>>
        tpu.wait_dma2 semaphore(%arg15 : memref<!tpu.dma_semaphore, #tpu.memory_space<semaphore_mem>>) src(%dma_wait3A_594 : memref<128xi32, #tpu.memory_space<hbm>>) dst(%dma_wait3A_587 : memref<128xi32, #tpu.memory_space<vmem>>)
        %add3A_595 = arith.constant 2 : i32
        %add3A_596 = arith.addi %add3A_334, %add3A_595 : i32
        %dma_start3A_597 = arith.constant 3 : i32
        %dma_start3A_598 = arith.constant 3 : i32
        %dma_start3A_599 = arith.constant 0 : i32
        %dma_start3A_600 = arith.constant 0 : i32
        %dma_start3A_601 = tpu.memref_slice %arg9[%dma_start3A_598, %dma_start3A_599, %dma_start3A_600] : memref<5x128x64xf32, #tpu.memory_space<vmem>> -> memref<1x128x64xf32, #tpu.memory_space<vmem>>
        %dma_start3A_602 = tpu.memref_squeeze %dma_start3A_601 : memref<1x128x64xf32, #tpu.memory_space<vmem>> -> memref<128x64xf32, #tpu.memory_space<vmem>>
        %dma_start3A_603 = arith.constant 0 : i32
        %dma_start3A_604 = tpu.memref_slice %arg7[%dma_start3A_597, %dma_start3A_603] : memref<5x128xi32, #tpu.memory_space<vmem>> -> memref<1x128xi32, #tpu.memory_space<vmem>>
        %dma_start3A_605 = tpu.memref_squeeze %dma_start3A_604 : memref<1x128xi32, #tpu.memory_space<vmem>> -> memref<128xi32, #tpu.memory_space<vmem>>
        %dma_start3A_606 = arith.constant 0 : i32
        %dma_start3A_607 = arith.constant 0 : i32
        %dma_start3A_608 = tpu.memref_slice %arg11[%dma_start3A_606, %dma_start3A_607] : memref<10000x64xf32, #tpu.memory_space<vmem_shared>> -> memref<10000x64xf32, #tpu.memory_space<vmem_shared>>
        tpu.enqueue_indirect_dma source(%dma_start3A_608 : memref<10000x64xf32, #tpu.memory_space<vmem_shared>>) target(%dma_start3A_602 : memref<128x64xf32, #tpu.memory_space<vmem>>) offsets(%dma_start3A_605 : memref<128xi32, #tpu.memory_space<vmem>>) semaphore(%arg15 : memref<!tpu.dma_semaphore, #tpu.memory_space<semaphore_mem>>)
      } else {
      }
      %mul3A_386 = arith.constant 5 : i32
      %mul3A_387 = arith.muli %scan3A_279, %mul3A_386 : i32
      %add3A_388 = arith.constant 2 : i32
      %add3A_389 = arith.addi %mul3A_387, %add3A_388 : i32
      %dma_wait3A_390 = arith.constant 2 : i32
      %dma_wait3A_391 = arith.constant 2 : i32
      %dma_wait3A_392 = arith.constant 0 : i32
      %dma_wait3A_393 = arith.constant 0 : i32
      %dma_wait3A_394 = tpu.memref_slice %arg9[%dma_wait3A_391, %dma_wait3A_392, %dma_wait3A_393] : memref<5x128x64xf32, #tpu.memory_space<vmem>> -> memref<1x128x64xf32, #tpu.memory_space<vmem>>
      %dma_wait3A_395 = tpu.memref_squeeze %dma_wait3A_394 : memref<1x128x64xf32, #tpu.memory_space<vmem>> -> memref<128x64xf32, #tpu.memory_space<vmem>>
      %dma_wait3A_396 = arith.constant 0 : i32
      %dma_wait3A_397 = tpu.memref_slice %arg7[%dma_wait3A_390, %dma_wait3A_396] : memref<5x128xi32, #tpu.memory_space<vmem>> -> memref<1x128xi32, #tpu.memory_space<vmem>>
      %dma_wait3A_398 = tpu.memref_squeeze %dma_wait3A_397 : memref<1x128xi32, #tpu.memory_space<vmem>> -> memref<128xi32, #tpu.memory_space<vmem>>
      %dma_wait3A_399 = arith.constant 0 : i32
      %dma_wait3A_400 = arith.constant 0 : i32
      %dma_wait3A_401 = tpu.memref_slice %arg11[%dma_wait3A_399, %dma_wait3A_400] : memref<10000x64xf32, #tpu.memory_space<vmem_shared>> -> memref<10000x64xf32, #tpu.memory_space<vmem_shared>>
      tpu.wait_indirect_dma semaphore(%arg14 : memref<!tpu.dma_semaphore, #tpu.memory_space<semaphore_mem>>) src(%dma_wait3A_401 : memref<10000x64xf32, #tpu.memory_space<vmem_shared>>) dst(%dma_wait3A_395 : memref<128x64xf32, #tpu.memory_space<vmem>>)
      %dma_start3A_402 = arith.constant 2 : i32
      %dma_start3A_403 = arith.constant 2 : i32
      %dma_start3A_404 = arith.constant 0 : i32
      %dma_start3A_405 = arith.constant 0 : i32
      %dma_start3A_406 = tpu.memref_slice %arg9[%dma_start3A_402, %dma_start3A_404, %dma_start3A_405] : memref<5x128x64xf32, #tpu.memory_space<vmem>> -> memref<1x128x64xf32, #tpu.memory_space<vmem>>
      %dma_start3A_407 = tpu.memref_squeeze %dma_start3A_406 : memref<1x128x64xf32, #tpu.memory_space<vmem>> -> memref<128x64xf32, #tpu.memory_space<vmem>>
      %dma_start3A_408 = arith.constant 0 : i32
      %dma_start3A_409 = tpu.memref_slice %arg8[%dma_start3A_403, %dma_start3A_408] : memref<5x128xi32, #tpu.memory_space<vmem>> -> memref<1x128xi32, #tpu.memory_space<vmem>>
      %dma_start3A_410 = tpu.memref_squeeze %dma_start3A_409 : memref<1x128xi32, #tpu.memory_space<vmem>> -> memref<128xi32, #tpu.memory_space<vmem>>
      %dma_start3A_411 = arith.constant 0 : i32
      %dma_start3A_412 = arith.constant 0 : i32
      %dma_start3A_413 = tpu.memref_slice %arg10[%dma_start3A_411, %dma_start3A_412] : memref<10112x64xf32, #tpu.memory_space<vmem_shared>> -> memref<10112x64xf32, #tpu.memory_space<vmem_shared>>
      tpu.enqueue_indirect_dma source(%dma_start3A_407 : memref<128x64xf32, #tpu.memory_space<vmem>>) target(%dma_start3A_413 : memref<10112x64xf32, #tpu.memory_space<vmem_shared>>) offsets(%dma_start3A_410 : memref<128xi32, #tpu.memory_space<vmem>>) semaphore(%arg14 : memref<!tpu.dma_semaphore, #tpu.memory_space<semaphore_mem>>) {add = true}
      %add3A_414 = arith.constant 2 : i32
      %add3A_415 = arith.addi %add3A_389, %add3A_414 : i32
      %add3A_416 = arith.constant 1 : i32
      %add3A_417 = arith.addi %add3A_415, %add3A_416 : i32
      %sub3A_418 = arith.constant 5 : i32
      %sub3A_419 = arith.subi %add3A_417, %sub3A_418 : i32
      %ge3A_420 = arith.constant 0 : i32
      %ge3A_421 = arith.cmpi sge, %sub3A_419, %ge3A_420 : i32
      %convert_element_type3A_422 = arith.extui %ge3A_421 : i1 to i32
      %cond3A_423 = arith.constant 0 : i32
      %cond3A_424 = arith.cmpi ne, %convert_element_type3A_422, %cond3A_423 : i32
      scf.if %cond3A_424 {
        %add3A_551 = arith.constant 2 : i32
        %add3A_552 = arith.addi %add3A_389, %add3A_551 : i32
        %add3A_553 = arith.constant 1 : i32
        %add3A_554 = arith.addi %add3A_552, %add3A_553 : i32
        %sub3A_555 = arith.constant 5 : i32
        %sub3A_556 = arith.subi %add3A_554, %sub3A_555 : i32
        %dma_wait3A_557 = arith.constant 0 : i32
        %dma_wait3A_558 = arith.constant 0 : i32
        %dma_wait3A_559 = arith.constant 0 : i32
        %dma_wait3A_560 = arith.constant 0 : i32
        %dma_wait3A_561 = tpu.memref_slice %arg9[%dma_wait3A_557, %dma_wait3A_559, %dma_wait3A_560] : memref<5x128x64xf32, #tpu.memory_space<vmem>> -> memref<1x128x64xf32, #tpu.memory_space<vmem>>
        %dma_wait3A_562 = tpu.memref_squeeze %dma_wait3A_561 : memref<1x128x64xf32, #tpu.memory_space<vmem>> -> memref<128x64xf32, #tpu.memory_space<vmem>>
        %dma_wait3A_563 = arith.constant 0 : i32
        %dma_wait3A_564 = tpu.memref_slice %arg8[%dma_wait3A_558, %dma_wait3A_563] : memref<5x128xi32, #tpu.memory_space<vmem>> -> memref<1x128xi32, #tpu.memory_space<vmem>>
        %dma_wait3A_565 = tpu.memref_squeeze %dma_wait3A_564 : memref<1x128xi32, #tpu.memory_space<vmem>> -> memref<128xi32, #tpu.memory_space<vmem>>
        %dma_wait3A_566 = arith.constant 0 : i32
        %dma_wait3A_567 = arith.constant 0 : i32
        %dma_wait3A_568 = tpu.memref_slice %arg10[%dma_wait3A_566, %dma_wait3A_567] : memref<10112x64xf32, #tpu.memory_space<vmem_shared>> -> memref<10112x64xf32, #tpu.memory_space<vmem_shared>>
        tpu.wait_indirect_dma semaphore(%arg12 : memref<!tpu.dma_semaphore, #tpu.memory_space<semaphore_mem>>) src(%dma_wait3A_562 : memref<128x64xf32, #tpu.memory_space<vmem>>) dst(%dma_wait3A_568 : memref<10112x64xf32, #tpu.memory_space<vmem_shared>>)
      } else {
      }
      %add3A_425 = arith.constant 2 : i32
      %add3A_426 = arith.addi %add3A_389, %add3A_425 : i32
      %add3A_427 = arith.constant 1 : i32
      %add3A_428 = arith.addi %add3A_426, %add3A_427 : i32
      %lt3A_429 = arith.constant 160 : i32
      %lt3A_430 = arith.cmpi slt, %add3A_428, %lt3A_429 : i32
      %convert_element_type3A_431 = arith.extui %lt3A_430 : i1 to i32
      %cond3A_432 = arith.constant 0 : i32
      %cond3A_433 = arith.cmpi ne, %convert_element_type3A_431, %cond3A_432 : i32
      scf.if %cond3A_433 {
        %add3A_551 = arith.constant 2 : i32
        %add3A_552 = arith.addi %add3A_389, %add3A_551 : i32
        %add3A_553 = arith.constant 1 : i32
        %add3A_554 = arith.addi %add3A_552, %add3A_553 : i32
        %dma_start3A_555 = arith.constant 0 : i32
        %dma_start3A_556 = arith.constant 0 : i32
        %dma_start3A_557 = tpu.memref_slice %arg7[%dma_start3A_555, %dma_start3A_556] : memref<5x128xi32, #tpu.memory_space<vmem>> -> memref<1x128xi32, #tpu.memory_space<vmem>>
        %dma_start3A_558 = tpu.memref_squeeze %dma_start3A_557 : memref<1x128xi32, #tpu.memory_space<vmem>> -> memref<128xi32, #tpu.memory_space<vmem>>
        %dma_start3A_559 = arith.constant 0 : i32
        %dma_start3A_560 = arith.constant 0 : i32
        %dma_start3A_561 = tpu.memref_slice %arg3[%arg1, %dma_start3A_559, %dma_start3A_560] : memref<16x160x128xi32, #tpu.memory_space<hbm>> -> memref<1x160x128xi32, #tpu.memory_space<hbm>>
        %dma_start3A_562 = tpu.memref_squeeze %dma_start3A_561 : memref<1x160x128xi32, #tpu.memory_space<hbm>> -> memref<160x128xi32, #tpu.memory_space<hbm>>
        %dma_start3A_563 = arith.constant 0 : i32
        %dma_start3A_564 = tpu.memref_slice %dma_start3A_562[%add3A_554, %dma_start3A_563] : memref<160x128xi32, #tpu.memory_space<hbm>> -> memref<1x128xi32, #tpu.memory_space<hbm>>
        %dma_start3A_565 = tpu.memref_squeeze %dma_start3A_564 : memref<1x128xi32, #tpu.memory_space<hbm>> -> memref<128xi32, #tpu.memory_space<hbm>>
        %dma_start3A_566 = arith.constant 0 : i32
        %dma_start3A_567 = tpu.memref_slice %arg7[%dma_start3A_555, %dma_start3A_566] : memref<5x128xi32, #tpu.memory_space<vmem>> -> memref<1x128xi32, #tpu.memory_space<vmem>>
        %dma_start3A_568 = tpu.memref_squeeze %dma_start3A_567 : memref<1x128xi32, #tpu.memory_space<vmem>> -> memref<128xi32, #tpu.memory_space<vmem>>
        %dma_start3A_569 = arith.constant 0 : i32
        %dma_start3A_570 = arith.constant 0 : i32
        %dma_start3A_571 = tpu.memref_slice %arg3[%arg1, %dma_start3A_569, %dma_start3A_570] : memref<16x160x128xi32, #tpu.memory_space<hbm>> -> memref<1x160x128xi32, #tpu.memory_space<hbm>>
        %dma_start3A_572 = tpu.memref_squeeze %dma_start3A_571 : memref<1x160x128xi32, #tpu.memory_space<hbm>> -> memref<160x128xi32, #tpu.memory_space<hbm>>
        %dma_start3A_573 = arith.constant 0 : i32
        %dma_start3A_574 = tpu.memref_slice %dma_start3A_572[%add3A_554, %dma_start3A_573] : memref<160x128xi32, #tpu.memory_space<hbm>> -> memref<1x128xi32, #tpu.memory_space<hbm>>
        %dma_start3A_575 = tpu.memref_squeeze %dma_start3A_574 : memref<1x128xi32, #tpu.memory_space<hbm>> -> memref<128xi32, #tpu.memory_space<hbm>>
        tpu.enqueue_dma source(%dma_start3A_575 : memref<128xi32, #tpu.memory_space<hbm>>) target(%dma_start3A_568 : memref<128xi32, #tpu.memory_space<vmem>>) target_semaphore(%arg12 : memref<!tpu.dma_semaphore, #tpu.memory_space<semaphore_mem>>)
        %dma_start3A_576 = arith.constant 0 : i32
        %dma_start3A_577 = arith.constant 0 : i32
        %dma_start3A_578 = tpu.memref_slice %arg8[%dma_start3A_576, %dma_start3A_577] : memref<5x128xi32, #tpu.memory_space<vmem>> -> memref<1x128xi32, #tpu.memory_space<vmem>>
        %dma_start3A_579 = tpu.memref_squeeze %dma_start3A_578 : memref<1x128xi32, #tpu.memory_space<vmem>> -> memref<128xi32, #tpu.memory_space<vmem>>
        %dma_start3A_580 = arith.constant 0 : i32
        %dma_start3A_581 = arith.constant 0 : i32
        %dma_start3A_582 = tpu.memref_slice %arg4[%arg1, %dma_start3A_580, %dma_start3A_581] : memref<16x160x128xi32, #tpu.memory_space<hbm>> -> memref<1x160x128xi32, #tpu.memory_space<hbm>>
        %dma_start3A_583 = tpu.memref_squeeze %dma_start3A_582 : memref<1x160x128xi32, #tpu.memory_space<hbm>> -> memref<160x128xi32, #tpu.memory_space<hbm>>
        %dma_start3A_584 = arith.constant 0 : i32
        %dma_start3A_585 = tpu.memref_slice %dma_start3A_583[%add3A_554, %dma_start3A_584] : memref<160x128xi32, #tpu.memory_space<hbm>> -> memref<1x128xi32, #tpu.memory_space<hbm>>
        %dma_start3A_586 = tpu.memref_squeeze %dma_start3A_585 : memref<1x128xi32, #tpu.memory_space<hbm>> -> memref<128xi32, #tpu.memory_space<hbm>>
        %dma_start3A_587 = arith.constant 0 : i32
        %dma_start3A_588 = tpu.memref_slice %arg8[%dma_start3A_576, %dma_start3A_587] : memref<5x128xi32, #tpu.memory_space<vmem>> -> memref<1x128xi32, #tpu.memory_space<vmem>>
        %dma_start3A_589 = tpu.memref_squeeze %dma_start3A_588 : memref<1x128xi32, #tpu.memory_space<vmem>> -> memref<128xi32, #tpu.memory_space<vmem>>
        %dma_start3A_590 = arith.constant 0 : i32
        %dma_start3A_591 = arith.constant 0 : i32
        %dma_start3A_592 = tpu.memref_slice %arg4[%arg1, %dma_start3A_590, %dma_start3A_591] : memref<16x160x128xi32, #tpu.memory_space<hbm>> -> memref<1x160x128xi32, #tpu.memory_space<hbm>>
        %dma_start3A_593 = tpu.memref_squeeze %dma_start3A_592 : memref<1x160x128xi32, #tpu.memory_space<hbm>> -> memref<160x128xi32, #tpu.memory_space<hbm>>
        %dma_start3A_594 = arith.constant 0 : i32
        %dma_start3A_595 = tpu.memref_slice %dma_start3A_593[%add3A_554, %dma_start3A_594] : memref<160x128xi32, #tpu.memory_space<hbm>> -> memref<1x128xi32, #tpu.memory_space<hbm>>
        %dma_start3A_596 = tpu.memref_squeeze %dma_start3A_595 : memref<1x128xi32, #tpu.memory_space<hbm>> -> memref<128xi32, #tpu.memory_space<hbm>>
        tpu.enqueue_dma source(%dma_start3A_596 : memref<128xi32, #tpu.memory_space<hbm>>) target(%dma_start3A_589 : memref<128xi32, #tpu.memory_space<vmem>>) target_semaphore(%arg12 : memref<!tpu.dma_semaphore, #tpu.memory_space<semaphore_mem>>)
      } else {
      }
      %add3A_434 = arith.constant 2 : i32
      %add3A_435 = arith.addi %add3A_389, %add3A_434 : i32
      %lt3A_436 = arith.constant 160 : i32
      %lt3A_437 = arith.cmpi slt, %add3A_435, %lt3A_436 : i32
      %convert_element_type3A_438 = arith.extui %lt3A_437 : i1 to i32
      %cond3A_439 = arith.constant 0 : i32
      %cond3A_440 = arith.cmpi ne, %convert_element_type3A_438, %cond3A_439 : i32
      scf.if %cond3A_440 {
        %add3A_551 = arith.constant 2 : i32
        %add3A_552 = arith.addi %add3A_389, %add3A_551 : i32
        %dma_wait3A_553 = arith.constant 4 : i32
        %dma_wait3A_554 = arith.constant 0 : i32
        %dma_wait3A_555 = tpu.memref_slice %arg7[%dma_wait3A_553, %dma_wait3A_554] : memref<5x128xi32, #tpu.memory_space<vmem>> -> memref<1x128xi32, #tpu.memory_space<vmem>>
        %dma_wait3A_556 = tpu.memref_squeeze %dma_wait3A_555 : memref<1x128xi32, #tpu.memory_space<vmem>> -> memref<128xi32, #tpu.memory_space<vmem>>
        %dma_wait3A_557 = arith.constant 0 : i32
        %dma_wait3A_558 = arith.constant 0 : i32
        %dma_wait3A_559 = tpu.memref_slice %arg3[%arg1, %dma_wait3A_557, %dma_wait3A_558] : memref<16x160x128xi32, #tpu.memory_space<hbm>> -> memref<1x160x128xi32, #tpu.memory_space<hbm>>
        %dma_wait3A_560 = tpu.memref_squeeze %dma_wait3A_559 : memref<1x160x128xi32, #tpu.memory_space<hbm>> -> memref<160x128xi32, #tpu.memory_space<hbm>>
        %dma_wait3A_561 = arith.constant 0 : i32
        %dma_wait3A_562 = tpu.memref_slice %dma_wait3A_560[%add3A_552, %dma_wait3A_561] : memref<160x128xi32, #tpu.memory_space<hbm>> -> memref<1x128xi32, #tpu.memory_space<hbm>>
        %dma_wait3A_563 = tpu.memref_squeeze %dma_wait3A_562 : memref<1x128xi32, #tpu.memory_space<hbm>> -> memref<128xi32, #tpu.memory_space<hbm>>
        %dma_wait3A_564 = arith.constant 0 : i32
        %dma_wait3A_565 = tpu.memref_slice %arg7[%dma_wait3A_553, %dma_wait3A_564] : memref<5x128xi32, #tpu.memory_space<vmem>> -> memref<1x128xi32, #tpu.memory_space<vmem>>
        %dma_wait3A_566 = tpu.memref_squeeze %dma_wait3A_565 : memref<1x128xi32, #tpu.memory_space<vmem>> -> memref<128xi32, #tpu.memory_space<vmem>>
        %dma_wait3A_567 = arith.constant 0 : i32
        %dma_wait3A_568 = arith.constant 0 : i32
        %dma_wait3A_569 = tpu.memref_slice %arg3[%arg1, %dma_wait3A_567, %dma_wait3A_568] : memref<16x160x128xi32, #tpu.memory_space<hbm>> -> memref<1x160x128xi32, #tpu.memory_space<hbm>>
        %dma_wait3A_570 = tpu.memref_squeeze %dma_wait3A_569 : memref<1x160x128xi32, #tpu.memory_space<hbm>> -> memref<160x128xi32, #tpu.memory_space<hbm>>
        %dma_wait3A_571 = arith.constant 0 : i32
        %dma_wait3A_572 = tpu.memref_slice %dma_wait3A_570[%add3A_552, %dma_wait3A_571] : memref<160x128xi32, #tpu.memory_space<hbm>> -> memref<1x128xi32, #tpu.memory_space<hbm>>
        %dma_wait3A_573 = tpu.memref_squeeze %dma_wait3A_572 : memref<1x128xi32, #tpu.memory_space<hbm>> -> memref<128xi32, #tpu.memory_space<hbm>>
        tpu.wait_dma2 semaphore(%arg16 : memref<!tpu.dma_semaphore, #tpu.memory_space<semaphore_mem>>) src(%dma_wait3A_573 : memref<128xi32, #tpu.memory_space<hbm>>) dst(%dma_wait3A_566 : memref<128xi32, #tpu.memory_space<vmem>>)
        %dma_wait3A_574 = arith.constant 4 : i32
        %dma_wait3A_575 = arith.constant 0 : i32
        %dma_wait3A_576 = tpu.memref_slice %arg8[%dma_wait3A_574, %dma_wait3A_575] : memref<5x128xi32, #tpu.memory_space<vmem>> -> memref<1x128xi32, #tpu.memory_space<vmem>>
        %dma_wait3A_577 = tpu.memref_squeeze %dma_wait3A_576 : memref<1x128xi32, #tpu.memory_space<vmem>> -> memref<128xi32, #tpu.memory_space<vmem>>
        %dma_wait3A_578 = arith.constant 0 : i32
        %dma_wait3A_579 = arith.constant 0 : i32
        %dma_wait3A_580 = tpu.memref_slice %arg4[%arg1, %dma_wait3A_578, %dma_wait3A_579] : memref<16x160x128xi32, #tpu.memory_space<hbm>> -> memref<1x160x128xi32, #tpu.memory_space<hbm>>
        %dma_wait3A_581 = tpu.memref_squeeze %dma_wait3A_580 : memref<1x160x128xi32, #tpu.memory_space<hbm>> -> memref<160x128xi32, #tpu.memory_space<hbm>>
        %dma_wait3A_582 = arith.constant 0 : i32
        %dma_wait3A_583 = tpu.memref_slice %dma_wait3A_581[%add3A_552, %dma_wait3A_582] : memref<160x128xi32, #tpu.memory_space<hbm>> -> memref<1x128xi32, #tpu.memory_space<hbm>>
        %dma_wait3A_584 = tpu.memref_squeeze %dma_wait3A_583 : memref<1x128xi32, #tpu.memory_space<hbm>> -> memref<128xi32, #tpu.memory_space<hbm>>
        %dma_wait3A_585 = arith.constant 0 : i32
        %dma_wait3A_586 = tpu.memref_slice %arg8[%dma_wait3A_574, %dma_wait3A_585] : memref<5x128xi32, #tpu.memory_space<vmem>> -> memref<1x128xi32, #tpu.memory_space<vmem>>
        %dma_wait3A_587 = tpu.memref_squeeze %dma_wait3A_586 : memref<1x128xi32, #tpu.memory_space<vmem>> -> memref<128xi32, #tpu.memory_space<vmem>>
        %dma_wait3A_588 = arith.constant 0 : i32
        %dma_wait3A_589 = arith.constant 0 : i32
        %dma_wait3A_590 = tpu.memref_slice %arg4[%arg1, %dma_wait3A_588, %dma_wait3A_589] : memref<16x160x128xi32, #tpu.memory_space<hbm>> -> memref<1x160x128xi32, #tpu.memory_space<hbm>>
        %dma_wait3A_591 = tpu.memref_squeeze %dma_wait3A_590 : memref<1x160x128xi32, #tpu.memory_space<hbm>> -> memref<160x128xi32, #tpu.memory_space<hbm>>
        %dma_wait3A_592 = arith.constant 0 : i32
        %dma_wait3A_593 = tpu.memref_slice %dma_wait3A_591[%add3A_552, %dma_wait3A_592] : memref<160x128xi32, #tpu.memory_space<hbm>> -> memref<1x128xi32, #tpu.memory_space<hbm>>
        %dma_wait3A_594 = tpu.memref_squeeze %dma_wait3A_593 : memref<1x128xi32, #tpu.memory_space<hbm>> -> memref<128xi32, #tpu.memory_space<hbm>>
        tpu.wait_dma2 semaphore(%arg16 : memref<!tpu.dma_semaphore, #tpu.memory_space<semaphore_mem>>) src(%dma_wait3A_594 : memref<128xi32, #tpu.memory_space<hbm>>) dst(%dma_wait3A_587 : memref<128xi32, #tpu.memory_space<vmem>>)
        %add3A_595 = arith.constant 2 : i32
        %add3A_596 = arith.addi %add3A_389, %add3A_595 : i32
        %dma_start3A_597 = arith.constant 4 : i32
        %dma_start3A_598 = arith.constant 4 : i32
        %dma_start3A_599 = arith.constant 0 : i32
        %dma_start3A_600 = arith.constant 0 : i32
        %dma_start3A_601 = tpu.memref_slice %arg9[%dma_start3A_598, %dma_start3A_599, %dma_start3A_600] : memref<5x128x64xf32, #tpu.memory_space<vmem>> -> memref<1x128x64xf32, #tpu.memory_space<vmem>>
        %dma_start3A_602 = tpu.memref_squeeze %dma_start3A_601 : memref<1x128x64xf32, #tpu.memory_space<vmem>> -> memref<128x64xf32, #tpu.memory_space<vmem>>
        %dma_start3A_603 = arith.constant 0 : i32
        %dma_start3A_604 = tpu.memref_slice %arg7[%dma_start3A_597, %dma_start3A_603] : memref<5x128xi32, #tpu.memory_space<vmem>> -> memref<1x128xi32, #tpu.memory_space<vmem>>
        %dma_start3A_605 = tpu.memref_squeeze %dma_start3A_604 : memref<1x128xi32, #tpu.memory_space<vmem>> -> memref<128xi32, #tpu.memory_space<vmem>>
        %dma_start3A_606 = arith.constant 0 : i32
        %dma_start3A_607 = arith.constant 0 : i32
        %dma_start3A_608 = tpu.memref_slice %arg11[%dma_start3A_606, %dma_start3A_607] : memref<10000x64xf32, #tpu.memory_space<vmem_shared>> -> memref<10000x64xf32, #tpu.memory_space<vmem_shared>>
        tpu.enqueue_indirect_dma source(%dma_start3A_608 : memref<10000x64xf32, #tpu.memory_space<vmem_shared>>) target(%dma_start3A_602 : memref<128x64xf32, #tpu.memory_space<vmem>>) offsets(%dma_start3A_605 : memref<128xi32, #tpu.memory_space<vmem>>) semaphore(%arg16 : memref<!tpu.dma_semaphore, #tpu.memory_space<semaphore_mem>>)
      } else {
      }
      %mul3A_441 = arith.constant 5 : i32
      %mul3A_442 = arith.muli %scan3A_279, %mul3A_441 : i32
      %add3A_443 = arith.constant 3 : i32
      %add3A_444 = arith.addi %mul3A_442, %add3A_443 : i32
      %dma_wait3A_445 = arith.constant 3 : i32
      %dma_wait3A_446 = arith.constant 3 : i32
      %dma_wait3A_447 = arith.constant 0 : i32
      %dma_wait3A_448 = arith.constant 0 : i32
      %dma_wait3A_449 = tpu.memref_slice %arg9[%dma_wait3A_446, %dma_wait3A_447, %dma_wait3A_448] : memref<5x128x64xf32, #tpu.memory_space<vmem>> -> memref<1x128x64xf32, #tpu.memory_space<vmem>>
      %dma_wait3A_450 = tpu.memref_squeeze %dma_wait3A_449 : memref<1x128x64xf32, #tpu.memory_space<vmem>> -> memref<128x64xf32, #tpu.memory_space<vmem>>
      %dma_wait3A_451 = arith.constant 0 : i32
      %dma_wait3A_452 = tpu.memref_slice %arg7[%dma_wait3A_445, %dma_wait3A_451] : memref<5x128xi32, #tpu.memory_space<vmem>> -> memref<1x128xi32, #tpu.memory_space<vmem>>
      %dma_wait3A_453 = tpu.memref_squeeze %dma_wait3A_452 : memref<1x128xi32, #tpu.memory_space<vmem>> -> memref<128xi32, #tpu.memory_space<vmem>>
      %dma_wait3A_454 = arith.constant 0 : i32
      %dma_wait3A_455 = arith.constant 0 : i32
      %dma_wait3A_456 = tpu.memref_slice %arg11[%dma_wait3A_454, %dma_wait3A_455] : memref<10000x64xf32, #tpu.memory_space<vmem_shared>> -> memref<10000x64xf32, #tpu.memory_space<vmem_shared>>
      tpu.wait_indirect_dma semaphore(%arg15 : memref<!tpu.dma_semaphore, #tpu.memory_space<semaphore_mem>>) src(%dma_wait3A_456 : memref<10000x64xf32, #tpu.memory_space<vmem_shared>>) dst(%dma_wait3A_450 : memref<128x64xf32, #tpu.memory_space<vmem>>)
      %dma_start3A_457 = arith.constant 3 : i32
      %dma_start3A_458 = arith.constant 3 : i32
      %dma_start3A_459 = arith.constant 0 : i32
      %dma_start3A_460 = arith.constant 0 : i32
      %dma_start3A_461 = tpu.memref_slice %arg9[%dma_start3A_457, %dma_start3A_459, %dma_start3A_460] : memref<5x128x64xf32, #tpu.memory_space<vmem>> -> memref<1x128x64xf32, #tpu.memory_space<vmem>>
      %dma_start3A_462 = tpu.memref_squeeze %dma_start3A_461 : memref<1x128x64xf32, #tpu.memory_space<vmem>> -> memref<128x64xf32, #tpu.memory_space<vmem>>
      %dma_start3A_463 = arith.constant 0 : i32
      %dma_start3A_464 = tpu.memref_slice %arg8[%dma_start3A_458, %dma_start3A_463] : memref<5x128xi32, #tpu.memory_space<vmem>> -> memref<1x128xi32, #tpu.memory_space<vmem>>
      %dma_start3A_465 = tpu.memref_squeeze %dma_start3A_464 : memref<1x128xi32, #tpu.memory_space<vmem>> -> memref<128xi32, #tpu.memory_space<vmem>>
      %dma_start3A_466 = arith.constant 0 : i32
      %dma_start3A_467 = arith.constant 0 : i32
      %dma_start3A_468 = tpu.memref_slice %arg10[%dma_start3A_466, %dma_start3A_467] : memref<10112x64xf32, #tpu.memory_space<vmem_shared>> -> memref<10112x64xf32, #tpu.memory_space<vmem_shared>>
      tpu.enqueue_indirect_dma source(%dma_start3A_462 : memref<128x64xf32, #tpu.memory_space<vmem>>) target(%dma_start3A_468 : memref<10112x64xf32, #tpu.memory_space<vmem_shared>>) offsets(%dma_start3A_465 : memref<128xi32, #tpu.memory_space<vmem>>) semaphore(%arg15 : memref<!tpu.dma_semaphore, #tpu.memory_space<semaphore_mem>>) {add = true}
      %add3A_469 = arith.constant 2 : i32
      %add3A_470 = arith.addi %add3A_444, %add3A_469 : i32
      %add3A_471 = arith.constant 1 : i32
      %add3A_472 = arith.addi %add3A_470, %add3A_471 : i32
      %sub3A_473 = arith.constant 5 : i32
      %sub3A_474 = arith.subi %add3A_472, %sub3A_473 : i32
      %ge3A_475 = arith.constant 0 : i32
      %ge3A_476 = arith.cmpi sge, %sub3A_474, %ge3A_475 : i32
      %convert_element_type3A_477 = arith.extui %ge3A_476 : i1 to i32
      %cond3A_478 = arith.constant 0 : i32
      %cond3A_479 = arith.cmpi ne, %convert_element_type3A_477, %cond3A_478 : i32
      scf.if %cond3A_479 {
        %add3A_551 = arith.constant 2 : i32
        %add3A_552 = arith.addi %add3A_444, %add3A_551 : i32
        %add3A_553 = arith.constant 1 : i32
        %add3A_554 = arith.addi %add3A_552, %add3A_553 : i32
        %sub3A_555 = arith.constant 5 : i32
        %sub3A_556 = arith.subi %add3A_554, %sub3A_555 : i32
        %dma_wait3A_557 = arith.constant 1 : i32
        %dma_wait3A_558 = arith.constant 1 : i32
        %dma_wait3A_559 = arith.constant 0 : i32
        %dma_wait3A_560 = arith.constant 0 : i32
        %dma_wait3A_561 = tpu.memref_slice %arg9[%dma_wait3A_557, %dma_wait3A_559, %dma_wait3A_560] : memref<5x128x64xf32, #tpu.memory_space<vmem>> -> memref<1x128x64xf32, #tpu.memory_space<vmem>>
        %dma_wait3A_562 = tpu.memref_squeeze %dma_wait3A_561 : memref<1x128x64xf32, #tpu.memory_space<vmem>> -> memref<128x64xf32, #tpu.memory_space<vmem>>
        %dma_wait3A_563 = arith.constant 0 : i32
        %dma_wait3A_564 = tpu.memref_slice %arg8[%dma_wait3A_558, %dma_wait3A_563] : memref<5x128xi32, #tpu.memory_space<vmem>> -> memref<1x128xi32, #tpu.memory_space<vmem>>
        %dma_wait3A_565 = tpu.memref_squeeze %dma_wait3A_564 : memref<1x128xi32, #tpu.memory_space<vmem>> -> memref<128xi32, #tpu.memory_space<vmem>>
        %dma_wait3A_566 = arith.constant 0 : i32
        %dma_wait3A_567 = arith.constant 0 : i32
        %dma_wait3A_568 = tpu.memref_slice %arg10[%dma_wait3A_566, %dma_wait3A_567] : memref<10112x64xf32, #tpu.memory_space<vmem_shared>> -> memref<10112x64xf32, #tpu.memory_space<vmem_shared>>
        tpu.wait_indirect_dma semaphore(%arg13 : memref<!tpu.dma_semaphore, #tpu.memory_space<semaphore_mem>>) src(%dma_wait3A_562 : memref<128x64xf32, #tpu.memory_space<vmem>>) dst(%dma_wait3A_568 : memref<10112x64xf32, #tpu.memory_space<vmem_shared>>)
      } else {
      }
      %add3A_480 = arith.constant 2 : i32
      %add3A_481 = arith.addi %add3A_444, %add3A_480 : i32
      %add3A_482 = arith.constant 1 : i32
      %add3A_483 = arith.addi %add3A_481, %add3A_482 : i32
      %lt3A_484 = arith.constant 160 : i32
      %lt3A_485 = arith.cmpi slt, %add3A_483, %lt3A_484 : i32
      %convert_element_type3A_486 = arith.extui %lt3A_485 : i1 to i32
      %cond3A_487 = arith.constant 0 : i32
      %cond3A_488 = arith.cmpi ne, %convert_element_type3A_486, %cond3A_487 : i32
      scf.if %cond3A_488 {
        %add3A_551 = arith.constant 2 : i32
        %add3A_552 = arith.addi %add3A_444, %add3A_551 : i32
        %add3A_553 = arith.constant 1 : i32
        %add3A_554 = arith.addi %add3A_552, %add3A_553 : i32
        %dma_start3A_555 = arith.constant 1 : i32
        %dma_start3A_556 = arith.constant 0 : i32
        %dma_start3A_557 = tpu.memref_slice %arg7[%dma_start3A_555, %dma_start3A_556] : memref<5x128xi32, #tpu.memory_space<vmem>> -> memref<1x128xi32, #tpu.memory_space<vmem>>
        %dma_start3A_558 = tpu.memref_squeeze %dma_start3A_557 : memref<1x128xi32, #tpu.memory_space<vmem>> -> memref<128xi32, #tpu.memory_space<vmem>>
        %dma_start3A_559 = arith.constant 0 : i32
        %dma_start3A_560 = arith.constant 0 : i32
        %dma_start3A_561 = tpu.memref_slice %arg3[%arg1, %dma_start3A_559, %dma_start3A_560] : memref<16x160x128xi32, #tpu.memory_space<hbm>> -> memref<1x160x128xi32, #tpu.memory_space<hbm>>
        %dma_start3A_562 = tpu.memref_squeeze %dma_start3A_561 : memref<1x160x128xi32, #tpu.memory_space<hbm>> -> memref<160x128xi32, #tpu.memory_space<hbm>>
        %dma_start3A_563 = arith.constant 0 : i32
        %dma_start3A_564 = tpu.memref_slice %dma_start3A_562[%add3A_554, %dma_start3A_563] : memref<160x128xi32, #tpu.memory_space<hbm>> -> memref<1x128xi32, #tpu.memory_space<hbm>>
        %dma_start3A_565 = tpu.memref_squeeze %dma_start3A_564 : memref<1x128xi32, #tpu.memory_space<hbm>> -> memref<128xi32, #tpu.memory_space<hbm>>
        %dma_start3A_566 = arith.constant 0 : i32
        %dma_start3A_567 = tpu.memref_slice %arg7[%dma_start3A_555, %dma_start3A_566] : memref<5x128xi32, #tpu.memory_space<vmem>> -> memref<1x128xi32, #tpu.memory_space<vmem>>
        %dma_start3A_568 = tpu.memref_squeeze %dma_start3A_567 : memref<1x128xi32, #tpu.memory_space<vmem>> -> memref<128xi32, #tpu.memory_space<vmem>>
        %dma_start3A_569 = arith.constant 0 : i32
        %dma_start3A_570 = arith.constant 0 : i32
        %dma_start3A_571 = tpu.memref_slice %arg3[%arg1, %dma_start3A_569, %dma_start3A_570] : memref<16x160x128xi32, #tpu.memory_space<hbm>> -> memref<1x160x128xi32, #tpu.memory_space<hbm>>
        %dma_start3A_572 = tpu.memref_squeeze %dma_start3A_571 : memref<1x160x128xi32, #tpu.memory_space<hbm>> -> memref<160x128xi32, #tpu.memory_space<hbm>>
        %dma_start3A_573 = arith.constant 0 : i32
        %dma_start3A_574 = tpu.memref_slice %dma_start3A_572[%add3A_554, %dma_start3A_573] : memref<160x128xi32, #tpu.memory_space<hbm>> -> memref<1x128xi32, #tpu.memory_space<hbm>>
        %dma_start3A_575 = tpu.memref_squeeze %dma_start3A_574 : memref<1x128xi32, #tpu.memory_space<hbm>> -> memref<128xi32, #tpu.memory_space<hbm>>
        tpu.enqueue_dma source(%dma_start3A_575 : memref<128xi32, #tpu.memory_space<hbm>>) target(%dma_start3A_568 : memref<128xi32, #tpu.memory_space<vmem>>) target_semaphore(%arg13 : memref<!tpu.dma_semaphore, #tpu.memory_space<semaphore_mem>>)
        %dma_start3A_576 = arith.constant 1 : i32
        %dma_start3A_577 = arith.constant 0 : i32
        %dma_start3A_578 = tpu.memref_slice %arg8[%dma_start3A_576, %dma_start3A_577] : memref<5x128xi32, #tpu.memory_space<vmem>> -> memref<1x128xi32, #tpu.memory_space<vmem>>
        %dma_start3A_579 = tpu.memref_squeeze %dma_start3A_578 : memref<1x128xi32, #tpu.memory_space<vmem>> -> memref<128xi32, #tpu.memory_space<vmem>>
        %dma_start3A_580 = arith.constant 0 : i32
        %dma_start3A_581 = arith.constant 0 : i32
        %dma_start3A_582 = tpu.memref_slice %arg4[%arg1, %dma_start3A_580, %dma_start3A_581] : memref<16x160x128xi32, #tpu.memory_space<hbm>> -> memref<1x160x128xi32, #tpu.memory_space<hbm>>
        %dma_start3A_583 = tpu.memref_squeeze %dma_start3A_582 : memref<1x160x128xi32, #tpu.memory_space<hbm>> -> memref<160x128xi32, #tpu.memory_space<hbm>>
        %dma_start3A_584 = arith.constant 0 : i32
        %dma_start3A_585 = tpu.memref_slice %dma_start3A_583[%add3A_554, %dma_start3A_584] : memref<160x128xi32, #tpu.memory_space<hbm>> -> memref<1x128xi32, #tpu.memory_space<hbm>>
        %dma_start3A_586 = tpu.memref_squeeze %dma_start3A_585 : memref<1x128xi32, #tpu.memory_space<hbm>> -> memref<128xi32, #tpu.memory_space<hbm>>
        %dma_start3A_587 = arith.constant 0 : i32
        %dma_start3A_588 = tpu.memref_slice %arg8[%dma_start3A_576, %dma_start3A_587] : memref<5x128xi32, #tpu.memory_space<vmem>> -> memref<1x128xi32, #tpu.memory_space<vmem>>
        %dma_start3A_589 = tpu.memref_squeeze %dma_start3A_588 : memref<1x128xi32, #tpu.memory_space<vmem>> -> memref<128xi32, #tpu.memory_space<vmem>>
        %dma_start3A_590 = arith.constant 0 : i32
        %dma_start3A_591 = arith.constant 0 : i32
        %dma_start3A_592 = tpu.memref_slice %arg4[%arg1, %dma_start3A_590, %dma_start3A_591] : memref<16x160x128xi32, #tpu.memory_space<hbm>> -> memref<1x160x128xi32, #tpu.memory_space<hbm>>
        %dma_start3A_593 = tpu.memref_squeeze %dma_start3A_592 : memref<1x160x128xi32, #tpu.memory_space<hbm>> -> memref<160x128xi32, #tpu.memory_space<hbm>>
        %dma_start3A_594 = arith.constant 0 : i32
        %dma_start3A_595 = tpu.memref_slice %dma_start3A_593[%add3A_554, %dma_start3A_594] : memref<160x128xi32, #tpu.memory_space<hbm>> -> memref<1x128xi32, #tpu.memory_space<hbm>>
        %dma_start3A_596 = tpu.memref_squeeze %dma_start3A_595 : memref<1x128xi32, #tpu.memory_space<hbm>> -> memref<128xi32, #tpu.memory_space<hbm>>
        tpu.enqueue_dma source(%dma_start3A_596 : memref<128xi32, #tpu.memory_space<hbm>>) target(%dma_start3A_589 : memref<128xi32, #tpu.memory_space<vmem>>) target_semaphore(%arg13 : memref<!tpu.dma_semaphore, #tpu.memory_space<semaphore_mem>>)
      } else {
      }
      %add3A_489 = arith.constant 2 : i32
      %add3A_490 = arith.addi %add3A_444, %add3A_489 : i32
      %lt3A_491 = arith.constant 160 : i32
      %lt3A_492 = arith.cmpi slt, %add3A_490, %lt3A_491 : i32
      %convert_element_type3A_493 = arith.extui %lt3A_492 : i1 to i32
      %cond3A_494 = arith.constant 0 : i32
      %cond3A_495 = arith.cmpi ne, %convert_element_type3A_493, %cond3A_494 : i32
      scf.if %cond3A_495 {
        %add3A_551 = arith.constant 2 : i32
        %add3A_552 = arith.addi %add3A_444, %add3A_551 : i32
        %dma_wait3A_553 = arith.constant 0 : i32
        %dma_wait3A_554 = arith.constant 0 : i32
        %dma_wait3A_555 = tpu.memref_slice %arg7[%dma_wait3A_553, %dma_wait3A_554] : memref<5x128xi32, #tpu.memory_space<vmem>> -> memref<1x128xi32, #tpu.memory_space<vmem>>
        %dma_wait3A_556 = tpu.memref_squeeze %dma_wait3A_555 : memref<1x128xi32, #tpu.memory_space<vmem>> -> memref<128xi32, #tpu.memory_space<vmem>>
        %dma_wait3A_557 = arith.constant 0 : i32
        %dma_wait3A_558 = arith.constant 0 : i32
        %dma_wait3A_559 = tpu.memref_slice %arg3[%arg1, %dma_wait3A_557, %dma_wait3A_558] : memref<16x160x128xi32, #tpu.memory_space<hbm>> -> memref<1x160x128xi32, #tpu.memory_space<hbm>>
        %dma_wait3A_560 = tpu.memref_squeeze %dma_wait3A_559 : memref<1x160x128xi32, #tpu.memory_space<hbm>> -> memref<160x128xi32, #tpu.memory_space<hbm>>
        %dma_wait3A_561 = arith.constant 0 : i32
        %dma_wait3A_562 = tpu.memref_slice %dma_wait3A_560[%add3A_552, %dma_wait3A_561] : memref<160x128xi32, #tpu.memory_space<hbm>> -> memref<1x128xi32, #tpu.memory_space<hbm>>
        %dma_wait3A_563 = tpu.memref_squeeze %dma_wait3A_562 : memref<1x128xi32, #tpu.memory_space<hbm>> -> memref<128xi32, #tpu.memory_space<hbm>>
        %dma_wait3A_564 = arith.constant 0 : i32
        %dma_wait3A_565 = tpu.memref_slice %arg7[%dma_wait3A_553, %dma_wait3A_564] : memref<5x128xi32, #tpu.memory_space<vmem>> -> memref<1x128xi32, #tpu.memory_space<vmem>>
        %dma_wait3A_566 = tpu.memref_squeeze %dma_wait3A_565 : memref<1x128xi32, #tpu.memory_space<vmem>> -> memref<128xi32, #tpu.memory_space<vmem>>
        %dma_wait3A_567 = arith.constant 0 : i32
        %dma_wait3A_568 = arith.constant 0 : i32
        %dma_wait3A_569 = tpu.memref_slice %arg3[%arg1, %dma_wait3A_567, %dma_wait3A_568] : memref<16x160x128xi32, #tpu.memory_space<hbm>> -> memref<1x160x128xi32, #tpu.memory_space<hbm>>
        %dma_wait3A_570 = tpu.memref_squeeze %dma_wait3A_569 : memref<1x160x128xi32, #tpu.memory_space<hbm>> -> memref<160x128xi32, #tpu.memory_space<hbm>>
        %dma_wait3A_571 = arith.constant 0 : i32
        %dma_wait3A_572 = tpu.memref_slice %dma_wait3A_570[%add3A_552, %dma_wait3A_571] : memref<160x128xi32, #tpu.memory_space<hbm>> -> memref<1x128xi32, #tpu.memory_space<hbm>>
        %dma_wait3A_573 = tpu.memref_squeeze %dma_wait3A_572 : memref<1x128xi32, #tpu.memory_space<hbm>> -> memref<128xi32, #tpu.memory_space<hbm>>
        tpu.wait_dma2 semaphore(%arg12 : memref<!tpu.dma_semaphore, #tpu.memory_space<semaphore_mem>>) src(%dma_wait3A_573 : memref<128xi32, #tpu.memory_space<hbm>>) dst(%dma_wait3A_566 : memref<128xi32, #tpu.memory_space<vmem>>)
        %dma_wait3A_574 = arith.constant 0 : i32
        %dma_wait3A_575 = arith.constant 0 : i32
        %dma_wait3A_576 = tpu.memref_slice %arg8[%dma_wait3A_574, %dma_wait3A_575] : memref<5x128xi32, #tpu.memory_space<vmem>> -> memref<1x128xi32, #tpu.memory_space<vmem>>
        %dma_wait3A_577 = tpu.memref_squeeze %dma_wait3A_576 : memref<1x128xi32, #tpu.memory_space<vmem>> -> memref<128xi32, #tpu.memory_space<vmem>>
        %dma_wait3A_578 = arith.constant 0 : i32
        %dma_wait3A_579 = arith.constant 0 : i32
        %dma_wait3A_580 = tpu.memref_slice %arg4[%arg1, %dma_wait3A_578, %dma_wait3A_579] : memref<16x160x128xi32, #tpu.memory_space<hbm>> -> memref<1x160x128xi32, #tpu.memory_space<hbm>>
        %dma_wait3A_581 = tpu.memref_squeeze %dma_wait3A_580 : memref<1x160x128xi32, #tpu.memory_space<hbm>> -> memref<160x128xi32, #tpu.memory_space<hbm>>
        %dma_wait3A_582 = arith.constant 0 : i32
        %dma_wait3A_583 = tpu.memref_slice %dma_wait3A_581[%add3A_552, %dma_wait3A_582] : memref<160x128xi32, #tpu.memory_space<hbm>> -> memref<1x128xi32, #tpu.memory_space<hbm>>
        %dma_wait3A_584 = tpu.memref_squeeze %dma_wait3A_583 : memref<1x128xi32, #tpu.memory_space<hbm>> -> memref<128xi32, #tpu.memory_space<hbm>>
        %dma_wait3A_585 = arith.constant 0 : i32
        %dma_wait3A_586 = tpu.memref_slice %arg8[%dma_wait3A_574, %dma_wait3A_585] : memref<5x128xi32, #tpu.memory_space<vmem>> -> memref<1x128xi32, #tpu.memory_space<vmem>>
        %dma_wait3A_587 = tpu.memref_squeeze %dma_wait3A_586 : memref<1x128xi32, #tpu.memory_space<vmem>> -> memref<128xi32, #tpu.memory_space<vmem>>
        %dma_wait3A_588 = arith.constant 0 : i32
        %dma_wait3A_589 = arith.constant 0 : i32
        %dma_wait3A_590 = tpu.memref_slice %arg4[%arg1, %dma_wait3A_588, %dma_wait3A_589] : memref<16x160x128xi32, #tpu.memory_space<hbm>> -> memref<1x160x128xi32, #tpu.memory_space<hbm>>
        %dma_wait3A_591 = tpu.memref_squeeze %dma_wait3A_590 : memref<1x160x128xi32, #tpu.memory_space<hbm>> -> memref<160x128xi32, #tpu.memory_space<hbm>>
        %dma_wait3A_592 = arith.constant 0 : i32
        %dma_wait3A_593 = tpu.memref_slice %dma_wait3A_591[%add3A_552, %dma_wait3A_592] : memref<160x128xi32, #tpu.memory_space<hbm>> -> memref<1x128xi32, #tpu.memory_space<hbm>>
        %dma_wait3A_594 = tpu.memref_squeeze %dma_wait3A_593 : memref<1x128xi32, #tpu.memory_space<hbm>> -> memref<128xi32, #tpu.memory_space<hbm>>
        tpu.wait_dma2 semaphore(%arg12 : memref<!tpu.dma_semaphore, #tpu.memory_space<semaphore_mem>>) src(%dma_wait3A_594 : memref<128xi32, #tpu.memory_space<hbm>>) dst(%dma_wait3A_587 : memref<128xi32, #tpu.memory_space<vmem>>)
        %add3A_595 = arith.constant 2 : i32
        %add3A_596 = arith.addi %add3A_444, %add3A_595 : i32
        %dma_start3A_597 = arith.constant 0 : i32
        %dma_start3A_598 = arith.constant 0 : i32
        %dma_start3A_599 = arith.constant 0 : i32
        %dma_start3A_600 = arith.constant 0 : i32
        %dma_start3A_601 = tpu.memref_slice %arg9[%dma_start3A_598, %dma_start3A_599, %dma_start3A_600] : memref<5x128x64xf32, #tpu.memory_space<vmem>> -> memref<1x128x64xf32, #tpu.memory_space<vmem>>
        %dma_start3A_602 = tpu.memref_squeeze %dma_start3A_601 : memref<1x128x64xf32, #tpu.memory_space<vmem>> -> memref<128x64xf32, #tpu.memory_space<vmem>>
        %dma_start3A_603 = arith.constant 0 : i32
        %dma_start3A_604 = tpu.memref_slice %arg7[%dma_start3A_597, %dma_start3A_603] : memref<5x128xi32, #tpu.memory_space<vmem>> -> memref<1x128xi32, #tpu.memory_space<vmem>>
        %dma_start3A_605 = tpu.memref_squeeze %dma_start3A_604 : memref<1x128xi32, #tpu.memory_space<vmem>> -> memref<128xi32, #tpu.memory_space<vmem>>
        %dma_start3A_606 = arith.constant 0 : i32
        %dma_start3A_607 = arith.constant 0 : i32
        %dma_start3A_608 = tpu.memref_slice %arg11[%dma_start3A_606, %dma_start3A_607] : memref<10000x64xf32, #tpu.memory_space<vmem_shared>> -> memref<10000x64xf32, #tpu.memory_space<vmem_shared>>
        tpu.enqueue_indirect_dma source(%dma_start3A_608 : memref<10000x64xf32, #tpu.memory_space<vmem_shared>>) target(%dma_start3A_602 : memref<128x64xf32, #tpu.memory_space<vmem>>) offsets(%dma_start3A_605 : memref<128xi32, #tpu.memory_space<vmem>>) semaphore(%arg12 : memref<!tpu.dma_semaphore, #tpu.memory_space<semaphore_mem>>)
      } else {
      }
      %mul3A_496 = arith.constant 5 : i32
      %mul3A_497 = arith.muli %scan3A_279, %mul3A_496 : i32
      %add3A_498 = arith.constant 4 : i32
      %add3A_499 = arith.addi %mul3A_497, %add3A_498 : i32
      %dma_wait3A_500 = arith.constant 4 : i32
      %dma_wait3A_501 = arith.constant 4 : i32
      %dma_wait3A_502 = arith.constant 0 : i32
      %dma_wait3A_503 = arith.constant 0 : i32
      %dma_wait3A_504 = tpu.memref_slice %arg9[%dma_wait3A_501, %dma_wait3A_502, %dma_wait3A_503] : memref<5x128x64xf32, #tpu.memory_space<vmem>> -> memref<1x128x64xf32, #tpu.memory_space<vmem>>
      %dma_wait3A_505 = tpu.memref_squeeze %dma_wait3A_504 : memref<1x128x64xf32, #tpu.memory_space<vmem>> -> memref<128x64xf32, #tpu.memory_space<vmem>>
      %dma_wait3A_506 = arith.constant 0 : i32
      %dma_wait3A_507 = tpu.memref_slice %arg7[%dma_wait3A_500, %dma_wait3A_506] : memref<5x128xi32, #tpu.memory_space<vmem>> -> memref<1x128xi32, #tpu.memory_space<vmem>>
      %dma_wait3A_508 = tpu.memref_squeeze %dma_wait3A_507 : memref<1x128xi32, #tpu.memory_space<vmem>> -> memref<128xi32, #tpu.memory_space<vmem>>
      %dma_wait3A_509 = arith.constant 0 : i32
      %dma_wait3A_510 = arith.constant 0 : i32
      %dma_wait3A_511 = tpu.memref_slice %arg11[%dma_wait3A_509, %dma_wait3A_510] : memref<10000x64xf32, #tpu.memory_space<vmem_shared>> -> memref<10000x64xf32, #tpu.memory_space<vmem_shared>>
      tpu.wait_indirect_dma semaphore(%arg16 : memref<!tpu.dma_semaphore, #tpu.memory_space<semaphore_mem>>) src(%dma_wait3A_511 : memref<10000x64xf32, #tpu.memory_space<vmem_shared>>) dst(%dma_wait3A_505 : memref<128x64xf32, #tpu.memory_space<vmem>>)
      %dma_start3A_512 = arith.constant 4 : i32
      %dma_start3A_513 = arith.constant 4 : i32
      %dma_start3A_514 = arith.constant 0 : i32
      %dma_start3A_515 = arith.constant 0 : i32
      %dma_start3A_516 = tpu.memref_slice %arg9[%dma_start3A_512, %dma_start3A_514, %dma_start3A_515] : memref<5x128x64xf32, #tpu.memory_space<vmem>> -> memref<1x128x64xf32, #tpu.memory_space<vmem>>
      %dma_start3A_517 = tpu.memref_squeeze %dma_start3A_516 : memref<1x128x64xf32, #tpu.memory_space<vmem>> -> memref<128x64xf32, #tpu.memory_space<vmem>>
      %dma_start3A_518 = arith.constant 0 : i32
      %dma_start3A_519 = tpu.memref_slice %arg8[%dma_start3A_513, %dma_start3A_518] : memref<5x128xi32, #tpu.memory_space<vmem>> -> memref<1x128xi32, #tpu.memory_space<vmem>>
      %dma_start3A_520 = tpu.memref_squeeze %dma_start3A_519 : memref<1x128xi32, #tpu.memory_space<vmem>> -> memref<128xi32, #tpu.memory_space<vmem>>
      %dma_start3A_521 = arith.constant 0 : i32
      %dma_start3A_522 = arith.constant 0 : i32
      %dma_start3A_523 = tpu.memref_slice %arg10[%dma_start3A_521, %dma_start3A_522] : memref<10112x64xf32, #tpu.memory_space<vmem_shared>> -> memref<10112x64xf32, #tpu.memory_space<vmem_shared>>
      tpu.enqueue_indirect_dma source(%dma_start3A_517 : memref<128x64xf32, #tpu.memory_space<vmem>>) target(%dma_start3A_523 : memref<10112x64xf32, #tpu.memory_space<vmem_shared>>) offsets(%dma_start3A_520 : memref<128xi32, #tpu.memory_space<vmem>>) semaphore(%arg16 : memref<!tpu.dma_semaphore, #tpu.memory_space<semaphore_mem>>) {add = true}
      %add3A_524 = arith.constant 2 : i32
      %add3A_525 = arith.addi %add3A_499, %add3A_524 : i32
      %add3A_526 = arith.constant 1 : i32
      %add3A_527 = arith.addi %add3A_525, %add3A_526 : i32
      %sub3A_528 = arith.constant 5 : i32
      %sub3A_529 = arith.subi %add3A_527, %sub3A_528 : i32
      %ge3A_530 = arith.constant 0 : i32
      %ge3A_531 = arith.cmpi sge, %sub3A_529, %ge3A_530 : i32
      %convert_element_type3A_532 = arith.extui %ge3A_531 : i1 to i32
      %cond3A_533 = arith.constant 0 : i32
      %cond3A_534 = arith.cmpi ne, %convert_element_type3A_532, %cond3A_533 : i32
      scf.if %cond3A_534 {
        %add3A_551 = arith.constant 2 : i32
        %add3A_552 = arith.addi %add3A_499, %add3A_551 : i32
        %add3A_553 = arith.constant 1 : i32
        %add3A_554 = arith.addi %add3A_552, %add3A_553 : i32
        %sub3A_555 = arith.constant 5 : i32
        %sub3A_556 = arith.subi %add3A_554, %sub3A_555 : i32
        %dma_wait3A_557 = arith.constant 2 : i32
        %dma_wait3A_558 = arith.constant 2 : i32
        %dma_wait3A_559 = arith.constant 0 : i32
        %dma_wait3A_560 = arith.constant 0 : i32
        %dma_wait3A_561 = tpu.memref_slice %arg9[%dma_wait3A_557, %dma_wait3A_559, %dma_wait3A_560] : memref<5x128x64xf32, #tpu.memory_space<vmem>> -> memref<1x128x64xf32, #tpu.memory_space<vmem>>
        %dma_wait3A_562 = tpu.memref_squeeze %dma_wait3A_561 : memref<1x128x64xf32, #tpu.memory_space<vmem>> -> memref<128x64xf32, #tpu.memory_space<vmem>>
        %dma_wait3A_563 = arith.constant 0 : i32
        %dma_wait3A_564 = tpu.memref_slice %arg8[%dma_wait3A_558, %dma_wait3A_563] : memref<5x128xi32, #tpu.memory_space<vmem>> -> memref<1x128xi32, #tpu.memory_space<vmem>>
        %dma_wait3A_565 = tpu.memref_squeeze %dma_wait3A_564 : memref<1x128xi32, #tpu.memory_space<vmem>> -> memref<128xi32, #tpu.memory_space<vmem>>
        %dma_wait3A_566 = arith.constant 0 : i32
        %dma_wait3A_567 = arith.constant 0 : i32
        %dma_wait3A_568 = tpu.memref_slice %arg10[%dma_wait3A_566, %dma_wait3A_567] : memref<10112x64xf32, #tpu.memory_space<vmem_shared>> -> memref<10112x64xf32, #tpu.memory_space<vmem_shared>>
        tpu.wait_indirect_dma semaphore(%arg14 : memref<!tpu.dma_semaphore, #tpu.memory_space<semaphore_mem>>) src(%dma_wait3A_562 : memref<128x64xf32, #tpu.memory_space<vmem>>) dst(%dma_wait3A_568 : memref<10112x64xf32, #tpu.memory_space<vmem_shared>>)
      } else {
      }
      %add3A_535 = arith.constant 2 : i32
      %add3A_536 = arith.addi %add3A_499, %add3A_535 : i32
      %add3A_537 = arith.constant 1 : i32
      %add3A_538 = arith.addi %add3A_536, %add3A_537 : i32
      %lt3A_539 = arith.constant 160 : i32
      %lt3A_540 = arith.cmpi slt, %add3A_538, %lt3A_539 : i32
      %convert_element_type3A_541 = arith.extui %lt3A_540 : i1 to i32
      %cond3A_542 = arith.constant 0 : i32
      %cond3A_543 = arith.cmpi ne, %convert_element_type3A_541, %cond3A_542 : i32
      scf.if %cond3A_543 {
        %add3A_551 = arith.constant 2 : i32
        %add3A_552 = arith.addi %add3A_499, %add3A_551 : i32
        %add3A_553 = arith.constant 1 : i32
        %add3A_554 = arith.addi %add3A_552, %add3A_553 : i32
        %dma_start3A_555 = arith.constant 2 : i32
        %dma_start3A_556 = arith.constant 0 : i32
        %dma_start3A_557 = tpu.memref_slice %arg7[%dma_start3A_555, %dma_start3A_556] : memref<5x128xi32, #tpu.memory_space<vmem>> -> memref<1x128xi32, #tpu.memory_space<vmem>>
        %dma_start3A_558 = tpu.memref_squeeze %dma_start3A_557 : memref<1x128xi32, #tpu.memory_space<vmem>> -> memref<128xi32, #tpu.memory_space<vmem>>
        %dma_start3A_559 = arith.constant 0 : i32
        %dma_start3A_560 = arith.constant 0 : i32
        %dma_start3A_561 = tpu.memref_slice %arg3[%arg1, %dma_start3A_559, %dma_start3A_560] : memref<16x160x128xi32, #tpu.memory_space<hbm>> -> memref<1x160x128xi32, #tpu.memory_space<hbm>>
        %dma_start3A_562 = tpu.memref_squeeze %dma_start3A_561 : memref<1x160x128xi32, #tpu.memory_space<hbm>> -> memref<160x128xi32, #tpu.memory_space<hbm>>
        %dma_start3A_563 = arith.constant 0 : i32
        %dma_start3A_564 = tpu.memref_slice %dma_start3A_562[%add3A_554, %dma_start3A_563] : memref<160x128xi32, #tpu.memory_space<hbm>> -> memref<1x128xi32, #tpu.memory_space<hbm>>
        %dma_start3A_565 = tpu.memref_squeeze %dma_start3A_564 : memref<1x128xi32, #tpu.memory_space<hbm>> -> memref<128xi32, #tpu.memory_space<hbm>>
        %dma_start3A_566 = arith.constant 0 : i32
        %dma_start3A_567 = tpu.memref_slice %arg7[%dma_start3A_555, %dma_start3A_566] : memref<5x128xi32, #tpu.memory_space<vmem>> -> memref<1x128xi32, #tpu.memory_space<vmem>>
        %dma_start3A_568 = tpu.memref_squeeze %dma_start3A_567 : memref<1x128xi32, #tpu.memory_space<vmem>> -> memref<128xi32, #tpu.memory_space<vmem>>
        %dma_start3A_569 = arith.constant 0 : i32
        %dma_start3A_570 = arith.constant 0 : i32
        %dma_start3A_571 = tpu.memref_slice %arg3[%arg1, %dma_start3A_569, %dma_start3A_570] : memref<16x160x128xi32, #tpu.memory_space<hbm>> -> memref<1x160x128xi32, #tpu.memory_space<hbm>>
        %dma_start3A_572 = tpu.memref_squeeze %dma_start3A_571 : memref<1x160x128xi32, #tpu.memory_space<hbm>> -> memref<160x128xi32, #tpu.memory_space<hbm>>
        %dma_start3A_573 = arith.constant 0 : i32
        %dma_start3A_574 = tpu.memref_slice %dma_start3A_572[%add3A_554, %dma_start3A_573] : memref<160x128xi32, #tpu.memory_space<hbm>> -> memref<1x128xi32, #tpu.memory_space<hbm>>
        %dma_start3A_575 = tpu.memref_squeeze %dma_start3A_574 : memref<1x128xi32, #tpu.memory_space<hbm>> -> memref<128xi32, #tpu.memory_space<hbm>>
        tpu.enqueue_dma source(%dma_start3A_575 : memref<128xi32, #tpu.memory_space<hbm>>) target(%dma_start3A_568 : memref<128xi32, #tpu.memory_space<vmem>>) target_semaphore(%arg14 : memref<!tpu.dma_semaphore, #tpu.memory_space<semaphore_mem>>)
        %dma_start3A_576 = arith.constant 2 : i32
        %dma_start3A_577 = arith.constant 0 : i32
        %dma_start3A_578 = tpu.memref_slice %arg8[%dma_start3A_576, %dma_start3A_577] : memref<5x128xi32, #tpu.memory_space<vmem>> -> memref<1x128xi32, #tpu.memory_space<vmem>>
        %dma_start3A_579 = tpu.memref_squeeze %dma_start3A_578 : memref<1x128xi32, #tpu.memory_space<vmem>> -> memref<128xi32, #tpu.memory_space<vmem>>
        %dma_start3A_580 = arith.constant 0 : i32
        %dma_start3A_581 = arith.constant 0 : i32
        %dma_start3A_582 = tpu.memref_slice %arg4[%arg1, %dma_start3A_580, %dma_start3A_581] : memref<16x160x128xi32, #tpu.memory_space<hbm>> -> memref<1x160x128xi32, #tpu.memory_space<hbm>>
        %dma_start3A_583 = tpu.memref_squeeze %dma_start3A_582 : memref<1x160x128xi32, #tpu.memory_space<hbm>> -> memref<160x128xi32, #tpu.memory_space<hbm>>
        %dma_start3A_584 = arith.constant 0 : i32
        %dma_start3A_585 = tpu.memref_slice %dma_start3A_583[%add3A_554, %dma_start3A_584] : memref<160x128xi32, #tpu.memory_space<hbm>> -> memref<1x128xi32, #tpu.memory_space<hbm>>
        %dma_start3A_586 = tpu.memref_squeeze %dma_start3A_585 : memref<1x128xi32, #tpu.memory_space<hbm>> -> memref<128xi32, #tpu.memory_space<hbm>>
        %dma_start3A_587 = arith.constant 0 : i32
        %dma_start3A_588 = tpu.memref_slice %arg8[%dma_start3A_576, %dma_start3A_587] : memref<5x128xi32, #tpu.memory_space<vmem>> -> memref<1x128xi32, #tpu.memory_space<vmem>>
        %dma_start3A_589 = tpu.memref_squeeze %dma_start3A_588 : memref<1x128xi32, #tpu.memory_space<vmem>> -> memref<128xi32, #tpu.memory_space<vmem>>
        %dma_start3A_590 = arith.constant 0 : i32
        %dma_start3A_591 = arith.constant 0 : i32
        %dma_start3A_592 = tpu.memref_slice %arg4[%arg1, %dma_start3A_590, %dma_start3A_591] : memref<16x160x128xi32, #tpu.memory_space<hbm>> -> memref<1x160x128xi32, #tpu.memory_space<hbm>>
        %dma_start3A_593 = tpu.memref_squeeze %dma_start3A_592 : memref<1x160x128xi32, #tpu.memory_space<hbm>> -> memref<160x128xi32, #tpu.memory_space<hbm>>
        %dma_start3A_594 = arith.constant 0 : i32
        %dma_start3A_595 = tpu.memref_slice %dma_start3A_593[%add3A_554, %dma_start3A_594] : memref<160x128xi32, #tpu.memory_space<hbm>> -> memref<1x128xi32, #tpu.memory_space<hbm>>
        %dma_start3A_596 = tpu.memref_squeeze %dma_start3A_595 : memref<1x128xi32, #tpu.memory_space<hbm>> -> memref<128xi32, #tpu.memory_space<hbm>>
        tpu.enqueue_dma source(%dma_start3A_596 : memref<128xi32, #tpu.memory_space<hbm>>) target(%dma_start3A_589 : memref<128xi32, #tpu.memory_space<vmem>>) target_semaphore(%arg14 : memref<!tpu.dma_semaphore, #tpu.memory_space<semaphore_mem>>)
      } else {
      }
      %add3A_544 = arith.constant 2 : i32
      %add3A_545 = arith.addi %add3A_499, %add3A_544 : i32
      %lt3A_546 = arith.constant 160 : i32
      %lt3A_547 = arith.cmpi slt, %add3A_545, %lt3A_546 : i32
      %convert_element_type3A_548 = arith.extui %lt3A_547 : i1 to i32
      %cond3A_549 = arith.constant 0 : i32
      %cond3A_550 = arith.cmpi ne, %convert_element_type3A_548, %cond3A_549 : i32
      scf.if %cond3A_550 {
        %add3A_551 = arith.constant 2 : i32
        %add3A_552 = arith.addi %add3A_499, %add3A_551 : i32
        %dma_wait3A_553 = arith.constant 1 : i32
        %dma_wait3A_554 = arith.constant 0 : i32
        %dma_wait3A_555 = tpu.memref_slice %arg7[%dma_wait3A_553, %dma_wait3A_554] : memref<5x128xi32, #tpu.memory_space<vmem>> -> memref<1x128xi32, #tpu.memory_space<vmem>>
        %dma_wait3A_556 = tpu.memref_squeeze %dma_wait3A_555 : memref<1x128xi32, #tpu.memory_space<vmem>> -> memref<128xi32, #tpu.memory_space<vmem>>
        %dma_wait3A_557 = arith.constant 0 : i32
        %dma_wait3A_558 = arith.constant 0 : i32
        %dma_wait3A_559 = tpu.memref_slice %arg3[%arg1, %dma_wait3A_557, %dma_wait3A_558] : memref<16x160x128xi32, #tpu.memory_space<hbm>> -> memref<1x160x128xi32, #tpu.memory_space<hbm>>
        %dma_wait3A_560 = tpu.memref_squeeze %dma_wait3A_559 : memref<1x160x128xi32, #tpu.memory_space<hbm>> -> memref<160x128xi32, #tpu.memory_space<hbm>>
        %dma_wait3A_561 = arith.constant 0 : i32
        %dma_wait3A_562 = tpu.memref_slice %dma_wait3A_560[%add3A_552, %dma_wait3A_561] : memref<160x128xi32, #tpu.memory_space<hbm>> -> memref<1x128xi32, #tpu.memory_space<hbm>>
        %dma_wait3A_563 = tpu.memref_squeeze %dma_wait3A_562 : memref<1x128xi32, #tpu.memory_space<hbm>> -> memref<128xi32, #tpu.memory_space<hbm>>
        %dma_wait3A_564 = arith.constant 0 : i32
        %dma_wait3A_565 = tpu.memref_slice %arg7[%dma_wait3A_553, %dma_wait3A_564] : memref<5x128xi32, #tpu.memory_space<vmem>> -> memref<1x128xi32, #tpu.memory_space<vmem>>
        %dma_wait3A_566 = tpu.memref_squeeze %dma_wait3A_565 : memref<1x128xi32, #tpu.memory_space<vmem>> -> memref<128xi32, #tpu.memory_space<vmem>>
        %dma_wait3A_567 = arith.constant 0 : i32
        %dma_wait3A_568 = arith.constant 0 : i32
        %dma_wait3A_569 = tpu.memref_slice %arg3[%arg1, %dma_wait3A_567, %dma_wait3A_568] : memref<16x160x128xi32, #tpu.memory_space<hbm>> -> memref<1x160x128xi32, #tpu.memory_space<hbm>>
        %dma_wait3A_570 = tpu.memref_squeeze %dma_wait3A_569 : memref<1x160x128xi32, #tpu.memory_space<hbm>> -> memref<160x128xi32, #tpu.memory_space<hbm>>
        %dma_wait3A_571 = arith.constant 0 : i32
        %dma_wait3A_572 = tpu.memref_slice %dma_wait3A_570[%add3A_552, %dma_wait3A_571] : memref<160x128xi32, #tpu.memory_space<hbm>> -> memref<1x128xi32, #tpu.memory_space<hbm>>
        %dma_wait3A_573 = tpu.memref_squeeze %dma_wait3A_572 : memref<1x128xi32, #tpu.memory_space<hbm>> -> memref<128xi32, #tpu.memory_space<hbm>>
        tpu.wait_dma2 semaphore(%arg13 : memref<!tpu.dma_semaphore, #tpu.memory_space<semaphore_mem>>) src(%dma_wait3A_573 : memref<128xi32, #tpu.memory_space<hbm>>) dst(%dma_wait3A_566 : memref<128xi32, #tpu.memory_space<vmem>>)
        %dma_wait3A_574 = arith.constant 1 : i32
        %dma_wait3A_575 = arith.constant 0 : i32
        %dma_wait3A_576 = tpu.memref_slice %arg8[%dma_wait3A_574, %dma_wait3A_575] : memref<5x128xi32, #tpu.memory_space<vmem>> -> memref<1x128xi32, #tpu.memory_space<vmem>>
        %dma_wait3A_577 = tpu.memref_squeeze %dma_wait3A_576 : memref<1x128xi32, #tpu.memory_space<vmem>> -> memref<128xi32, #tpu.memory_space<vmem>>
        %dma_wait3A_578 = arith.constant 0 : i32
        %dma_wait3A_579 = arith.constant 0 : i32
        %dma_wait3A_580 = tpu.memref_slice %arg4[%arg1, %dma_wait3A_578, %dma_wait3A_579] : memref<16x160x128xi32, #tpu.memory_space<hbm>> -> memref<1x160x128xi32, #tpu.memory_space<hbm>>
        %dma_wait3A_581 = tpu.memref_squeeze %dma_wait3A_580 : memref<1x160x128xi32, #tpu.memory_space<hbm>> -> memref<160x128xi32, #tpu.memory_space<hbm>>
        %dma_wait3A_582 = arith.constant 0 : i32
        %dma_wait3A_583 = tpu.memref_slice %dma_wait3A_581[%add3A_552, %dma_wait3A_582] : memref<160x128xi32, #tpu.memory_space<hbm>> -> memref<1x128xi32, #tpu.memory_space<hbm>>
        %dma_wait3A_584 = tpu.memref_squeeze %dma_wait3A_583 : memref<1x128xi32, #tpu.memory_space<hbm>> -> memref<128xi32, #tpu.memory_space<hbm>>
        %dma_wait3A_585 = arith.constant 0 : i32
        %dma_wait3A_586 = tpu.memref_slice %arg8[%dma_wait3A_574, %dma_wait3A_585] : memref<5x128xi32, #tpu.memory_space<vmem>> -> memref<1x128xi32, #tpu.memory_space<vmem>>
        %dma_wait3A_587 = tpu.memref_squeeze %dma_wait3A_586 : memref<1x128xi32, #tpu.memory_space<vmem>> -> memref<128xi32, #tpu.memory_space<vmem>>
        %dma_wait3A_588 = arith.constant 0 : i32
        %dma_wait3A_589 = arith.constant 0 : i32
        %dma_wait3A_590 = tpu.memref_slice %arg4[%arg1, %dma_wait3A_588, %dma_wait3A_589] : memref<16x160x128xi32, #tpu.memory_space<hbm>> -> memref<1x160x128xi32, #tpu.memory_space<hbm>>
        %dma_wait3A_591 = tpu.memref_squeeze %dma_wait3A_590 : memref<1x160x128xi32, #tpu.memory_space<hbm>> -> memref<160x128xi32, #tpu.memory_space<hbm>>
        %dma_wait3A_592 = arith.constant 0 : i32
        %dma_wait3A_593 = tpu.memref_slice %dma_wait3A_591[%add3A_552, %dma_wait3A_592] : memref<160x128xi32, #tpu.memory_space<hbm>> -> memref<1x128xi32, #tpu.memory_space<hbm>>
        %dma_wait3A_594 = tpu.memref_squeeze %dma_wait3A_593 : memref<1x128xi32, #tpu.memory_space<hbm>> -> memref<128xi32, #tpu.memory_space<hbm>>
        tpu.wait_dma2 semaphore(%arg13 : memref<!tpu.dma_semaphore, #tpu.memory_space<semaphore_mem>>) src(%dma_wait3A_594 : memref<128xi32, #tpu.memory_space<hbm>>) dst(%dma_wait3A_587 : memref<128xi32, #tpu.memory_space<vmem>>)
        %add3A_595 = arith.constant 2 : i32
        %add3A_596 = arith.addi %add3A_499, %add3A_595 : i32
        %dma_start3A_597 = arith.constant 1 : i32
        %dma_start3A_598 = arith.constant 1 : i32
        %dma_start3A_599 = arith.constant 0 : i32
        %dma_start3A_600 = arith.constant 0 : i32
        %dma_start3A_601 = tpu.memref_slice %arg9[%dma_start3A_598, %dma_start3A_599, %dma_start3A_600] : memref<5x128x64xf32, #tpu.memory_space<vmem>> -> memref<1x128x64xf32, #tpu.memory_space<vmem>>
        %dma_start3A_602 = tpu.memref_squeeze %dma_start3A_601 : memref<1x128x64xf32, #tpu.memory_space<vmem>> -> memref<128x64xf32, #tpu.memory_space<vmem>>
        %dma_start3A_603 = arith.constant 0 : i32
        %dma_start3A_604 = tpu.memref_slice %arg7[%dma_start3A_597, %dma_start3A_603] : memref<5x128xi32, #tpu.memory_space<vmem>> -> memref<1x128xi32, #tpu.memory_space<vmem>>
        %dma_start3A_605 = tpu.memref_squeeze %dma_start3A_604 : memref<1x128xi32, #tpu.memory_space<vmem>> -> memref<128xi32, #tpu.memory_space<vmem>>
        %dma_start3A_606 = arith.constant 0 : i32
        %dma_start3A_607 = arith.constant 0 : i32
        %dma_start3A_608 = tpu.memref_slice %arg11[%dma_start3A_606, %dma_start3A_607] : memref<10000x64xf32, #tpu.memory_space<vmem_shared>> -> memref<10000x64xf32, #tpu.memory_space<vmem_shared>>
        tpu.enqueue_indirect_dma source(%dma_start3A_608 : memref<10000x64xf32, #tpu.memory_space<vmem_shared>>) target(%dma_start3A_602 : memref<128x64xf32, #tpu.memory_space<vmem>>) offsets(%dma_start3A_605 : memref<128xi32, #tpu.memory_space<vmem>>) semaphore(%arg13 : memref<!tpu.dma_semaphore, #tpu.memory_space<semaphore_mem>>)
      } else {
      }
    }
    %scan3A_253 = arith.constant 32 : i32
    %dma_wait3A_254 = arith.constant 3 : i32
    %dma_wait3A_255 = arith.constant 3 : i32
    %dma_wait3A_256 = arith.constant 0 : i32
    %dma_wait3A_257 = arith.constant 0 : i32
    %dma_wait3A_258 = tpu.memref_slice %arg9[%dma_wait3A_254, %dma_wait3A_256, %dma_wait3A_257] : memref<5x128x64xf32, #tpu.memory_space<vmem>> -> memref<1x128x64xf32, #tpu.memory_space<vmem>>
    %dma_wait3A_259 = tpu.memref_squeeze %dma_wait3A_258 : memref<1x128x64xf32, #tpu.memory_space<vmem>> -> memref<128x64xf32, #tpu.memory_space<vmem>>
    %dma_wait3A_260 = arith.constant 0 : i32
    %dma_wait3A_261 = tpu.memref_slice %arg8[%dma_wait3A_255, %dma_wait3A_260] : memref<5x128xi32, #tpu.memory_space<vmem>> -> memref<1x128xi32, #tpu.memory_space<vmem>>
    %dma_wait3A_262 = tpu.memref_squeeze %dma_wait3A_261 : memref<1x128xi32, #tpu.memory_space<vmem>> -> memref<128xi32, #tpu.memory_space<vmem>>
    %dma_wait3A_263 = arith.constant 0 : i32
    %dma_wait3A_264 = arith.constant 0 : i32
    %dma_wait3A_265 = tpu.memref_slice %arg10[%dma_wait3A_263, %dma_wait3A_264] : memref<10112x64xf32, #tpu.memory_space<vmem_shared>> -> memref<10112x64xf32, #tpu.memory_space<vmem_shared>>
    tpu.wait_indirect_dma semaphore(%arg15 : memref<!tpu.dma_semaphore, #tpu.memory_space<semaphore_mem>>) src(%dma_wait3A_259 : memref<128x64xf32, #tpu.memory_space<vmem>>) dst(%dma_wait3A_265 : memref<10112x64xf32, #tpu.memory_space<vmem_shared>>)
    %dma_wait3A_266 = arith.constant 4 : i32
    %dma_wait3A_267 = arith.constant 4 : i32
    %dma_wait3A_268 = arith.constant 0 : i32
    %dma_wait3A_269 = arith.constant 0 : i32
    %dma_wait3A_270 = tpu.memref_slice %arg9[%dma_wait3A_266, %dma_wait3A_268, %dma_wait3A_269] : memref<5x128x64xf32, #tpu.memory_space<vmem>> -> memref<1x128x64xf32, #tpu.memory_space<vmem>>
    %dma_wait3A_271 = tpu.memref_squeeze %dma_wait3A_270 : memref<1x128x64xf32, #tpu.memory_space<vmem>> -> memref<128x64xf32, #tpu.memory_space<vmem>>
    %dma_wait3A_272 = arith.constant 0 : i32
    %dma_wait3A_273 = tpu.memref_slice %arg8[%dma_wait3A_267, %dma_wait3A_272] : memref<5x128xi32, #tpu.memory_space<vmem>> -> memref<1x128xi32, #tpu.memory_space<vmem>>
    %dma_wait3A_274 = tpu.memref_squeeze %dma_wait3A_273 : memref<1x128xi32, #tpu.memory_space<vmem>> -> memref<128xi32, #tpu.memory_space<vmem>>
    %dma_wait3A_275 = arith.constant 0 : i32
    %dma_wait3A_276 = arith.constant 0 : i32
    %dma_wait3A_277 = tpu.memref_slice %arg10[%dma_wait3A_275, %dma_wait3A_276] : memref<10112x64xf32, #tpu.memory_space<vmem_shared>> -> memref<10112x64xf32, #tpu.memory_space<vmem_shared>>
    tpu.wait_indirect_dma semaphore(%arg16 : memref<!tpu.dma_semaphore, #tpu.memory_space<semaphore_mem>>) src(%dma_wait3A_271 : memref<128x64xf32, #tpu.memory_space<vmem>>) dst(%dma_wait3A_277 : memref<10112x64xf32, #tpu.memory_space<vmem_shared>>)
    %barrier3A_278 = arith.constant 0 : index
    tpu.barrier barrier_id(%barrier3A_278)
    "tpu.region"() ({
      %run_scoped3A = tpu.sem_alloc : memref<!tpu.dma_semaphore, #tpu.memory_space<semaphore_mem>>
      %dma_start3A_279 = tpu.memref_slice %arg6[%mul3A_2, %mul3A_0] : memref<10112x128xf32, #tpu.memory_space<hbm>> -> memref<632x64xf32, #tpu.memory_space<hbm>>
      %dma_start3A_280 = arith.constant 0 : i32
      %dma_start3A_281 = tpu.memref_slice %arg10[%mul3A_2, %dma_start3A_280] : memref<10112x64xf32, #tpu.memory_space<vmem_shared>> -> memref<632x64xf32, #tpu.memory_space<vmem_shared>>
      tpu.enqueue_dma source(%dma_start3A_281 : memref<632x64xf32, #tpu.memory_space<vmem_shared>>) target(%dma_start3A_279 : memref<632x64xf32, #tpu.memory_space<hbm>>) target_semaphore(%run_scoped3A : memref<!tpu.dma_semaphore, #tpu.memory_space<semaphore_mem>>)
      %dma_wait3A_282 = tpu.memref_slice %arg6[%mul3A_2, %mul3A_0] : memref<10112x128xf32, #tpu.memory_space<hbm>> -> memref<632x64xf32, #tpu.memory_space<hbm>>
      %dma_wait3A_283 = arith.constant 0 : i32
      %dma_wait3A_284 = tpu.memref_slice %arg10[%mul3A_2, %dma_wait3A_283] : memref<10112x64xf32, #tpu.memory_space<vmem_shared>> -> memref<632x64xf32, #tpu.memory_space<vmem_shared>>
      tpu.wait_dma2 semaphore(%run_scoped3A : memref<!tpu.dma_semaphore, #tpu.memory_space<semaphore_mem>>) src(%dma_wait3A_284 : memref<632x64xf32, #tpu.memory_space<vmem_shared>>) dst(%dma_wait3A_282 : memref<632x64xf32, #tpu.memory_space<hbm>>)
      tpu.yield
    }) : () -> ()
    return
  }
}

module attributes {stable_mosaic.version = 14 : i64} {
  func.func @_tc_mm_body(%arg0: i32, %arg1: memref<1000x128xf32, #tpu.memory_space<vmem>>, %arg2: memref<128x128xf32, #tpu.memory_space<vmem>>, %arg3: memref<1000x128xf32, #tpu.memory_space<vmem>>) attributes {dimension_semantics = [#tpu.dimension_semantics<arbitrary>], iteration_bounds = array<i64: 10>, scalar_prefetch = 0 : i64, scratch_operands = 0 : i64, tpu.core_type = #tpu.core_type<tc>, window_params = [{transform_indices = @transform_0, window_bounds = array<i64: 1000, 128>}, {pipeline_mode = #tpu.pipeline_mode<synchronous>, transform_indices = @transform_1, window_bounds = array<i64: 128, 128>}, {transform_indices = @transform_2, window_bounds = array<i64: 1000, 128>}]} {
    %get3A = arith.constant 0 : index
    %get3A_0 = arith.constant 0 : index
    %get3A_1 = vector.load %arg1[%get3A, %get3A_0] : memref<1000x128xf32, #tpu.memory_space<vmem>>, vector<1000x128xf32>
    %get3A_2 = arith.constant 0 : index
    %get3A_3 = arith.constant 0 : index
    %get3A_4 = vector.load %arg2[%get3A_2, %get3A_3] : memref<128x128xf32, #tpu.memory_space<vmem>>, vector<128x128xf32>
    %dot_general3A = arith.constant dense<0.000000e+00> : vector<1000x128xf32>
    %dot_general3A_5 = tpu.matmul %get3A_1, %get3A_4, %dot_general3A {dimension_numbers = #tpu.dot_dimension_numbers<[1], [0], [0], [1], [0, 0, 1, 1], [], []>, transpose_lhs_hint = false} : vector<1000x128xf32>, vector<128x128xf32>, vector<1000x128xf32> -> vector<1000x128xf32>
    %swap3A = arith.constant 0 : index
    %swap3A_6 = arith.constant 0 : index
    %swap3A_7 = vector.load %arg3[%swap3A, %swap3A_6] : memref<1000x128xf32, #tpu.memory_space<vmem>>, vector<1000x128xf32>
    tpu.vector_store %arg3[%swap3A, %swap3A_6], %dot_general3A_5 {strides = array<i32>} : memref<1000x128xf32, #tpu.memory_space<vmem>>, vector<1000x128xf32>,
    return
  }
  func.func @transform_0(%arg0: i32) -> (i32, i32) {
    %c0_i32 = arith.constant 0 : i32
    %c0_i32_0 = arith.constant 0 : i32
    return %arg0, %c0_i32 : i32, i32
  }
  func.func @transform_1(%arg0: i32) -> (i32, i32) {
    %c0_i32 = arith.constant 0 : i32
    %c0_i32_0 = arith.constant 0 : i32
    %c0_i32_1 = arith.constant 0 : i32
    return %c0_i32, %c0_i32_0 : i32, i32
  }
  func.func @transform_2(%arg0: i32) -> (i32, i32) {
    %c0_i32 = arith.constant 0 : i32
    %c0_i32_0 = arith.constant 0 : i32
    return %arg0, %c0_i32 : i32, i32
  }
}

module attributes {stable_mosaic.version = 14 : i64} {
  func.func @_tc_scale_body(%arg0: i32, %arg1: memref<1000x128xf32, #tpu.memory_space<vmem>>, %arg2: memref<1000x16xf32, #tpu.memory_space<vmem>>, %arg3: memref<1000x128xf32, #tpu.memory_space<vmem>>) attributes {dimension_semantics = [#tpu.dimension_semantics<arbitrary>], iteration_bounds = array<i64: 10>, scalar_prefetch = 0 : i64, scratch_operands = 0 : i64, tpu.core_type = #tpu.core_type<tc>, window_params = [{transform_indices = @transform_0, window_bounds = array<i64: 1000, 128>}, {transform_indices = @transform_1, window_bounds = array<i64: 1000, 16>}, {transform_indices = @transform_2, window_bounds = array<i64: 1000, 128>}]} {
    %get3A = arith.constant 0 : index
    %get3A_0 = arith.constant 0 : index
    %get3A_1 = vector.load %arg1[%get3A, %get3A_0] : memref<1000x128xf32, #tpu.memory_space<vmem>>, vector<1000x128xf32>
    %get3A_2 = arith.constant 0 : index
    %get3A_3 = arith.constant 0 : index
    %get3A_4 = vector.load %arg2[%get3A_2, %get3A_3] : memref<1000x16xf32, #tpu.memory_space<vmem>>, vector<1000x1xf32>
    %gt3A = arith.constant 0.000000e+00 : f32
    %gt3A_5 = vector.broadcast %gt3A : f32 to vector<1000x1xf32>
    %gt3A_6 = arith.cmpf ogt, %get3A_4, %gt3A_5 : vector<1000x1xf32>
    %max3A = arith.constant 1.000000e+00 : f32
    %max3A_7 = vector.broadcast %max3A : f32 to vector<1000x1xf32>
    %max3A_8 = arith.maximumf %get3A_4, %max3A_7 : vector<1000x1xf32>
    %rsqrt3A = math.rsqrt %max3A_8 : vector<1000x1xf32>
    %jit3A = arith.constant 0.000000e+00 : f32
    %broadcast_in_dim3A = vector.broadcast %jit3A : f32 to vector<1000x1xf32>
    %select_n3A = arith.select %gt3A_6, %rsqrt3A, %broadcast_in_dim3A : vector<1000x1xi1>, vector<1000x1xf32>
    %mul3A = vector.broadcast %select_n3A : vector<1000x1xf32> to vector<1000x128xf32>
    %mul3A_9 = arith.mulf %get3A_1, %mul3A : vector<1000x128xf32>
    %swap3A = arith.constant 0 : index
    %swap3A_10 = arith.constant 0 : index
    %swap3A_11 = vector.load %arg3[%swap3A, %swap3A_10] : memref<1000x128xf32, #tpu.memory_space<vmem>>, vector<1000x128xf32>
    tpu.vector_store %arg3[%swap3A, %swap3A_10], %mul3A_9 {strides = array<i32>} : memref<1000x128xf32, #tpu.memory_space<vmem>>, vector<1000x128xf32>,
    return
  }
  func.func @transform_0(%arg0: i32) -> (i32, i32) {
    %c0_i32 = arith.constant 0 : i32
    %c0_i32_0 = arith.constant 0 : i32
    return %arg0, %c0_i32 : i32, i32
  }
  func.func @transform_1(%arg0: i32) -> (i32, i32) {
    %c0_i32 = arith.constant 0 : i32
    %c0_i32_0 = arith.constant 0 : i32
    return %arg0, %c0_i32 : i32, i32
  }
  func.func @transform_2(%arg0: i32) -> (i32, i32) {
    %c0_i32 = arith.constant 0 : i32
    %c0_i32_0 = arith.constant 0 : i32
    return %arg0, %c0_i32 : i32, i32
  }
}

module attributes {stable_mosaic.version = 14 : i64} {
  func.func @_tc_mid_body(%arg0: i32, %arg1: memref<1000x128xf32, #tpu.memory_space<vmem>>, %arg2: memref<1000x16xf32, #tpu.memory_space<vmem>>, %arg3: memref<1x128xf32, #tpu.memory_space<vmem>>, %arg4: memref<128x128xf32, #tpu.memory_space<vmem>>, %arg5: memref<1000x16xf32, #tpu.memory_space<vmem>>, %arg6: memref<1000x128xf32, #tpu.memory_space<vmem>>) attributes {dimension_semantics = [#tpu.dimension_semantics<arbitrary>], iteration_bounds = array<i64: 10>, scalar_prefetch = 0 : i64, scratch_operands = 0 : i64, tpu.core_type = #tpu.core_type<tc>, window_params = [{transform_indices = @transform_0, window_bounds = array<i64: 1000, 128>}, {transform_indices = @transform_1, window_bounds = array<i64: 1000, 16>}, {pipeline_mode = #tpu.pipeline_mode<synchronous>, transform_indices = @transform_2, window_bounds = array<i64: 1, 128>}, {pipeline_mode = #tpu.pipeline_mode<synchronous>, transform_indices = @transform_3, window_bounds = array<i64: 128, 128>}, {transform_indices = @transform_4, window_bounds = array<i64: 1000, 16>}, {transform_indices = @transform_5, window_bounds = array<i64: 1000, 128>}]} {
    %get3A = arith.constant 0 : index
    %get3A_0 = arith.constant 0 : index
    %get3A_1 = vector.load %arg1[%get3A, %get3A_0] : memref<1000x128xf32, #tpu.memory_space<vmem>>, vector<1000x128xf32>
    %get3A_2 = arith.constant 0 : index
    %get3A_3 = arith.constant 0 : index
    %get3A_4 = vector.load %arg2[%get3A_2, %get3A_3] : memref<1000x16xf32, #tpu.memory_space<vmem>>, vector<1000x1xf32>
    %gt3A = arith.constant 0.000000e+00 : f32
    %gt3A_5 = vector.broadcast %gt3A : f32 to vector<1000x1xf32>
    %gt3A_6 = arith.cmpf ogt, %get3A_4, %gt3A_5 : vector<1000x1xf32>
    %max3A = arith.constant 1.000000e+00 : f32
    %max3A_7 = vector.broadcast %max3A : f32 to vector<1000x1xf32>
    %max3A_8 = arith.maximumf %get3A_4, %max3A_7 : vector<1000x1xf32>
    %rsqrt3A = math.rsqrt %max3A_8 : vector<1000x1xf32>
    %jit3A = arith.constant 0.000000e+00 : f32
    %broadcast_in_dim3A = vector.broadcast %jit3A : f32 to vector<1000x1xf32>
    %select_n3A = arith.select %gt3A_6, %rsqrt3A, %broadcast_in_dim3A : vector<1000x1xi1>, vector<1000x1xf32>
    %mul3A = vector.broadcast %select_n3A : vector<1000x1xf32> to vector<1000x128xf32>
    %mul3A_9 = arith.mulf %get3A_1, %mul3A : vector<1000x128xf32>
    %get3A_10 = arith.constant 0 : index
    %get3A_11 = arith.constant 0 : index
    %get3A_12 = vector.load %arg3[%get3A_10, %get3A_11] : memref<1x128xf32, #tpu.memory_space<vmem>>, vector<1x128xf32>
    %add3A = vector.broadcast %get3A_12 : vector<1x128xf32> to vector<1000x128xf32>
    %add3A_13 = arith.addf %mul3A_9, %add3A : vector<1000x128xf32>
    %logistic3A = arith.negf %add3A_13 : vector<1000x128xf32>
    %logistic3A_14 = math.exp %logistic3A : vector<1000x128xf32>
    %logistic3A_15 = arith.constant 1.000000e+00 : f32
    %logistic3A_16 = vector.broadcast %logistic3A_15 : f32 to vector<1000x128xf32>
    %logistic3A_17 = arith.addf %logistic3A_16, %logistic3A_14 : vector<1000x128xf32>
    %logistic3A_18 = arith.divf %logistic3A_16, %logistic3A_17 : vector<1000x128xf32>
    %mul3A_19 = arith.mulf %add3A_13, %logistic3A_18 : vector<1000x128xf32>
    %get3A_20 = arith.constant 0 : index
    %get3A_21 = arith.constant 0 : index
    %get3A_22 = vector.load %arg4[%get3A_20, %get3A_21] : memref<128x128xf32, #tpu.memory_space<vmem>>, vector<128x128xf32>
    %dot_general3A = arith.constant dense<0.000000e+00> : vector<1000x128xf32>
    %dot_general3A_23 = tpu.matmul %mul3A_19, %get3A_22, %dot_general3A {dimension_numbers = #tpu.dot_dimension_numbers<[1], [0], [0], [1], [0, 0, 1, 1], [], []>, transpose_lhs_hint = false} : vector<1000x128xf32>, vector<128x128xf32>, vector<1000x128xf32> -> vector<1000x128xf32>
    %get3A_24 = arith.constant 0 : index
    %get3A_25 = arith.constant 0 : index
    %get3A_26 = vector.load %arg5[%get3A_24, %get3A_25] : memref<1000x16xf32, #tpu.memory_space<vmem>>, vector<1000x1xf32>
    %gt3A_27 = arith.constant 0.000000e+00 : f32
    %gt3A_28 = vector.broadcast %gt3A_27 : f32 to vector<1000x1xf32>
    %gt3A_29 = arith.cmpf ogt, %get3A_26, %gt3A_28 : vector<1000x1xf32>
    %max3A_30 = arith.constant 1.000000e+00 : f32
    %max3A_31 = vector.broadcast %max3A_30 : f32 to vector<1000x1xf32>
    %max3A_32 = arith.maximumf %get3A_26, %max3A_31 : vector<1000x1xf32>
    %rsqrt3A_33 = math.rsqrt %max3A_32 : vector<1000x1xf32>
    %jit3A_34 = arith.constant 0.000000e+00 : f32
    %broadcast_in_dim3A_35 = vector.broadcast %jit3A_34 : f32 to vector<1000x1xf32>
    %select_n3A_36 = arith.select %gt3A_29, %rsqrt3A_33, %broadcast_in_dim3A_35 : vector<1000x1xi1>, vector<1000x1xf32>
    %mul3A_37 = vector.broadcast %select_n3A_36 : vector<1000x1xf32> to vector<1000x128xf32>
    %mul3A_38 = arith.mulf %dot_general3A_23, %mul3A_37 : vector<1000x128xf32>
    %swap3A = arith.constant 0 : index
    %swap3A_39 = arith.constant 0 : index
    %swap3A_40 = vector.load %arg6[%swap3A, %swap3A_39] : memref<1000x128xf32, #tpu.memory_space<vmem>>, vector<1000x128xf32>
    tpu.vector_store %arg6[%swap3A, %swap3A_39], %mul3A_38 {strides = array<i32>} : memref<1000x128xf32, #tpu.memory_space<vmem>>, vector<1000x128xf32>,
    return
  }
  func.func @transform_0(%arg0: i32) -> (i32, i32) {
    %c0_i32 = arith.constant 0 : i32
    %c0_i32_0 = arith.constant 0 : i32
    return %arg0, %c0_i32 : i32, i32
  }
  func.func @transform_1(%arg0: i32) -> (i32, i32) {
    %c0_i32 = arith.constant 0 : i32
    %c0_i32_0 = arith.constant 0 : i32
    return %arg0, %c0_i32 : i32, i32
  }
  func.func @transform_2(%arg0: i32) -> (i32, i32) {
    %c0_i32 = arith.constant 0 : i32
    %c0_i32_0 = arith.constant 0 : i32
    %c0_i32_1 = arith.constant 0 : i32
    return %c0_i32, %c0_i32_0 : i32, i32
  }
  func.func @transform_3(%arg0: i32) -> (i32, i32) {
    %c0_i32 = arith.constant 0 : i32
    %c0_i32_0 = arith.constant 0 : i32
    %c0_i32_1 = arith.constant 0 : i32
    return %c0_i32, %c0_i32_0 : i32, i32
  }
  func.func @transform_4(%arg0: i32) -> (i32, i32) {
    %c0_i32 = arith.constant 0 : i32
    %c0_i32_0 = arith.constant 0 : i32
    return %arg0, %c0_i32 : i32, i32
  }
  func.func @transform_5(%arg0: i32) -> (i32, i32) {
    %c0_i32 = arith.constant 0 : i32
    %c0_i32_0 = arith.constant 0 : i32
    return %arg0, %c0_i32 : i32, i32
  }
}

module attributes {stable_mosaic.version = 14 : i64} {
  func.func @_tc_head_body(%arg0: i32, %arg1: memref<1000x128xf32, #tpu.memory_space<vmem>>, %arg2: memref<1000x16xf32, #tpu.memory_space<vmem>>, %arg3: memref<1x128xf32, #tpu.memory_space<vmem>>, %arg4: memref<128x128xf32, #tpu.memory_space<vmem>>, %arg5: memref<1x128xf32, #tpu.memory_space<vmem>>, %arg6: memref<128x1xf32, #tpu.memory_space<vmem>>, %arg7: memref<1x1xf32, #tpu.memory_space<vmem>>, %arg8: memref<1000x1xf32, #tpu.memory_space<vmem>>) attributes {dimension_semantics = [#tpu.dimension_semantics<arbitrary>], iteration_bounds = array<i64: 10>, scalar_prefetch = 0 : i64, scratch_operands = 0 : i64, tpu.core_type = #tpu.core_type<tc>, window_params = [{transform_indices = @transform_0, window_bounds = array<i64: 1000, 128>}, {transform_indices = @transform_1, window_bounds = array<i64: 1000, 16>}, {pipeline_mode = #tpu.pipeline_mode<synchronous>, transform_indices = @transform_2, window_bounds = array<i64: 1, 128>}, {pipeline_mode = #tpu.pipeline_mode<synchronous>, transform_indices = @transform_3, window_bounds = array<i64: 128, 128>}, {pipeline_mode = #tpu.pipeline_mode<synchronous>, transform_indices = @transform_4, window_bounds = array<i64: 1, 128>}, {pipeline_mode = #tpu.pipeline_mode<synchronous>, transform_indices = @transform_5, window_bounds = array<i64: 128, 1>}, {pipeline_mode = #tpu.pipeline_mode<synchronous>, transform_indices = @transform_6, window_bounds = array<i64: 1, 1>}, {transform_indices = @transform_7, window_bounds = array<i64: 1000, 1>}]} {
    %get3A = arith.constant 0 : index
    %get3A_0 = arith.constant 0 : index
    %get3A_1 = vector.load %arg1[%get3A, %get3A_0] : memref<1000x128xf32, #tpu.memory_space<vmem>>, vector<1000x128xf32>
    %get3A_2 = arith.constant 0 : index
    %get3A_3 = arith.constant 0 : index
    %get3A_4 = vector.load %arg2[%get3A_2, %get3A_3] : memref<1000x16xf32, #tpu.memory_space<vmem>>, vector<1000x1xf32>
    %gt3A = arith.constant 0.000000e+00 : f32
    %gt3A_5 = vector.broadcast %gt3A : f32 to vector<1000x1xf32>
    %gt3A_6 = arith.cmpf ogt, %get3A_4, %gt3A_5 : vector<1000x1xf32>
    %max3A = arith.constant 1.000000e+00 : f32
    %max3A_7 = vector.broadcast %max3A : f32 to vector<1000x1xf32>
    %max3A_8 = arith.maximumf %get3A_4, %max3A_7 : vector<1000x1xf32>
    %rsqrt3A = math.rsqrt %max3A_8 : vector<1000x1xf32>
    %jit3A = arith.constant 0.000000e+00 : f32
    %broadcast_in_dim3A = vector.broadcast %jit3A : f32 to vector<1000x1xf32>
    %select_n3A = arith.select %gt3A_6, %rsqrt3A, %broadcast_in_dim3A : vector<1000x1xi1>, vector<1000x1xf32>
    %mul3A = vector.broadcast %select_n3A : vector<1000x1xf32> to vector<1000x128xf32>
    %mul3A_9 = arith.mulf %get3A_1, %mul3A : vector<1000x128xf32>
    %get3A_10 = arith.constant 0 : index
    %get3A_11 = arith.constant 0 : index
    %get3A_12 = vector.load %arg3[%get3A_10, %get3A_11] : memref<1x128xf32, #tpu.memory_space<vmem>>, vector<1x128xf32>
    %add3A = vector.broadcast %get3A_12 : vector<1x128xf32> to vector<1000x128xf32>
    %add3A_13 = arith.addf %mul3A_9, %add3A : vector<1000x128xf32>
    %logistic3A = arith.negf %add3A_13 : vector<1000x128xf32>
    %logistic3A_14 = math.exp %logistic3A : vector<1000x128xf32>
    %logistic3A_15 = arith.constant 1.000000e+00 : f32
    %logistic3A_16 = vector.broadcast %logistic3A_15 : f32 to vector<1000x128xf32>
    %logistic3A_17 = arith.addf %logistic3A_16, %logistic3A_14 : vector<1000x128xf32>
    %logistic3A_18 = arith.divf %logistic3A_16, %logistic3A_17 : vector<1000x128xf32>
    %mul3A_19 = arith.mulf %add3A_13, %logistic3A_18 : vector<1000x128xf32>
    %get3A_20 = arith.constant 0 : index
    %get3A_21 = arith.constant 0 : index
    %get3A_22 = vector.load %arg4[%get3A_20, %get3A_21] : memref<128x128xf32, #tpu.memory_space<vmem>>, vector<128x128xf32>
    %dot_general3A = arith.constant dense<0.000000e+00> : vector<1000x128xf32>
    %dot_general3A_23 = tpu.matmul %mul3A_19, %get3A_22, %dot_general3A {dimension_numbers = #tpu.dot_dimension_numbers<[1], [0], [0], [1], [0, 0, 1, 1], [], []>, transpose_lhs_hint = false} : vector<1000x128xf32>, vector<128x128xf32>, vector<1000x128xf32> -> vector<1000x128xf32>
    %get3A_24 = arith.constant 0 : index
    %get3A_25 = arith.constant 0 : index
    %get3A_26 = vector.load %arg5[%get3A_24, %get3A_25] : memref<1x128xf32, #tpu.memory_space<vmem>>, vector<1x128xf32>
    %add3A_27 = vector.broadcast %get3A_26 : vector<1x128xf32> to vector<1000x128xf32>
    %add3A_28 = arith.addf %dot_general3A_23, %add3A_27 : vector<1000x128xf32>
    %logistic3A_29 = arith.negf %add3A_28 : vector<1000x128xf32>
    %logistic3A_30 = math.exp %logistic3A_29 : vector<1000x128xf32>
    %logistic3A_31 = arith.constant 1.000000e+00 : f32
    %logistic3A_32 = vector.broadcast %logistic3A_31 : f32 to vector<1000x128xf32>
    %logistic3A_33 = arith.addf %logistic3A_32, %logistic3A_30 : vector<1000x128xf32>
    %logistic3A_34 = arith.divf %logistic3A_32, %logistic3A_33 : vector<1000x128xf32>
    %mul3A_35 = arith.mulf %add3A_28, %logistic3A_34 : vector<1000x128xf32>
    %get3A_36 = arith.constant 0 : index
    %get3A_37 = arith.constant 0 : index
    %get3A_38 = vector.load %arg6[%get3A_36, %get3A_37] : memref<128x1xf32, #tpu.memory_space<vmem>>, vector<128x1xf32>
    %dot_general3A_39 = arith.constant dense<0.000000e+00> : vector<1000x1xf32>
    %dot_general3A_40 = tpu.matmul %mul3A_35, %get3A_38, %dot_general3A_39 {dimension_numbers = #tpu.dot_dimension_numbers<[1], [0], [0], [1], [0, 0, 1, 1], [], []>, transpose_lhs_hint = false} : vector<1000x128xf32>, vector<128x1xf32>, vector<1000x1xf32> -> vector<1000x1xf32>
    %get3A_41 = arith.constant 0 : index
    %get3A_42 = arith.constant 0 : index
    %get3A_43 = vector.load %arg7[%get3A_41, %get3A_42] : memref<1x1xf32, #tpu.memory_space<vmem>>, vector<1x1xf32>
    %add3A_44 = vector.broadcast %get3A_43 : vector<1x1xf32> to vector<1000x1xf32>
    %add3A_45 = arith.addf %dot_general3A_40, %add3A_44 : vector<1000x1xf32>
    %logistic3A_46 = arith.negf %add3A_45 : vector<1000x1xf32>
    %logistic3A_47 = math.exp %logistic3A_46 : vector<1000x1xf32>
    %logistic3A_48 = arith.constant 1.000000e+00 : f32
    %logistic3A_49 = vector.broadcast %logistic3A_48 : f32 to vector<1000x1xf32>
    %logistic3A_50 = arith.addf %logistic3A_49, %logistic3A_47 : vector<1000x1xf32>
    %logistic3A_51 = arith.divf %logistic3A_49, %logistic3A_50 : vector<1000x1xf32>
    %swap3A = arith.constant 0 : index
    %swap3A_52 = arith.constant 0 : index
    %swap3A_53 = vector.load %arg8[%swap3A, %swap3A_52] : memref<1000x1xf32, #tpu.memory_space<vmem>>, vector<1000x1xf32>
    tpu.vector_store %arg8[%swap3A, %swap3A_52], %logistic3A_51 {strides = array<i32>} : memref<1000x1xf32, #tpu.memory_space<vmem>>, vector<1000x1xf32>,
    return
  }
  func.func @transform_0(%arg0: i32) -> (i32, i32) {
    %c0_i32 = arith.constant 0 : i32
    %c0_i32_0 = arith.constant 0 : i32
    return %arg0, %c0_i32 : i32, i32
  }
  func.func @transform_1(%arg0: i32) -> (i32, i32) {
    %c0_i32 = arith.constant 0 : i32
    %c0_i32_0 = arith.constant 0 : i32
    return %arg0, %c0_i32 : i32, i32
  }
  func.func @transform_2(%arg0: i32) -> (i32, i32) {
    %c0_i32 = arith.constant 0 : i32
    %c0_i32_0 = arith.constant 0 : i32
    %c0_i32_1 = arith.constant 0 : i32
    return %c0_i32, %c0_i32_0 : i32, i32
  }
  func.func @transform_3(%arg0: i32) -> (i32, i32) {
    %c0_i32 = arith.constant 0 : i32
    %c0_i32_0 = arith.constant 0 : i32
    %c0_i32_1 = arith.constant 0 : i32
    return %c0_i32, %c0_i32_0 : i32, i32
  }
  func.func @transform_4(%arg0: i32) -> (i32, i32) {
    %c0_i32 = arith.constant 0 : i32
    %c0_i32_0 = arith.constant 0 : i32
    %c0_i32_1 = arith.constant 0 : i32
    return %c0_i32, %c0_i32_0 : i32, i32
  }
  func.func @transform_5(%arg0: i32) -> (i32, i32) {
    %c0_i32 = arith.constant 0 : i32
    %c0_i32_0 = arith.constant 0 : i32
    %c0_i32_1 = arith.constant 0 : i32
    return %c0_i32, %c0_i32_0 : i32, i32
  }
  func.func @transform_6(%arg0: i32) -> (i32, i32) {
    %c0_i32 = arith.constant 0 : i32
    %c0_i32_0 = arith.constant 0 : i32
    %c0_i32_1 = arith.constant 0 : i32
    return %c0_i32, %c0_i32_0 : i32, i32
  }
  func.func @transform_7(%arg0: i32) -> (i32, i32) {
    %c0_i32 = arith.constant 0 : i32
    %c0_i32_0 = arith.constant 0 : i32
    return %arg0, %c0_i32 : i32, i32
  }
}

</mosaic_0001>

<sc_bundles>
// kernel: kernel.12.cloned.1.call-start
scs
__scs_entry_jumppad:
0x0: {  	(pc) =	sbr.rel $0x88, $3  }
0x1: {  	(tag) =	ssettag $0x0;
	lr =	simm.s32 $0x1  }
0x2: {  	[smem:$0x3F97] =	sst lr;
	_ =	strace $0xD0000000  }
0x3: {  	_ = 	snop  }
0x4: {  	_ = 	snop  }
0x5: {  	_ = 	snop  }
0x6: {  	_ = 	snop  }
0x7: {  	_ = 	snop  }
__scs_overlays_trampoline_lowered:
0x8: {  	[smem:$0x3FA6] =	sst s0  }
0x9: {  	[smem:$0x3FA7] =	sst s1  }
0xa: {  	[smem:$0x3FA8] =	sst s2  }
0xb: {  	[smem:$0x3FA9] =	sst s3  }
0xc: {  	[smem:$0x3FAA] =	sst s4  }
0xd: {  	[smem:$0x3FAB] =	sst s5  }
0xe: {  	[smem:$0x3FAC] =	sst s6  }
0xf: {  	[smem:$0x3FAD] =	sst s7  }
0x10: {  	[smem:$0x3FAE] =	sst s8  }
0x11: {  	[smem:$0x3FAF] =	sst s9;
	s0 =	simm.s32 @!p0 $0x0  }
0x12: {  	s1 =	sld [smem:$0x3F95];
	s0 =	simm.s32 @p0 $0x1  }
0x13: {  	[smem:$0x3FB0] =	sst s0;
	s0 =	simm.s32 @!p1 $0x0  }
0x14: {  	s2 =	sld [smem:$0x3F94];
	s0 =	simm.s32 @p1 $0x1  }
0x15: {  	[smem:$0x3FB1] =	sst s0;
	s0 =	simm.s32 @!p2 $0x0  }
0x16: {  	s3 =	sld [smem:$0x3FDB];
	s0 =	simm.s32 @p2 $0x1  }
0x17: {  	s4 =	simm.s32 $0x1BF5;
	[smem:$0x3FB3] =	sst s0  }
0x18: {  	s0 =	sld [smem:$0x3F96];
	_ =	swait.ge [sflag:s4], $0x0  }
0x19: {  	s7 =	sld [smem:$0x3F97]  }
0x1a: {  	s8 =	sadd.s32 $0xFFFFE003, lr  }
0x1b: {  	s9 =	sadd.s32 $0xFFFFFEF7, lr;
	s5 =	simm.s32 $0xFFFFFFFF;
	p2 =	slt.u32 s8, $0xFFFFF086  }
0x1c: {  	p1 =	slt.u32 s9, $0xF7A;
	s5 =	simm.s32 @!p2 $0x0  }
0x1d: {  	s5 =	simm.s32 @p1 $0x1;
	p0 =	seq.s32 s7, s2  }
0x1e: {  	s7 =	smul.u32 @!p0 $0xF7A, s2;
	p2 =	seq.s32 @!p0 s5, $0x0  }
0x1f: {  	s9 =	smul.u32 $0xF7A, s1;
	s8 =	simm.s32 @!p0 $0x1BF5;
	p2 =	por !p2, p0  }
0x20: {  	[sflag:s8] =	ssyncset.s32 @!p0 $0xFFFFF086;
	s6 =	sadd.s32 @!p0 s3, s7;
	s7 =	simm.s32 @!p0 $0x108  }
0x21: {  	s3 =	sadd.s32 s3, s9;
	s6 =	sadd.s32 @!p0 $0x88, s6;
	s7 =	simm.s32 @p2 $0x1082  }
0x22: {  	[simem:s7], [sflag:s8] =	dma.local @!p0 [hbm:s6], $0xF7A  }
0x23: {  	s9 =	sor.u32 $0xD0000000, s2;
	s6 =	simm.s32 $0x108;
	_ =	swait.ge @!p0 [sflag:s8], $0x0  }
0x24: {  	s3 =	sadd.s32 $0x88, s3;
	s6 =	simm.s32 @!p1 $0x1082;
	[sflag:s4] =	ssyncset.s32 $0xFFFFF086  }
0x25: {  	[simem:s6], [sflag:s4] =	dma.local [hbm:s3], $0xF7A  }
0x26: {  	[smem:$0x3F97] =	sst s1;
	(tag) =	ssettag s2;
	_ =	strace s9  }
0x27: {  	s1 =	sld [smem:$0x3FA7]  }
0x28: {  	s2 =	sld [smem:$0x3FA8]  }
0x29: {  	s4 =	sld [smem:$0x3FAA]  }
0x2a: {  	p0 =	seq.s32 s5, $0x0;
	s5 =	sld [smem:$0x3FAB]  }
0x2b: {  	s6 =	sld [smem:$0x3FAC]  }
0x2c: {  	s7 =	sld [smem:$0x3FAD]  }
0x2d: {  	s3 =	simm.s32 $0x108;
	s8 =	sld [smem:$0x3FAE]  }
0x2e: {  	s3 =	simm.s32 @!p0 $0x1082;
	s9 =	sld [smem:$0x3FAF]  }
0x2f: {  	lr =	sadd.s32 s0, s3;
	s0 =	sld [smem:$0x3FA6]  }
0x30: {  	s3 =	sld [smem:$0x3FA9]  }
0x31: {  	[smem:$0x3FB2] =	sst s10  }
0x32: {  	s10 =	sld [smem:$0x3FB0];
	_ =	sdelay $0x3  }
0x33: {  	p0 =	seq.s32 s10, $0x1;
	s10 =	sld [smem:$0x3FB2];
	_ =	sdelay $0x3  }
0x34: {  	[smem:$0x3FB2] =	sst s10  }
0x35: {  	s10 =	sld [smem:$0x3FB1];
	_ =	sdelay $0x3  }
0x36: {  	p1 =	seq.s32 s10, $0x1;
	s10 =	sld [smem:$0x3FB2];
	_ =	sdelay $0x3  }
0x37: {  	[smem:$0x3FB2] =	sst s10  }
0x38: {  	s10 =	sld [smem:$0x3FB3]  }
0x39: {  	_ = 	snop;
	(pc) =	sbr.ind lr, $3  }
0x3a: {  	_ = 	snop  }
0x3b: {  	_ = 	snop  }
0x3c: {  	p2 =	seq.s32 s10, $0x1;
	s10 =	sld [smem:$0x3FB2]  }
0x3d: {  	_ =	shalt  }
0x3e: {  	_ =	shalt  }
0x3f: {  	_ =	shalt  }
0x40: {  	_ =	shalt  }
0x41: {  	_ =	shalt  }
0x42: {  	_ =	shalt  }
0x43: {  	_ =	shalt  }
0x44: {  	_ =	shalt  }
0x45: {  	_ =	shalt  }
0x46: {  	_ =	shalt  }
0x47: {  	_ =	shalt  }
0x48: {  	_ =	shalt  }
0x49: {  	_ =	shalt  }
0x4a: {  	_ =	shalt  }
0x4b: {  	_ =	shalt  }
0x4c: {  	_ =	shalt  }
0x4d: {  	_ =	shalt  }
0x4e: {  	_ =	shalt  }
0x4f: {  	_ =	shalt  }
0x50: {  	_ =	shalt  }
0x51: {  	_ =	shalt  }
0x52: {  	_ =	shalt  }
0x53: {  	_ =	shalt  }
0x54: {  	_ =	shalt  }
0x55: {  	_ =	shalt  }
0x56: {  	_ =	shalt  }
0x57: {  	_ =	shalt  }
0x58: {  	_ =	shalt  }
0x59: {  	_ =	shalt  }
0x5a: {  	_ =	shalt  }
0x5b: {  	_ =	shalt  }
0x5c: {  	_ =	shalt  }
0x5d: {  	_ =	shalt  }
0x5e: {  	_ =	shalt  }
0x5f: {  	_ =	shalt  }
0x60: {  	_ =	shalt  }
0x61: {  	_ =	shalt  }
0x62: {  	_ =	shalt  }
0x63: {  	_ =	shalt  }
0x64: {  	_ =	shalt  }
0x65: {  	_ =	shalt  }
0x66: {  	_ =	shalt  }
0x67: {  	_ =	shalt  }
0x68: {  	_ =	shalt  }
0x69: {  	_ =	shalt  }
0x6a: {  	_ =	shalt  }
0x6b: {  	_ =	shalt  }
0x6c: {  	_ =	shalt  }
0x6d: {  	_ =	shalt  }
0x6e: {  	_ =	shalt  }
0x6f: {  	_ =	shalt  }
0x70: {  	_ =	shalt  }
0x71: {  	_ =	shalt  }
0x72: {  	_ =	shalt  }
0x73: {  	_ =	shalt  }
0x74: {  	_ =	shalt  }
0x75: {  	_ =	shalt  }
0x76: {  	_ =	shalt  }
0x77: {  	_ =	shalt  }
0x78: {  	_ =	shalt  }
0x79: {  	_ =	shalt  }
0x7a: {  	_ =	shalt  }
0x7b: {  	_ =	shalt  }
0x7c: {  	_ =	shalt  }
0x7d: {  	_ =	shalt  }
0x7e: {  	_ =	shalt  }
0x7f: {  	_ =	shalt  }
0x80: {  	_ =	shalt  }
0x81: {  	_ =	shalt  }
0x82: {  	_ =	shalt  }
0x83: {  	_ =	shalt  }
0x84: {  	_ =	shalt  }
0x85: {  	_ =	shalt  }
0x86: {  	_ =	shalt  }
0x87: {  	_ =	shalt  }
.Lfunc_end0:
.L_simem_size_0:
called_computation.1_lowered:
.L_overlay_start_0:
0x88: {  	s2 =	sld [smem:$0x3FD9]  }
0x89: {  	s3 =	sld [smem:$0x3FFE];
	_ =	sdelay $0x1  }
0x8a: {  	s1 =	srdreg.scid  }
0x8b: {  	s0 =	sand.u32 $0x1, s1  }
0x8c: {  	s16 =	sshll.u32 s0, $0xA;
	s2 =	sadd.s32 s3, s2  }
0x8d: {  	s2 =	sadd.s32 s2, s16  }
0x8e: {  	[smem:$0x3FBE] =	sst s2  }
0x8f: {  	_ = 	snop  }
0x90: {  	(tm) =	ssettm $0x1  }
0x91: {  	s17 =	sld [smem:$0x3FFB];
	_ =	sdelay $0x3  }
0x92: {  	_ =	strace s17  }
0x93: {  	s2 =	sld [smem:$0x3FFC];
	_ =	sdelay $0x3  }
0x94: {  	_ =	strace s2  }
0x95: {  	s2 =	sld [smem:$0x3FFD];
	_ =	sdelay $0x3  }
0x96: {  	_ =	strace s2  }
0x97: {  	_ =	strace $0x8FFFFFFF  }
0x98: {  	s18 =	sld [smem:$0x3FDB];
	_ =	sdelay $0x1  }
0x99: {  	s19 =	simm.s32 $_scs_section_size  }
0x9a: {  	s4 =	simm.s32 $_size__tile_overlayer_lowered;
	s5 =	simm.s32 $_tile_overlayer_lowered  }
0x9b: {  	s22 =	simm.s32 $0x1BFF;
	s21 =	sshll.u32 s5, $0x1;
	s2 =	sadd.s32 s19, s18  }
0x9c: {  	s6 =	simm.s32 $0x0;
	s20 =	sshll.u32 s4, $0x1;
	s4 =	sadd.s32 s21, s2  }
0x9d: {  	[timem:s6], [sflag:s22] =	dma.local [hbm:s4], s20  }
0x9e: {  	_ =	swait.ge [sflag:s22], s20  }
0x9f: {  	s3 =	ssub.s32 $0x0, s20;
	[sflag:s22] =	ssyncset.done $0x0  }
0xa0: {  	[sflag:s22] =	ssyncadd.s32 s3;
	_ =	sdelay $0x1  }
0xa1: {  	s23 =	simm.s32 $0x1B8B  }
0xa2: {  	_ =	swait.ge [sflag:s23], $0x1  }
0xa3: {  	[sflag:s23] =	ssyncset.done $0x0  }
0xa4: {  	s25 =	simm.s32 $0x1B8E;
	s24 =	sld [smem:$0x3FFE];
	[sflag:s23] =	ssyncadd.s32 $0xFFFFFFFF  }
0xa5: {  	s26 =	simm.s32 $execute0_lowered;
	[smem:$0x3FD2] =	sst s25  }
0xa6: {  	s4 =	sshll.u32 s26, $0x1;
	_ =	strace $0x80000049;
	[dreg:$0x1] =	wrdreg $0xFFFFFFFF  }
0xa7: {  	s28 =	simm.s32 $_size_execute0_lowered;
	s2 =	sadd.s32 s2, s4;
	[dreg:$0x0] =	wrdreg $0x0  }
0xa8: {  	s4 =	sshll.u32 s28, $0x1;
	[dreg:$0x2] =	wrdreg s2  }
0xa9: {  	[dreg:$0x3] =	wrdreg s4  }
0xaa: {  	[dreg:$0x4] =	wrdreg $0xC0  }
0xab: {  	_ =	task [dreg:s6], $0x5FFFF  }
0xac: {  	[dreg:$0x1] =	wrdreg $0xFFFFFFFF  }
0xad: {  	[dreg:$0x0] =	wrdreg $0x60  }
0xae: {  	[dreg:$0x2] =	wrdreg s24  }
0xaf: {  	[dreg:$0x3] =	wrdreg $0xA5000  }
0xb0: {  	[dreg:$0x4] =	wrdreg $0x143000  }
0xb1: {  	[dreg:$0x5] =	wrdreg $0x9  }
0xb2: {  	_ =	task.clear_ibuf [dreg:s6], $0x6FFFF;
	_ =	strace $0x90000049  }
0xb3: {  	s29 =	simm.s32 $0x9;
	_ =	strace $0x8000004B  }
0xb4: {  	_ =	swait.ge [sflag:s29], $0x1  }
0xb5: {  	[sflag:s29] =	ssyncadd.s32 $0xFFFFFFFF  }
0xb6: {  	_ =	strace $0x9000004B  }
0xb7: {  	_ =	sfence  }
0xb8: {  	s30 =	sld [smem:$0x0];
	_ =	sdelay $0x2  }
0xb9: {  	s31 =	sshll.u32 s1, $0xD;
	s1 =	sshrl.u32 s1, $0x2  }
0xba: {  	s3 =	sand.u32 $0x4000, s31;
	s1 =	sadd.s32 s1, s30  }
0xbb: {  	s0 =	sor.u32 s3, s0;
	s1 =	sshll.u32 s1, $0x11  }
0xbc: {  	s0 =	sor.u32 s1, s0  }
0xbd: {  	s0 =	sadd.s32 $0x8F2B, s0  }
0xbe: {  	[sflag:s0] =	ssyncadd.remote.s32 $0x1  }
0xbf: {  	_ =	sfence.sel $0xFFFF  }
0xc0: {  	[dreg:$0x0] =	wrdreg $0xFFFFFFFF;
	(pc) =	sbr.abs _section_cstart, $3  }
0xc1: {  	[dreg:$0x1] =	wrdreg $0xFFFFFFFF  }
0xc2: {  	_ =	task.clear_ibuf [dreg:s6], $0x2FFFF;
	_ =	strace $0x9FFFFFFF  }
0xc3: {  	(tm) =	ssettm $0x7FFFFFFF  }
tec
execute0_lowered:
.L_overlay_start_1:
0x0: {  	(tag) =	ssettag $0x1  }
0x1: {  	s0 =	rddreg [dreg:$0x0]  }
0x2: {  	s1 =	rddreg [dreg:$0x1]  }
0x3: {  	s2 =	rddreg [dreg:$0x2]  }
0x4: {  	s3 =	simm.s32 $0x0;
	s4 =	stileid.u32;
	s7 =	srdreg.scid  }
0x5: {  	s15 =	simm.s32 $0x1;
	s28 =	simm.s32 $0x2500;
	s5 =	smul.u32 $0xA00, s4  }
0x6: {  	s29 =	simm.s32 $0x180;
	s30 =	simm.s32 $0x400;
	s6 =	smul.u32 $0x9E00, s4  }
0x7: {  	s31 =	simm.s32 $0x3;
	s16 =	simm.s32 $0x8500;
	s9 =	smul.u32 $0x13C00, s4  }
0x8: {  	[smem:$0x7FF] =	sst s3;
	s8 =	sadd.s32 $0x56400, s0;
	s14 =	smul.u32 $0x13800, s4  }
0x9: {  	s7 =	sand.u32 $0x1, s7;
	s18 =	smul.u32 $0x27000, s4;
	s19 =	sshll.u32 s4, $0x6  }
0xa: {  	p0 =	sne.s32 s4, $0x0;
	s4 =	simm.s32 $0x200;
	_ =	strace $0x8000004A  }
0xb: {  	s11 =	sshll.u32 s7, $0x6;
	s12 =	ssub.s32 $0x2, s7;
	s7 =	sshll.u32 s7, $0x3  }
0xc: {  	s10 =	sadd.s32 s5, s0;
	s17 =	sshrl.u32 s6, $0x3;
	s9 =	sor.u32 s11, s9  }
0xd: {  	s13 =	sshrl.u32 s12, $0x1;
	s6 =	sadd.s32 s6, s1;
	s11 =	sor.u32 s11, s14  }
0xe: {  	s7 =	sadd.s32 s7, s8;
	s14 =	simm.s32 $0x8;
	s5 =	sadd.s32 s17, s0  }
0xf: {  	s9 =	sshrl.u32 s9, $0x3;
	s12 =	ssub.s32 s12, s13;
	s13 =	sor.u32 $0x1C06, s19  }
0x10: {  	s21 =	sshrl.u32 s11, $0x3;
	s11 =	sadd.s32 $0x9C000, s2;
	s23 =	sadd.s32 $0x27000, s7  }
0x11: {  	s19 =	simm.s32 $0x280;
	s7 =	simm.s32 $0x4;
	s17 =	simm.s32 $0x0  }
0x12: {  	s0 =	sadd.s32 s9, s0;
	s5 =	sadd.s32 $0x7D600, s5;
	s9 =	sshrl.u32 s18, $0x2  }
0x13: {  	s22 =	sadd.s32 s8, s21;
	[dreg:$0x7] =	wrdreg s23;
	s8 =	sadd.s32 $0x2400, s10  }
0x14: {  	s24 =	smax.u32 s12, $0x1;
	s12 =	sshrl.u32 s6, $0x3;
	s18 =	simm.s32 $0x6  }
0x15: {  	s21 =	simm.s32 $0x80;
	s23 =	simm.s32 $0x100;
	[dreg:$0x5] =	wrdreg s13  }
0x16: {  	s6 =	simm.s32 $0x480;
	[dreg:$0x4] =	wrdreg s5;
	s20 =	sadd.s32 s9, s2  }
0x17: {  	[dreg:$0x6] =	wrdreg s22;
	s9 =	sadd.s32 $0xC400, s10;
	s0 =	sadd.s32 $0x91200, s0  }
0x18: {  	[dreg:$0x9] =	wrdreg s24;
	s26 =	sadd.s32 $0x10, s8;
	s22 =	simm.s32 $0x300  }
.Ltmp0:
0x19: {  	s24 =	simm.s32 $0x380;
	[dreg:$0xa] =	wrdreg s12;
	(pc) =	sbr.rel .LBB2_1-.Ltmp0, $4  }
0x1a: {  	s10 =	simm.s32 $0x6500;
	[dreg:$0x8] =	wrdreg s0;
	s25 =	sshrl.u32 s20, $0x3  }
0x1b: {  	s20 =	simm.s32 $0x10;
	s0 =	sshrl.u32 @!p0 s11, $0x3;
	[dreg:$0xd] =	wrdreg s26  }
0x1c: {  	s26 =	simm.s32 $0x2;
	s11 =	simm.s32 $0x5;
	[dreg:$0xb] =	wrdreg s25  }
0x1d: {  	[dreg:$0xc] =	wrdreg s0;
	s25 =	simm.s32 $0x500;
	s0 =	simm.s32 $0x4500  }
.LBB2_4:
0x1e: {  	_ =	swait.ge [sflag:s11], $0x2000  }
0x1f: {  	[sflag:s11] =	ssyncset.done $0x0  }
0x20: {  	[sflag:s11] =	ssyncadd.s32 $0xFFFFE000  }
0x21: {  	[spmem:s1] =	stream.indirect.scatter.add.f32 [tilespmem:s16], [sflag:$0x5], $0x40, s6, s21, $0xb8;
	[tilespmem:$0x1DF40] =	vst v63  }
0x22: {  	_ =	swait.ge [sflag:s31], $0x2000  }
0x23: {  	[sflag:s31] =	ssyncset.done $0x0  }
0x24: {  	[sflag:s31] =	ssyncadd.s32 $0xFFFFE000  }
0x25: {  	_ =	swait.ge [sflag:s7], $0x2000  }
0x26: {  	[sflag:s7] =	ssyncset.done $0x0  }
0x27: {  	[sflag:s7] =	ssyncadd.s32 $0xFFFFE000  }
0x28: {  	_ =	swait.ge [sflag:s11], $0x2000  }
0x29: {  	[sflag:s11] =	ssyncset.done $0x0  }
0x2a: {  	[sflag:s11] =	ssyncadd.s32 $0xFFFFE000  }
0x2b: {  	[bflag:$0x0] =	sbarrier.arrive $0xFFFF  }
0x2c: {  	s13 =	rddreg [dreg:$0x5]  }
0x2d: {  	s14 =	simm.s32 $0x8;
	s5 =	rddreg [dreg:$0x8]  }
0x2e: {  	s20 =	simm.s32 $0x10;
	s18 =	simm.s32 $0x6;
	s12 =	rddreg [dreg:$0xa]  }
0x2f: {  	[hbm:s5@s20], [sflag:s13] =	dma.strided [spmem:s12@s14], $0x13C0, s15, $0x8   }
0x30: {  	_ =	swait.ge [sflag:s18], $0x13C0  }
0x31: {  	s17 =	sadd.s32 $0x1, s17;
	s5 =	rddreg [dreg:$0x9]  }
0x32: {  	p1 =	sne.s32 s17, s5  }
.Ltmp1:
0x33: {  	_ = 	snop;
	(pc) =	sbr.rel @!p1 .LBB2_5-.Ltmp1, $3  }
0x34: {  	_ =	sdelay $0x1  }
0x35: {  	[sflag:s18] =	ssyncset.done $0x0  }
0x36: {  	[sflag:s18] =	ssyncadd.s32 $0xFFFFEC40  }
.LBB2_1:
0x37: {  	s5 =	rddreg [dreg:$0x4]  }
0x38: {  	[spmem:s12], [sflag:s13] =	dma.local [hbm:s5], $0x13C0  }
0x39: {  	_ =	swait.ge [sflag:s18], $0x13C0  }
0x3a: {  	[sflag:s18] =	ssyncset.done $0x0;
	s5 =	rddreg [dreg:$0x6]  }
0x3b: {  	s12 =	rddreg [dreg:$0xb];
	[sflag:s18] =	ssyncadd.s32 $0xFFFFEC40  }
0x3c: {  	[spmem:s12@s14], [sflag:s13] =	dma.strided [hbm:s5@s20], $0x1380, s15, $0x8   }
0x3d: {  	s14 =	simm.s32 @!p0 $0x1;
	_ =	swait.ge [sflag:s18], $0x1380  }
0x3e: {  	s20 =	simm.s32 @!p0 $0x10;
	[sflag:s18] =	ssyncset.done $0x0;
	s5 =	rddreg [dreg:$0x7]  }
0x3f: {  	s12 =	rddreg [dreg:$0xc];
	[sflag:s18] =	ssyncadd.s32 $0xFFFFEC80;
	s18 =	simm.s32 @!p0 $0x8  }
0x40: {  	[spmem:s12@s18], [sflag:s13] =	dma.strided @!p0 [hbm:s5@s20], $0x80, s14, $0x8   }
0x41: {  	s14 =	simm.s32 @!p0 $0x6  }
0x42: {  	_ =	swait.ge @!p0 [sflag:s14], $0x80  }
0x43: {  	[sflag:s14] =	ssyncset.done @!p0 $0x0  }
0x44: {  	[sflag:s14] =	ssyncadd.s32 @!p0 $0xFFFFFF80  }
0x45: {  	[bflag:$0x0] =	sbarrier.arrive $0xFFFF  }
0x46: {  	[tilespmem:s3], [sflag:$0x1] =	stream.linear.gather [hbm4b:s8+s3], $0x80, $0x38;
	[tilespmem:$0x1DF40] =	vst v63  }
0x47: {  	_ = 	snop  }
0x48: {  	[tilespmem:s19], [sflag:$0x1] =	stream.linear.gather [hbm4b:s9+s3], $0x80, $0x38;
	[tilespmem:$0x1DF40] =	vst v63  }
0x49: {  	s12 =	rddreg [dreg:$0xd]  }
0x4a: {  	[tilespmem:s21], [sflag:$0x2] =	stream.linear.gather [hbm4b:s12+s3], $0x80, $0x38;
	[tilespmem:$0x1DF40] =	vst v63  }
0x4b: {  	s13 =	sadd.s32 $0x10, s9  }
0x4c: {  	[tilespmem:s22], [sflag:$0x2] =	stream.linear.gather [hbm4b:s13+s3], $0x80, $0x38;
	[tilespmem:$0x1DF40] =	vst v63  }
0x4d: {  	s18 =	sadd.s32 $0x20, s8  }
0x4e: {  	[tilespmem:s23], [sflag:$0x3] =	stream.linear.gather [hbm4b:s18+s3], $0x80, $0x38;
	[tilespmem:$0x1DF40] =	vst v63  }
0x4f: {  	s20 =	sadd.s32 $0x20, s9  }
0x50: {  	[tilespmem:s24], [sflag:$0x3] =	stream.linear.gather [hbm4b:s20+s3], $0x80, $0x38;
	[tilespmem:$0x1DF40] =	vst v63  }
0x51: {  	_ =	swait.ge [sflag:s15], $0x80  }
0x52: {  	[sflag:s15] =	ssyncset.done $0x0  }
0x53: {  	[sflag:s15] =	ssyncadd.s32 $0xFFFFFF80  }
0x54: {  	_ =	swait.ge [sflag:s15], $0x80  }
0x55: {  	[sflag:s15] =	ssyncset.done $0x0  }
0x56: {  	[sflag:s15] =	ssyncadd.s32 $0xFFFFFF80  }
0x57: {  	[tilespmem:s25], [sflag:$0x1] =	stream.indirect.gather [spmem:s2], $0x40, s3, s21, $0xb8;
	[tilespmem:$0x1DF40] =	vst v63  }
0x58: {  	_ =	swait.ge [sflag:s26], $0x80  }
0x59: {  	[sflag:s26] =	ssyncset.done $0x0  }
0x5a: {  	[sflag:s26] =	ssyncadd.s32 $0xFFFFFF80  }
0x5b: {  	_ =	swait.ge [sflag:s26], $0x80  }
0x5c: {  	[sflag:s26] =	ssyncset.done $0x0  }
0x5d: {  	s14 =	simm.s32 $0x0;
	[sflag:s26] =	ssyncadd.s32 $0xFFFFFF80  }
0x5e: {  	[tilespmem:s28], [sflag:$0x2] =	stream.indirect.gather [spmem:s2], $0x40, s21, s21, $0xb8;
	[tilespmem:$0x1DF40] =	vst v63  }
.LBB2_2:
0x5f: {  	_ =	swait.ge [sflag:s15], $0x2000  }
0x60: {  	p1 =	seq.s32 s14, $0x0;
	[sflag:s15] =	ssyncset.done $0x0  }
0x61: {  	s20 =	simm.s32 @!p1 $0x4;
	[sflag:s15] =	ssyncadd.s32 $0xFFFFE000  }
0x62: {  	[spmem:s1] =	stream.indirect.scatter.add.f32 [tilespmem:s25], [sflag:$0x1], $0x40, s19, s21, $0xb8;
	[tilespmem:$0x1DF40] =	vst v63  }
0x63: {  	_ =	swait.ge @!p1 [sflag:s20], $0x2000  }
0x64: {  	s18 =	sadd.s32 s14, s8;
	[sflag:s20] =	ssyncset.done @!p1 $0x0  }
0x65: {  	s13 =	sadd.s32 $0x30, s18;
	[sflag:s20] =	ssyncadd.s32 @!p1 $0xFFFFE000;
	s20 =	sadd.s32 s14, s9  }
0x66: {  	[tilespmem:s29], [sflag:$0x4] =	stream.linear.gather [hbm4b:s13+s3], $0x80, $0x38;
	[tilespmem:$0x1DF40] =	vst v63  }
0x67: {  	s12 =	sadd.s32 $0x30, s20  }
0x68: {  	[tilespmem:s30], [sflag:$0x4] =	stream.linear.gather [hbm4b:s12+s3], $0x80, $0x38;
	[tilespmem:$0x1DF40] =	vst v63  }
0x69: {  	_ =	swait.ge [sflag:s31], $0x80  }
0x6a: {  	[sflag:s31] =	ssyncset.done $0x0  }
0x6b: {  	[sflag:s31] =	ssyncadd.s32 $0xFFFFFF80  }
0x6c: {  	_ =	swait.ge [sflag:s31], $0x80  }
0x6d: {  	[sflag:s31] =	ssyncset.done $0x0  }
0x6e: {  	[sflag:s31] =	ssyncadd.s32 $0xFFFFFF80  }
0x6f: {  	[tilespmem:s0], [sflag:$0x3] =	stream.indirect.gather [spmem:s2], $0x40, s23, s21, $0xb8;
	[tilespmem:$0x1DF40] =	vst v63  }
0x70: {  	_ =	swait.ge [sflag:s26], $0x2000  }
0x71: {  	[sflag:s26] =	ssyncset.done $0x0  }
0x72: {  	s12 =	simm.s32 @!p1 $0x5;
	[sflag:s26] =	ssyncadd.s32 $0xFFFFE000  }
0x73: {  	[spmem:s1] =	stream.indirect.scatter.add.f32 [tilespmem:s28], [sflag:$0x2], $0x40, s22, s21, $0xb8;
	[tilespmem:$0x1DF40] =	vst v63  }
0x74: {  	_ =	swait.ge @!p1 [sflag:s12], $0x2000  }
0x75: {  	[sflag:s12] =	ssyncset.done @!p1 $0x0  }
0x76: {  	s5 =	sadd.s32 $0x40, s18;
	[sflag:s12] =	ssyncadd.s32 @!p1 $0xFFFFE000  }
0x77: {  	[tilespmem:s4], [sflag:$0x5] =	stream.linear.gather [hbm4b:s5+s3], $0x80, $0x38;
	[tilespmem:$0x1DF40] =	vst v63  }
0x78: {  	s13 =	sadd.s32 $0x40, s20  }
0x79: {  	[tilespmem:s6], [sflag:$0x5] =	stream.linear.gather [hbm4b:s13+s3], $0x80, $0x38;
	[tilespmem:$0x1DF40] =	vst v63  }
0x7a: {  	_ =	swait.ge [sflag:s7], $0x80  }
0x7b: {  	[sflag:s7] =	ssyncset.done $0x0  }
0x7c: {  	[sflag:s7] =	ssyncadd.s32 $0xFFFFFF80  }
0x7d: {  	_ =	swait.ge [sflag:s7], $0x80  }
0x7e: {  	[sflag:s7] =	ssyncset.done $0x0  }
0x7f: {  	[sflag:s7] =	ssyncadd.s32 $0xFFFFFF80  }
0x80: {  	[tilespmem:s10], [sflag:$0x4] =	stream.indirect.gather [spmem:s2], $0x40, s29, s21, $0xb8;
	[tilespmem:$0x1DF40] =	vst v63  }
0x81: {  	_ =	swait.ge [sflag:s31], $0x2000  }
0x82: {  	[sflag:s31] =	ssyncset.done $0x0  }
0x83: {  	[sflag:s31] =	ssyncadd.s32 $0xFFFFE000  }
0x84: {  	[spmem:s1] =	stream.indirect.scatter.add.f32 [tilespmem:s0], [sflag:$0x3], $0x40, s24, s21, $0xb8;
	[tilespmem:$0x1DF40] =	vst v63  }
0x85: {  	p1 =	seq.s32 s14, $0x9B0;
	_ =	swait.ge [sflag:s15], $0x2000  }
0x86: {  	s12 =	sadd.s32 @!p1 s14, s8;
	[sflag:s15] =	ssyncset.done $0x0  }
0x87: {  	s5 =	simm.s32 @!p1 $0x0;
	s12 =	sadd.s32 @!p1 $0x50, s12;
	[sflag:s15] =	ssyncadd.s32 $0xFFFFE000  }
0x88: {  	[tilespmem:s5], [sflag:$0x1] =	stream.linear.gather @!p1 [hbm4b:s12+s5], $0x80, $0x38;
	[tilespmem:$0x1DF40] =	vst v63  }
0x89: {  	s12 =	sadd.s32 @!p1 s14, s9  }
0x8a: {  	s13 =	simm.s32 @!p1 $0x280;
	s12 =	sadd.s32 @!p1 $0x50, s12  }
0x8b: {  	[tilespmem:s13], [sflag:$0x1] =	stream.linear.gather @!p1 [hbm4b:s12+s5], $0x80, $0x38;
	[tilespmem:$0x1DF40] =	vst v63  }
0x8c: {  	_ =	swait.ge [sflag:s11], $0x80  }
0x8d: {  	[sflag:s11] =	ssyncset.done $0x0  }
0x8e: {  	[sflag:s11] =	ssyncadd.s32 $0xFFFFFF80  }
0x8f: {  	_ =	swait.ge [sflag:s11], $0x80  }
0x90: {  	[sflag:s11] =	ssyncset.done $0x0  }
0x91: {  	[sflag:s11] =	ssyncadd.s32 $0xFFFFFF80  }
0x92: {  	[tilespmem:s16], [sflag:$0x5] =	stream.indirect.gather [spmem:s2], $0x40, s4, s21, $0xb8;
	[tilespmem:$0x1DF40] =	vst v63  }
0x93: {  	_ =	swait.ge [sflag:s7], $0x2000  }
0x94: {  	[sflag:s7] =	ssyncset.done $0x0  }
.Ltmp2:
0x95: {  	[sflag:s7] =	ssyncadd.s32 $0xFFFFE000;
	(pc) =	sbr.rel @p1 .LBB2_4-.Ltmp2, $4  }
0x96: {  	[spmem:s1] =	stream.indirect.scatter.add.f32 [tilespmem:s10], [sflag:$0x4], $0x40, s30, s21, $0xb8;
	[tilespmem:$0x1DF40] =	vst v63  }
0x97: {  	_ =	swait.ge [sflag:s26], $0x2000  }
0x98: {  	[sflag:s26] =	ssyncset.done $0x0  }
0x99: {  	[sflag:s26] =	ssyncadd.s32 $0xFFFFE000  }
0x9a: {  	s5 =	sadd.s32 $0x60, s18  }
0x9b: {  	[tilespmem:s21], [sflag:$0x2] =	stream.linear.gather [hbm4b:s5+s3], $0x80, $0x38;
	[tilespmem:$0x1DF40] =	vst v63  }
0x9c: {  	s13 =	sadd.s32 $0x60, s20  }
0x9d: {  	[tilespmem:s22], [sflag:$0x2] =	stream.linear.gather [hbm4b:s13+s3], $0x80, $0x38;
	[tilespmem:$0x1DF40] =	vst v63  }
0x9e: {  	_ =	swait.ge [sflag:s15], $0x80  }
0x9f: {  	[sflag:s15] =	ssyncset.done $0x0  }
0xa0: {  	[sflag:s15] =	ssyncadd.s32 $0xFFFFFF80  }
0xa1: {  	_ =	swait.ge [sflag:s15], $0x80  }
0xa2: {  	[sflag:s15] =	ssyncset.done $0x0  }
0xa3: {  	[sflag:s15] =	ssyncadd.s32 $0xFFFFFF80  }
0xa4: {  	[tilespmem:s25], [sflag:$0x1] =	stream.indirect.gather [spmem:s2], $0x40, s3, s21, $0xb8;
	[tilespmem:$0x1DF40] =	vst v63  }
0xa5: {  	_ =	swait.ge [sflag:s11], $0x2000  }
0xa6: {  	[sflag:s11] =	ssyncset.done $0x0  }
0xa7: {  	[sflag:s11] =	ssyncadd.s32 $0xFFFFE000  }
0xa8: {  	[spmem:s1] =	stream.indirect.scatter.add.f32 [tilespmem:s16], [sflag:$0x5], $0x40, s6, s21, $0xb8;
	[tilespmem:$0x1DF40] =	vst v63  }
0xa9: {  	_ =	swait.ge [sflag:s31], $0x2000  }
0xaa: {  	[sflag:s31] =	ssyncset.done $0x0  }
0xab: {  	s18 =	sadd.s32 $0x70, s18;
	[sflag:s31] =	ssyncadd.s32 $0xFFFFE000  }
0xac: {  	[tilespmem:s23], [sflag:$0x3] =	stream.linear.gather [hbm4b:s18+s3], $0x80, $0x38;
	[tilespmem:$0x1DF40] =	vst v63  }
0xad: {  	s20 =	sadd.s32 $0x70, s20  }
0xae: {  	[tilespmem:s24], [sflag:$0x3] =	stream.linear.gather [hbm4b:s20+s3], $0x80, $0x38;
	[tilespmem:$0x1DF40] =	vst v63  }
0xaf: {  	_ =	swait.ge [sflag:s26], $0x80  }
0xb0: {  	[sflag:s26] =	ssyncset.done $0x0  }
.Ltmp3:
0xb1: {  	[sflag:s26] =	ssyncadd.s32 $0xFFFFFF80;
	(pc) =	sbr.rel .LBB2_2-.Ltmp3, $4  }
0xb2: {  	_ =	swait.ge [sflag:s26], $0x80  }
0xb3: {  	[sflag:s26] =	ssyncset.done $0x0  }
0xb4: {  	s14 =	sadd.s32 $0x50, s14;
	[sflag:s26] =	ssyncadd.s32 $0xFFFFFF80  }
0xb5: {  	[tilespmem:s28], [sflag:$0x2] =	stream.indirect.gather [spmem:s2], $0x40, s21, s21, $0xb8;
	[tilespmem:$0x1DF40] =	vst v63  }
.LBB2_5:
0xb6: {  	_ =	sfence.sel $0x180000  }
0xb7: {  	[bflag:$0x0] =	sbarrier.arrive $0xFFFF  }
0xb8: {  	_ =	strace $0x9000004A  }
0xb9: {  	[bflag:$0x2] =	sbarrier.arrive $0xFFFF  }
0xba: {  	s0 =	rddreg [dreg:$0x3]  }
0xbb: {  	s0 =	sadd.s32 @!p0 $0x100000, s0  }
0xbc: {  	[sflag:s0] =	ssyncadd.tile.s32 @!p0 $0x1;
	_ =	shalt  }
.Lfunc_end2:
_tile_overlayer_lowered:
.L_overlay_start_2:
0xbd: {  	(tag) =	ssettag $0x2  }
0xbe: {  	s0 =	rddreg [dreg:$0x0];
	s2 =	stileid.u32  }
0xbf: {  	s1 =	rddreg [dreg:$0x1];
	p0 =	sne.s32 s2, $0x0  }
0xc0: {  	s3 =	rddreg [dreg:$0x2];
	[bflag:$0x3] =	sbarrier.arrive $0xFFFF;
	s2 =	simm.s32 @!p0 $0x1C06  }
0xc1: {  	[timem:s3], [sflag:s2] =	dma.local @!p0 [hbm:s0], s1  }
0xc2: {  	s0 =	simm.s32 @!p0 $0x6  }
0xc3: {  	_ =	swait.ge @!p0 [sflag:s0], s1  }
0xc4: {  	s1 =	ssub.s32 @!p0 $0x0, s1;
	[sflag:s0] =	ssyncset.done @!p0 $0x0  }
0xc5: {  	[sflag:s0] =	ssyncadd.s32 @!p0 s1  }
0xc6: {  	[bflag:$0x3] =	sbarrier.arrive $0xFFFF  }
0xc7: {  	_ =	shalt  }

// kernel: kernel.15.cloned.1.call-start
scs
__scs_entry_jumppad:
0x0: {  	(pc) =	sbr.rel $0x88, $3  }
0x1: {  	(tag) =	ssettag $0x0;
	lr =	simm.s32 $0x1  }
0x2: {  	[smem:$0x3F97] =	sst lr;
	_ =	strace $0xD0000000  }
0x3: {  	_ = 	snop  }
0x4: {  	_ = 	snop  }
0x5: {  	_ = 	snop  }
0x6: {  	_ = 	snop  }
0x7: {  	_ = 	snop  }
__scs_overlays_trampoline_lowered:
0x8: {  	[smem:$0x3FA6] =	sst s0  }
0x9: {  	[smem:$0x3FA7] =	sst s1  }
0xa: {  	[smem:$0x3FA8] =	sst s2  }
0xb: {  	[smem:$0x3FA9] =	sst s3  }
0xc: {  	[smem:$0x3FAA] =	sst s4  }
0xd: {  	[smem:$0x3FAB] =	sst s5  }
0xe: {  	[smem:$0x3FAC] =	sst s6  }
0xf: {  	[smem:$0x3FAD] =	sst s7  }
0x10: {  	[smem:$0x3FAE] =	sst s8  }
0x11: {  	[smem:$0x3FAF] =	sst s9;
	s0 =	simm.s32 @!p0 $0x0  }
0x12: {  	s1 =	sld [smem:$0x3F95];
	s0 =	simm.s32 @p0 $0x1  }
0x13: {  	[smem:$0x3FB0] =	sst s0;
	s0 =	simm.s32 @!p1 $0x0  }
0x14: {  	s2 =	sld [smem:$0x3F94];
	s0 =	simm.s32 @p1 $0x1  }
0x15: {  	[smem:$0x3FB1] =	sst s0;
	s0 =	simm.s32 @!p2 $0x0  }
0x16: {  	s3 =	sld [smem:$0x3FDB];
	s0 =	simm.s32 @p2 $0x1  }
0x17: {  	s4 =	simm.s32 $0x1BF5;
	[smem:$0x3FB3] =	sst s0  }
0x18: {  	s0 =	sld [smem:$0x3F96];
	_ =	swait.ge [sflag:s4], $0x0  }
0x19: {  	s7 =	sld [smem:$0x3F97]  }
0x1a: {  	s8 =	sadd.s32 $0xFFFFE003, lr  }
0x1b: {  	s9 =	sadd.s32 $0xFFFFFEF7, lr;
	s5 =	simm.s32 $0xFFFFFFFF;
	p2 =	slt.u32 s8, $0xFFFFF086  }
0x1c: {  	p1 =	slt.u32 s9, $0xF7A;
	s5 =	simm.s32 @!p2 $0x0  }
0x1d: {  	s5 =	simm.s32 @p1 $0x1;
	p0 =	seq.s32 s7, s2  }
0x1e: {  	s7 =	smul.u32 @!p0 $0xF7A, s2;
	p2 =	seq.s32 @!p0 s5, $0x0  }
0x1f: {  	s9 =	smul.u32 $0xF7A, s1;
	s8 =	simm.s32 @!p0 $0x1BF5;
	p2 =	por !p2, p0  }
0x20: {  	[sflag:s8] =	ssyncset.s32 @!p0 $0xFFFFF086;
	s6 =	sadd.s32 @!p0 s3, s7;
	s7 =	simm.s32 @!p0 $0x108  }
0x21: {  	s3 =	sadd.s32 s3, s9;
	s6 =	sadd.s32 @!p0 $0x88, s6;
	s7 =	simm.s32 @p2 $0x1082  }
0x22: {  	[simem:s7], [sflag:s8] =	dma.local @!p0 [hbm:s6], $0xF7A  }
0x23: {  	s9 =	sor.u32 $0xD0000000, s2;
	s6 =	simm.s32 $0x108;
	_ =	swait.ge @!p0 [sflag:s8], $0x0  }
0x24: {  	s3 =	sadd.s32 $0x88, s3;
	s6 =	simm.s32 @!p1 $0x1082;
	[sflag:s4] =	ssyncset.s32 $0xFFFFF086  }
0x25: {  	[simem:s6], [sflag:s4] =	dma.local [hbm:s3], $0xF7A  }
0x26: {  	[smem:$0x3F97] =	sst s1;
	(tag) =	ssettag s2;
	_ =	strace s9  }
0x27: {  	s1 =	sld [smem:$0x3FA7]  }
0x28: {  	s2 =	sld [smem:$0x3FA8]  }
0x29: {  	s4 =	sld [smem:$0x3FAA]  }
0x2a: {  	p0 =	seq.s32 s5, $0x0;
	s5 =	sld [smem:$0x3FAB]  }
0x2b: {  	s6 =	sld [smem:$0x3FAC]  }
0x2c: {  	s7 =	sld [smem:$0x3FAD]  }
0x2d: {  	s3 =	simm.s32 $0x108;
	s8 =	sld [smem:$0x3FAE]  }
0x2e: {  	s3 =	simm.s32 @!p0 $0x1082;
	s9 =	sld [smem:$0x3FAF]  }
0x2f: {  	lr =	sadd.s32 s0, s3;
	s0 =	sld [smem:$0x3FA6]  }
0x30: {  	s3 =	sld [smem:$0x3FA9]  }
0x31: {  	[smem:$0x3FB2] =	sst s10  }
0x32: {  	s10 =	sld [smem:$0x3FB0];
	_ =	sdelay $0x3  }
0x33: {  	p0 =	seq.s32 s10, $0x1;
	s10 =	sld [smem:$0x3FB2];
	_ =	sdelay $0x3  }
0x34: {  	[smem:$0x3FB2] =	sst s10  }
0x35: {  	s10 =	sld [smem:$0x3FB1];
	_ =	sdelay $0x3  }
0x36: {  	p1 =	seq.s32 s10, $0x1;
	s10 =	sld [smem:$0x3FB2];
	_ =	sdelay $0x3  }
0x37: {  	[smem:$0x3FB2] =	sst s10  }
0x38: {  	s10 =	sld [smem:$0x3FB3]  }
0x39: {  	_ = 	snop;
	(pc) =	sbr.ind lr, $3  }
0x3a: {  	_ = 	snop  }
0x3b: {  	_ = 	snop  }
0x3c: {  	p2 =	seq.s32 s10, $0x1;
	s10 =	sld [smem:$0x3FB2]  }
0x3d: {  	_ =	shalt  }
0x3e: {  	_ =	shalt  }
0x3f: {  	_ =	shalt  }
0x40: {  	_ =	shalt  }
0x41: {  	_ =	shalt  }
0x42: {  	_ =	shalt  }
0x43: {  	_ =	shalt  }
0x44: {  	_ =	shalt  }
0x45: {  	_ =	shalt  }
0x46: {  	_ =	shalt  }
0x47: {  	_ =	shalt  }
0x48: {  	_ =	shalt  }
0x49: {  	_ =	shalt  }
0x4a: {  	_ =	shalt  }
0x4b: {  	_ =	shalt  }
0x4c: {  	_ =	shalt  }
0x4d: {  	_ =	shalt  }
0x4e: {  	_ =	shalt  }
0x4f: {  	_ =	shalt  }
0x50: {  	_ =	shalt  }
0x51: {  	_ =	shalt  }
0x52: {  	_ =	shalt  }
0x53: {  	_ =	shalt  }
0x54: {  	_ =	shalt  }
0x55: {  	_ =	shalt  }
0x56: {  	_ =	shalt  }
0x57: {  	_ =	shalt  }
0x58: {  	_ =	shalt  }
0x59: {  	_ =	shalt  }
0x5a: {  	_ =	shalt  }
0x5b: {  	_ =	shalt  }
0x5c: {  	_ =	shalt  }
0x5d: {  	_ =	shalt  }
0x5e: {  	_ =	shalt  }
0x5f: {  	_ =	shalt  }
0x60: {  	_ =	shalt  }
0x61: {  	_ =	shalt  }
0x62: {  	_ =	shalt  }
0x63: {  	_ =	shalt  }
0x64: {  	_ =	shalt  }
0x65: {  	_ =	shalt  }
0x66: {  	_ =	shalt  }
0x67: {  	_ =	shalt  }
0x68: {  	_ =	shalt  }
0x69: {  	_ =	shalt  }
0x6a: {  	_ =	shalt  }
0x6b: {  	_ =	shalt  }
0x6c: {  	_ =	shalt  }
0x6d: {  	_ =	shalt  }
0x6e: {  	_ =	shalt  }
0x6f: {  	_ =	shalt  }
0x70: {  	_ =	shalt  }
0x71: {  	_ =	shalt  }
0x72: {  	_ =	shalt  }
0x73: {  	_ =	shalt  }
0x74: {  	_ =	shalt  }
0x75: {  	_ =	shalt  }
0x76: {  	_ =	shalt  }
0x77: {  	_ =	shalt  }
0x78: {  	_ =	shalt  }
0x79: {  	_ =	shalt  }
0x7a: {  	_ =	shalt  }
0x7b: {  	_ =	shalt  }
0x7c: {  	_ =	shalt  }
0x7d: {  	_ =	shalt  }
0x7e: {  	_ =	shalt  }
0x7f: {  	_ =	shalt  }
0x80: {  	_ =	shalt  }
0x81: {  	_ =	shalt  }
0x82: {  	_ =	shalt  }
0x83: {  	_ =	shalt  }
0x84: {  	_ =	shalt  }
0x85: {  	_ =	shalt  }
0x86: {  	_ =	shalt  }
0x87: {  	_ =	shalt  }
.Lfunc_end0:
.L_simem_size_0:
called_computation.2_lowered:
.L_overlay_start_0:
0x88: {  	s2 =	sld [smem:$0x3FD9]  }
0x89: {  	s3 =	sld [smem:$0x3FFE];
	_ =	sdelay $0x1  }
0x8a: {  	s1 =	srdreg.scid  }
0x8b: {  	s0 =	sand.u32 $0x1, s1  }
0x8c: {  	s16 =	sshll.u32 s0, $0xA;
	s2 =	sadd.s32 s3, s2  }
0x8d: {  	s2 =	sadd.s32 s2, s16  }
0x8e: {  	[smem:$0x3FBE] =	sst s2  }
0x8f: {  	_ = 	snop  }
0x90: {  	(tm) =	ssettm $0x1  }
0x91: {  	s17 =	sld [smem:$0x3FFB];
	_ =	sdelay $0x3  }
0x92: {  	_ =	strace s17  }
0x93: {  	s2 =	sld [smem:$0x3FFC];
	_ =	sdelay $0x3  }
0x94: {  	_ =	strace s2  }
0x95: {  	s2 =	sld [smem:$0x3FFD];
	_ =	sdelay $0x3  }
0x96: {  	_ =	strace s2  }
0x97: {  	_ =	strace $0x8FFFFFFF  }
0x98: {  	s18 =	sld [smem:$0x3FDB];
	_ =	sdelay $0x1  }
0x99: {  	s19 =	simm.s32 $_scs_section_size  }
0x9a: {  	s4 =	simm.s32 $_size__tile_overlayer_lowered;
	s5 =	simm.s32 $_tile_overlayer_lowered  }
0x9b: {  	s22 =	simm.s32 $0x1BFF;
	s21 =	sshll.u32 s5, $0x1;
	s2 =	sadd.s32 s19, s18  }
0x9c: {  	s6 =	simm.s32 $0x0;
	s20 =	sshll.u32 s4, $0x1;
	s4 =	sadd.s32 s21, s2  }
0x9d: {  	[timem:s6], [sflag:s22] =	dma.local [hbm:s4], s20  }
0x9e: {  	_ =	swait.ge [sflag:s22], s20  }
0x9f: {  	s3 =	ssub.s32 $0x0, s20;
	[sflag:s22] =	ssyncset.done $0x0  }
0xa0: {  	[sflag:s22] =	ssyncadd.s32 s3;
	_ =	sdelay $0x1  }
0xa1: {  	s23 =	simm.s32 $0x1B8B  }
0xa2: {  	_ =	swait.ge [sflag:s23], $0x1  }
0xa3: {  	[sflag:s23] =	ssyncset.done $0x0  }
0xa4: {  	s25 =	simm.s32 $0x1B8E;
	s24 =	sld [smem:$0x3FFE];
	[sflag:s23] =	ssyncadd.s32 $0xFFFFFFFF  }
0xa5: {  	s26 =	simm.s32 $execute0_lowered;
	[smem:$0x3FD2] =	sst s25  }
0xa6: {  	s4 =	sshll.u32 s26, $0x1;
	_ =	strace $0x8000004C;
	[dreg:$0x1] =	wrdreg $0xFFFFFFFF  }
0xa7: {  	s28 =	simm.s32 $_size_execute0_lowered;
	s2 =	sadd.s32 s2, s4;
	[dreg:$0x0] =	wrdreg $0x0  }
0xa8: {  	s4 =	sshll.u32 s28, $0x1;
	[dreg:$0x2] =	wrdreg s2  }
0xa9: {  	[dreg:$0x3] =	wrdreg s4  }
0xaa: {  	[dreg:$0x4] =	wrdreg $0xC0  }
0xab: {  	_ =	task [dreg:s6], $0x5FFFF  }
0xac: {  	[dreg:$0x1] =	wrdreg $0xFFFFFFFF  }
0xad: {  	[dreg:$0x0] =	wrdreg $0x60  }
0xae: {  	[dreg:$0x2] =	wrdreg s24  }
0xaf: {  	[dreg:$0x3] =	wrdreg $0xA5000  }
0xb0: {  	[dreg:$0x4] =	wrdreg $0x143000  }
0xb1: {  	[dreg:$0x5] =	wrdreg $0x9  }
0xb2: {  	_ =	task.clear_ibuf [dreg:s6], $0x6FFFF;
	_ =	strace $0x9000004C  }
0xb3: {  	s29 =	simm.s32 $0x9;
	_ =	strace $0x8000004E  }
0xb4: {  	_ =	swait.ge [sflag:s29], $0x1  }
0xb5: {  	[sflag:s29] =	ssyncadd.s32 $0xFFFFFFFF  }
0xb6: {  	_ =	strace $0x9000004E  }
0xb7: {  	_ =	sfence  }
0xb8: {  	s30 =	sld [smem:$0x0];
	_ =	sdelay $0x2  }
0xb9: {  	s31 =	sshll.u32 s1, $0xD;
	s1 =	sshrl.u32 s1, $0x2  }
0xba: {  	s3 =	sand.u32 $0x4000, s31;
	s1 =	sadd.s32 s1, s30  }
0xbb: {  	s0 =	sor.u32 s3, s0;
	s1 =	sshll.u32 s1, $0x11  }
0xbc: {  	s0 =	sor.u32 s1, s0  }
0xbd: {  	s0 =	sadd.s32 $0x8F2B, s0  }
0xbe: {  	[sflag:s0] =	ssyncadd.remote.s32 $0x1  }
0xbf: {  	_ =	sfence.sel $0xFFFF  }
0xc0: {  	[dreg:$0x0] =	wrdreg $0xFFFFFFFF;
	(pc) =	sbr.abs _section_cstart, $3  }
0xc1: {  	[dreg:$0x1] =	wrdreg $0xFFFFFFFF  }
0xc2: {  	_ =	task.clear_ibuf [dreg:s6], $0x2FFFF;
	_ =	strace $0x9FFFFFFF  }
0xc3: {  	(tm) =	ssettm $0x7FFFFFFF  }
tec
execute0_lowered:
.L_overlay_start_1:
0x0: {  	(tag) =	ssettag $0x1  }
0x1: {  	s0 =	rddreg [dreg:$0x0]  }
0x2: {  	s1 =	rddreg [dreg:$0x1]  }
0x3: {  	s2 =	rddreg [dreg:$0x2]  }
0x4: {  	s3 =	simm.s32 $0x0;
	s4 =	stileid.u32;
	s7 =	srdreg.scid  }
0x5: {  	s15 =	simm.s32 $0x1;
	s28 =	simm.s32 $0x2500;
	s5 =	smul.u32 $0xA00, s4  }
0x6: {  	s29 =	simm.s32 $0x180;
	s30 =	simm.s32 $0x400;
	s6 =	smul.u32 $0x9E00, s4  }
0x7: {  	s31 =	simm.s32 $0x3;
	s16 =	simm.s32 $0x8500;
	s9 =	smul.u32 $0x13C00, s4  }
0x8: {  	[smem:$0x7FF] =	sst s3;
	s8 =	sadd.s32 $0x16400, s0;
	s14 =	smul.u32 $0x13800, s4  }
0x9: {  	s7 =	sand.u32 $0x1, s7;
	s18 =	smul.u32 $0x27000, s4;
	s19 =	sshll.u32 s4, $0x6  }
0xa: {  	p0 =	sne.s32 s4, $0x0;
	s4 =	simm.s32 $0x200;
	_ =	strace $0x8000004D  }
0xb: {  	s11 =	sshll.u32 s7, $0x6;
	s12 =	ssub.s32 $0x2, s7;
	s7 =	sshll.u32 s7, $0x3  }
0xc: {  	s10 =	sadd.s32 s5, s0;
	s17 =	sshrl.u32 s6, $0x3;
	s9 =	sor.u32 s11, s9  }
0xd: {  	s13 =	sshrl.u32 s12, $0x1;
	s6 =	sadd.s32 s6, s1;
	s11 =	sor.u32 s11, s14  }
0xe: {  	s7 =	sadd.s32 s7, s8;
	s14 =	simm.s32 $0x8;
	s5 =	sadd.s32 s17, s0  }
0xf: {  	s9 =	sshrl.u32 s9, $0x3;
	s12 =	ssub.s32 s12, s13;
	s13 =	sor.u32 $0x1C06, s19  }
0x10: {  	s21 =	sshrl.u32 s11, $0x3;
	s11 =	sadd.s32 $0x9C000, s2;
	s23 =	sadd.s32 $0x27000, s7  }
0x11: {  	s19 =	simm.s32 $0x280;
	s7 =	simm.s32 $0x4;
	s17 =	simm.s32 $0x0  }
0x12: {  	s0 =	sadd.s32 s9, s0;
	s5 =	sadd.s32 $0x7D600, s5;
	s9 =	sshrl.u32 s18, $0x2  }
0x13: {  	s22 =	sadd.s32 s8, s21;
	[dreg:$0x7] =	wrdreg s23;
	s8 =	sadd.s32 $0x2400, s10  }
0x14: {  	s24 =	smax.u32 s12, $0x1;
	s12 =	sshrl.u32 s6, $0x3;
	s18 =	simm.s32 $0x6  }
0x15: {  	s21 =	simm.s32 $0x80;
	s23 =	simm.s32 $0x100;
	[dreg:$0x5] =	wrdreg s13  }
0x16: {  	s6 =	simm.s32 $0x480;
	[dreg:$0x4] =	wrdreg s5;
	s20 =	sadd.s32 s9, s2  }
0x17: {  	[dreg:$0x6] =	wrdreg s22;
	s9 =	sadd.s32 $0xC400, s10;
	s0 =	sadd.s32 $0x3D600, s0  }
0x18: {  	[dreg:$0x9] =	wrdreg s24;
	s26 =	sadd.s32 $0x10, s8;
	s22 =	simm.s32 $0x300  }
.Ltmp0:
0x19: {  	s24 =	simm.s32 $0x380;
	[dreg:$0xa] =	wrdreg s12;
	(pc) =	sbr.rel .LBB2_1-.Ltmp0, $4  }
0x1a: {  	s10 =	simm.s32 $0x6500;
	[dreg:$0x8] =	wrdreg s0;
	s25 =	sshrl.u32 s20, $0x3  }
0x1b: {  	s20 =	simm.s32 $0x10;
	s0 =	sshrl.u32 @!p0 s11, $0x3;
	[dreg:$0xd] =	wrdreg s26  }
0x1c: {  	s26 =	simm.s32 $0x2;
	s11 =	simm.s32 $0x5;
	[dreg:$0xb] =	wrdreg s25  }
0x1d: {  	[dreg:$0xc] =	wrdreg s0;
	s25 =	simm.s32 $0x500;
	s0 =	simm.s32 $0x4500  }
.LBB2_4:
0x1e: {  	_ =	swait.ge [sflag:s11], $0x2000  }
0x1f: {  	[sflag:s11] =	ssyncset.done $0x0  }
0x20: {  	[sflag:s11] =	ssyncadd.s32 $0xFFFFE000  }
0x21: {  	[spmem:s1] =	stream.indirect.scatter.add.f32 [tilespmem:s16], [sflag:$0x5], $0x40, s6, s21, $0xb8;
	[tilespmem:$0x1DF40] =	vst v63  }
0x22: {  	_ =	swait.ge [sflag:s31], $0x2000  }
0x23: {  	[sflag:s31] =	ssyncset.done $0x0  }
0x24: {  	[sflag:s31] =	ssyncadd.s32 $0xFFFFE000  }
0x25: {  	_ =	swait.ge [sflag:s7], $0x2000  }
0x26: {  	[sflag:s7] =	ssyncset.done $0x0  }
0x27: {  	[sflag:s7] =	ssyncadd.s32 $0xFFFFE000  }
0x28: {  	_ =	swait.ge [sflag:s11], $0x2000  }
0x29: {  	[sflag:s11] =	ssyncset.done $0x0  }
0x2a: {  	[sflag:s11] =	ssyncadd.s32 $0xFFFFE000  }
0x2b: {  	[bflag:$0x0] =	sbarrier.arrive $0xFFFF  }
0x2c: {  	s13 =	rddreg [dreg:$0x5]  }
0x2d: {  	s14 =	simm.s32 $0x8;
	s5 =	rddreg [dreg:$0x8]  }
0x2e: {  	s20 =	simm.s32 $0x10;
	s18 =	simm.s32 $0x6;
	s12 =	rddreg [dreg:$0xa]  }
0x2f: {  	[hbm:s5@s20], [sflag:s13] =	dma.strided [spmem:s12@s14], $0x13C0, s15, $0x8   }
0x30: {  	_ =	swait.ge [sflag:s18], $0x13C0  }
0x31: {  	s17 =	sadd.s32 $0x1, s17;
	s5 =	rddreg [dreg:$0x9]  }
0x32: {  	p1 =	sne.s32 s17, s5  }
.Ltmp1:
0x33: {  	_ = 	snop;
	(pc) =	sbr.rel @!p1 .LBB2_5-.Ltmp1, $3  }
0x34: {  	_ =	sdelay $0x1  }
0x35: {  	[sflag:s18] =	ssyncset.done $0x0  }
0x36: {  	[sflag:s18] =	ssyncadd.s32 $0xFFFFEC40  }
.LBB2_1:
0x37: {  	s5 =	rddreg [dreg:$0x4]  }
0x38: {  	[spmem:s12], [sflag:s13] =	dma.local [hbm:s5], $0x13C0  }
0x39: {  	_ =	swait.ge [sflag:s18], $0x13C0  }
0x3a: {  	[sflag:s18] =	ssyncset.done $0x0;
	s5 =	rddreg [dreg:$0x6]  }
0x3b: {  	s12 =	rddreg [dreg:$0xb];
	[sflag:s18] =	ssyncadd.s32 $0xFFFFEC40  }
0x3c: {  	[spmem:s12@s14], [sflag:s13] =	dma.strided [hbm:s5@s20], $0x1380, s15, $0x8   }
0x3d: {  	s14 =	simm.s32 @!p0 $0x1;
	_ =	swait.ge [sflag:s18], $0x1380  }
0x3e: {  	s20 =	simm.s32 @!p0 $0x10;
	[sflag:s18] =	ssyncset.done $0x0;
	s5 =	rddreg [dreg:$0x7]  }
0x3f: {  	s12 =	rddreg [dreg:$0xc];
	[sflag:s18] =	ssyncadd.s32 $0xFFFFEC80;
	s18 =	simm.s32 @!p0 $0x8  }
0x40: {  	[spmem:s12@s18], [sflag:s13] =	dma.strided @!p0 [hbm:s5@s20], $0x80, s14, $0x8   }
0x41: {  	s14 =	simm.s32 @!p0 $0x6  }
0x42: {  	_ =	swait.ge @!p0 [sflag:s14], $0x80  }
0x43: {  	[sflag:s14] =	ssyncset.done @!p0 $0x0  }
0x44: {  	[sflag:s14] =	ssyncadd.s32 @!p0 $0xFFFFFF80  }
0x45: {  	[bflag:$0x0] =	sbarrier.arrive $0xFFFF  }
0x46: {  	[tilespmem:s3], [sflag:$0x1] =	stream.linear.gather [hbm4b:s8+s3], $0x80, $0x38;
	[tilespmem:$0x1DF40] =	vst v63  }
0x47: {  	_ = 	snop  }
0x48: {  	[tilespmem:s19], [sflag:$0x1] =	stream.linear.gather [hbm4b:s9+s3], $0x80, $0x38;
	[tilespmem:$0x1DF40] =	vst v63  }
0x49: {  	s12 =	rddreg [dreg:$0xd]  }
0x4a: {  	[tilespmem:s21], [sflag:$0x2] =	stream.linear.gather [hbm4b:s12+s3], $0x80, $0x38;
	[tilespmem:$0x1DF40] =	vst v63  }
0x4b: {  	s13 =	sadd.s32 $0x10, s9  }
0x4c: {  	[tilespmem:s22], [sflag:$0x2] =	stream.linear.gather [hbm4b:s13+s3], $0x80, $0x38;
	[tilespmem:$0x1DF40] =	vst v63  }
0x4d: {  	s18 =	sadd.s32 $0x20, s8  }
0x4e: {  	[tilespmem:s23], [sflag:$0x3] =	stream.linear.gather [hbm4b:s18+s3], $0x80, $0x38;
	[tilespmem:$0x1DF40] =	vst v63  }
0x4f: {  	s20 =	sadd.s32 $0x20, s9  }
0x50: {  	[tilespmem:s24], [sflag:$0x3] =	stream.linear.gather [hbm4b:s20+s3], $0x80, $0x38;
	[tilespmem:$0x1DF40] =	vst v63  }
0x51: {  	_ =	swait.ge [sflag:s15], $0x80  }
0x52: {  	[sflag:s15] =	ssyncset.done $0x0  }
0x53: {  	[sflag:s15] =	ssyncadd.s32 $0xFFFFFF80  }
0x54: {  	_ =	swait.ge [sflag:s15], $0x80  }
0x55: {  	[sflag:s15] =	ssyncset.done $0x0  }
0x56: {  	[sflag:s15] =	ssyncadd.s32 $0xFFFFFF80  }
0x57: {  	[tilespmem:s25], [sflag:$0x1] =	stream.indirect.gather [spmem:s2], $0x40, s3, s21, $0xb8;
	[tilespmem:$0x1DF40] =	vst v63  }
0x58: {  	_ =	swait.ge [sflag:s26], $0x80  }
0x59: {  	[sflag:s26] =	ssyncset.done $0x0  }
0x5a: {  	[sflag:s26] =	ssyncadd.s32 $0xFFFFFF80  }
0x5b: {  	_ =	swait.ge [sflag:s26], $0x80  }
0x5c: {  	[sflag:s26] =	ssyncset.done $0x0  }
0x5d: {  	s14 =	simm.s32 $0x0;
	[sflag:s26] =	ssyncadd.s32 $0xFFFFFF80  }
0x5e: {  	[tilespmem:s28], [sflag:$0x2] =	stream.indirect.gather [spmem:s2], $0x40, s21, s21, $0xb8;
	[tilespmem:$0x1DF40] =	vst v63  }
.LBB2_2:
0x5f: {  	_ =	swait.ge [sflag:s15], $0x2000  }
0x60: {  	p1 =	seq.s32 s14, $0x0;
	[sflag:s15] =	ssyncset.done $0x0  }
0x61: {  	s20 =	simm.s32 @!p1 $0x4;
	[sflag:s15] =	ssyncadd.s32 $0xFFFFE000  }
0x62: {  	[spmem:s1] =	stream.indirect.scatter.add.f32 [tilespmem:s25], [sflag:$0x1], $0x40, s19, s21, $0xb8;
	[tilespmem:$0x1DF40] =	vst v63  }
0x63: {  	_ =	swait.ge @!p1 [sflag:s20], $0x2000  }
0x64: {  	s18 =	sadd.s32 s14, s8;
	[sflag:s20] =	ssyncset.done @!p1 $0x0  }
0x65: {  	s13 =	sadd.s32 $0x30, s18;
	[sflag:s20] =	ssyncadd.s32 @!p1 $0xFFFFE000;
	s20 =	sadd.s32 s14, s9  }
0x66: {  	[tilespmem:s29], [sflag:$0x4] =	stream.linear.gather [hbm4b:s13+s3], $0x80, $0x38;
	[tilespmem:$0x1DF40] =	vst v63  }
0x67: {  	s12 =	sadd.s32 $0x30, s20  }
0x68: {  	[tilespmem:s30], [sflag:$0x4] =	stream.linear.gather [hbm4b:s12+s3], $0x80, $0x38;
	[tilespmem:$0x1DF40] =	vst v63  }
0x69: {  	_ =	swait.ge [sflag:s31], $0x80  }
0x6a: {  	[sflag:s31] =	ssyncset.done $0x0  }
0x6b: {  	[sflag:s31] =	ssyncadd.s32 $0xFFFFFF80  }
0x6c: {  	_ =	swait.ge [sflag:s31], $0x80  }
0x6d: {  	[sflag:s31] =	ssyncset.done $0x0  }
0x6e: {  	[sflag:s31] =	ssyncadd.s32 $0xFFFFFF80  }
0x6f: {  	[tilespmem:s0], [sflag:$0x3] =	stream.indirect.gather [spmem:s2], $0x40, s23, s21, $0xb8;
	[tilespmem:$0x1DF40] =	vst v63  }
0x70: {  	_ =	swait.ge [sflag:s26], $0x2000  }
0x71: {  	[sflag:s26] =	ssyncset.done $0x0  }
0x72: {  	s12 =	simm.s32 @!p1 $0x5;
	[sflag:s26] =	ssyncadd.s32 $0xFFFFE000  }
0x73: {  	[spmem:s1] =	stream.indirect.scatter.add.f32 [tilespmem:s28], [sflag:$0x2], $0x40, s22, s21, $0xb8;
	[tilespmem:$0x1DF40] =	vst v63  }
0x74: {  	_ =	swait.ge @!p1 [sflag:s12], $0x2000  }
0x75: {  	[sflag:s12] =	ssyncset.done @!p1 $0x0  }
0x76: {  	s5 =	sadd.s32 $0x40, s18;
	[sflag:s12] =	ssyncadd.s32 @!p1 $0xFFFFE000  }
0x77: {  	[tilespmem:s4], [sflag:$0x5] =	stream.linear.gather [hbm4b:s5+s3], $0x80, $0x38;
	[tilespmem:$0x1DF40] =	vst v63  }
0x78: {  	s13 =	sadd.s32 $0x40, s20  }
0x79: {  	[tilespmem:s6], [sflag:$0x5] =	stream.linear.gather [hbm4b:s13+s3], $0x80, $0x38;
	[tilespmem:$0x1DF40] =	vst v63  }
0x7a: {  	_ =	swait.ge [sflag:s7], $0x80  }
0x7b: {  	[sflag:s7] =	ssyncset.done $0x0  }
0x7c: {  	[sflag:s7] =	ssyncadd.s32 $0xFFFFFF80  }
0x7d: {  	_ =	swait.ge [sflag:s7], $0x80  }
0x7e: {  	[sflag:s7] =	ssyncset.done $0x0  }
0x7f: {  	[sflag:s7] =	ssyncadd.s32 $0xFFFFFF80  }
0x80: {  	[tilespmem:s10], [sflag:$0x4] =	stream.indirect.gather [spmem:s2], $0x40, s29, s21, $0xb8;
	[tilespmem:$0x1DF40] =	vst v63  }
0x81: {  	_ =	swait.ge [sflag:s31], $0x2000  }
0x82: {  	[sflag:s31] =	ssyncset.done $0x0  }
0x83: {  	[sflag:s31] =	ssyncadd.s32 $0xFFFFE000  }
0x84: {  	[spmem:s1] =	stream.indirect.scatter.add.f32 [tilespmem:s0], [sflag:$0x3], $0x40, s24, s21, $0xb8;
	[tilespmem:$0x1DF40] =	vst v63  }
0x85: {  	p1 =	seq.s32 s14, $0x9B0;
	_ =	swait.ge [sflag:s15], $0x2000  }
0x86: {  	s12 =	sadd.s32 @!p1 s14, s8;
	[sflag:s15] =	ssyncset.done $0x0  }
0x87: {  	s5 =	simm.s32 @!p1 $0x0;
	s12 =	sadd.s32 @!p1 $0x50, s12;
	[sflag:s15] =	ssyncadd.s32 $0xFFFFE000  }
0x88: {  	[tilespmem:s5], [sflag:$0x1] =	stream.linear.gather @!p1 [hbm4b:s12+s5], $0x80, $0x38;
	[tilespmem:$0x1DF40] =	vst v63  }
0x89: {  	s12 =	sadd.s32 @!p1 s14, s9  }
0x8a: {  	s13 =	simm.s32 @!p1 $0x280;
	s12 =	sadd.s32 @!p1 $0x50, s12  }
0x8b: {  	[tilespmem:s13], [sflag:$0x1] =	stream.linear.gather @!p1 [hbm4b:s12+s5], $0x80, $0x38;
	[tilespmem:$0x1DF40] =	vst v63  }
0x8c: {  	_ =	swait.ge [sflag:s11], $0x80  }
0x8d: {  	[sflag:s11] =	ssyncset.done $0x0  }
0x8e: {  	[sflag:s11] =	ssyncadd.s32 $0xFFFFFF80  }
0x8f: {  	_ =	swait.ge [sflag:s11], $0x80  }
0x90: {  	[sflag:s11] =	ssyncset.done $0x0  }
0x91: {  	[sflag:s11] =	ssyncadd.s32 $0xFFFFFF80  }
0x92: {  	[tilespmem:s16], [sflag:$0x5] =	stream.indirect.gather [spmem:s2], $0x40, s4, s21, $0xb8;
	[tilespmem:$0x1DF40] =	vst v63  }
0x93: {  	_ =	swait.ge [sflag:s7], $0x2000  }
0x94: {  	[sflag:s7] =	ssyncset.done $0x0  }
.Ltmp2:
0x95: {  	[sflag:s7] =	ssyncadd.s32 $0xFFFFE000;
	(pc) =	sbr.rel @p1 .LBB2_4-.Ltmp2, $4  }
0x96: {  	[spmem:s1] =	stream.indirect.scatter.add.f32 [tilespmem:s10], [sflag:$0x4], $0x40, s30, s21, $0xb8;
	[tilespmem:$0x1DF40] =	vst v63  }
0x97: {  	_ =	swait.ge [sflag:s26], $0x2000  }
0x98: {  	[sflag:s26] =	ssyncset.done $0x0  }
0x99: {  	[sflag:s26] =	ssyncadd.s32 $0xFFFFE000  }
0x9a: {  	s5 =	sadd.s32 $0x60, s18  }
0x9b: {  	[tilespmem:s21], [sflag:$0x2] =	stream.linear.gather [hbm4b:s5+s3], $0x80, $0x38;
	[tilespmem:$0x1DF40] =	vst v63  }
0x9c: {  	s13 =	sadd.s32 $0x60, s20  }
0x9d: {  	[tilespmem:s22], [sflag:$0x2] =	stream.linear.gather [hbm4b:s13+s3], $0x80, $0x38;
	[tilespmem:$0x1DF40] =	vst v63  }
0x9e: {  	_ =	swait.ge [sflag:s15], $0x80  }
0x9f: {  	[sflag:s15] =	ssyncset.done $0x0  }
0xa0: {  	[sflag:s15] =	ssyncadd.s32 $0xFFFFFF80  }
0xa1: {  	_ =	swait.ge [sflag:s15], $0x80  }
0xa2: {  	[sflag:s15] =	ssyncset.done $0x0  }
0xa3: {  	[sflag:s15] =	ssyncadd.s32 $0xFFFFFF80  }
0xa4: {  	[tilespmem:s25], [sflag:$0x1] =	stream.indirect.gather [spmem:s2], $0x40, s3, s21, $0xb8;
	[tilespmem:$0x1DF40] =	vst v63  }
0xa5: {  	_ =	swait.ge [sflag:s11], $0x2000  }
0xa6: {  	[sflag:s11] =	ssyncset.done $0x0  }
0xa7: {  	[sflag:s11] =	ssyncadd.s32 $0xFFFFE000  }
0xa8: {  	[spmem:s1] =	stream.indirect.scatter.add.f32 [tilespmem:s16], [sflag:$0x5], $0x40, s6, s21, $0xb8;
	[tilespmem:$0x1DF40] =	vst v63  }
0xa9: {  	_ =	swait.ge [sflag:s31], $0x2000  }
0xaa: {  	[sflag:s31] =	ssyncset.done $0x0  }
0xab: {  	s18 =	sadd.s32 $0x70, s18;
	[sflag:s31] =	ssyncadd.s32 $0xFFFFE000  }
0xac: {  	[tilespmem:s23], [sflag:$0x3] =	stream.linear.gather [hbm4b:s18+s3], $0x80, $0x38;
	[tilespmem:$0x1DF40] =	vst v63  }
0xad: {  	s20 =	sadd.s32 $0x70, s20  }
0xae: {  	[tilespmem:s24], [sflag:$0x3] =	stream.linear.gather [hbm4b:s20+s3], $0x80, $0x38;
	[tilespmem:$0x1DF40] =	vst v63  }
0xaf: {  	_ =	swait.ge [sflag:s26], $0x80  }
0xb0: {  	[sflag:s26] =	ssyncset.done $0x0  }
.Ltmp3:
0xb1: {  	[sflag:s26] =	ssyncadd.s32 $0xFFFFFF80;
	(pc) =	sbr.rel .LBB2_2-.Ltmp3, $4  }
0xb2: {  	_ =	swait.ge [sflag:s26], $0x80  }
0xb3: {  	[sflag:s26] =	ssyncset.done $0x0  }
0xb4: {  	s14 =	sadd.s32 $0x50, s14;
	[sflag:s26] =	ssyncadd.s32 $0xFFFFFF80  }
0xb5: {  	[tilespmem:s28], [sflag:$0x2] =	stream.indirect.gather [spmem:s2], $0x40, s21, s21, $0xb8;
	[tilespmem:$0x1DF40] =	vst v63  }
.LBB2_5:
0xb6: {  	_ =	sfence.sel $0x180000  }
0xb7: {  	[bflag:$0x0] =	sbarrier.arrive $0xFFFF  }
0xb8: {  	_ =	strace $0x9000004D  }
0xb9: {  	[bflag:$0x2] =	sbarrier.arrive $0xFFFF  }
0xba: {  	s0 =	rddreg [dreg:$0x3]  }
0xbb: {  	s0 =	sadd.s32 @!p0 $0x100000, s0  }
0xbc: {  	[sflag:s0] =	ssyncadd.tile.s32 @!p0 $0x1;
	_ =	shalt  }
.Lfunc_end2:
_tile_overlayer_lowered:
.L_overlay_start_2:
0xbd: {  	(tag) =	ssettag $0x2  }
0xbe: {  	s0 =	rddreg [dreg:$0x0];
	s2 =	stileid.u32  }
0xbf: {  	s1 =	rddreg [dreg:$0x1];
	p0 =	sne.s32 s2, $0x0  }
0xc0: {  	s3 =	rddreg [dreg:$0x2];
	[bflag:$0x3] =	sbarrier.arrive $0xFFFF;
	s2 =	simm.s32 @!p0 $0x1C06  }
0xc1: {  	[timem:s3], [sflag:s2] =	dma.local @!p0 [hbm:s0], s1  }
0xc2: {  	s0 =	simm.s32 @!p0 $0x6  }
0xc3: {  	_ =	swait.ge @!p0 [sflag:s0], s1  }
0xc4: {  	s1 =	ssub.s32 @!p0 $0x0, s1;
	[sflag:s0] =	ssyncset.done @!p0 $0x0  }
0xc5: {  	[sflag:s0] =	ssyncadd.s32 @!p0 s1  }
0xc6: {  	[bflag:$0x3] =	sbarrier.arrive $0xFFFF  }
0xc7: {  	_ =	shalt  }

// kernel: kernel.9.cloned.1.call-start
scs
__scs_entry_jumppad:
0x0: {  	(pc) =	sbr.rel $0x88, $3  }
0x1: {  	(tag) =	ssettag $0x0;
	lr =	simm.s32 $0x1  }
0x2: {  	[smem:$0x3F97] =	sst lr;
	_ =	strace $0xD0000000  }
0x3: {  	_ = 	snop  }
0x4: {  	_ = 	snop  }
0x5: {  	_ = 	snop  }
0x6: {  	_ = 	snop  }
0x7: {  	_ = 	snop  }
__scs_overlays_trampoline_lowered:
0x8: {  	[smem:$0x3FA6] =	sst s0  }
0x9: {  	[smem:$0x3FA7] =	sst s1  }
0xa: {  	[smem:$0x3FA8] =	sst s2  }
0xb: {  	[smem:$0x3FA9] =	sst s3  }
0xc: {  	[smem:$0x3FAA] =	sst s4  }
0xd: {  	[smem:$0x3FAB] =	sst s5  }
0xe: {  	[smem:$0x3FAC] =	sst s6  }
0xf: {  	[smem:$0x3FAD] =	sst s7  }
0x10: {  	[smem:$0x3FAE] =	sst s8  }
0x11: {  	[smem:$0x3FAF] =	sst s9;
	s0 =	simm.s32 @!p0 $0x0  }
0x12: {  	s1 =	sld [smem:$0x3F95];
	s0 =	simm.s32 @p0 $0x1  }
0x13: {  	[smem:$0x3FB0] =	sst s0;
	s0 =	simm.s32 @!p1 $0x0  }
0x14: {  	s2 =	sld [smem:$0x3F94];
	s0 =	simm.s32 @p1 $0x1  }
0x15: {  	[smem:$0x3FB1] =	sst s0;
	s0 =	simm.s32 @!p2 $0x0  }
0x16: {  	s3 =	sld [smem:$0x3FDB];
	s0 =	simm.s32 @p2 $0x1  }
0x17: {  	s4 =	simm.s32 $0x1BF5;
	[smem:$0x3FB3] =	sst s0  }
0x18: {  	s0 =	sld [smem:$0x3F96];
	_ =	swait.ge [sflag:s4], $0x0  }
0x19: {  	s7 =	sld [smem:$0x3F97]  }
0x1a: {  	s8 =	sadd.s32 $0xFFFFE003, lr  }
0x1b: {  	s9 =	sadd.s32 $0xFFFFFEF7, lr;
	s5 =	simm.s32 $0xFFFFFFFF;
	p2 =	slt.u32 s8, $0xFFFFF086  }
0x1c: {  	p1 =	slt.u32 s9, $0xF7A;
	s5 =	simm.s32 @!p2 $0x0  }
0x1d: {  	s5 =	simm.s32 @p1 $0x1;
	p0 =	seq.s32 s7, s2  }
0x1e: {  	s7 =	smul.u32 @!p0 $0xF7A, s2;
	p2 =	seq.s32 @!p0 s5, $0x0  }
0x1f: {  	s9 =	smul.u32 $0xF7A, s1;
	s8 =	simm.s32 @!p0 $0x1BF5;
	p2 =	por !p2, p0  }
0x20: {  	[sflag:s8] =	ssyncset.s32 @!p0 $0xFFFFF086;
	s6 =	sadd.s32 @!p0 s3, s7;
	s7 =	simm.s32 @!p0 $0x108  }
0x21: {  	s3 =	sadd.s32 s3, s9;
	s6 =	sadd.s32 @!p0 $0x88, s6;
	s7 =	simm.s32 @p2 $0x1082  }
0x22: {  	[simem:s7], [sflag:s8] =	dma.local @!p0 [hbm:s6], $0xF7A  }
0x23: {  	s9 =	sor.u32 $0xD0000000, s2;
	s6 =	simm.s32 $0x108;
	_ =	swait.ge @!p0 [sflag:s8], $0x0  }
0x24: {  	s3 =	sadd.s32 $0x88, s3;
	s6 =	simm.s32 @!p1 $0x1082;
	[sflag:s4] =	ssyncset.s32 $0xFFFFF086  }
0x25: {  	[simem:s6], [sflag:s4] =	dma.local [hbm:s3], $0xF7A  }
0x26: {  	[smem:$0x3F97] =	sst s1;
	(tag) =	ssettag s2;
	_ =	strace s9  }
0x27: {  	s1 =	sld [smem:$0x3FA7]  }
0x28: {  	s2 =	sld [smem:$0x3FA8]  }
0x29: {  	s4 =	sld [smem:$0x3FAA]  }
0x2a: {  	p0 =	seq.s32 s5, $0x0;
	s5 =	sld [smem:$0x3FAB]  }
0x2b: {  	s6 =	sld [smem:$0x3FAC]  }
0x2c: {  	s7 =	sld [smem:$0x3FAD]  }
0x2d: {  	s3 =	simm.s32 $0x108;
	s8 =	sld [smem:$0x3FAE]  }
0x2e: {  	s3 =	simm.s32 @!p0 $0x1082;
	s9 =	sld [smem:$0x3FAF]  }
0x2f: {  	lr =	sadd.s32 s0, s3;
	s0 =	sld [smem:$0x3FA6]  }
0x30: {  	s3 =	sld [smem:$0x3FA9]  }
0x31: {  	[smem:$0x3FB2] =	sst s10  }
0x32: {  	s10 =	sld [smem:$0x3FB0];
	_ =	sdelay $0x3  }
0x33: {  	p0 =	seq.s32 s10, $0x1;
	s10 =	sld [smem:$0x3FB2];
	_ =	sdelay $0x3  }
0x34: {  	[smem:$0x3FB2] =	sst s10  }
0x35: {  	s10 =	sld [smem:$0x3FB1];
	_ =	sdelay $0x3  }
0x36: {  	p1 =	seq.s32 s10, $0x1;
	s10 =	sld [smem:$0x3FB2];
	_ =	sdelay $0x3  }
0x37: {  	[smem:$0x3FB2] =	sst s10  }
0x38: {  	s10 =	sld [smem:$0x3FB3]  }
0x39: {  	_ = 	snop;
	(pc) =	sbr.ind lr, $3  }
0x3a: {  	_ = 	snop  }
0x3b: {  	_ = 	snop  }
0x3c: {  	p2 =	seq.s32 s10, $0x1;
	s10 =	sld [smem:$0x3FB2]  }
0x3d: {  	_ =	shalt  }
0x3e: {  	_ =	shalt  }
0x3f: {  	_ =	shalt  }
0x40: {  	_ =	shalt  }
0x41: {  	_ =	shalt  }
0x42: {  	_ =	shalt  }
0x43: {  	_ =	shalt  }
0x44: {  	_ =	shalt  }
0x45: {  	_ =	shalt  }
0x46: {  	_ =	shalt  }
0x47: {  	_ =	shalt  }
0x48: {  	_ =	shalt  }
0x49: {  	_ =	shalt  }
0x4a: {  	_ =	shalt  }
0x4b: {  	_ =	shalt  }
0x4c: {  	_ =	shalt  }
0x4d: {  	_ =	shalt  }
0x4e: {  	_ =	shalt  }
0x4f: {  	_ =	shalt  }
0x50: {  	_ =	shalt  }
0x51: {  	_ =	shalt  }
0x52: {  	_ =	shalt  }
0x53: {  	_ =	shalt  }
0x54: {  	_ =	shalt  }
0x55: {  	_ =	shalt  }
0x56: {  	_ =	shalt  }
0x57: {  	_ =	shalt  }
0x58: {  	_ =	shalt  }
0x59: {  	_ =	shalt  }
0x5a: {  	_ =	shalt  }
0x5b: {  	_ =	shalt  }
0x5c: {  	_ =	shalt  }
0x5d: {  	_ =	shalt  }
0x5e: {  	_ =	shalt  }
0x5f: {  	_ =	shalt  }
0x60: {  	_ =	shalt  }
0x61: {  	_ =	shalt  }
0x62: {  	_ =	shalt  }
0x63: {  	_ =	shalt  }
0x64: {  	_ =	shalt  }
0x65: {  	_ =	shalt  }
0x66: {  	_ =	shalt  }
0x67: {  	_ =	shalt  }
0x68: {  	_ =	shalt  }
0x69: {  	_ =	shalt  }
0x6a: {  	_ =	shalt  }
0x6b: {  	_ =	shalt  }
0x6c: {  	_ =	shalt  }
0x6d: {  	_ =	shalt  }
0x6e: {  	_ =	shalt  }
0x6f: {  	_ =	shalt  }
0x70: {  	_ =	shalt  }
0x71: {  	_ =	shalt  }
0x72: {  	_ =	shalt  }
0x73: {  	_ =	shalt  }
0x74: {  	_ =	shalt  }
0x75: {  	_ =	shalt  }
0x76: {  	_ =	shalt  }
0x77: {  	_ =	shalt  }
0x78: {  	_ =	shalt  }
0x79: {  	_ =	shalt  }
0x7a: {  	_ =	shalt  }
0x7b: {  	_ =	shalt  }
0x7c: {  	_ =	shalt  }
0x7d: {  	_ =	shalt  }
0x7e: {  	_ =	shalt  }
0x7f: {  	_ =	shalt  }
0x80: {  	_ =	shalt  }
0x81: {  	_ =	shalt  }
0x82: {  	_ =	shalt  }
0x83: {  	_ =	shalt  }
0x84: {  	_ =	shalt  }
0x85: {  	_ =	shalt  }
0x86: {  	_ =	shalt  }
0x87: {  	_ =	shalt  }
.Lfunc_end0:
.L_simem_size_0:
called_computation_lowered:
.L_overlay_start_0:
0x88: {  	s2 =	sld [smem:$0x3FD9]  }
0x89: {  	s3 =	sld [smem:$0x3FFE];
	_ =	sdelay $0x1  }
0x8a: {  	s1 =	srdreg.scid  }
0x8b: {  	s0 =	sand.u32 $0x1, s1  }
0x8c: {  	s17 =	sshll.u32 s0, $0xA;
	s2 =	sadd.s32 s3, s2  }
0x8d: {  	s2 =	sadd.s32 s2, s17  }
0x8e: {  	[smem:$0x3FBE] =	sst s2  }
0x8f: {  	_ = 	snop  }
0x90: {  	s2 =	sld [smem:$0x3FD0];
	(tm) =	ssettm $0x1  }
0x91: {  	s18 =	sld [smem:$0x3FFB];
	_ =	sdelay $0x3  }
0x92: {  	_ =	strace s18  }
0x93: {  	s3 =	sld [smem:$0x3FFC];
	_ =	sdelay $0x3  }
0x94: {  	_ =	strace s3  }
0x95: {  	s3 =	sld [smem:$0x3FFD];
	_ =	sdelay $0x3  }
0x96: {  	_ =	strace s3  }
0x97: {  	_ =	strace $0x8FFFFFFF  }
0x98: {  	s19 =	sld [smem:$0x3FDB];
	_ =	sdelay $0x1  }
0x99: {  	s4 =	simm.s32 $_scs_section_size  }
0x9a: {  	s5 =	simm.s32 $_size__tile_overlayer_lowered;
	s6 =	simm.s32 $_tile_overlayer_lowered  }
0x9b: {  	s22 =	simm.s32 $0x1BFF;
	s21 =	sshll.u32 s6, $0x1;
	s3 =	sadd.s32 s4, s19  }
0x9c: {  	s7 =	simm.s32 $0x0;
	s20 =	sshll.u32 s5, $0x1;
	s5 =	sadd.s32 s21, s3  }
0x9d: {  	[timem:s7], [sflag:s22] =	dma.local [hbm:s5], s20  }
0x9e: {  	_ =	swait.ge [sflag:s22], s20  }
0x9f: {  	s4 =	ssub.s32 $0x0, s20;
	[sflag:s22] =	ssyncset.done $0x0  }
0xa0: {  	[sflag:s22] =	ssyncadd.s32 s4;
	_ =	sdelay $0x1  }
0xa1: {  	s23 =	simm.s32 $0x1B8B  }
0xa2: {  	_ =	swait.ge [sflag:s23], $0x1  }
0xa3: {  	[sflag:s23] =	ssyncset.done $0x0  }
0xa4: {  	s25 =	simm.s32 $0x1B8E;
	s24 =	sld [smem:$0x3FFE];
	[sflag:s23] =	ssyncadd.s32 $0xFFFFFFFF  }
0xa5: {  	s26 =	simm.s32 $execute0_lowered;
	[smem:$0x3FD2] =	sst s25  }
0xa6: {  	s5 =	sshll.u32 s26, $0x1;
	_ =	strace $0x80000046;
	[dreg:$0x1] =	wrdreg $0xFFFFFFFF  }
0xa7: {  	s28 =	simm.s32 $_size_execute0_lowered;
	s3 =	sadd.s32 s3, s5;
	[dreg:$0x0] =	wrdreg $0x0  }
0xa8: {  	s5 =	sshll.u32 s28, $0x1;
	[dreg:$0x2] =	wrdreg s3  }
0xa9: {  	[dreg:$0x3] =	wrdreg s5  }
0xaa: {  	[dreg:$0x4] =	wrdreg $0xC0  }
0xab: {  	_ =	task [dreg:s7], $0x5FFFF  }
0xac: {  	[dreg:$0x1] =	wrdreg $0xFFFFFFFF  }
0xad: {  	[dreg:$0x0] =	wrdreg $0x60  }
0xae: {  	[dreg:$0x2] =	wrdreg s24  }
0xaf: {  	[dreg:$0x3] =	wrdreg s2  }
0xb0: {  	[dreg:$0x4] =	wrdreg $0xD0000  }
0xb1: {  	[dreg:$0x5] =	wrdreg $0xD4000  }
0xb2: {  	[dreg:$0x6] =	wrdreg $0x9  }
0xb3: {  	_ =	task.clear_ibuf [dreg:s7], $0x7FFFF;
	_ =	strace $0x90000046  }
0xb4: {  	s29 =	simm.s32 $0x9;
	_ =	strace $0x80000048  }
0xb5: {  	_ =	swait.ge [sflag:s29], $0x1  }
0xb6: {  	[sflag:s29] =	ssyncadd.s32 $0xFFFFFFFF  }
0xb7: {  	_ =	strace $0x90000048  }
0xb8: {  	_ =	sfence  }
0xb9: {  	s30 =	sld [smem:$0x0];
	_ =	sdelay $0x2  }
0xba: {  	s31 =	sshll.u32 s1, $0xD;
	s1 =	sshrl.u32 s1, $0x2  }
0xbb: {  	s3 =	sand.u32 $0x4000, s31;
	s1 =	sadd.s32 s1, s30  }
0xbc: {  	s0 =	sor.u32 s3, s0;
	s1 =	sshll.u32 s1, $0x11  }
0xbd: {  	s0 =	sor.u32 s1, s0  }
0xbe: {  	s0 =	sadd.s32 $0x8F2B, s0  }
0xbf: {  	[sflag:s0] =	ssyncadd.remote.s32 $0x1  }
0xc0: {  	_ =	sfence.sel $0xFFFF  }
0xc1: {  	[dreg:$0x0] =	wrdreg $0xFFFFFFFF;
	(pc) =	sbr.abs _section_cstart, $3  }
0xc2: {  	[dreg:$0x1] =	wrdreg $0xFFFFFFFF  }
0xc3: {  	_ =	task.clear_ibuf [dreg:s7], $0x2FFFF;
	_ =	strace $0x9FFFFFFF  }
0xc4: {  	(tm) =	ssettm $0x7FFFFFFF  }
0xc5: {  	_ =	shalt  }
tec
execute0_lowered:
.L_overlay_start_1:
0x0: {  	(tag) =	ssettag $0x1  }
0x1: {  	s6 =	rddreg [dreg:$0x0]  }
0x2: {  	s1 =	rddreg [dreg:$0x1]  }
0x3: {  	s3 =	rddreg [dreg:$0x2]  }
0x4: {  	s2 =	srdreg.scid;
	s0 =	stileid.u32  }
0x5: {  	s4 =	rddreg [dreg:$0x3];
	s5 =	simm.s32 $0x0;
	s14 =	simm.s32 $0x2  }
0x6: {  	s15 =	simm.s32 $0x2800;
	s16 =	simm.s32 $0xD800;
	s17 =	simm.s32 $0x9000  }
0x7: {  	s18 =	simm.s32 $0x80;
	s7 =	sand.u32 $0x1, s2;
	s2 =	rddreg [dreg:$0x4]  }
0x8: {  	s19 =	simm.s32 $0x1;
	s8 =	smul.u32 $0x5000, s0;
	[smem:$0x7FF] =	sst s5  }
0x9: {  	s10 =	sshll.u32 s0, $0xA;
	s9 =	smul.u32 $0x2800, s7;
	s11 =	sshll.u32 s7, $0xE  }
0xa: {  	_ =	strace $0x80000047;
	s7 =	ssub.s32 $0x2, s7;
	s29 =	sor.u32 s10, s11  }
0xb: {  	s31 =	sshrl.u32 s7, $0x1;
	s8 =	sadd.s32 s9, s8;
	s9 =	sshrl.u32 s29, $0x3  }
0xc: {  	s13 =	ssub.s32 s7, s31;
	s7 =	sadd.s32 s10, s4;
	s8 =	sshrl.u32 s8, $0x3  }
0xd: {  	s12 =	sadd.s32 s9, s6;
	s30 =	sadd.s32 s8, s6;
	s6 =	sadd.s32 s10, s3  }
0xe: {  	s10 =	sadd.s32 $0x16400, s12;
	s11 =	sadd.s32 $0x17400, s12;
	s12 =	smax.u32 s13, $0x1  }
0xf: {  	v0 =	vimm.f32 $0.0e+00;
	v1 =	vimm.f32 $1.000000000e+00;
	s13 =	simm.s32 $0x5000;
	s8 =	sadd.s32 $0x2400, s30;
	s9 =	sadd.s32 $0xC400, s30  }
.LBB2_1:
0x10: {  	s20 =	simm.s32 $0x40;
	s21 =	simm.s32 $0x0  }
.LBB2_2:
0x11: {  	p0 =	sne.s32 s20, $0xFFC0;
	[tilespmem:s21+$0x5000] =	vst v0;
	s22 =	smov.u32 s20;
	s20 =	sadd.s32 $0x40, s20  }
.Ltmp0:
0x12: {  	[tilespmem:s21+$0x9000] =	vst v0;
	(pc) =	sbr.rel @p0 .LBB2_2-.Ltmp0, $2  }
0x13: {  	_ =	sdelay $0x2  }
0x14: {  	s21 =	sshra.s32 s22, $0x2  }
0x15: {  	[tilespmem:s21+$0x5000] =	vst v0  }
0x16: {  	[tilespmem:s21+$0x9000] =	vst v0  }
0x17: {  	[spmem:s6] =	stream.linear.scatter [tilespmem:s13], [sflag:$0x2], $0x400, $0x38;
	[tilespmem:$0xD880] =	vst v63  }
0x18: {  	_ =	swait.ge [sflag:s14], $0x400  }
0x19: {  	[sflag:s14] =	ssyncset.done $0x0  }
0x1a: {  	[sflag:s14] =	ssyncadd.s32 $0xFFFFFC00  }
0x1b: {  	[spmem:s7] =	stream.linear.scatter [tilespmem:s13], [sflag:$0x2], $0x400, $0x38;
	[tilespmem:$0xD880] =	vst v63  }
0x1c: {  	_ =	swait.ge [sflag:s14], $0x400  }
0x1d: {  	[sflag:s14] =	ssyncset.done $0x0  }
0x1e: {  	s20 =	simm.s32 $0x0;
	[sflag:s14] =	ssyncadd.s32 $0xFFFFFC00  }
0x1f: {  	[tilespmem:s20], [sflag:$0x2] =	stream.linear.gather [hbm4b:s8+s20], $0x2800, $0x38;
	[tilespmem:$0xD880] =	vst v63  }
0x20: {  	_ =	swait.ge [sflag:s14], $0x2800  }
0x21: {  	[sflag:s14] =	ssyncset.done $0x0  }
0x22: {  	[sflag:s14] =	ssyncadd.s32 $0xFFFFD800  }
0x23: {  	[tilespmem:s15], [sflag:$0x2] =	stream.linear.gather [hbm4b:s9+s20], $0x2800, $0x38;
	[tilespmem:$0xD880] =	vst v63  }
0x24: {  	_ =	swait.ge [sflag:s14], $0x2800  }
0x25: {  	[sflag:s14] =	ssyncset.done $0x0  }
0x26: {  	[sflag:s14] =	ssyncadd.s32 $0xFFFFD800  }
0x27: {  	[tilespmem:s16], [sflag:$0x2] =	stream.linear.gather [hbm4b:s1+s20], $0x80, $0x38;
	[tilespmem:$0xD880] =	vst v63  }
0x28: {  	_ =	swait.ge [sflag:s14], $0x80  }
0x29: {  	[sflag:s14] =	ssyncset.done $0x0  }
0x2a: {  	[sflag:s14] =	ssyncadd.s32 $0xFFFFFF80  }
0x2b: {  	[bflag:$0x0] =	sbarrier.arrive $0xFFFF  }
.LBB2_4:
0x2c: {  	s21 =	sshra.s32 s20, $0x2  }
0x2d: {  	v2 =	vld [tilespmem:s21+$0x0];
	_ =	sdelay $0x7  }
0x2e: {  	[tilespmem:v2+s13+$0x0] =	vst.idx.add.f32.msk $0xffff, v1  }
0x2f: {  	v2 =	vld [tilespmem:s21+$0x2800];
	_ =	sdelay $0x7  }
0x30: {  	[tilespmem:v2+s17+$0x0] =	vst.idx.add.f32.msk $0xffff, v1  }
0x31: {  	v2 =	vld [tilespmem:s21+$0x10];
	_ =	sdelay $0x7  }
0x32: {  	[tilespmem:v2+s13+$0x0] =	vst.idx.add.f32.msk $0xffff, v1  }
0x33: {  	v2 =	vld [tilespmem:s21+$0x2810];
	_ =	sdelay $0x7  }
0x34: {  	[tilespmem:v2+s17+$0x0] =	vst.idx.add.f32.msk $0xffff, v1  }
0x35: {  	v2 =	vld [tilespmem:s21+$0x20];
	_ =	sdelay $0x7  }
0x36: {  	[tilespmem:v2+s13+$0x0] =	vst.idx.add.f32.msk $0xffff, v1  }
0x37: {  	v2 =	vld [tilespmem:s21+$0x2820];
	_ =	sdelay $0x7  }
0x38: {  	[tilespmem:v2+s17+$0x0] =	vst.idx.add.f32.msk $0xffff, v1  }
0x39: {  	v2 =	vld [tilespmem:s21+$0x30];
	_ =	sdelay $0x7  }
0x3a: {  	[tilespmem:v2+s13+$0x0] =	vst.idx.add.f32.msk $0xffff, v1  }
0x3b: {  	v2 =	vld [tilespmem:s21+$0x2830];
	_ =	sdelay $0x7  }
0x3c: {  	[tilespmem:v2+s17+$0x0] =	vst.idx.add.f32.msk $0xffff, v1  }
0x3d: {  	v2 =	vld [tilespmem:s21+$0x40];
	_ =	sdelay $0x7  }
0x3e: {  	[tilespmem:v2+s13+$0x0] =	vst.idx.add.f32.msk $0xffff, v1  }
0x3f: {  	v2 =	vld [tilespmem:s21+$0x2840];
	_ =	sdelay $0x7  }
0x40: {  	[tilespmem:v2+s17+$0x0] =	vst.idx.add.f32.msk $0xffff, v1  }
0x41: {  	v2 =	vld [tilespmem:s21+$0x50];
	_ =	sdelay $0x7  }
0x42: {  	[tilespmem:v2+s13+$0x0] =	vst.idx.add.f32.msk $0xffff, v1  }
0x43: {  	v2 =	vld [tilespmem:s21+$0x2850];
	_ =	sdelay $0x7  }
0x44: {  	[tilespmem:v2+s17+$0x0] =	vst.idx.add.f32.msk $0xffff, v1  }
0x45: {  	v2 =	vld [tilespmem:s21+$0x60];
	_ =	sdelay $0x7  }
0x46: {  	[tilespmem:v2+s13+$0x0] =	vst.idx.add.f32.msk $0xffff, v1  }
0x47: {  	v2 =	vld [tilespmem:s21+$0x2860];
	_ =	sdelay $0x7  }
0x48: {  	[tilespmem:v2+s17+$0x0] =	vst.idx.add.f32.msk $0xffff, v1  }
0x49: {  	v2 =	vld [tilespmem:s21+$0x70];
	_ =	sdelay $0x7  }
0x4a: {  	[tilespmem:v2+s13+$0x0] =	vst.idx.add.f32.msk $0xffff, v1  }
0x4b: {  	v2 =	vld [tilespmem:s21+$0x2870];
	_ =	sdelay $0x2  }
0x4c: {  	p0 =	sne.s32 s20, $0x9E00  }
.Ltmp1:
0x4d: {  	_ = 	snop;
	(pc) =	sbr.rel @p0 .LBB2_4-.Ltmp1, $2  }
0x4e: {  	_ =	sdelay $0x2  }
0x4f: {  	s20 =	sadd.s32 $0x200, s20;
	[tilespmem:v2+s17+$0x0] =	vst.idx.add.f32.msk $0xffff, v1  }
0x50: {  	[spmem:s3] =	stream.indirect.scatter.add.f32 [tilespmem:s13], [sflag:$0x1], $0x80, s16, s18, $0xb8;
	[tilespmem:$0xD880] =	vst v63  }
0x51: {  	_ = 	snop  }
0x52: {  	[spmem:s4] =	stream.indirect.scatter.add.f32 [tilespmem:s17], [sflag:$0x1], $0x80, s16, s18, $0xb8;
	[tilespmem:$0xD880] =	vst v63  }
0x53: {  	_ =	swait.ge [sflag:s19], $0x4000  }
0x54: {  	[sflag:s19] =	ssyncset.done $0x0  }
0x55: {  	[sflag:s19] =	ssyncadd.s32 $0xFFFFC000  }
0x56: {  	_ =	swait.ge [sflag:s19], $0x4000  }
0x57: {  	[sflag:s19] =	ssyncset.done $0x0  }
0x58: {  	s20 =	sshll.u32 s0, $0x6;
	[sflag:s19] =	ssyncadd.s32 $0xFFFFC000  }
0x59: {  	s21 =	sshrl.u32 s6, $0x3;
	s20 =	sor.u32 $0x1C02, s20;
	[bflag:$0x0] =	sbarrier.arrive $0xFFFF  }
0x5a: {  	[hbm:s10], [sflag:s20] =	dma.local [spmem:s21], $0x80  }
0x5b: {  	s5 =	sadd.s32 $0x1, s5;
	_ =	swait.ge [sflag:s14], $0x80  }
0x5c: {  	p0 =	sne.s32 s5, s12;
	[sflag:s14] =	ssyncset.done $0x0  }
.Ltmp2:
0x5d: {  	s31 =	sshrl.u32 s7, $0x3;
	[sflag:s14] =	ssyncadd.s32 $0xFFFFFF80;
	(pc) =	sbr.rel @p0 .LBB2_1-.Ltmp2, $4  }
0x5e: {  	[hbm:s11], [sflag:s20] =	dma.local [spmem:s31], $0x80  }
0x5f: {  	_ =	swait.ge [sflag:s14], $0x80  }
0x60: {  	[sflag:s14] =	ssyncset.done $0x0  }
0x61: {  	[sflag:s14] =	ssyncadd.s32 $0xFFFFFF80  }
0x62: {  	_ =	sfence.sel $0x180000  }
0x63: {  	[bflag:$0x0] =	sbarrier.arrive $0xFFFF  }
0x64: {  	p0 =	sne.s32 s0, $0x0;
	_ =	strace $0x90000047  }
0x65: {  	s0 =	sadd.s32 @!p0 $0x100000, s2;
	[bflag:$0x2] =	sbarrier.arrive $0xFFFF  }
0x66: {  	[sflag:s0] =	ssyncadd.tile.s32 @!p0 $0x1;
	_ =	shalt  }
.Lfunc_end2:
_tile_overlayer_lowered:
.L_overlay_start_2:
0x67: {  	(tag) =	ssettag $0x2  }
0x68: {  	s0 =	rddreg [dreg:$0x0];
	s2 =	stileid.u32  }
0x69: {  	s1 =	rddreg [dreg:$0x1];
	p0 =	sne.s32 s2, $0x0  }
0x6a: {  	s3 =	rddreg [dreg:$0x2];
	[bflag:$0x3] =	sbarrier.arrive $0xFFFF;
	s2 =	simm.s32 @!p0 $0x1C02  }
0x6b: {  	[timem:s3], [sflag:s2] =	dma.local @!p0 [hbm:s0], s1  }
0x6c: {  	s0 =	simm.s32 @!p0 $0x2  }
0x6d: {  	_ =	swait.ge @!p0 [sflag:s0], s1  }
0x6e: {  	s1 =	ssub.s32 @!p0 $0x0, s1;
	[sflag:s0] =	ssyncset.done @!p0 $0x0  }
0x6f: {  	[sflag:s0] =	ssyncadd.s32 @!p0 s1  }
0x70: {  	[bflag:$0x3] =	sbarrier.arrive $0xFFFF  }
0x71: {  	_ =	shalt  }

</sc_bundles>
